<compile_context>
chip_gen: v7x
topology: tpu7x:2x2x1
jax: 0.10.2.dev20260603
libtpu: 0.0.44.dev20260713+nightly
codegen_flags: <defaults>
</compile_context>

<pallas_src>
import functools

import jax
import jax.numpy as jnp
from jax import lax
from jax.experimental import pallas as pl
from jax.experimental.pallas import tpu as pltpu
from jax.experimental.pallas import tpu_sc as plsc

E = 8
K = 2
T = 2048
H = 1024
F = 768
H2 = H // 2
BLK = 256
P = T * K + E * BLK
NB = P // BLK
BT = 1024
NBR = T // BT

NC, NS, L = 2, 16, 16
NW = NC * NS
PAIRS = T * K

_SC_PARAMS = pltpu.CompilerParams(needs_layout_passes=False)

_mesh = functools.partial(
    plsc.VectorSubcoreMesh, core_axis_name="c", subcore_axis_name="s")

_MASK_HI = -65536


def _pack_rows(y):
    lo = lax.bitcast_convert_type(
        y[:, :H2].astype(jnp.bfloat16).astype(jnp.float32), jnp.int32)
    hi = lax.bitcast_convert_type(
        y[:, H2:].astype(jnp.bfloat16).astype(jnp.float32), jnp.int32)
    return jnp.bitwise_or(lax.shift_right_logical(lo, 16),
                          jnp.bitwise_and(hi, _MASK_HI))


def _unpack_rows(xi):
    lo = lax.bitcast_convert_type(lax.shift_left(xi, 16), jnp.float32)
    hi = lax.bitcast_convert_type(jnp.bitwise_and(xi, _MASK_HI), jnp.float32)
    return jnp.concatenate([lo, hi], axis=1)



def _top2(x, gw):
    logits = lax.dot_general(x, gw, (((1,), (1,)), ((), ())),
                             preferred_element_type=jnp.float32)
    s = jax.nn.softmax(logits, axis=-1)
    lanes = lax.broadcasted_iota(jnp.int32, s.shape, 1)
    m1 = jnp.max(s, axis=-1, keepdims=True)
    i1 = jnp.argmax(s, axis=-1)[:, None]
    s2 = jnp.where(lanes == i1, -jnp.inf, s)
    m2 = jnp.max(s2, axis=-1, keepdims=True)
    i2 = jnp.argmax(s2, axis=-1)[:, None]
    denom = m1 + m2
    oh1 = (lanes == i1).astype(jnp.float32)
    oh2 = (lanes == i2).astype(jnp.float32)
    return oh1, oh2, m1 / denom, m2 / denom


def _router_body(x_ref, gw_ref, pos_ref, wts_ref, xi_ref, bexp_ref, nrows_ref,
                 xmap_ref, cnt_ref):
    p = pl.program_id(0)
    i = pl.program_id(1)
    x = x_ref[...]
    oh1, oh2, w1, w2 = _top2(x, gw_ref[...])
    ohsum = oh1 + oh2

    @pl.when(p == 0)
    def _pass0():
        hist = jnp.sum(ohsum, axis=0, keepdims=True)
        rows = lax.broadcasted_iota(jnp.int32, (NBR, E), 0)
        cnt_ref[...] = jnp.where(rows == i, hist, cnt_ref[...])

    @pl.when(p == 1)
    def _pass1():
        xi_ref[...] = _pack_rows(x)
        cnt = cnt_ref[...]
        ones_row = jnp.ones((1, NBR), jnp.float32)
        counts = lax.dot_general(ones_row, cnt, (((1,), (0,)), ((), ())),
                                 preferred_element_type=jnp.float32)
        sel = (lax.broadcasted_iota(jnp.int32, (1, NBR), 1) < i
               ).astype(jnp.float32)
        prefix = lax.dot_general(sel, cnt, (((1,), (0,)), ((), ())),
                                 preferred_element_type=jnp.float32)
        nblk = jnp.floor((counts + (BLK - 1)) * (1.0 / BLK))
        tri_e = (lax.broadcasted_iota(jnp.int32, (E, E), 0)
                 < lax.broadcasted_iota(jnp.int32, (E, E), 1)
                 ).astype(jnp.float32)
        start = lax.dot_general(nblk, tri_e, (((1,), (0,)), ((), ())),
                                preferred_element_type=jnp.float32)
        pad_off = start * BLK

        tl = (lax.broadcasted_iota(jnp.int32, (BT, BT), 1)
              < lax.broadcasted_iota(jnp.int32, (BT, BT), 0)
              ).astype(jnp.float32)
        pre = lax.dot_general(tl, ohsum, (((1,), (0,)), ((), ())),
                              preferred_element_type=jnp.float32)
        base = pad_off + prefix
        pos1 = jnp.sum((pre + base) * oh1, axis=1, keepdims=True)
        pos2 = jnp.sum((pre + base) * oh2, axis=1, keepdims=True)
        pos_ref[...] = jnp.concatenate([pos1, pos2], axis=1).astype(jnp.int32)
        wts_ref[...] = jnp.concatenate([w1, w2], axis=1)

        @pl.when(i == 0)
        def _meta():
            occ = start[:, E - 1:E] + nblk[:, E - 1:E]
            nbs = lax.broadcasted_iota(jnp.int32, (1, NB), 1
                                       ).astype(jnp.float32)
            nbv = jnp.minimum(nbs, occ - 1.0)
            bexp = -jnp.ones((1, NB), jnp.float32)
            csel = jnp.zeros((1, NB), jnp.float32)
            psel = jnp.zeros((1, NB), jnp.float32)
            for e in range(E):
                st_e = start[:, e:e + 1]
                bexp = bexp + (st_e <= nbv).astype(jnp.float32)
            for e in range(E):
                is_e = (bexp == e).astype(jnp.float32)
                csel = csel + is_e * counts[:, e:e + 1]
                psel = psel + is_e * pad_off[:, e:e + 1]
            nrows = jnp.clip(csel - (nbv * BLK - psel), 0.0, float(BLK))
            nrows = jnp.where(nbs < occ, nrows, 0.0)
            bexp_ref[...] = bexp.astype(jnp.int32)
            nrows_ref[...] = nrows.astype(jnp.int32)
            xmap_ref[...] = nbv.astype(jnp.int32)


def _run_router(x, gate_weight):
    return pl.pallas_call(
        _router_body,
        grid=(2, NBR),
        in_specs=[
            pl.BlockSpec((BT, H), lambda p, i: (i, 0)),
            pl.BlockSpec((E, H), lambda p, i: (0, 0)),
        ],
        out_specs=[
            pl.BlockSpec((BT, K), lambda p, i: (i, 0)),
            pl.BlockSpec((BT, K), lambda p, i: (i, 0)),
            pl.BlockSpec((BT, H2), lambda p, i: (i, 0)),
            pl.BlockSpec((1, NB), lambda p, i: (0, 0)),
            pl.BlockSpec((1, NB), lambda p, i: (0, 0)),
            pl.BlockSpec((1, NB), lambda p, i: (0, 0)),
        ],
        out_shape=[
            jax.ShapeDtypeStruct((T, K), jnp.int32),
            jax.ShapeDtypeStruct((T, K), jnp.float32),
            jax.ShapeDtypeStruct((T, H2), jnp.int32),
            jax.ShapeDtypeStruct((1, NB), jnp.int32),
            jax.ShapeDtypeStruct((1, NB), jnp.int32),
            jax.ShapeDtypeStruct((1, NB), jnp.int32),
        ],
        scratch_shapes=[pltpu.VMEM((NBR, E), jnp.float32)],
        compiler_params=pltpu.CompilerParams(
            dimension_semantics=("arbitrary", "arbitrary")),
    )(x, gate_weight)



_RPW = P // NW


def _dispatch_body(xi_hbm, pos_hbm, w_hbm, xs_hbm, wsort_hbm,
                   posv, wv, tokv, pairv, wsv, rowsv, sem):
    cid = lax.axis_index("c")
    sid = lax.axis_index("s")
    wid = sid * NC + cid
    base = wid * _RPW

    pltpu.sync_copy(pos_hbm, posv)
    pltpu.sync_copy(w_hbm, wv)
    for c in range(_RPW // L):
        tokv[pl.ds(c * L, L)] = jnp.bitwise_and(
            base + c * L + lax.iota(jnp.int32, L), T - 1)
        pairv[pl.ds(c * L, L)] = jnp.zeros((L,), jnp.int32)

    def _scan(c, _):
        pp = posv[pl.ds(c * L, L)]
        rel = pp - base
        mask = jnp.logical_and(rel >= 0, rel < _RPW)
        rel = jnp.clip(rel, 0, _RPW - 1)
        pair = c * L + lax.iota(jnp.int32, L)
        plsc.store_scatter(pairv, [rel], pair, mask=mask)
        plsc.store_scatter(tokv, [rel],
                           lax.shift_right_logical(pair, 1), mask=mask)
        return 0

    lax.fori_loop(0, PAIRS // L, _scan, 0)

    def _wsel(c, _):
        pair = pairv[pl.ds(c * L, L)]
        wsv[pl.ds(c * L, L)] = plsc.load_gather(wv, [pair])
        return 0

    lax.fori_loop(0, _RPW // L, _wsel, 0)
    pltpu.sync_copy(wsv, wsort_hbm.at[pl.ds(base, _RPW)])
    half = _RPW // 2
    d0 = pltpu.async_copy(
        xi_hbm.at[tokv.at[pl.ds(0, half)]], rowsv.at[pl.ds(0, half)], sem)
    d1 = pltpu.async_copy(
        xi_hbm.at[tokv.at[pl.ds(half, half)]], rowsv.at[pl.ds(half, half)],
        sem)
    d0.wait()
    d1.wait()
    pltpu.sync_copy(rowsv, xs_hbm.at[pl.ds(base, _RPW)])


def _run_dispatch(xi, pos_flat, w_flat):
    return pl.kernel(
        _dispatch_body,
        out_type=[
            jax.ShapeDtypeStruct((P, H2), jnp.int32),
            jax.ShapeDtypeStruct((P,), jnp.float32),
        ],
        mesh=_mesh(),
        scratch_types=[
            pltpu.VMEM((PAIRS,), jnp.int32),
            pltpu.VMEM((PAIRS,), jnp.float32),
            pltpu.VMEM((_RPW,), jnp.int32),
            pltpu.VMEM((_RPW,), jnp.int32),
            pltpu.VMEM((_RPW,), jnp.float32),
            pltpu.VMEM((_RPW, H2), jnp.int32),
            pltpu.SemaphoreType.DMA,
        ],
        compiler_params=_SC_PARAMS,
    )(xi, pos_flat, w_flat)



def _gemm_body(bexp_ref, nrows_ref, xmap_ref, xs_ref, wcol_ref,
               gw_ref, uw_ref, dw_ref, out_ref):
    i = pl.program_id(0)

    @pl.when(nrows_ref[i] > 0)
    def _():
        x = _unpack_rows(xs_ref[...])
        g = lax.dot_general(x, gw_ref[0], (((1,), (0,)), ((), ())),
                            preferred_element_type=jnp.float32)
        u = lax.dot_general(x, uw_ref[0], (((1,), (0,)), ((), ())),
                            preferred_element_type=jnp.float32)
        hh = g * jax.nn.sigmoid(g) * u
        d = lax.dot_general(hh, dw_ref[0], (((1,), (0,)), ((), ())),
                            preferred_element_type=jnp.float32)
        out_ref[...] = _pack_rows(wcol_ref[...] * d)


def _run_gemm(bexp, nrows, xmap, xs, wcol, gw, uw, dw):
    grid_spec = pltpu.PrefetchScalarGridSpec(
        num_scalar_prefetch=3,
        grid=(NB,),
        in_specs=[
            pl.BlockSpec((BLK, H2), lambda i, be, nr, xm: (xm[i], 0)),
            pl.BlockSpec((BLK, 1), lambda i, be, nr, xm: (xm[i], 0)),
            pl.BlockSpec((1, H, F), lambda i, be, nr, xm: (be[i], 0, 0)),
            pl.BlockSpec((1, H, F), lambda i, be, nr, xm: (be[i], 0, 0)),
            pl.BlockSpec((1, F, H), lambda i, be, nr, xm: (be[i], 0, 0)),
        ],
        out_specs=pl.BlockSpec((BLK, H2), lambda i, be, nr, xm: (xm[i], 0)),
    )
    return pl.pallas_call(
        _gemm_body,
        grid_spec=grid_spec,
        out_shape=jax.ShapeDtypeStruct((P, H2), jnp.int32),
        compiler_params=pltpu.CompilerParams(
            dimension_semantics=("arbitrary",)),
    )(bexp, nrows, xmap, xs, wcol, gw, uw, dw)



_TPW = T // NW
_THALF = _TPW // 2


def _combine_body(ds_hbm, pos_hbm, out_hbm, idxv, rowsv, outv, sem):
    cid = lax.axis_index("c")
    sid = lax.axis_index("s")
    wid = sid * NC + cid
    tbase = wid * _TPW
    pltpu.sync_copy(pos_hbm.at[pl.ds(tbase * K, _TPW * K)], idxv)
    pltpu.async_copy(ds_hbm.at[idxv], rowsv, sem).wait()

    for half in range(2):
        def _addtok(tt, _):
            r = (half * _THALF + tt) * 2
            for v in range(H2 // L):
                sl = pl.ds(v * L, L)
                wa = rowsv[r, sl]
                wb = rowsv[r + 1, sl]
                lo = (plsc.bitcast(lax.shift_left(wa, 16), jnp.float32)
                      + plsc.bitcast(lax.shift_left(wb, 16), jnp.float32))
                hi = (plsc.bitcast(jnp.bitwise_and(wa, _MASK_HI), jnp.float32)
                      + plsc.bitcast(jnp.bitwise_and(wb, _MASK_HI),
                                     jnp.float32))
                outv[tt, sl] = lo
                outv[tt, pl.ds(H2 + v * L, L)] = hi
            return 0

        lax.fori_loop(0, _THALF, _addtok, 0)
        pltpu.sync_copy(
            outv, out_hbm.at[pl.ds(tbase + half * _THALF, _THALF)])


def _run_combine(ds, pos_flat):
    return pl.kernel(
        _combine_body,
        out_type=jax.ShapeDtypeStruct((T, H), jnp.float32),
        mesh=_mesh(),
        scratch_types=[
            pltpu.VMEM((_TPW * K,), jnp.int32),
            pltpu.VMEM((_TPW * K, H2), jnp.int32),
            pltpu.VMEM((_THALF, H), jnp.float32),
            pltpu.SemaphoreType.DMA,
        ],
        compiler_params=_SC_PARAMS,
    )(ds, pos_flat)



def kernel(hidden_states, gate_weight, gate_proj_w, up_proj_w, down_proj_w):
    b, s, h = hidden_states.shape
    x = hidden_states.reshape(-1, h)

    pos, wts, xi, bexp, nrows, xmap = _run_router(x, gate_weight)
    pos_flat = pos.reshape(-1)
    xs, wsort = _run_dispatch(xi, pos_flat, wts.reshape(-1))
    ds = _run_gemm(bexp.reshape(-1), nrows.reshape(-1), xmap.reshape(-1),
                   xs, wsort.reshape(P, 1),
                   gate_proj_w, up_proj_w, down_proj_w)
    out = _run_combine(ds, pos_flat)
    return out.reshape(b, s, h)

# --- scband reference (transcript-rebuilt; emitter-appended) ---
"""Pipeline reference for scband-qwen3-moe-mo-e-63952063038001 (READ-ONLY COPY).

The authoritative reference and input builder live on the scoring server;
editing this copy changes nothing except your own understanding.
"""

import jax, jax.numpy as jnp
import numpy as np

E = 8          # num_experts
K = 2          # num_experts_per_tok
H = 1024       # hidden_size
F = 768        # moe_intermediate_size
B = 1
S = 2048


def setup_inputs(seed: int = 0) -> dict:
    key = jax.random.key(seed)
    ks = jax.random.split(key, 5)
    return {
        "hidden_states": jax.random.normal(ks[0], (B, S, H), dtype=jnp.float32),
        "gate_weight": jax.random.normal(ks[1], (E, H), dtype=jnp.float32) * 0.02,
        "gate_proj_w": jax.random.normal(ks[2], (E, H, F), dtype=jnp.float32) * 0.02,
        "up_proj_w": jax.random.normal(ks[3], (E, H, F), dtype=jnp.float32) * 0.02,
        "down_proj_w": jax.random.normal(ks[4], (E, F, H), dtype=jnp.float32) * 0.02,
    }


def reference(hidden_states, gate_weight, gate_proj_w, up_proj_w, down_proj_w):
    b, s, h = hidden_states.shape
    x = hidden_states.reshape(-1, h)
    # ---- Qwen3MoeGate.compute ----
    logits = x.astype(jnp.float32) @ gate_weight.astype(jnp.float32).T  # [T, E]
    scores = jax.nn.softmax(logits, axis=-1)
    topk_weight, topk_idx = jax.lax.top_k(scores, K)                    # [T, K]
    # norm_topk_prob=True
    topk_weight = topk_weight / jnp.sum(topk_weight, axis=-1, keepdims=True)
    # ---- moe_infer: math-equivalent dense combine of grouped GEMM dispatch ----
    # comb[t, e] = sum_k topk_weight[t, k] * (topk_idx[t, k] == e)
    onehot = jax.nn.one_hot(topk_idx, E, dtype=topk_weight.dtype)       # [T, K, E]
    comb = jnp.sum(topk_weight[..., None] * onehot, axis=1)             # [T, E]
    out = jnp.zeros_like(x)
    for e in range(E):
        g = jax.nn.silu(x @ gate_proj_w[e])          # gate_proj + SiLU
        u = x @ up_proj_w[e]                          # up_proj
        d = (g * u) @ down_proj_w[e]                  # down_proj
        out = out + comb[:, e:e + 1] * d
    return out.reshape(b, s, h)

if __name__ == "__main__":
    import jax
    _d = setup_inputs()
    print(jax.jit(kernel)(*tuple(_d.values())))

</pallas_src>

<mosaic_0001>
#map = affine_map<(d0, d1) -> (0, 0)>
#map1 = affine_map<(d0, d1) -> (0)>
module attributes {stable_mosaic.version = 14 : i64} {
  func.func @_combine_body(%arg0: i32, %arg1: i32, %arg2: memref<6144x512xi32, #tpu.memory_space<hbm>>, %arg3: memref<4096xi32, #tpu.memory_space<hbm>>, %arg4: memref<2048x1024xf32, #tpu.memory_space<hbm>>, %arg5: memref<128xi32, #tpu.memory_space<vmem>>, %arg6: memref<128x512xi32, #tpu.memory_space<vmem>>, %arg7: memref<32x1024xf32, #tpu.memory_space<vmem>>, %arg8: memref<!tpu.dma_semaphore, #tpu.memory_space<semaphore_mem>>) attributes {dimension_semantics = [#tpu.dimension_semantics<core_parallel>, #tpu.dimension_semantics<subcore_parallel>], iteration_bounds = array<i64: 2, 16>, scalar_prefetch = 0 : i64, scratch_operands = 4 : i64, tpu.core_type = #tpu.core_type<sc_vector_subcore>, window_params = [{transform_indices = #map}, {transform_indices = #map1}, {transform_indices = #map}]} {
    %mul3A = arith.constant 2 : i32
    %mul3A_0 = arith.muli %arg1, %mul3A : i32
    %add3A = arith.addi %mul3A_0, %arg0 : i32
    %mul3A_1 = arith.constant 64 : i32
    %mul3A_2 = arith.muli %add3A, %mul3A_1 : i32
    %mul3A_3 = arith.constant 2 : i32
    %mul3A_4 = arith.muli %mul3A_2, %mul3A_3 : i32
    "tpu.region"() ({
      %run_scoped3A = tpu.sem_alloc : memref<!tpu.dma_semaphore, #tpu.memory_space<semaphore_mem>>
      %dma_start3A_26 = tpu.memref_slice %arg3[%mul3A_4] : memref<4096xi32, #tpu.memory_space<hbm>> -> memref<128xi32, #tpu.memory_space<hbm>>
      %dma_start3A_27 = tpu.memref_slice %arg3[%mul3A_4] : memref<4096xi32, #tpu.memory_space<hbm>> -> memref<128xi32, #tpu.memory_space<hbm>>
      tpu.enqueue_dma source(%dma_start3A_27 : memref<128xi32, #tpu.memory_space<hbm>>) target(%arg5 : memref<128xi32, #tpu.memory_space<vmem>>) target_semaphore(%run_scoped3A : memref<!tpu.dma_semaphore, #tpu.memory_space<semaphore_mem>>)
      %dma_wait3A_28 = tpu.memref_slice %arg3[%mul3A_4] : memref<4096xi32, #tpu.memory_space<hbm>> -> memref<128xi32, #tpu.memory_space<hbm>>
      %dma_wait3A_29 = tpu.memref_slice %arg3[%mul3A_4] : memref<4096xi32, #tpu.memory_space<hbm>> -> memref<128xi32, #tpu.memory_space<hbm>>
      tpu.wait_dma2 semaphore(%run_scoped3A : memref<!tpu.dma_semaphore, #tpu.memory_space<semaphore_mem>>) src(%dma_wait3A_29 : memref<128xi32, #tpu.memory_space<hbm>>) dst(%arg5 : memref<128xi32, #tpu.memory_space<vmem>>)
      tpu.yield
    }) : () -> ()
    %dma_start3A = arith.constant 0 : i32
    %dma_start3A_5 = arith.constant 0 : i32
    %dma_start3A_6 = tpu.memref_slice %arg2[%dma_start3A, %dma_start3A_5] : memref<6144x512xi32, #tpu.memory_space<hbm>> -> memref<6144x512xi32, #tpu.memory_space<hbm>>
    tpu.enqueue_indirect_dma source(%dma_start3A_6 : memref<6144x512xi32, #tpu.memory_space<hbm>>) target(%arg6 : memref<128x512xi32, #tpu.memory_space<vmem>>) offsets(%arg5 : memref<128xi32, #tpu.memory_space<vmem>>) semaphore(%arg8 : memref<!tpu.dma_semaphore, #tpu.memory_space<semaphore_mem>>)
    %dma_wait3A = arith.constant 0 : i32
    %dma_wait3A_7 = arith.constant 0 : i32
    %dma_wait3A_8 = tpu.memref_slice %arg2[%dma_wait3A, %dma_wait3A_7] : memref<6144x512xi32, #tpu.memory_space<hbm>> -> memref<6144x512xi32, #tpu.memory_space<hbm>>
    tpu.wait_indirect_dma semaphore(%arg8 : memref<!tpu.dma_semaphore, #tpu.memory_space<semaphore_mem>>) src(%dma_wait3A_8 : memref<6144x512xi32, #tpu.memory_space<hbm>>) dst(%arg6 : memref<128x512xi32, #tpu.memory_space<vmem>>)
    %scan3A = arith.constant 0 : i32
    %scan3A_9 = arith.constant 0 : i32
    %scan3A_10 = arith.constant 32 : i32
    %scan3A_11 = arith.addi %scan3A_9, %scan3A_10 : i32
    %scan3A_12 = arith.constant 1 : i32
    %scan3A_13 = scf.for %scan3A_26 = %scan3A_9 to %scan3A_11 step %scan3A_12 iter_args(%scan3A_27 = %scan3A) -> (i32)  : i32 {
      %add3A_28 = arith.constant 0 : i32
      %add3A_29 = arith.addi %add3A_28, %scan3A_26 : i32
      %mul3A_30 = arith.constant 2 : i32
      %mul3A_31 = arith.muli %add3A_29, %mul3A_30 : i32
      %get3A = arith.index_cast %mul3A_31 : i32 to index
      %get3A_32 = arith.constant 0 : index
      %get3A_33 = tpu.vector_load %arg6[%get3A, %get3A_32] {strides = array<i32>} : memref<128x512xi32, #tpu.memory_space<vmem>>, vector<16xi32>,
      %add3A_34 = arith.constant 1 : i32
      %add3A_35 = arith.addi %mul3A_31, %add3A_34 : i32
      %get3A_36 = arith.index_cast %add3A_35 : i32 to index
      %get3A_37 = arith.constant 0 : index
      %get3A_38 = tpu.vector_load %arg6[%get3A_36, %get3A_37] {strides = array<i32>} : memref<128x512xi32, #tpu.memory_space<vmem>>, vector<16xi32>,
      %shift_left3A = arith.constant 16 : i32
      %shift_left3A_39 = vector.broadcast %shift_left3A : i32 to vector<16xi32>
      %shift_left3A_40 = arith.shli %get3A_33, %shift_left3A_39 : vector<16xi32>
      %bitcast3A = vector.bitcast %shift_left3A_40 : vector<16xi32> to vector<16xf32>
      %shift_left3A_41 = arith.constant 16 : i32
      %shift_left3A_42 = vector.broadcast %shift_left3A_41 : i32 to vector<16xi32>
      %shift_left3A_43 = arith.shli %get3A_38, %shift_left3A_42 : vector<16xi32>
      %bitcast3A_44 = vector.bitcast %shift_left3A_43 : vector<16xi32> to vector<16xf32>
      %add3A_45 = arith.addf %bitcast3A, %bitcast3A_44 : vector<16xf32>
      %and3A = arith.constant -65536 : i32
      %and3A_46 = vector.broadcast %and3A : i32 to vector<16xi32>
      %and3A_47 = arith.andi %get3A_33, %and3A_46 : vector<16xi32>
      %bitcast3A_48 = vector.bitcast %and3A_47 : vector<16xi32> to vector<16xf32>
      %and3A_49 = arith.constant -65536 : i32
      %and3A_50 = vector.broadcast %and3A_49 : i32 to vector<16xi32>
      %and3A_51 = arith.andi %get3A_38, %and3A_50 : vector<16xi32>
      %bitcast3A_52 = vector.bitcast %and3A_51 : vector<16xi32> to vector<16xf32>
      %add3A_53 = arith.addf %bitcast3A_48, %bitcast3A_52 : vector<16xf32>
      %swap3A = arith.index_cast %scan3A_26 : i32 to index
      %swap3A_54 = arith.constant 0 : index
      %swap3A_55 = tpu.vector_load %arg7[%swap3A, %swap3A_54] {strides = array<i32>} : memref<32x1024xf32, #tpu.memory_space<vmem>>, vector<16xf32>,
      tpu.vector_store %arg7[%swap3A, %swap3A_54], %add3A_45 {strides = array<i32>} : memref<32x1024xf32, #tpu.memory_space<vmem>>, vector<16xf32>,
      %swap3A_56 = arith.index_cast %scan3A_26 : i32 to index
      %swap3A_57 = arith.constant 512 : index
      %swap3A_58 = tpu.vector_load %arg7[%swap3A_56, %swap3A_57] {strides = array<i32>} : memref<32x1024xf32, #tpu.memory_space<vmem>>, vector<16xf32>,
      tpu.vector_store %arg7[%swap3A_56, %swap3A_57], %add3A_53 {strides = array<i32>} : memref<32x1024xf32, #tpu.memory_space<vmem>>, vector<16xf32>,
      %get3A_59 = arith.index_cast %mul3A_31 : i32 to index
      %get3A_60 = arith.constant 16 : index
      %get3A_61 = tpu.vector_load %arg6[%get3A_59, %get3A_60] {strides = array<i32>} : memref<128x512xi32, #tpu.memory_space<vmem>>, vector<16xi32>,
      %add3A_62 = arith.constant 1 : i32
      %add3A_63 = arith.addi %mul3A_31, %add3A_62 : i32
      %get3A_64 = arith.index_cast %add3A_63 : i32 to index
      %get3A_65 = arith.constant 16 : index
      %get3A_66 = tpu.vector_load %arg6[%get3A_64, %get3A_65] {strides = array<i32>} : memref<128x512xi32, #tpu.memory_space<vmem>>, vector<16xi32>,
      %shift_left3A_67 = arith.constant 16 : i32
      %shift_left3A_68 = vector.broadcast %shift_left3A_67 : i32 to vector<16xi32>
      %shift_left3A_69 = arith.shli %get3A_61, %shift_left3A_68 : vector<16xi32>
      %bitcast3A_70 = vector.bitcast %shift_left3A_69 : vector<16xi32> to vector<16xf32>
      %shift_left3A_71 = arith.constant 16 : i32
      %shift_left3A_72 = vector.broadcast %shift_left3A_71 : i32 to vector<16xi32>
      %shift_left3A_73 = arith.shli %get3A_66, %shift_left3A_72 : vector<16xi32>
      %bitcast3A_74 = vector.bitcast %shift_left3A_73 : vector<16xi32> to vector<16xf32>
      %add3A_75 = arith.addf %bitcast3A_70, %bitcast3A_74 : vector<16xf32>
      %and3A_76 = arith.constant -65536 : i32
      %and3A_77 = vector.broadcast %and3A_76 : i32 to vector<16xi32>
      %and3A_78 = arith.andi %get3A_61, %and3A_77 : vector<16xi32>
      %bitcast3A_79 = vector.bitcast %and3A_78 : vector<16xi32> to vector<16xf32>
      %and3A_80 = arith.constant -65536 : i32
      %and3A_81 = vector.broadcast %and3A_80 : i32 to vector<16xi32>
      %and3A_82 = arith.andi %get3A_66, %and3A_81 : vector<16xi32>
      %bitcast3A_83 = vector.bitcast %and3A_82 : vector<16xi32> to vector<16xf32>
      %add3A_84 = arith.addf %bitcast3A_79, %bitcast3A_83 : vector<16xf32>
      %swap3A_85 = arith.index_cast %scan3A_26 : i32 to index
      %swap3A_86 = arith.constant 16 : index
      %swap3A_87 = tpu.vector_load %arg7[%swap3A_85, %swap3A_86] {strides = array<i32>} : memref<32x1024xf32, #tpu.memory_space<vmem>>, vector<16xf32>,
      tpu.vector_store %arg7[%swap3A_85, %swap3A_86], %add3A_75 {strides = array<i32>} : memref<32x1024xf32, #tpu.memory_space<vmem>>, vector<16xf32>,
      %swap3A_88 = arith.index_cast %scan3A_26 : i32 to index
      %swap3A_89 = arith.constant 528 : index
      %swap3A_90 = tpu.vector_load %arg7[%swap3A_88, %swap3A_89] {strides = array<i32>} : memref<32x1024xf32, #tpu.memory_space<vmem>>, vector<16xf32>,
      tpu.vector_store %arg7[%swap3A_88, %swap3A_89], %add3A_84 {strides = array<i32>} : memref<32x1024xf32, #tpu.memory_space<vmem>>, vector<16xf32>,
      %get3A_91 = arith.index_cast %mul3A_31 : i32 to index
      %get3A_92 = arith.constant 32 : index
      %get3A_93 = tpu.vector_load %arg6[%get3A_91, %get3A_92] {strides = array<i32>} : memref<128x512xi32, #tpu.memory_space<vmem>>, vector<16xi32>,
      %add3A_94 = arith.constant 1 : i32
      %add3A_95 = arith.addi %mul3A_31, %add3A_94 : i32
      %get3A_96 = arith.index_cast %add3A_95 : i32 to index
      %get3A_97 = arith.constant 32 : index
      %get3A_98 = tpu.vector_load %arg6[%get3A_96, %get3A_97] {strides = array<i32>} : memref<128x512xi32, #tpu.memory_space<vmem>>, vector<16xi32>,
      %shift_left3A_99 = arith.constant 16 : i32
      %shift_left3A_100 = vector.broadcast %shift_left3A_99 : i32 to vector<16xi32>
      %shift_left3A_101 = arith.shli %get3A_93, %shift_left3A_100 : vector<16xi32>
      %bitcast3A_102 = vector.bitcast %shift_left3A_101 : vector<16xi32> to vector<16xf32>
      %shift_left3A_103 = arith.constant 16 : i32
      %shift_left3A_104 = vector.broadcast %shift_left3A_103 : i32 to vector<16xi32>
      %shift_left3A_105 = arith.shli %get3A_98, %shift_left3A_104 : vector<16xi32>
      %bitcast3A_106 = vector.bitcast %shift_left3A_105 : vector<16xi32> to vector<16xf32>
      %add3A_107 = arith.addf %bitcast3A_102, %bitcast3A_106 : vector<16xf32>
      %and3A_108 = arith.constant -65536 : i32
      %and3A_109 = vector.broadcast %and3A_108 : i32 to vector<16xi32>
      %and3A_110 = arith.andi %get3A_93, %and3A_109 : vector<16xi32>
      %bitcast3A_111 = vector.bitcast %and3A_110 : vector<16xi32> to vector<16xf32>
      %and3A_112 = arith.constant -65536 : i32
      %and3A_113 = vector.broadcast %and3A_112 : i32 to vector<16xi32>
      %and3A_114 = arith.andi %get3A_98, %and3A_113 : vector<16xi32>
      %bitcast3A_115 = vector.bitcast %and3A_114 : vector<16xi32> to vector<16xf32>
      %add3A_116 = arith.addf %bitcast3A_111, %bitcast3A_115 : vector<16xf32>
      %swap3A_117 = arith.index_cast %scan3A_26 : i32 to index
      %swap3A_118 = arith.constant 32 : index
      %swap3A_119 = tpu.vector_load %arg7[%swap3A_117, %swap3A_118] {strides = array<i32>} : memref<32x1024xf32, #tpu.memory_space<vmem>>, vector<16xf32>,
      tpu.vector_store %arg7[%swap3A_117, %swap3A_118], %add3A_107 {strides = array<i32>} : memref<32x1024xf32, #tpu.memory_space<vmem>>, vector<16xf32>,
      %swap3A_120 = arith.index_cast %scan3A_26 : i32 to index
      %swap3A_121 = arith.constant 544 : index
      %swap3A_122 = tpu.vector_load %arg7[%swap3A_120, %swap3A_121] {strides = array<i32>} : memref<32x1024xf32, #tpu.memory_space<vmem>>, vector<16xf32>,
      tpu.vector_store %arg7[%swap3A_120, %swap3A_121], %add3A_116 {strides = array<i32>} : memref<32x1024xf32, #tpu.memory_space<vmem>>, vector<16xf32>,
      %get3A_123 = arith.index_cast %mul3A_31 : i32 to index
      %get3A_124 = arith.constant 48 : index
      %get3A_125 = tpu.vector_load %arg6[%get3A_123, %get3A_124] {strides = array<i32>} : memref<128x512xi32, #tpu.memory_space<vmem>>, vector<16xi32>,
      %add3A_126 = arith.constant 1 : i32
      %add3A_127 = arith.addi %mul3A_31, %add3A_126 : i32
      %get3A_128 = arith.index_cast %add3A_127 : i32 to index
      %get3A_129 = arith.constant 48 : index
      %get3A_130 = tpu.vector_load %arg6[%get3A_128, %get3A_129] {strides = array<i32>} : memref<128x512xi32, #tpu.memory_space<vmem>>, vector<16xi32>,
      %shift_left3A_131 = arith.constant 16 : i32
      %shift_left3A_132 = vector.broadcast %shift_left3A_131 : i32 to vector<16xi32>
      %shift_left3A_133 = arith.shli %get3A_125, %shift_left3A_132 : vector<16xi32>
      %bitcast3A_134 = vector.bitcast %shift_left3A_133 : vector<16xi32> to vector<16xf32>
      %shift_left3A_135 = arith.constant 16 : i32
      %shift_left3A_136 = vector.broadcast %shift_left3A_135 : i32 to vector<16xi32>
      %shift_left3A_137 = arith.shli %get3A_130, %shift_left3A_136 : vector<16xi32>
      %bitcast3A_138 = vector.bitcast %shift_left3A_137 : vector<16xi32> to vector<16xf32>
      %add3A_139 = arith.addf %bitcast3A_134, %bitcast3A_138 : vector<16xf32>
      %and3A_140 = arith.constant -65536 : i32
      %and3A_141 = vector.broadcast %and3A_140 : i32 to vector<16xi32>
      %and3A_142 = arith.andi %get3A_125, %and3A_141 : vector<16xi32>
      %bitcast3A_143 = vector.bitcast %and3A_142 : vector<16xi32> to vector<16xf32>
      %and3A_144 = arith.constant -65536 : i32
      %and3A_145 = vector.broadcast %and3A_144 : i32 to vector<16xi32>
      %and3A_146 = arith.andi %get3A_130, %and3A_145 : vector<16xi32>
      %bitcast3A_147 = vector.bitcast %and3A_146 : vector<16xi32> to vector<16xf32>
      %add3A_148 = arith.addf %bitcast3A_143, %bitcast3A_147 : vector<16xf32>
      %swap3A_149 = arith.index_cast %scan3A_26 : i32 to index
      %swap3A_150 = arith.constant 48 : index
      %swap3A_151 = tpu.vector_load %arg7[%swap3A_149, %swap3A_150] {strides = array<i32>} : memref<32x1024xf32, #tpu.memory_space<vmem>>, vector<16xf32>,
      tpu.vector_store %arg7[%swap3A_149, %swap3A_150], %add3A_139 {strides = array<i32>} : memref<32x1024xf32, #tpu.memory_space<vmem>>, vector<16xf32>,
      %swap3A_152 = arith.index_cast %scan3A_26 : i32 to index
      %swap3A_153 = arith.constant 560 : index
      %swap3A_154 = tpu.vector_load %arg7[%swap3A_152, %swap3A_153] {strides = array<i32>} : memref<32x1024xf32, #tpu.memory_space<vmem>>, vector<16xf32>,
      tpu.vector_store %arg7[%swap3A_152, %swap3A_153], %add3A_148 {strides = array<i32>} : memref<32x1024xf32, #tpu.memory_space<vmem>>, vector<16xf32>,
      %get3A_155 = arith.index_cast %mul3A_31 : i32 to index
      %get3A_156 = arith.constant 64 : index
      %get3A_157 = tpu.vector_load %arg6[%get3A_155, %get3A_156] {strides = array<i32>} : memref<128x512xi32, #tpu.memory_space<vmem>>, vector<16xi32>,
      %add3A_158 = arith.constant 1 : i32
      %add3A_159 = arith.addi %mul3A_31, %add3A_158 : i32
      %get3A_160 = arith.index_cast %add3A_159 : i32 to index
      %get3A_161 = arith.constant 64 : index
      %get3A_162 = tpu.vector_load %arg6[%get3A_160, %get3A_161] {strides = array<i32>} : memref<128x512xi32, #tpu.memory_space<vmem>>, vector<16xi32>,
      %shift_left3A_163 = arith.constant 16 : i32
      %shift_left3A_164 = vector.broadcast %shift_left3A_163 : i32 to vector<16xi32>
      %shift_left3A_165 = arith.shli %get3A_157, %shift_left3A_164 : vector<16xi32>
      %bitcast3A_166 = vector.bitcast %shift_left3A_165 : vector<16xi32> to vector<16xf32>
      %shift_left3A_167 = arith.constant 16 : i32
      %shift_left3A_168 = vector.broadcast %shift_left3A_167 : i32 to vector<16xi32>
      %shift_left3A_169 = arith.shli %get3A_162, %shift_left3A_168 : vector<16xi32>
      %bitcast3A_170 = vector.bitcast %shift_left3A_169 : vector<16xi32> to vector<16xf32>
      %add3A_171 = arith.addf %bitcast3A_166, %bitcast3A_170 : vector<16xf32>
      %and3A_172 = arith.constant -65536 : i32
      %and3A_173 = vector.broadcast %and3A_172 : i32 to vector<16xi32>
      %and3A_174 = arith.andi %get3A_157, %and3A_173 : vector<16xi32>
      %bitcast3A_175 = vector.bitcast %and3A_174 : vector<16xi32> to vector<16xf32>
      %and3A_176 = arith.constant -65536 : i32
      %and3A_177 = vector.broadcast %and3A_176 : i32 to vector<16xi32>
      %and3A_178 = arith.andi %get3A_162, %and3A_177 : vector<16xi32>
      %bitcast3A_179 = vector.bitcast %and3A_178 : vector<16xi32> to vector<16xf32>
      %add3A_180 = arith.addf %bitcast3A_175, %bitcast3A_179 : vector<16xf32>
      %swap3A_181 = arith.index_cast %scan3A_26 : i32 to index
      %swap3A_182 = arith.constant 64 : index
      %swap3A_183 = tpu.vector_load %arg7[%swap3A_181, %swap3A_182] {strides = array<i32>} : memref<32x1024xf32, #tpu.memory_space<vmem>>, vector<16xf32>,
      tpu.vector_store %arg7[%swap3A_181, %swap3A_182], %add3A_171 {strides = array<i32>} : memref<32x1024xf32, #tpu.memory_space<vmem>>, vector<16xf32>,
      %swap3A_184 = arith.index_cast %scan3A_26 : i32 to index
      %swap3A_185 = arith.constant 576 : index
      %swap3A_186 = tpu.vector_load %arg7[%swap3A_184, %swap3A_185] {strides = array<i32>} : memref<32x1024xf32, #tpu.memory_space<vmem>>, vector<16xf32>,
      tpu.vector_store %arg7[%swap3A_184, %swap3A_185], %add3A_180 {strides = array<i32>} : memref<32x1024xf32, #tpu.memory_space<vmem>>, vector<16xf32>,
      %get3A_187 = arith.index_cast %mul3A_31 : i32 to index
      %get3A_188 = arith.constant 80 : index
      %get3A_189 = tpu.vector_load %arg6[%get3A_187, %get3A_188] {strides = array<i32>} : memref<128x512xi32, #tpu.memory_space<vmem>>, vector<16xi32>,
      %add3A_190 = arith.constant 1 : i32
      %add3A_191 = arith.addi %mul3A_31, %add3A_190 : i32
      %get3A_192 = arith.index_cast %add3A_191 : i32 to index
      %get3A_193 = arith.constant 80 : index
      %get3A_194 = tpu.vector_load %arg6[%get3A_192, %get3A_193] {strides = array<i32>} : memref<128x512xi32, #tpu.memory_space<vmem>>, vector<16xi32>,
      %shift_left3A_195 = arith.constant 16 : i32
      %shift_left3A_196 = vector.broadcast %shift_left3A_195 : i32 to vector<16xi32>
      %shift_left3A_197 = arith.shli %get3A_189, %shift_left3A_196 : vector<16xi32>
      %bitcast3A_198 = vector.bitcast %shift_left3A_197 : vector<16xi32> to vector<16xf32>
      %shift_left3A_199 = arith.constant 16 : i32
      %shift_left3A_200 = vector.broadcast %shift_left3A_199 : i32 to vector<16xi32>
      %shift_left3A_201 = arith.shli %get3A_194, %shift_left3A_200 : vector<16xi32>
      %bitcast3A_202 = vector.bitcast %shift_left3A_201 : vector<16xi32> to vector<16xf32>
      %add3A_203 = arith.addf %bitcast3A_198, %bitcast3A_202 : vector<16xf32>
      %and3A_204 = arith.constant -65536 : i32
      %and3A_205 = vector.broadcast %and3A_204 : i32 to vector<16xi32>
      %and3A_206 = arith.andi %get3A_189, %and3A_205 : vector<16xi32>
      %bitcast3A_207 = vector.bitcast %and3A_206 : vector<16xi32> to vector<16xf32>
      %and3A_208 = arith.constant -65536 : i32
      %and3A_209 = vector.broadcast %and3A_208 : i32 to vector<16xi32>
      %and3A_210 = arith.andi %get3A_194, %and3A_209 : vector<16xi32>
      %bitcast3A_211 = vector.bitcast %and3A_210 : vector<16xi32> to vector<16xf32>
      %add3A_212 = arith.addf %bitcast3A_207, %bitcast3A_211 : vector<16xf32>
      %swap3A_213 = arith.index_cast %scan3A_26 : i32 to index
      %swap3A_214 = arith.constant 80 : index
      %swap3A_215 = tpu.vector_load %arg7[%swap3A_213, %swap3A_214] {strides = array<i32>} : memref<32x1024xf32, #tpu.memory_space<vmem>>, vector<16xf32>,
      tpu.vector_store %arg7[%swap3A_213, %swap3A_214], %add3A_203 {strides = array<i32>} : memref<32x1024xf32, #tpu.memory_space<vmem>>, vector<16xf32>,
      %swap3A_216 = arith.index_cast %scan3A_26 : i32 to index
      %swap3A_217 = arith.constant 592 : index
      %swap3A_218 = tpu.vector_load %arg7[%swap3A_216, %swap3A_217] {strides = array<i32>} : memref<32x1024xf32, #tpu.memory_space<vmem>>, vector<16xf32>,
      tpu.vector_store %arg7[%swap3A_216, %swap3A_217], %add3A_212 {strides = array<i32>} : memref<32x1024xf32, #tpu.memory_space<vmem>>, vector<16xf32>,
      %get3A_219 = arith.index_cast %mul3A_31 : i32 to index
      %get3A_220 = arith.constant 96 : index
      %get3A_221 = tpu.vector_load %arg6[%get3A_219, %get3A_220] {strides = array<i32>} : memref<128x512xi32, #tpu.memory_space<vmem>>, vector<16xi32>,
      %add3A_222 = arith.constant 1 : i32
      %add3A_223 = arith.addi %mul3A_31, %add3A_222 : i32
      %get3A_224 = arith.index_cast %add3A_223 : i32 to index
      %get3A_225 = arith.constant 96 : index
      %get3A_226 = tpu.vector_load %arg6[%get3A_224, %get3A_225] {strides = array<i32>} : memref<128x512xi32, #tpu.memory_space<vmem>>, vector<16xi32>,
      %shift_left3A_227 = arith.constant 16 : i32
      %shift_left3A_228 = vector.broadcast %shift_left3A_227 : i32 to vector<16xi32>
      %shift_left3A_229 = arith.shli %get3A_221, %shift_left3A_228 : vector<16xi32>
      %bitcast3A_230 = vector.bitcast %shift_left3A_229 : vector<16xi32> to vector<16xf32>
      %shift_left3A_231 = arith.constant 16 : i32
      %shift_left3A_232 = vector.broadcast %shift_left3A_231 : i32 to vector<16xi32>
      %shift_left3A_233 = arith.shli %get3A_226, %shift_left3A_232 : vector<16xi32>
      %bitcast3A_234 = vector.bitcast %shift_left3A_233 : vector<16xi32> to vector<16xf32>
      %add3A_235 = arith.addf %bitcast3A_230, %bitcast3A_234 : vector<16xf32>
      %and3A_236 = arith.constant -65536 : i32
      %and3A_237 = vector.broadcast %and3A_236 : i32 to vector<16xi32>
      %and3A_238 = arith.andi %get3A_221, %and3A_237 : vector<16xi32>
      %bitcast3A_239 = vector.bitcast %and3A_238 : vector<16xi32> to vector<16xf32>
      %and3A_240 = arith.constant -65536 : i32
      %and3A_241 = vector.broadcast %and3A_240 : i32 to vector<16xi32>
      %and3A_242 = arith.andi %get3A_226, %and3A_241 : vector<16xi32>
      %bitcast3A_243 = vector.bitcast %and3A_242 : vector<16xi32> to vector<16xf32>
      %add3A_244 = arith.addf %bitcast3A_239, %bitcast3A_243 : vector<16xf32>
      %swap3A_245 = arith.index_cast %scan3A_26 : i32 to index
      %swap3A_246 = arith.constant 96 : index
      %swap3A_247 = tpu.vector_load %arg7[%swap3A_245, %swap3A_246] {strides = array<i32>} : memref<32x1024xf32, #tpu.memory_space<vmem>>, vector<16xf32>,
      tpu.vector_store %arg7[%swap3A_245, %swap3A_246], %add3A_235 {strides = array<i32>} : memref<32x1024xf32, #tpu.memory_space<vmem>>, vector<16xf32>,
      %swap3A_248 = arith.index_cast %scan3A_26 : i32 to index
      %swap3A_249 = arith.constant 608 : index
      %swap3A_250 = tpu.vector_load %arg7[%swap3A_248, %swap3A_249] {strides = array<i32>} : memref<32x1024xf32, #tpu.memory_space<vmem>>, vector<16xf32>,
      tpu.vector_store %arg7[%swap3A_248, %swap3A_249], %add3A_244 {strides = array<i32>} : memref<32x1024xf32, #tpu.memory_space<vmem>>, vector<16xf32>,
      %get3A_251 = arith.index_cast %mul3A_31 : i32 to index
      %get3A_252 = arith.constant 112 : index
      %get3A_253 = tpu.vector_load %arg6[%get3A_251, %get3A_252] {strides = array<i32>} : memref<128x512xi32, #tpu.memory_space<vmem>>, vector<16xi32>,
      %add3A_254 = arith.constant 1 : i32
      %add3A_255 = arith.addi %mul3A_31, %add3A_254 : i32
      %get3A_256 = arith.index_cast %add3A_255 : i32 to index
      %get3A_257 = arith.constant 112 : index
      %get3A_258 = tpu.vector_load %arg6[%get3A_256, %get3A_257] {strides = array<i32>} : memref<128x512xi32, #tpu.memory_space<vmem>>, vector<16xi32>,
      %shift_left3A_259 = arith.constant 16 : i32
      %shift_left3A_260 = vector.broadcast %shift_left3A_259 : i32 to vector<16xi32>
      %shift_left3A_261 = arith.shli %get3A_253, %shift_left3A_260 : vector<16xi32>
      %bitcast3A_262 = vector.bitcast %shift_left3A_261 : vector<16xi32> to vector<16xf32>
      %shift_left3A_263 = arith.constant 16 : i32
      %shift_left3A_264 = vector.broadcast %shift_left3A_263 : i32 to vector<16xi32>
      %shift_left3A_265 = arith.shli %get3A_258, %shift_left3A_264 : vector<16xi32>
      %bitcast3A_266 = vector.bitcast %shift_left3A_265 : vector<16xi32> to vector<16xf32>
      %add3A_267 = arith.addf %bitcast3A_262, %bitcast3A_266 : vector<16xf32>
      %and3A_268 = arith.constant -65536 : i32
      %and3A_269 = vector.broadcast %and3A_268 : i32 to vector<16xi32>
      %and3A_270 = arith.andi %get3A_253, %and3A_269 : vector<16xi32>
      %bitcast3A_271 = vector.bitcast %and3A_270 : vector<16xi32> to vector<16xf32>
      %and3A_272 = arith.constant -65536 : i32
      %and3A_273 = vector.broadcast %and3A_272 : i32 to vector<16xi32>
      %and3A_274 = arith.andi %get3A_258, %and3A_273 : vector<16xi32>
      %bitcast3A_275 = vector.bitcast %and3A_274 : vector<16xi32> to vector<16xf32>
      %add3A_276 = arith.addf %bitcast3A_271, %bitcast3A_275 : vector<16xf32>
      %swap3A_277 = arith.index_cast %scan3A_26 : i32 to index
      %swap3A_278 = arith.constant 112 : index
      %swap3A_279 = tpu.vector_load %arg7[%swap3A_277, %swap3A_278] {strides = array<i32>} : memref<32x1024xf32, #tpu.memory_space<vmem>>, vector<16xf32>,
      tpu.vector_store %arg7[%swap3A_277, %swap3A_278], %add3A_267 {strides = array<i32>} : memref<32x1024xf32, #tpu.memory_space<vmem>>, vector<16xf32>,
      %swap3A_280 = arith.index_cast %scan3A_26 : i32 to index
      %swap3A_281 = arith.constant 624 : index
      %swap3A_282 = tpu.vector_load %arg7[%swap3A_280, %swap3A_281] {strides = array<i32>} : memref<32x1024xf32, #tpu.memory_space<vmem>>, vector<16xf32>,
      tpu.vector_store %arg7[%swap3A_280, %swap3A_281], %add3A_276 {strides = array<i32>} : memref<32x1024xf32, #tpu.memory_space<vmem>>, vector<16xf32>,
      %get3A_283 = arith.index_cast %mul3A_31 : i32 to index
      %get3A_284 = arith.constant 128 : index
      %get3A_285 = tpu.vector_load %arg6[%get3A_283, %get3A_284] {strides = array<i32>} : memref<128x512xi32, #tpu.memory_space<vmem>>, vector<16xi32>,
      %add3A_286 = arith.constant 1 : i32
      %add3A_287 = arith.addi %mul3A_31, %add3A_286 : i32
      %get3A_288 = arith.index_cast %add3A_287 : i32 to index
      %get3A_289 = arith.constant 128 : index
      %get3A_290 = tpu.vector_load %arg6[%get3A_288, %get3A_289] {strides = array<i32>} : memref<128x512xi32, #tpu.memory_space<vmem>>, vector<16xi32>,
      %shift_left3A_291 = arith.constant 16 : i32
      %shift_left3A_292 = vector.broadcast %shift_left3A_291 : i32 to vector<16xi32>
      %shift_left3A_293 = arith.shli %get3A_285, %shift_left3A_292 : vector<16xi32>
      %bitcast3A_294 = vector.bitcast %shift_left3A_293 : vector<16xi32> to vector<16xf32>
      %shift_left3A_295 = arith.constant 16 : i32
      %shift_left3A_296 = vector.broadcast %shift_left3A_295 : i32 to vector<16xi32>
      %shift_left3A_297 = arith.shli %get3A_290, %shift_left3A_296 : vector<16xi32>
      %bitcast3A_298 = vector.bitcast %shift_left3A_297 : vector<16xi32> to vector<16xf32>
      %add3A_299 = arith.addf %bitcast3A_294, %bitcast3A_298 : vector<16xf32>
      %and3A_300 = arith.constant -65536 : i32
      %and3A_301 = vector.broadcast %and3A_300 : i32 to vector<16xi32>
      %and3A_302 = arith.andi %get3A_285, %and3A_301 : vector<16xi32>
      %bitcast3A_303 = vector.bitcast %and3A_302 : vector<16xi32> to vector<16xf32>
      %and3A_304 = arith.constant -65536 : i32
      %and3A_305 = vector.broadcast %and3A_304 : i32 to vector<16xi32>
      %and3A_306 = arith.andi %get3A_290, %and3A_305 : vector<16xi32>
      %bitcast3A_307 = vector.bitcast %and3A_306 : vector<16xi32> to vector<16xf32>
      %add3A_308 = arith.addf %bitcast3A_303, %bitcast3A_307 : vector<16xf32>
      %swap3A_309 = arith.index_cast %scan3A_26 : i32 to index
      %swap3A_310 = arith.constant 128 : index
      %swap3A_311 = tpu.vector_load %arg7[%swap3A_309, %swap3A_310] {strides = array<i32>} : memref<32x1024xf32, #tpu.memory_space<vmem>>, vector<16xf32>,
      tpu.vector_store %arg7[%swap3A_309, %swap3A_310], %add3A_299 {strides = array<i32>} : memref<32x1024xf32, #tpu.memory_space<vmem>>, vector<16xf32>,
      %swap3A_312 = arith.index_cast %scan3A_26 : i32 to index
      %swap3A_313 = arith.constant 640 : index
      %swap3A_314 = tpu.vector_load %arg7[%swap3A_312, %swap3A_313] {strides = array<i32>} : memref<32x1024xf32, #tpu.memory_space<vmem>>, vector<16xf32>,
      tpu.vector_store %arg7[%swap3A_312, %swap3A_313], %add3A_308 {strides = array<i32>} : memref<32x1024xf32, #tpu.memory_space<vmem>>, vector<16xf32>,
      %get3A_315 = arith.index_cast %mul3A_31 : i32 to index
      %get3A_316 = arith.constant 144 : index
      %get3A_317 = tpu.vector_load %arg6[%get3A_315, %get3A_316] {strides = array<i32>} : memref<128x512xi32, #tpu.memory_space<vmem>>, vector<16xi32>,
      %add3A_318 = arith.constant 1 : i32
      %add3A_319 = arith.addi %mul3A_31, %add3A_318 : i32
      %get3A_320 = arith.index_cast %add3A_319 : i32 to index
      %get3A_321 = arith.constant 144 : index
      %get3A_322 = tpu.vector_load %arg6[%get3A_320, %get3A_321] {strides = array<i32>} : memref<128x512xi32, #tpu.memory_space<vmem>>, vector<16xi32>,
      %shift_left3A_323 = arith.constant 16 : i32
      %shift_left3A_324 = vector.broadcast %shift_left3A_323 : i32 to vector<16xi32>
      %shift_left3A_325 = arith.shli %get3A_317, %shift_left3A_324 : vector<16xi32>
      %bitcast3A_326 = vector.bitcast %shift_left3A_325 : vector<16xi32> to vector<16xf32>
      %shift_left3A_327 = arith.constant 16 : i32
      %shift_left3A_328 = vector.broadcast %shift_left3A_327 : i32 to vector<16xi32>
      %shift_left3A_329 = arith.shli %get3A_322, %shift_left3A_328 : vector<16xi32>
      %bitcast3A_330 = vector.bitcast %shift_left3A_329 : vector<16xi32> to vector<16xf32>
      %add3A_331 = arith.addf %bitcast3A_326, %bitcast3A_330 : vector<16xf32>
      %and3A_332 = arith.constant -65536 : i32
      %and3A_333 = vector.broadcast %and3A_332 : i32 to vector<16xi32>
      %and3A_334 = arith.andi %get3A_317, %and3A_333 : vector<16xi32>
      %bitcast3A_335 = vector.bitcast %and3A_334 : vector<16xi32> to vector<16xf32>
      %and3A_336 = arith.constant -65536 : i32
      %and3A_337 = vector.broadcast %and3A_336 : i32 to vector<16xi32>
      %and3A_338 = arith.andi %get3A_322, %and3A_337 : vector<16xi32>
      %bitcast3A_339 = vector.bitcast %and3A_338 : vector<16xi32> to vector<16xf32>
      %add3A_340 = arith.addf %bitcast3A_335, %bitcast3A_339 : vector<16xf32>
      %swap3A_341 = arith.index_cast %scan3A_26 : i32 to index
      %swap3A_342 = arith.constant 144 : index
      %swap3A_343 = tpu.vector_load %arg7[%swap3A_341, %swap3A_342] {strides = array<i32>} : memref<32x1024xf32, #tpu.memory_space<vmem>>, vector<16xf32>,
      tpu.vector_store %arg7[%swap3A_341, %swap3A_342], %add3A_331 {strides = array<i32>} : memref<32x1024xf32, #tpu.memory_space<vmem>>, vector<16xf32>,
      %swap3A_344 = arith.index_cast %scan3A_26 : i32 to index
      %swap3A_345 = arith.constant 656 : index
      %swap3A_346 = tpu.vector_load %arg7[%swap3A_344, %swap3A_345] {strides = array<i32>} : memref<32x1024xf32, #tpu.memory_space<vmem>>, vector<16xf32>,
      tpu.vector_store %arg7[%swap3A_344, %swap3A_345], %add3A_340 {strides = array<i32>} : memref<32x1024xf32, #tpu.memory_space<vmem>>, vector<16xf32>,
      %get3A_347 = arith.index_cast %mul3A_31 : i32 to index
      %get3A_348 = arith.constant 160 : index
      %get3A_349 = tpu.vector_load %arg6[%get3A_347, %get3A_348] {strides = array<i32>} : memref<128x512xi32, #tpu.memory_space<vmem>>, vector<16xi32>,
      %add3A_350 = arith.constant 1 : i32
      %add3A_351 = arith.addi %mul3A_31, %add3A_350 : i32
      %get3A_352 = arith.index_cast %add3A_351 : i32 to index
      %get3A_353 = arith.constant 160 : index
      %get3A_354 = tpu.vector_load %arg6[%get3A_352, %get3A_353] {strides = array<i32>} : memref<128x512xi32, #tpu.memory_space<vmem>>, vector<16xi32>,
      %shift_left3A_355 = arith.constant 16 : i32
      %shift_left3A_356 = vector.broadcast %shift_left3A_355 : i32 to vector<16xi32>
      %shift_left3A_357 = arith.shli %get3A_349, %shift_left3A_356 : vector<16xi32>
      %bitcast3A_358 = vector.bitcast %shift_left3A_357 : vector<16xi32> to vector<16xf32>
      %shift_left3A_359 = arith.constant 16 : i32
      %shift_left3A_360 = vector.broadcast %shift_left3A_359 : i32 to vector<16xi32>
      %shift_left3A_361 = arith.shli %get3A_354, %shift_left3A_360 : vector<16xi32>
      %bitcast3A_362 = vector.bitcast %shift_left3A_361 : vector<16xi32> to vector<16xf32>
      %add3A_363 = arith.addf %bitcast3A_358, %bitcast3A_362 : vector<16xf32>
      %and3A_364 = arith.constant -65536 : i32
      %and3A_365 = vector.broadcast %and3A_364 : i32 to vector<16xi32>
      %and3A_366 = arith.andi %get3A_349, %and3A_365 : vector<16xi32>
      %bitcast3A_367 = vector.bitcast %and3A_366 : vector<16xi32> to vector<16xf32>
      %and3A_368 = arith.constant -65536 : i32
      %and3A_369 = vector.broadcast %and3A_368 : i32 to vector<16xi32>
      %and3A_370 = arith.andi %get3A_354, %and3A_369 : vector<16xi32>
      %bitcast3A_371 = vector.bitcast %and3A_370 : vector<16xi32> to vector<16xf32>
      %add3A_372 = arith.addf %bitcast3A_367, %bitcast3A_371 : vector<16xf32>
      %swap3A_373 = arith.index_cast %scan3A_26 : i32 to index
      %swap3A_374 = arith.constant 160 : index
      %swap3A_375 = tpu.vector_load %arg7[%swap3A_373, %swap3A_374] {strides = array<i32>} : memref<32x1024xf32, #tpu.memory_space<vmem>>, vector<16xf32>,
      tpu.vector_store %arg7[%swap3A_373, %swap3A_374], %add3A_363 {strides = array<i32>} : memref<32x1024xf32, #tpu.memory_space<vmem>>, vector<16xf32>,
      %swap3A_376 = arith.index_cast %scan3A_26 : i32 to index
      %swap3A_377 = arith.constant 672 : index
      %swap3A_378 = tpu.vector_load %arg7[%swap3A_376, %swap3A_377] {strides = array<i32>} : memref<32x1024xf32, #tpu.memory_space<vmem>>, vector<16xf32>,
      tpu.vector_store %arg7[%swap3A_376, %swap3A_377], %add3A_372 {strides = array<i32>} : memref<32x1024xf32, #tpu.memory_space<vmem>>, vector<16xf32>,
      %get3A_379 = arith.index_cast %mul3A_31 : i32 to index
      %get3A_380 = arith.constant 176 : index
      %get3A_381 = tpu.vector_load %arg6[%get3A_379, %get3A_380] {strides = array<i32>} : memref<128x512xi32, #tpu.memory_space<vmem>>, vector<16xi32>,
      %add3A_382 = arith.constant 1 : i32
      %add3A_383 = arith.addi %mul3A_31, %add3A_382 : i32
      %get3A_384 = arith.index_cast %add3A_383 : i32 to index
      %get3A_385 = arith.constant 176 : index
      %get3A_386 = tpu.vector_load %arg6[%get3A_384, %get3A_385] {strides = array<i32>} : memref<128x512xi32, #tpu.memory_space<vmem>>, vector<16xi32>,
      %shift_left3A_387 = arith.constant 16 : i32
      %shift_left3A_388 = vector.broadcast %shift_left3A_387 : i32 to vector<16xi32>
      %shift_left3A_389 = arith.shli %get3A_381, %shift_left3A_388 : vector<16xi32>
      %bitcast3A_390 = vector.bitcast %shift_left3A_389 : vector<16xi32> to vector<16xf32>
      %shift_left3A_391 = arith.constant 16 : i32
      %shift_left3A_392 = vector.broadcast %shift_left3A_391 : i32 to vector<16xi32>
      %shift_left3A_393 = arith.shli %get3A_386, %shift_left3A_392 : vector<16xi32>
      %bitcast3A_394 = vector.bitcast %shift_left3A_393 : vector<16xi32> to vector<16xf32>
      %add3A_395 = arith.addf %bitcast3A_390, %bitcast3A_394 : vector<16xf32>
      %and3A_396 = arith.constant -65536 : i32
      %and3A_397 = vector.broadcast %and3A_396 : i32 to vector<16xi32>
      %and3A_398 = arith.andi %get3A_381, %and3A_397 : vector<16xi32>
      %bitcast3A_399 = vector.bitcast %and3A_398 : vector<16xi32> to vector<16xf32>
      %and3A_400 = arith.constant -65536 : i32
      %and3A_401 = vector.broadcast %and3A_400 : i32 to vector<16xi32>
      %and3A_402 = arith.andi %get3A_386, %and3A_401 : vector<16xi32>
      %bitcast3A_403 = vector.bitcast %and3A_402 : vector<16xi32> to vector<16xf32>
      %add3A_404 = arith.addf %bitcast3A_399, %bitcast3A_403 : vector<16xf32>
      %swap3A_405 = arith.index_cast %scan3A_26 : i32 to index
      %swap3A_406 = arith.constant 176 : index
      %swap3A_407 = tpu.vector_load %arg7[%swap3A_405, %swap3A_406] {strides = array<i32>} : memref<32x1024xf32, #tpu.memory_space<vmem>>, vector<16xf32>,
      tpu.vector_store %arg7[%swap3A_405, %swap3A_406], %add3A_395 {strides = array<i32>} : memref<32x1024xf32, #tpu.memory_space<vmem>>, vector<16xf32>,
      %swap3A_408 = arith.index_cast %scan3A_26 : i32 to index
      %swap3A_409 = arith.constant 688 : index
      %swap3A_410 = tpu.vector_load %arg7[%swap3A_408, %swap3A_409] {strides = array<i32>} : memref<32x1024xf32, #tpu.memory_space<vmem>>, vector<16xf32>,
      tpu.vector_store %arg7[%swap3A_408, %swap3A_409], %add3A_404 {strides = array<i32>} : memref<32x1024xf32, #tpu.memory_space<vmem>>, vector<16xf32>,
      %get3A_411 = arith.index_cast %mul3A_31 : i32 to index
      %get3A_412 = arith.constant 192 : index
      %get3A_413 = tpu.vector_load %arg6[%get3A_411, %get3A_412] {strides = array<i32>} : memref<128x512xi32, #tpu.memory_space<vmem>>, vector<16xi32>,
      %add3A_414 = arith.constant 1 : i32
      %add3A_415 = arith.addi %mul3A_31, %add3A_414 : i32
      %get3A_416 = arith.index_cast %add3A_415 : i32 to index
      %get3A_417 = arith.constant 192 : index
      %get3A_418 = tpu.vector_load %arg6[%get3A_416, %get3A_417] {strides = array<i32>} : memref<128x512xi32, #tpu.memory_space<vmem>>, vector<16xi32>,
      %shift_left3A_419 = arith.constant 16 : i32
      %shift_left3A_420 = vector.broadcast %shift_left3A_419 : i32 to vector<16xi32>
      %shift_left3A_421 = arith.shli %get3A_413, %shift_left3A_420 : vector<16xi32>
      %bitcast3A_422 = vector.bitcast %shift_left3A_421 : vector<16xi32> to vector<16xf32>
      %shift_left3A_423 = arith.constant 16 : i32
      %shift_left3A_424 = vector.broadcast %shift_left3A_423 : i32 to vector<16xi32>
      %shift_left3A_425 = arith.shli %get3A_418, %shift_left3A_424 : vector<16xi32>
      %bitcast3A_426 = vector.bitcast %shift_left3A_425 : vector<16xi32> to vector<16xf32>
      %add3A_427 = arith.addf %bitcast3A_422, %bitcast3A_426 : vector<16xf32>
      %and3A_428 = arith.constant -65536 : i32
      %and3A_429 = vector.broadcast %and3A_428 : i32 to vector<16xi32>
      %and3A_430 = arith.andi %get3A_413, %and3A_429 : vector<16xi32>
      %bitcast3A_431 = vector.bitcast %and3A_430 : vector<16xi32> to vector<16xf32>
      %and3A_432 = arith.constant -65536 : i32
      %and3A_433 = vector.broadcast %and3A_432 : i32 to vector<16xi32>
      %and3A_434 = arith.andi %get3A_418, %and3A_433 : vector<16xi32>
      %bitcast3A_435 = vector.bitcast %and3A_434 : vector<16xi32> to vector<16xf32>
      %add3A_436 = arith.addf %bitcast3A_431, %bitcast3A_435 : vector<16xf32>
      %swap3A_437 = arith.index_cast %scan3A_26 : i32 to index
      %swap3A_438 = arith.constant 192 : index
      %swap3A_439 = tpu.vector_load %arg7[%swap3A_437, %swap3A_438] {strides = array<i32>} : memref<32x1024xf32, #tpu.memory_space<vmem>>, vector<16xf32>,
      tpu.vector_store %arg7[%swap3A_437, %swap3A_438], %add3A_427 {strides = array<i32>} : memref<32x1024xf32, #tpu.memory_space<vmem>>, vector<16xf32>,
      %swap3A_440 = arith.index_cast %scan3A_26 : i32 to index
      %swap3A_441 = arith.constant 704 : index
      %swap3A_442 = tpu.vector_load %arg7[%swap3A_440, %swap3A_441] {strides = array<i32>} : memref<32x1024xf32, #tpu.memory_space<vmem>>, vector<16xf32>,
      tpu.vector_store %arg7[%swap3A_440, %swap3A_441], %add3A_436 {strides = array<i32>} : memref<32x1024xf32, #tpu.memory_space<vmem>>, vector<16xf32>,
      %get3A_443 = arith.index_cast %mul3A_31 : i32 to index
      %get3A_444 = arith.constant 208 : index
      %get3A_445 = tpu.vector_load %arg6[%get3A_443, %get3A_444] {strides = array<i32>} : memref<128x512xi32, #tpu.memory_space<vmem>>, vector<16xi32>,
      %add3A_446 = arith.constant 1 : i32
      %add3A_447 = arith.addi %mul3A_31, %add3A_446 : i32
      %get3A_448 = arith.index_cast %add3A_447 : i32 to index
      %get3A_449 = arith.constant 208 : index
      %get3A_450 = tpu.vector_load %arg6[%get3A_448, %get3A_449] {strides = array<i32>} : memref<128x512xi32, #tpu.memory_space<vmem>>, vector<16xi32>,
      %shift_left3A_451 = arith.constant 16 : i32
      %shift_left3A_452 = vector.broadcast %shift_left3A_451 : i32 to vector<16xi32>
      %shift_left3A_453 = arith.shli %get3A_445, %shift_left3A_452 : vector<16xi32>
      %bitcast3A_454 = vector.bitcast %shift_left3A_453 : vector<16xi32> to vector<16xf32>
      %shift_left3A_455 = arith.constant 16 : i32
      %shift_left3A_456 = vector.broadcast %shift_left3A_455 : i32 to vector<16xi32>
      %shift_left3A_457 = arith.shli %get3A_450, %shift_left3A_456 : vector<16xi32>
      %bitcast3A_458 = vector.bitcast %shift_left3A_457 : vector<16xi32> to vector<16xf32>
      %add3A_459 = arith.addf %bitcast3A_454, %bitcast3A_458 : vector<16xf32>
      %and3A_460 = arith.constant -65536 : i32
      %and3A_461 = vector.broadcast %and3A_460 : i32 to vector<16xi32>
      %and3A_462 = arith.andi %get3A_445, %and3A_461 : vector<16xi32>
      %bitcast3A_463 = vector.bitcast %and3A_462 : vector<16xi32> to vector<16xf32>
      %and3A_464 = arith.constant -65536 : i32
      %and3A_465 = vector.broadcast %and3A_464 : i32 to vector<16xi32>
      %and3A_466 = arith.andi %get3A_450, %and3A_465 : vector<16xi32>
      %bitcast3A_467 = vector.bitcast %and3A_466 : vector<16xi32> to vector<16xf32>
      %add3A_468 = arith.addf %bitcast3A_463, %bitcast3A_467 : vector<16xf32>
      %swap3A_469 = arith.index_cast %scan3A_26 : i32 to index
      %swap3A_470 = arith.constant 208 : index
      %swap3A_471 = tpu.vector_load %arg7[%swap3A_469, %swap3A_470] {strides = array<i32>} : memref<32x1024xf32, #tpu.memory_space<vmem>>, vector<16xf32>,
      tpu.vector_store %arg7[%swap3A_469, %swap3A_470], %add3A_459 {strides = array<i32>} : memref<32x1024xf32, #tpu.memory_space<vmem>>, vector<16xf32>,
      %swap3A_472 = arith.index_cast %scan3A_26 : i32 to index
      %swap3A_473 = arith.constant 720 : index
      %swap3A_474 = tpu.vector_load %arg7[%swap3A_472, %swap3A_473] {strides = array<i32>} : memref<32x1024xf32, #tpu.memory_space<vmem>>, vector<16xf32>,
      tpu.vector_store %arg7[%swap3A_472, %swap3A_473], %add3A_468 {strides = array<i32>} : memref<32x1024xf32, #tpu.memory_space<vmem>>, vector<16xf32>,
      %get3A_475 = arith.index_cast %mul3A_31 : i32 to index
      %get3A_476 = arith.constant 224 : index
      %get3A_477 = tpu.vector_load %arg6[%get3A_475, %get3A_476] {strides = array<i32>} : memref<128x512xi32, #tpu.memory_space<vmem>>, vector<16xi32>,
      %add3A_478 = arith.constant 1 : i32
      %add3A_479 = arith.addi %mul3A_31, %add3A_478 : i32
      %get3A_480 = arith.index_cast %add3A_479 : i32 to index
      %get3A_481 = arith.constant 224 : index
      %get3A_482 = tpu.vector_load %arg6[%get3A_480, %get3A_481] {strides = array<i32>} : memref<128x512xi32, #tpu.memory_space<vmem>>, vector<16xi32>,
      %shift_left3A_483 = arith.constant 16 : i32
      %shift_left3A_484 = vector.broadcast %shift_left3A_483 : i32 to vector<16xi32>
      %shift_left3A_485 = arith.shli %get3A_477, %shift_left3A_484 : vector<16xi32>
      %bitcast3A_486 = vector.bitcast %shift_left3A_485 : vector<16xi32> to vector<16xf32>
      %shift_left3A_487 = arith.constant 16 : i32
      %shift_left3A_488 = vector.broadcast %shift_left3A_487 : i32 to vector<16xi32>
      %shift_left3A_489 = arith.shli %get3A_482, %shift_left3A_488 : vector<16xi32>
      %bitcast3A_490 = vector.bitcast %shift_left3A_489 : vector<16xi32> to vector<16xf32>
      %add3A_491 = arith.addf %bitcast3A_486, %bitcast3A_490 : vector<16xf32>
      %and3A_492 = arith.constant -65536 : i32
      %and3A_493 = vector.broadcast %and3A_492 : i32 to vector<16xi32>
      %and3A_494 = arith.andi %get3A_477, %and3A_493 : vector<16xi32>
      %bitcast3A_495 = vector.bitcast %and3A_494 : vector<16xi32> to vector<16xf32>
      %and3A_496 = arith.constant -65536 : i32
      %and3A_497 = vector.broadcast %and3A_496 : i32 to vector<16xi32>
      %and3A_498 = arith.andi %get3A_482, %and3A_497 : vector<16xi32>
      %bitcast3A_499 = vector.bitcast %and3A_498 : vector<16xi32> to vector<16xf32>
      %add3A_500 = arith.addf %bitcast3A_495, %bitcast3A_499 : vector<16xf32>
      %swap3A_501 = arith.index_cast %scan3A_26 : i32 to index
      %swap3A_502 = arith.constant 224 : index
      %swap3A_503 = tpu.vector_load %arg7[%swap3A_501, %swap3A_502] {strides = array<i32>} : memref<32x1024xf32, #tpu.memory_space<vmem>>, vector<16xf32>,
      tpu.vector_store %arg7[%swap3A_501, %swap3A_502], %add3A_491 {strides = array<i32>} : memref<32x1024xf32, #tpu.memory_space<vmem>>, vector<16xf32>,
      %swap3A_504 = arith.index_cast %scan3A_26 : i32 to index
      %swap3A_505 = arith.constant 736 : index
      %swap3A_506 = tpu.vector_load %arg7[%swap3A_504, %swap3A_505] {strides = array<i32>} : memref<32x1024xf32, #tpu.memory_space<vmem>>, vector<16xf32>,
      tpu.vector_store %arg7[%swap3A_504, %swap3A_505], %add3A_500 {strides = array<i32>} : memref<32x1024xf32, #tpu.memory_space<vmem>>, vector<16xf32>,
      %get3A_507 = arith.index_cast %mul3A_31 : i32 to index
      %get3A_508 = arith.constant 240 : index
      %get3A_509 = tpu.vector_load %arg6[%get3A_507, %get3A_508] {strides = array<i32>} : memref<128x512xi32, #tpu.memory_space<vmem>>, vector<16xi32>,
      %add3A_510 = arith.constant 1 : i32
      %add3A_511 = arith.addi %mul3A_31, %add3A_510 : i32
      %get3A_512 = arith.index_cast %add3A_511 : i32 to index
      %get3A_513 = arith.constant 240 : index
      %get3A_514 = tpu.vector_load %arg6[%get3A_512, %get3A_513] {strides = array<i32>} : memref<128x512xi32, #tpu.memory_space<vmem>>, vector<16xi32>,
      %shift_left3A_515 = arith.constant 16 : i32
      %shift_left3A_516 = vector.broadcast %shift_left3A_515 : i32 to vector<16xi32>
      %shift_left3A_517 = arith.shli %get3A_509, %shift_left3A_516 : vector<16xi32>
      %bitcast3A_518 = vector.bitcast %shift_left3A_517 : vector<16xi32> to vector<16xf32>
      %shift_left3A_519 = arith.constant 16 : i32
      %shift_left3A_520 = vector.broadcast %shift_left3A_519 : i32 to vector<16xi32>
      %shift_left3A_521 = arith.shli %get3A_514, %shift_left3A_520 : vector<16xi32>
      %bitcast3A_522 = vector.bitcast %shift_left3A_521 : vector<16xi32> to vector<16xf32>
      %add3A_523 = arith.addf %bitcast3A_518, %bitcast3A_522 : vector<16xf32>
      %and3A_524 = arith.constant -65536 : i32
      %and3A_525 = vector.broadcast %and3A_524 : i32 to vector<16xi32>
      %and3A_526 = arith.andi %get3A_509, %and3A_525 : vector<16xi32>
      %bitcast3A_527 = vector.bitcast %and3A_526 : vector<16xi32> to vector<16xf32>
      %and3A_528 = arith.constant -65536 : i32
      %and3A_529 = vector.broadcast %and3A_528 : i32 to vector<16xi32>
      %and3A_530 = arith.andi %get3A_514, %and3A_529 : vector<16xi32>
      %bitcast3A_531 = vector.bitcast %and3A_530 : vector<16xi32> to vector<16xf32>
      %add3A_532 = arith.addf %bitcast3A_527, %bitcast3A_531 : vector<16xf32>
      %swap3A_533 = arith.index_cast %scan3A_26 : i32 to index
      %swap3A_534 = arith.constant 240 : index
      %swap3A_535 = tpu.vector_load %arg7[%swap3A_533, %swap3A_534] {strides = array<i32>} : memref<32x1024xf32, #tpu.memory_space<vmem>>, vector<16xf32>,
      tpu.vector_store %arg7[%swap3A_533, %swap3A_534], %add3A_523 {strides = array<i32>} : memref<32x1024xf32, #tpu.memory_space<vmem>>, vector<16xf32>,
      %swap3A_536 = arith.index_cast %scan3A_26 : i32 to index
      %swap3A_537 = arith.constant 752 : index
      %swap3A_538 = tpu.vector_load %arg7[%swap3A_536, %swap3A_537] {strides = array<i32>} : memref<32x1024xf32, #tpu.memory_space<vmem>>, vector<16xf32>,
      tpu.vector_store %arg7[%swap3A_536, %swap3A_537], %add3A_532 {strides = array<i32>} : memref<32x1024xf32, #tpu.memory_space<vmem>>, vector<16xf32>,
      %get3A_539 = arith.index_cast %mul3A_31 : i32 to index
      %get3A_540 = arith.constant 256 : index
      %get3A_541 = tpu.vector_load %arg6[%get3A_539, %get3A_540] {strides = array<i32>} : memref<128x512xi32, #tpu.memory_space<vmem>>, vector<16xi32>,
      %add3A_542 = arith.constant 1 : i32
      %add3A_543 = arith.addi %mul3A_31, %add3A_542 : i32
      %get3A_544 = arith.index_cast %add3A_543 : i32 to index
      %get3A_545 = arith.constant 256 : index
      %get3A_546 = tpu.vector_load %arg6[%get3A_544, %get3A_545] {strides = array<i32>} : memref<128x512xi32, #tpu.memory_space<vmem>>, vector<16xi32>,
      %shift_left3A_547 = arith.constant 16 : i32
      %shift_left3A_548 = vector.broadcast %shift_left3A_547 : i32 to vector<16xi32>
      %shift_left3A_549 = arith.shli %get3A_541, %shift_left3A_548 : vector<16xi32>
      %bitcast3A_550 = vector.bitcast %shift_left3A_549 : vector<16xi32> to vector<16xf32>
      %shift_left3A_551 = arith.constant 16 : i32
      %shift_left3A_552 = vector.broadcast %shift_left3A_551 : i32 to vector<16xi32>
      %shift_left3A_553 = arith.shli %get3A_546, %shift_left3A_552 : vector<16xi32>
      %bitcast3A_554 = vector.bitcast %shift_left3A_553 : vector<16xi32> to vector<16xf32>
      %add3A_555 = arith.addf %bitcast3A_550, %bitcast3A_554 : vector<16xf32>
      %and3A_556 = arith.constant -65536 : i32
      %and3A_557 = vector.broadcast %and3A_556 : i32 to vector<16xi32>
      %and3A_558 = arith.andi %get3A_541, %and3A_557 : vector<16xi32>
      %bitcast3A_559 = vector.bitcast %and3A_558 : vector<16xi32> to vector<16xf32>
      %and3A_560 = arith.constant -65536 : i32
      %and3A_561 = vector.broadcast %and3A_560 : i32 to vector<16xi32>
      %and3A_562 = arith.andi %get3A_546, %and3A_561 : vector<16xi32>
      %bitcast3A_563 = vector.bitcast %and3A_562 : vector<16xi32> to vector<16xf32>
      %add3A_564 = arith.addf %bitcast3A_559, %bitcast3A_563 : vector<16xf32>
      %swap3A_565 = arith.index_cast %scan3A_26 : i32 to index
      %swap3A_566 = arith.constant 256 : index
      %swap3A_567 = tpu.vector_load %arg7[%swap3A_565, %swap3A_566] {strides = array<i32>} : memref<32x1024xf32, #tpu.memory_space<vmem>>, vector<16xf32>,
      tpu.vector_store %arg7[%swap3A_565, %swap3A_566], %add3A_555 {strides = array<i32>} : memref<32x1024xf32, #tpu.memory_space<vmem>>, vector<16xf32>,
      %swap3A_568 = arith.index_cast %scan3A_26 : i32 to index
      %swap3A_569 = arith.constant 768 : index
      %swap3A_570 = tpu.vector_load %arg7[%swap3A_568, %swap3A_569] {strides = array<i32>} : memref<32x1024xf32, #tpu.memory_space<vmem>>, vector<16xf32>,
      tpu.vector_store %arg7[%swap3A_568, %swap3A_569], %add3A_564 {strides = array<i32>} : memref<32x1024xf32, #tpu.memory_space<vmem>>, vector<16xf32>,
      %get3A_571 = arith.index_cast %mul3A_31 : i32 to index
      %get3A_572 = arith.constant 272 : index
      %get3A_573 = tpu.vector_load %arg6[%get3A_571, %get3A_572] {strides = array<i32>} : memref<128x512xi32, #tpu.memory_space<vmem>>, vector<16xi32>,
      %add3A_574 = arith.constant 1 : i32
      %add3A_575 = arith.addi %mul3A_31, %add3A_574 : i32
      %get3A_576 = arith.index_cast %add3A_575 : i32 to index
      %get3A_577 = arith.constant 272 : index
      %get3A_578 = tpu.vector_load %arg6[%get3A_576, %get3A_577] {strides = array<i32>} : memref<128x512xi32, #tpu.memory_space<vmem>>, vector<16xi32>,
      %shift_left3A_579 = arith.constant 16 : i32
      %shift_left3A_580 = vector.broadcast %shift_left3A_579 : i32 to vector<16xi32>
      %shift_left3A_581 = arith.shli %get3A_573, %shift_left3A_580 : vector<16xi32>
      %bitcast3A_582 = vector.bitcast %shift_left3A_581 : vector<16xi32> to vector<16xf32>
      %shift_left3A_583 = arith.constant 16 : i32
      %shift_left3A_584 = vector.broadcast %shift_left3A_583 : i32 to vector<16xi32>
      %shift_left3A_585 = arith.shli %get3A_578, %shift_left3A_584 : vector<16xi32>
      %bitcast3A_586 = vector.bitcast %shift_left3A_585 : vector<16xi32> to vector<16xf32>
      %add3A_587 = arith.addf %bitcast3A_582, %bitcast3A_586 : vector<16xf32>
      %and3A_588 = arith.constant -65536 : i32
      %and3A_589 = vector.broadcast %and3A_588 : i32 to vector<16xi32>
      %and3A_590 = arith.andi %get3A_573, %and3A_589 : vector<16xi32>
      %bitcast3A_591 = vector.bitcast %and3A_590 : vector<16xi32> to vector<16xf32>
      %and3A_592 = arith.constant -65536 : i32
      %and3A_593 = vector.broadcast %and3A_592 : i32 to vector<16xi32>
      %and3A_594 = arith.andi %get3A_578, %and3A_593 : vector<16xi32>
      %bitcast3A_595 = vector.bitcast %and3A_594 : vector<16xi32> to vector<16xf32>
      %add3A_596 = arith.addf %bitcast3A_591, %bitcast3A_595 : vector<16xf32>
      %swap3A_597 = arith.index_cast %scan3A_26 : i32 to index
      %swap3A_598 = arith.constant 272 : index
      %swap3A_599 = tpu.vector_load %arg7[%swap3A_597, %swap3A_598] {strides = array<i32>} : memref<32x1024xf32, #tpu.memory_space<vmem>>, vector<16xf32>,
      tpu.vector_store %arg7[%swap3A_597, %swap3A_598], %add3A_587 {strides = array<i32>} : memref<32x1024xf32, #tpu.memory_space<vmem>>, vector<16xf32>,
      %swap3A_600 = arith.index_cast %scan3A_26 : i32 to index
      %swap3A_601 = arith.constant 784 : index
      %swap3A_602 = tpu.vector_load %arg7[%swap3A_600, %swap3A_601] {strides = array<i32>} : memref<32x1024xf32, #tpu.memory_space<vmem>>, vector<16xf32>,
      tpu.vector_store %arg7[%swap3A_600, %swap3A_601], %add3A_596 {strides = array<i32>} : memref<32x1024xf32, #tpu.memory_space<vmem>>, vector<16xf32>,
      %get3A_603 = arith.index_cast %mul3A_31 : i32 to index
      %get3A_604 = arith.constant 288 : index
      %get3A_605 = tpu.vector_load %arg6[%get3A_603, %get3A_604] {strides = array<i32>} : memref<128x512xi32, #tpu.memory_space<vmem>>, vector<16xi32>,
      %add3A_606 = arith.constant 1 : i32
      %add3A_607 = arith.addi %mul3A_31, %add3A_606 : i32
      %get3A_608 = arith.index_cast %add3A_607 : i32 to index
      %get3A_609 = arith.constant 288 : index
      %get3A_610 = tpu.vector_load %arg6[%get3A_608, %get3A_609] {strides = array<i32>} : memref<128x512xi32, #tpu.memory_space<vmem>>, vector<16xi32>,
      %shift_left3A_611 = arith.constant 16 : i32
      %shift_left3A_612 = vector.broadcast %shift_left3A_611 : i32 to vector<16xi32>
      %shift_left3A_613 = arith.shli %get3A_605, %shift_left3A_612 : vector<16xi32>
      %bitcast3A_614 = vector.bitcast %shift_left3A_613 : vector<16xi32> to vector<16xf32>
      %shift_left3A_615 = arith.constant 16 : i32
      %shift_left3A_616 = vector.broadcast %shift_left3A_615 : i32 to vector<16xi32>
      %shift_left3A_617 = arith.shli %get3A_610, %shift_left3A_616 : vector<16xi32>
      %bitcast3A_618 = vector.bitcast %shift_left3A_617 : vector<16xi32> to vector<16xf32>
      %add3A_619 = arith.addf %bitcast3A_614, %bitcast3A_618 : vector<16xf32>
      %and3A_620 = arith.constant -65536 : i32
      %and3A_621 = vector.broadcast %and3A_620 : i32 to vector<16xi32>
      %and3A_622 = arith.andi %get3A_605, %and3A_621 : vector<16xi32>
      %bitcast3A_623 = vector.bitcast %and3A_622 : vector<16xi32> to vector<16xf32>
      %and3A_624 = arith.constant -65536 : i32
      %and3A_625 = vector.broadcast %and3A_624 : i32 to vector<16xi32>
      %and3A_626 = arith.andi %get3A_610, %and3A_625 : vector<16xi32>
      %bitcast3A_627 = vector.bitcast %and3A_626 : vector<16xi32> to vector<16xf32>
      %add3A_628 = arith.addf %bitcast3A_623, %bitcast3A_627 : vector<16xf32>
      %swap3A_629 = arith.index_cast %scan3A_26 : i32 to index
      %swap3A_630 = arith.constant 288 : index
      %swap3A_631 = tpu.vector_load %arg7[%swap3A_629, %swap3A_630] {strides = array<i32>} : memref<32x1024xf32, #tpu.memory_space<vmem>>, vector<16xf32>,
      tpu.vector_store %arg7[%swap3A_629, %swap3A_630], %add3A_619 {strides = array<i32>} : memref<32x1024xf32, #tpu.memory_space<vmem>>, vector<16xf32>,
      %swap3A_632 = arith.index_cast %scan3A_26 : i32 to index
      %swap3A_633 = arith.constant 800 : index
      %swap3A_634 = tpu.vector_load %arg7[%swap3A_632, %swap3A_633] {strides = array<i32>} : memref<32x1024xf32, #tpu.memory_space<vmem>>, vector<16xf32>,
      tpu.vector_store %arg7[%swap3A_632, %swap3A_633], %add3A_628 {strides = array<i32>} : memref<32x1024xf32, #tpu.memory_space<vmem>>, vector<16xf32>,
      %get3A_635 = arith.index_cast %mul3A_31 : i32 to index
      %get3A_636 = arith.constant 304 : index
      %get3A_637 = tpu.vector_load %arg6[%get3A_635, %get3A_636] {strides = array<i32>} : memref<128x512xi32, #tpu.memory_space<vmem>>, vector<16xi32>,
      %add3A_638 = arith.constant 1 : i32
      %add3A_639 = arith.addi %mul3A_31, %add3A_638 : i32
      %get3A_640 = arith.index_cast %add3A_639 : i32 to index
      %get3A_641 = arith.constant 304 : index
      %get3A_642 = tpu.vector_load %arg6[%get3A_640, %get3A_641] {strides = array<i32>} : memref<128x512xi32, #tpu.memory_space<vmem>>, vector<16xi32>,
      %shift_left3A_643 = arith.constant 16 : i32
      %shift_left3A_644 = vector.broadcast %shift_left3A_643 : i32 to vector<16xi32>
      %shift_left3A_645 = arith.shli %get3A_637, %shift_left3A_644 : vector<16xi32>
      %bitcast3A_646 = vector.bitcast %shift_left3A_645 : vector<16xi32> to vector<16xf32>
      %shift_left3A_647 = arith.constant 16 : i32
      %shift_left3A_648 = vector.broadcast %shift_left3A_647 : i32 to vector<16xi32>
      %shift_left3A_649 = arith.shli %get3A_642, %shift_left3A_648 : vector<16xi32>
      %bitcast3A_650 = vector.bitcast %shift_left3A_649 : vector<16xi32> to vector<16xf32>
      %add3A_651 = arith.addf %bitcast3A_646, %bitcast3A_650 : vector<16xf32>
      %and3A_652 = arith.constant -65536 : i32
      %and3A_653 = vector.broadcast %and3A_652 : i32 to vector<16xi32>
      %and3A_654 = arith.andi %get3A_637, %and3A_653 : vector<16xi32>
      %bitcast3A_655 = vector.bitcast %and3A_654 : vector<16xi32> to vector<16xf32>
      %and3A_656 = arith.constant -65536 : i32
      %and3A_657 = vector.broadcast %and3A_656 : i32 to vector<16xi32>
      %and3A_658 = arith.andi %get3A_642, %and3A_657 : vector<16xi32>
      %bitcast3A_659 = vector.bitcast %and3A_658 : vector<16xi32> to vector<16xf32>
      %add3A_660 = arith.addf %bitcast3A_655, %bitcast3A_659 : vector<16xf32>
      %swap3A_661 = arith.index_cast %scan3A_26 : i32 to index
      %swap3A_662 = arith.constant 304 : index
      %swap3A_663 = tpu.vector_load %arg7[%swap3A_661, %swap3A_662] {strides = array<i32>} : memref<32x1024xf32, #tpu.memory_space<vmem>>, vector<16xf32>,
      tpu.vector_store %arg7[%swap3A_661, %swap3A_662], %add3A_651 {strides = array<i32>} : memref<32x1024xf32, #tpu.memory_space<vmem>>, vector<16xf32>,
      %swap3A_664 = arith.index_cast %scan3A_26 : i32 to index
      %swap3A_665 = arith.constant 816 : index
      %swap3A_666 = tpu.vector_load %arg7[%swap3A_664, %swap3A_665] {strides = array<i32>} : memref<32x1024xf32, #tpu.memory_space<vmem>>, vector<16xf32>,
      tpu.vector_store %arg7[%swap3A_664, %swap3A_665], %add3A_660 {strides = array<i32>} : memref<32x1024xf32, #tpu.memory_space<vmem>>, vector<16xf32>,
      %get3A_667 = arith.index_cast %mul3A_31 : i32 to index
      %get3A_668 = arith.constant 320 : index
      %get3A_669 = tpu.vector_load %arg6[%get3A_667, %get3A_668] {strides = array<i32>} : memref<128x512xi32, #tpu.memory_space<vmem>>, vector<16xi32>,
      %add3A_670 = arith.constant 1 : i32
      %add3A_671 = arith.addi %mul3A_31, %add3A_670 : i32
      %get3A_672 = arith.index_cast %add3A_671 : i32 to index
      %get3A_673 = arith.constant 320 : index
      %get3A_674 = tpu.vector_load %arg6[%get3A_672, %get3A_673] {strides = array<i32>} : memref<128x512xi32, #tpu.memory_space<vmem>>, vector<16xi32>,
      %shift_left3A_675 = arith.constant 16 : i32
      %shift_left3A_676 = vector.broadcast %shift_left3A_675 : i32 to vector<16xi32>
      %shift_left3A_677 = arith.shli %get3A_669, %shift_left3A_676 : vector<16xi32>
      %bitcast3A_678 = vector.bitcast %shift_left3A_677 : vector<16xi32> to vector<16xf32>
      %shift_left3A_679 = arith.constant 16 : i32
      %shift_left3A_680 = vector.broadcast %shift_left3A_679 : i32 to vector<16xi32>
      %shift_left3A_681 = arith.shli %get3A_674, %shift_left3A_680 : vector<16xi32>
      %bitcast3A_682 = vector.bitcast %shift_left3A_681 : vector<16xi32> to vector<16xf32>
      %add3A_683 = arith.addf %bitcast3A_678, %bitcast3A_682 : vector<16xf32>
      %and3A_684 = arith.constant -65536 : i32
      %and3A_685 = vector.broadcast %and3A_684 : i32 to vector<16xi32>
      %and3A_686 = arith.andi %get3A_669, %and3A_685 : vector<16xi32>
      %bitcast3A_687 = vector.bitcast %and3A_686 : vector<16xi32> to vector<16xf32>
      %and3A_688 = arith.constant -65536 : i32
      %and3A_689 = vector.broadcast %and3A_688 : i32 to vector<16xi32>
      %and3A_690 = arith.andi %get3A_674, %and3A_689 : vector<16xi32>
      %bitcast3A_691 = vector.bitcast %and3A_690 : vector<16xi32> to vector<16xf32>
      %add3A_692 = arith.addf %bitcast3A_687, %bitcast3A_691 : vector<16xf32>
      %swap3A_693 = arith.index_cast %scan3A_26 : i32 to index
      %swap3A_694 = arith.constant 320 : index
      %swap3A_695 = tpu.vector_load %arg7[%swap3A_693, %swap3A_694] {strides = array<i32>} : memref<32x1024xf32, #tpu.memory_space<vmem>>, vector<16xf32>,
      tpu.vector_store %arg7[%swap3A_693, %swap3A_694], %add3A_683 {strides = array<i32>} : memref<32x1024xf32, #tpu.memory_space<vmem>>, vector<16xf32>,
      %swap3A_696 = arith.index_cast %scan3A_26 : i32 to index
      %swap3A_697 = arith.constant 832 : index
      %swap3A_698 = tpu.vector_load %arg7[%swap3A_696, %swap3A_697] {strides = array<i32>} : memref<32x1024xf32, #tpu.memory_space<vmem>>, vector<16xf32>,
      tpu.vector_store %arg7[%swap3A_696, %swap3A_697], %add3A_692 {strides = array<i32>} : memref<32x1024xf32, #tpu.memory_space<vmem>>, vector<16xf32>,
      %get3A_699 = arith.index_cast %mul3A_31 : i32 to index
      %get3A_700 = arith.constant 336 : index
      %get3A_701 = tpu.vector_load %arg6[%get3A_699, %get3A_700] {strides = array<i32>} : memref<128x512xi32, #tpu.memory_space<vmem>>, vector<16xi32>,
      %add3A_702 = arith.constant 1 : i32
      %add3A_703 = arith.addi %mul3A_31, %add3A_702 : i32
      %get3A_704 = arith.index_cast %add3A_703 : i32 to index
      %get3A_705 = arith.constant 336 : index
      %get3A_706 = tpu.vector_load %arg6[%get3A_704, %get3A_705] {strides = array<i32>} : memref<128x512xi32, #tpu.memory_space<vmem>>, vector<16xi32>,
      %shift_left3A_707 = arith.constant 16 : i32
      %shift_left3A_708 = vector.broadcast %shift_left3A_707 : i32 to vector<16xi32>
      %shift_left3A_709 = arith.shli %get3A_701, %shift_left3A_708 : vector<16xi32>
      %bitcast3A_710 = vector.bitcast %shift_left3A_709 : vector<16xi32> to vector<16xf32>
      %shift_left3A_711 = arith.constant 16 : i32
      %shift_left3A_712 = vector.broadcast %shift_left3A_711 : i32 to vector<16xi32>
      %shift_left3A_713 = arith.shli %get3A_706, %shift_left3A_712 : vector<16xi32>
      %bitcast3A_714 = vector.bitcast %shift_left3A_713 : vector<16xi32> to vector<16xf32>
      %add3A_715 = arith.addf %bitcast3A_710, %bitcast3A_714 : vector<16xf32>
      %and3A_716 = arith.constant -65536 : i32
      %and3A_717 = vector.broadcast %and3A_716 : i32 to vector<16xi32>
      %and3A_718 = arith.andi %get3A_701, %and3A_717 : vector<16xi32>
      %bitcast3A_719 = vector.bitcast %and3A_718 : vector<16xi32> to vector<16xf32>
      %and3A_720 = arith.constant -65536 : i32
      %and3A_721 = vector.broadcast %and3A_720 : i32 to vector<16xi32>
      %and3A_722 = arith.andi %get3A_706, %and3A_721 : vector<16xi32>
      %bitcast3A_723 = vector.bitcast %and3A_722 : vector<16xi32> to vector<16xf32>
      %add3A_724 = arith.addf %bitcast3A_719, %bitcast3A_723 : vector<16xf32>
      %swap3A_725 = arith.index_cast %scan3A_26 : i32 to index
      %swap3A_726 = arith.constant 336 : index
      %swap3A_727 = tpu.vector_load %arg7[%swap3A_725, %swap3A_726] {strides = array<i32>} : memref<32x1024xf32, #tpu.memory_space<vmem>>, vector<16xf32>,
      tpu.vector_store %arg7[%swap3A_725, %swap3A_726], %add3A_715 {strides = array<i32>} : memref<32x1024xf32, #tpu.memory_space<vmem>>, vector<16xf32>,
      %swap3A_728 = arith.index_cast %scan3A_26 : i32 to index
      %swap3A_729 = arith.constant 848 : index
      %swap3A_730 = tpu.vector_load %arg7[%swap3A_728, %swap3A_729] {strides = array<i32>} : memref<32x1024xf32, #tpu.memory_space<vmem>>, vector<16xf32>,
      tpu.vector_store %arg7[%swap3A_728, %swap3A_729], %add3A_724 {strides = array<i32>} : memref<32x1024xf32, #tpu.memory_space<vmem>>, vector<16xf32>,
      %get3A_731 = arith.index_cast %mul3A_31 : i32 to index
      %get3A_732 = arith.constant 352 : index
      %get3A_733 = tpu.vector_load %arg6[%get3A_731, %get3A_732] {strides = array<i32>} : memref<128x512xi32, #tpu.memory_space<vmem>>, vector<16xi32>,
      %add3A_734 = arith.constant 1 : i32
      %add3A_735 = arith.addi %mul3A_31, %add3A_734 : i32
      %get3A_736 = arith.index_cast %add3A_735 : i32 to index
      %get3A_737 = arith.constant 352 : index
      %get3A_738 = tpu.vector_load %arg6[%get3A_736, %get3A_737] {strides = array<i32>} : memref<128x512xi32, #tpu.memory_space<vmem>>, vector<16xi32>,
      %shift_left3A_739 = arith.constant 16 : i32
      %shift_left3A_740 = vector.broadcast %shift_left3A_739 : i32 to vector<16xi32>
      %shift_left3A_741 = arith.shli %get3A_733, %shift_left3A_740 : vector<16xi32>
      %bitcast3A_742 = vector.bitcast %shift_left3A_741 : vector<16xi32> to vector<16xf32>
      %shift_left3A_743 = arith.constant 16 : i32
      %shift_left3A_744 = vector.broadcast %shift_left3A_743 : i32 to vector<16xi32>
      %shift_left3A_745 = arith.shli %get3A_738, %shift_left3A_744 : vector<16xi32>
      %bitcast3A_746 = vector.bitcast %shift_left3A_745 : vector<16xi32> to vector<16xf32>
      %add3A_747 = arith.addf %bitcast3A_742, %bitcast3A_746 : vector<16xf32>
      %and3A_748 = arith.constant -65536 : i32
      %and3A_749 = vector.broadcast %and3A_748 : i32 to vector<16xi32>
      %and3A_750 = arith.andi %get3A_733, %and3A_749 : vector<16xi32>
      %bitcast3A_751 = vector.bitcast %and3A_750 : vector<16xi32> to vector<16xf32>
      %and3A_752 = arith.constant -65536 : i32
      %and3A_753 = vector.broadcast %and3A_752 : i32 to vector<16xi32>
      %and3A_754 = arith.andi %get3A_738, %and3A_753 : vector<16xi32>
      %bitcast3A_755 = vector.bitcast %and3A_754 : vector<16xi32> to vector<16xf32>
      %add3A_756 = arith.addf %bitcast3A_751, %bitcast3A_755 : vector<16xf32>
      %swap3A_757 = arith.index_cast %scan3A_26 : i32 to index
      %swap3A_758 = arith.constant 352 : index
      %swap3A_759 = tpu.vector_load %arg7[%swap3A_757, %swap3A_758] {strides = array<i32>} : memref<32x1024xf32, #tpu.memory_space<vmem>>, vector<16xf32>,
      tpu.vector_store %arg7[%swap3A_757, %swap3A_758], %add3A_747 {strides = array<i32>} : memref<32x1024xf32, #tpu.memory_space<vmem>>, vector<16xf32>,
      %swap3A_760 = arith.index_cast %scan3A_26 : i32 to index
      %swap3A_761 = arith.constant 864 : index
      %swap3A_762 = tpu.vector_load %arg7[%swap3A_760, %swap3A_761] {strides = array<i32>} : memref<32x1024xf32, #tpu.memory_space<vmem>>, vector<16xf32>,
      tpu.vector_store %arg7[%swap3A_760, %swap3A_761], %add3A_756 {strides = array<i32>} : memref<32x1024xf32, #tpu.memory_space<vmem>>, vector<16xf32>,
      %get3A_763 = arith.index_cast %mul3A_31 : i32 to index
      %get3A_764 = arith.constant 368 : index
      %get3A_765 = tpu.vector_load %arg6[%get3A_763, %get3A_764] {strides = array<i32>} : memref<128x512xi32, #tpu.memory_space<vmem>>, vector<16xi32>,
      %add3A_766 = arith.constant 1 : i32
      %add3A_767 = arith.addi %mul3A_31, %add3A_766 : i32
      %get3A_768 = arith.index_cast %add3A_767 : i32 to index
      %get3A_769 = arith.constant 368 : index
      %get3A_770 = tpu.vector_load %arg6[%get3A_768, %get3A_769] {strides = array<i32>} : memref<128x512xi32, #tpu.memory_space<vmem>>, vector<16xi32>,
      %shift_left3A_771 = arith.constant 16 : i32
      %shift_left3A_772 = vector.broadcast %shift_left3A_771 : i32 to vector<16xi32>
      %shift_left3A_773 = arith.shli %get3A_765, %shift_left3A_772 : vector<16xi32>
      %bitcast3A_774 = vector.bitcast %shift_left3A_773 : vector<16xi32> to vector<16xf32>
      %shift_left3A_775 = arith.constant 16 : i32
      %shift_left3A_776 = vector.broadcast %shift_left3A_775 : i32 to vector<16xi32>
      %shift_left3A_777 = arith.shli %get3A_770, %shift_left3A_776 : vector<16xi32>
      %bitcast3A_778 = vector.bitcast %shift_left3A_777 : vector<16xi32> to vector<16xf32>
      %add3A_779 = arith.addf %bitcast3A_774, %bitcast3A_778 : vector<16xf32>
      %and3A_780 = arith.constant -65536 : i32
      %and3A_781 = vector.broadcast %and3A_780 : i32 to vector<16xi32>
      %and3A_782 = arith.andi %get3A_765, %and3A_781 : vector<16xi32>
      %bitcast3A_783 = vector.bitcast %and3A_782 : vector<16xi32> to vector<16xf32>
      %and3A_784 = arith.constant -65536 : i32
      %and3A_785 = vector.broadcast %and3A_784 : i32 to vector<16xi32>
      %and3A_786 = arith.andi %get3A_770, %and3A_785 : vector<16xi32>
      %bitcast3A_787 = vector.bitcast %and3A_786 : vector<16xi32> to vector<16xf32>
      %add3A_788 = arith.addf %bitcast3A_783, %bitcast3A_787 : vector<16xf32>
      %swap3A_789 = arith.index_cast %scan3A_26 : i32 to index
      %swap3A_790 = arith.constant 368 : index
      %swap3A_791 = tpu.vector_load %arg7[%swap3A_789, %swap3A_790] {strides = array<i32>} : memref<32x1024xf32, #tpu.memory_space<vmem>>, vector<16xf32>,
      tpu.vector_store %arg7[%swap3A_789, %swap3A_790], %add3A_779 {strides = array<i32>} : memref<32x1024xf32, #tpu.memory_space<vmem>>, vector<16xf32>,
      %swap3A_792 = arith.index_cast %scan3A_26 : i32 to index
      %swap3A_793 = arith.constant 880 : index
      %swap3A_794 = tpu.vector_load %arg7[%swap3A_792, %swap3A_793] {strides = array<i32>} : memref<32x1024xf32, #tpu.memory_space<vmem>>, vector<16xf32>,
      tpu.vector_store %arg7[%swap3A_792, %swap3A_793], %add3A_788 {strides = array<i32>} : memref<32x1024xf32, #tpu.memory_space<vmem>>, vector<16xf32>,
      %get3A_795 = arith.index_cast %mul3A_31 : i32 to index
      %get3A_796 = arith.constant 384 : index
      %get3A_797 = tpu.vector_load %arg6[%get3A_795, %get3A_796] {strides = array<i32>} : memref<128x512xi32, #tpu.memory_space<vmem>>, vector<16xi32>,
      %add3A_798 = arith.constant 1 : i32
      %add3A_799 = arith.addi %mul3A_31, %add3A_798 : i32
      %get3A_800 = arith.index_cast %add3A_799 : i32 to index
      %get3A_801 = arith.constant 384 : index
      %get3A_802 = tpu.vector_load %arg6[%get3A_800, %get3A_801] {strides = array<i32>} : memref<128x512xi32, #tpu.memory_space<vmem>>, vector<16xi32>,
      %shift_left3A_803 = arith.constant 16 : i32
      %shift_left3A_804 = vector.broadcast %shift_left3A_803 : i32 to vector<16xi32>
      %shift_left3A_805 = arith.shli %get3A_797, %shift_left3A_804 : vector<16xi32>
      %bitcast3A_806 = vector.bitcast %shift_left3A_805 : vector<16xi32> to vector<16xf32>
      %shift_left3A_807 = arith.constant 16 : i32
      %shift_left3A_808 = vector.broadcast %shift_left3A_807 : i32 to vector<16xi32>
      %shift_left3A_809 = arith.shli %get3A_802, %shift_left3A_808 : vector<16xi32>
      %bitcast3A_810 = vector.bitcast %shift_left3A_809 : vector<16xi32> to vector<16xf32>
      %add3A_811 = arith.addf %bitcast3A_806, %bitcast3A_810 : vector<16xf32>
      %and3A_812 = arith.constant -65536 : i32
      %and3A_813 = vector.broadcast %and3A_812 : i32 to vector<16xi32>
      %and3A_814 = arith.andi %get3A_797, %and3A_813 : vector<16xi32>
      %bitcast3A_815 = vector.bitcast %and3A_814 : vector<16xi32> to vector<16xf32>
      %and3A_816 = arith.constant -65536 : i32
      %and3A_817 = vector.broadcast %and3A_816 : i32 to vector<16xi32>
      %and3A_818 = arith.andi %get3A_802, %and3A_817 : vector<16xi32>
      %bitcast3A_819 = vector.bitcast %and3A_818 : vector<16xi32> to vector<16xf32>
      %add3A_820 = arith.addf %bitcast3A_815, %bitcast3A_819 : vector<16xf32>
      %swap3A_821 = arith.index_cast %scan3A_26 : i32 to index
      %swap3A_822 = arith.constant 384 : index
      %swap3A_823 = tpu.vector_load %arg7[%swap3A_821, %swap3A_822] {strides = array<i32>} : memref<32x1024xf32, #tpu.memory_space<vmem>>, vector<16xf32>,
      tpu.vector_store %arg7[%swap3A_821, %swap3A_822], %add3A_811 {strides = array<i32>} : memref<32x1024xf32, #tpu.memory_space<vmem>>, vector<16xf32>,
      %swap3A_824 = arith.index_cast %scan3A_26 : i32 to index
      %swap3A_825 = arith.constant 896 : index
      %swap3A_826 = tpu.vector_load %arg7[%swap3A_824, %swap3A_825] {strides = array<i32>} : memref<32x1024xf32, #tpu.memory_space<vmem>>, vector<16xf32>,
      tpu.vector_store %arg7[%swap3A_824, %swap3A_825], %add3A_820 {strides = array<i32>} : memref<32x1024xf32, #tpu.memory_space<vmem>>, vector<16xf32>,
      %get3A_827 = arith.index_cast %mul3A_31 : i32 to index
      %get3A_828 = arith.constant 400 : index
      %get3A_829 = tpu.vector_load %arg6[%get3A_827, %get3A_828] {strides = array<i32>} : memref<128x512xi32, #tpu.memory_space<vmem>>, vector<16xi32>,
      %add3A_830 = arith.constant 1 : i32
      %add3A_831 = arith.addi %mul3A_31, %add3A_830 : i32
      %get3A_832 = arith.index_cast %add3A_831 : i32 to index
      %get3A_833 = arith.constant 400 : index
      %get3A_834 = tpu.vector_load %arg6[%get3A_832, %get3A_833] {strides = array<i32>} : memref<128x512xi32, #tpu.memory_space<vmem>>, vector<16xi32>,
      %shift_left3A_835 = arith.constant 16 : i32
      %shift_left3A_836 = vector.broadcast %shift_left3A_835 : i32 to vector<16xi32>
      %shift_left3A_837 = arith.shli %get3A_829, %shift_left3A_836 : vector<16xi32>
      %bitcast3A_838 = vector.bitcast %shift_left3A_837 : vector<16xi32> to vector<16xf32>
      %shift_left3A_839 = arith.constant 16 : i32
      %shift_left3A_840 = vector.broadcast %shift_left3A_839 : i32 to vector<16xi32>
      %shift_left3A_841 = arith.shli %get3A_834, %shift_left3A_840 : vector<16xi32>
      %bitcast3A_842 = vector.bitcast %shift_left3A_841 : vector<16xi32> to vector<16xf32>
      %add3A_843 = arith.addf %bitcast3A_838, %bitcast3A_842 : vector<16xf32>
      %and3A_844 = arith.constant -65536 : i32
      %and3A_845 = vector.broadcast %and3A_844 : i32 to vector<16xi32>
      %and3A_846 = arith.andi %get3A_829, %and3A_845 : vector<16xi32>
      %bitcast3A_847 = vector.bitcast %and3A_846 : vector<16xi32> to vector<16xf32>
      %and3A_848 = arith.constant -65536 : i32
      %and3A_849 = vector.broadcast %and3A_848 : i32 to vector<16xi32>
      %and3A_850 = arith.andi %get3A_834, %and3A_849 : vector<16xi32>
      %bitcast3A_851 = vector.bitcast %and3A_850 : vector<16xi32> to vector<16xf32>
      %add3A_852 = arith.addf %bitcast3A_847, %bitcast3A_851 : vector<16xf32>
      %swap3A_853 = arith.index_cast %scan3A_26 : i32 to index
      %swap3A_854 = arith.constant 400 : index
      %swap3A_855 = tpu.vector_load %arg7[%swap3A_853, %swap3A_854] {strides = array<i32>} : memref<32x1024xf32, #tpu.memory_space<vmem>>, vector<16xf32>,
      tpu.vector_store %arg7[%swap3A_853, %swap3A_854], %add3A_843 {strides = array<i32>} : memref<32x1024xf32, #tpu.memory_space<vmem>>, vector<16xf32>,
      %swap3A_856 = arith.index_cast %scan3A_26 : i32 to index
      %swap3A_857 = arith.constant 912 : index
      %swap3A_858 = tpu.vector_load %arg7[%swap3A_856, %swap3A_857] {strides = array<i32>} : memref<32x1024xf32, #tpu.memory_space<vmem>>, vector<16xf32>,
      tpu.vector_store %arg7[%swap3A_856, %swap3A_857], %add3A_852 {strides = array<i32>} : memref<32x1024xf32, #tpu.memory_space<vmem>>, vector<16xf32>,
      %get3A_859 = arith.index_cast %mul3A_31 : i32 to index
      %get3A_860 = arith.constant 416 : index
      %get3A_861 = tpu.vector_load %arg6[%get3A_859, %get3A_860] {strides = array<i32>} : memref<128x512xi32, #tpu.memory_space<vmem>>, vector<16xi32>,
      %add3A_862 = arith.constant 1 : i32
      %add3A_863 = arith.addi %mul3A_31, %add3A_862 : i32
      %get3A_864 = arith.index_cast %add3A_863 : i32 to index
      %get3A_865 = arith.constant 416 : index
      %get3A_866 = tpu.vector_load %arg6[%get3A_864, %get3A_865] {strides = array<i32>} : memref<128x512xi32, #tpu.memory_space<vmem>>, vector<16xi32>,
      %shift_left3A_867 = arith.constant 16 : i32
      %shift_left3A_868 = vector.broadcast %shift_left3A_867 : i32 to vector<16xi32>
      %shift_left3A_869 = arith.shli %get3A_861, %shift_left3A_868 : vector<16xi32>
      %bitcast3A_870 = vector.bitcast %shift_left3A_869 : vector<16xi32> to vector<16xf32>
      %shift_left3A_871 = arith.constant 16 : i32
      %shift_left3A_872 = vector.broadcast %shift_left3A_871 : i32 to vector<16xi32>
      %shift_left3A_873 = arith.shli %get3A_866, %shift_left3A_872 : vector<16xi32>
      %bitcast3A_874 = vector.bitcast %shift_left3A_873 : vector<16xi32> to vector<16xf32>
      %add3A_875 = arith.addf %bitcast3A_870, %bitcast3A_874 : vector<16xf32>
      %and3A_876 = arith.constant -65536 : i32
      %and3A_877 = vector.broadcast %and3A_876 : i32 to vector<16xi32>
      %and3A_878 = arith.andi %get3A_861, %and3A_877 : vector<16xi32>
      %bitcast3A_879 = vector.bitcast %and3A_878 : vector<16xi32> to vector<16xf32>
      %and3A_880 = arith.constant -65536 : i32
      %and3A_881 = vector.broadcast %and3A_880 : i32 to vector<16xi32>
      %and3A_882 = arith.andi %get3A_866, %and3A_881 : vector<16xi32>
      %bitcast3A_883 = vector.bitcast %and3A_882 : vector<16xi32> to vector<16xf32>
      %add3A_884 = arith.addf %bitcast3A_879, %bitcast3A_883 : vector<16xf32>
      %swap3A_885 = arith.index_cast %scan3A_26 : i32 to index
      %swap3A_886 = arith.constant 416 : index
      %swap3A_887 = tpu.vector_load %arg7[%swap3A_885, %swap3A_886] {strides = array<i32>} : memref<32x1024xf32, #tpu.memory_space<vmem>>, vector<16xf32>,
      tpu.vector_store %arg7[%swap3A_885, %swap3A_886], %add3A_875 {strides = array<i32>} : memref<32x1024xf32, #tpu.memory_space<vmem>>, vector<16xf32>,
      %swap3A_888 = arith.index_cast %scan3A_26 : i32 to index
      %swap3A_889 = arith.constant 928 : index
      %swap3A_890 = tpu.vector_load %arg7[%swap3A_888, %swap3A_889] {strides = array<i32>} : memref<32x1024xf32, #tpu.memory_space<vmem>>, vector<16xf32>,
      tpu.vector_store %arg7[%swap3A_888, %swap3A_889], %add3A_884 {strides = array<i32>} : memref<32x1024xf32, #tpu.memory_space<vmem>>, vector<16xf32>,
      %get3A_891 = arith.index_cast %mul3A_31 : i32 to index
      %get3A_892 = arith.constant 432 : index
      %get3A_893 = tpu.vector_load %arg6[%get3A_891, %get3A_892] {strides = array<i32>} : memref<128x512xi32, #tpu.memory_space<vmem>>, vector<16xi32>,
      %add3A_894 = arith.constant 1 : i32
      %add3A_895 = arith.addi %mul3A_31, %add3A_894 : i32
      %get3A_896 = arith.index_cast %add3A_895 : i32 to index
      %get3A_897 = arith.constant 432 : index
      %get3A_898 = tpu.vector_load %arg6[%get3A_896, %get3A_897] {strides = array<i32>} : memref<128x512xi32, #tpu.memory_space<vmem>>, vector<16xi32>,
      %shift_left3A_899 = arith.constant 16 : i32
      %shift_left3A_900 = vector.broadcast %shift_left3A_899 : i32 to vector<16xi32>
      %shift_left3A_901 = arith.shli %get3A_893, %shift_left3A_900 : vector<16xi32>
      %bitcast3A_902 = vector.bitcast %shift_left3A_901 : vector<16xi32> to vector<16xf32>
      %shift_left3A_903 = arith.constant 16 : i32
      %shift_left3A_904 = vector.broadcast %shift_left3A_903 : i32 to vector<16xi32>
      %shift_left3A_905 = arith.shli %get3A_898, %shift_left3A_904 : vector<16xi32>
      %bitcast3A_906 = vector.bitcast %shift_left3A_905 : vector<16xi32> to vector<16xf32>
      %add3A_907 = arith.addf %bitcast3A_902, %bitcast3A_906 : vector<16xf32>
      %and3A_908 = arith.constant -65536 : i32
      %and3A_909 = vector.broadcast %and3A_908 : i32 to vector<16xi32>
      %and3A_910 = arith.andi %get3A_893, %and3A_909 : vector<16xi32>
      %bitcast3A_911 = vector.bitcast %and3A_910 : vector<16xi32> to vector<16xf32>
      %and3A_912 = arith.constant -65536 : i32
      %and3A_913 = vector.broadcast %and3A_912 : i32 to vector<16xi32>
      %and3A_914 = arith.andi %get3A_898, %and3A_913 : vector<16xi32>
      %bitcast3A_915 = vector.bitcast %and3A_914 : vector<16xi32> to vector<16xf32>
      %add3A_916 = arith.addf %bitcast3A_911, %bitcast3A_915 : vector<16xf32>
      %swap3A_917 = arith.index_cast %scan3A_26 : i32 to index
      %swap3A_918 = arith.constant 432 : index
      %swap3A_919 = tpu.vector_load %arg7[%swap3A_917, %swap3A_918] {strides = array<i32>} : memref<32x1024xf32, #tpu.memory_space<vmem>>, vector<16xf32>,
      tpu.vector_store %arg7[%swap3A_917, %swap3A_918], %add3A_907 {strides = array<i32>} : memref<32x1024xf32, #tpu.memory_space<vmem>>, vector<16xf32>,
      %swap3A_920 = arith.index_cast %scan3A_26 : i32 to index
      %swap3A_921 = arith.constant 944 : index
      %swap3A_922 = tpu.vector_load %arg7[%swap3A_920, %swap3A_921] {strides = array<i32>} : memref<32x1024xf32, #tpu.memory_space<vmem>>, vector<16xf32>,
      tpu.vector_store %arg7[%swap3A_920, %swap3A_921], %add3A_916 {strides = array<i32>} : memref<32x1024xf32, #tpu.memory_space<vmem>>, vector<16xf32>,
      %get3A_923 = arith.index_cast %mul3A_31 : i32 to index
      %get3A_924 = arith.constant 448 : index
      %get3A_925 = tpu.vector_load %arg6[%get3A_923, %get3A_924] {strides = array<i32>} : memref<128x512xi32, #tpu.memory_space<vmem>>, vector<16xi32>,
      %add3A_926 = arith.constant 1 : i32
      %add3A_927 = arith.addi %mul3A_31, %add3A_926 : i32
      %get3A_928 = arith.index_cast %add3A_927 : i32 to index
      %get3A_929 = arith.constant 448 : index
      %get3A_930 = tpu.vector_load %arg6[%get3A_928, %get3A_929] {strides = array<i32>} : memref<128x512xi32, #tpu.memory_space<vmem>>, vector<16xi32>,
      %shift_left3A_931 = arith.constant 16 : i32
      %shift_left3A_932 = vector.broadcast %shift_left3A_931 : i32 to vector<16xi32>
      %shift_left3A_933 = arith.shli %get3A_925, %shift_left3A_932 : vector<16xi32>
      %bitcast3A_934 = vector.bitcast %shift_left3A_933 : vector<16xi32> to vector<16xf32>
      %shift_left3A_935 = arith.constant 16 : i32
      %shift_left3A_936 = vector.broadcast %shift_left3A_935 : i32 to vector<16xi32>
      %shift_left3A_937 = arith.shli %get3A_930, %shift_left3A_936 : vector<16xi32>
      %bitcast3A_938 = vector.bitcast %shift_left3A_937 : vector<16xi32> to vector<16xf32>
      %add3A_939 = arith.addf %bitcast3A_934, %bitcast3A_938 : vector<16xf32>
      %and3A_940 = arith.constant -65536 : i32
      %and3A_941 = vector.broadcast %and3A_940 : i32 to vector<16xi32>
      %and3A_942 = arith.andi %get3A_925, %and3A_941 : vector<16xi32>
      %bitcast3A_943 = vector.bitcast %and3A_942 : vector<16xi32> to vector<16xf32>
      %and3A_944 = arith.constant -65536 : i32
      %and3A_945 = vector.broadcast %and3A_944 : i32 to vector<16xi32>
      %and3A_946 = arith.andi %get3A_930, %and3A_945 : vector<16xi32>
      %bitcast3A_947 = vector.bitcast %and3A_946 : vector<16xi32> to vector<16xf32>
      %add3A_948 = arith.addf %bitcast3A_943, %bitcast3A_947 : vector<16xf32>
      %swap3A_949 = arith.index_cast %scan3A_26 : i32 to index
      %swap3A_950 = arith.constant 448 : index
      %swap3A_951 = tpu.vector_load %arg7[%swap3A_949, %swap3A_950] {strides = array<i32>} : memref<32x1024xf32, #tpu.memory_space<vmem>>, vector<16xf32>,
      tpu.vector_store %arg7[%swap3A_949, %swap3A_950], %add3A_939 {strides = array<i32>} : memref<32x1024xf32, #tpu.memory_space<vmem>>, vector<16xf32>,
      %swap3A_952 = arith.index_cast %scan3A_26 : i32 to index
      %swap3A_953 = arith.constant 960 : index
      %swap3A_954 = tpu.vector_load %arg7[%swap3A_952, %swap3A_953] {strides = array<i32>} : memref<32x1024xf32, #tpu.memory_space<vmem>>, vector<16xf32>,
      tpu.vector_store %arg7[%swap3A_952, %swap3A_953], %add3A_948 {strides = array<i32>} : memref<32x1024xf32, #tpu.memory_space<vmem>>, vector<16xf32>,
      %get3A_955 = arith.index_cast %mul3A_31 : i32 to index
      %get3A_956 = arith.constant 464 : index
      %get3A_957 = tpu.vector_load %arg6[%get3A_955, %get3A_956] {strides = array<i32>} : memref<128x512xi32, #tpu.memory_space<vmem>>, vector<16xi32>,
      %add3A_958 = arith.constant 1 : i32
      %add3A_959 = arith.addi %mul3A_31, %add3A_958 : i32
      %get3A_960 = arith.index_cast %add3A_959 : i32 to index
      %get3A_961 = arith.constant 464 : index
      %get3A_962 = tpu.vector_load %arg6[%get3A_960, %get3A_961] {strides = array<i32>} : memref<128x512xi32, #tpu.memory_space<vmem>>, vector<16xi32>,
      %shift_left3A_963 = arith.constant 16 : i32
      %shift_left3A_964 = vector.broadcast %shift_left3A_963 : i32 to vector<16xi32>
      %shift_left3A_965 = arith.shli %get3A_957, %shift_left3A_964 : vector<16xi32>
      %bitcast3A_966 = vector.bitcast %shift_left3A_965 : vector<16xi32> to vector<16xf32>
      %shift_left3A_967 = arith.constant 16 : i32
      %shift_left3A_968 = vector.broadcast %shift_left3A_967 : i32 to vector<16xi32>
      %shift_left3A_969 = arith.shli %get3A_962, %shift_left3A_968 : vector<16xi32>
      %bitcast3A_970 = vector.bitcast %shift_left3A_969 : vector<16xi32> to vector<16xf32>
      %add3A_971 = arith.addf %bitcast3A_966, %bitcast3A_970 : vector<16xf32>
      %and3A_972 = arith.constant -65536 : i32
      %and3A_973 = vector.broadcast %and3A_972 : i32 to vector<16xi32>
      %and3A_974 = arith.andi %get3A_957, %and3A_973 : vector<16xi32>
      %bitcast3A_975 = vector.bitcast %and3A_974 : vector<16xi32> to vector<16xf32>
      %and3A_976 = arith.constant -65536 : i32
      %and3A_977 = vector.broadcast %and3A_976 : i32 to vector<16xi32>
      %and3A_978 = arith.andi %get3A_962, %and3A_977 : vector<16xi32>
      %bitcast3A_979 = vector.bitcast %and3A_978 : vector<16xi32> to vector<16xf32>
      %add3A_980 = arith.addf %bitcast3A_975, %bitcast3A_979 : vector<16xf32>
      %swap3A_981 = arith.index_cast %scan3A_26 : i32 to index
      %swap3A_982 = arith.constant 464 : index
      %swap3A_983 = tpu.vector_load %arg7[%swap3A_981, %swap3A_982] {strides = array<i32>} : memref<32x1024xf32, #tpu.memory_space<vmem>>, vector<16xf32>,
      tpu.vector_store %arg7[%swap3A_981, %swap3A_982], %add3A_971 {strides = array<i32>} : memref<32x1024xf32, #tpu.memory_space<vmem>>, vector<16xf32>,
      %swap3A_984 = arith.index_cast %scan3A_26 : i32 to index
      %swap3A_985 = arith.constant 976 : index
      %swap3A_986 = tpu.vector_load %arg7[%swap3A_984, %swap3A_985] {strides = array<i32>} : memref<32x1024xf32, #tpu.memory_space<vmem>>, vector<16xf32>,
      tpu.vector_store %arg7[%swap3A_984, %swap3A_985], %add3A_980 {strides = array<i32>} : memref<32x1024xf32, #tpu.memory_space<vmem>>, vector<16xf32>,
      %get3A_987 = arith.index_cast %mul3A_31 : i32 to index
      %get3A_988 = arith.constant 480 : index
      %get3A_989 = tpu.vector_load %arg6[%get3A_987, %get3A_988] {strides = array<i32>} : memref<128x512xi32, #tpu.memory_space<vmem>>, vector<16xi32>,
      %add3A_990 = arith.constant 1 : i32
      %add3A_991 = arith.addi %mul3A_31, %add3A_990 : i32
      %get3A_992 = arith.index_cast %add3A_991 : i32 to index
      %get3A_993 = arith.constant 480 : index
      %get3A_994 = tpu.vector_load %arg6[%get3A_992, %get3A_993] {strides = array<i32>} : memref<128x512xi32, #tpu.memory_space<vmem>>, vector<16xi32>,
      %shift_left3A_995 = arith.constant 16 : i32
      %shift_left3A_996 = vector.broadcast %shift_left3A_995 : i32 to vector<16xi32>
      %shift_left3A_997 = arith.shli %get3A_989, %shift_left3A_996 : vector<16xi32>
      %bitcast3A_998 = vector.bitcast %shift_left3A_997 : vector<16xi32> to vector<16xf32>
      %shift_left3A_999 = arith.constant 16 : i32
      %shift_left3A_1000 = vector.broadcast %shift_left3A_999 : i32 to vector<16xi32>
      %shift_left3A_1001 = arith.shli %get3A_994, %shift_left3A_1000 : vector<16xi32>
      %bitcast3A_1002 = vector.bitcast %shift_left3A_1001 : vector<16xi32> to vector<16xf32>
      %add3A_1003 = arith.addf %bitcast3A_998, %bitcast3A_1002 : vector<16xf32>
      %and3A_1004 = arith.constant -65536 : i32
      %and3A_1005 = vector.broadcast %and3A_1004 : i32 to vector<16xi32>
      %and3A_1006 = arith.andi %get3A_989, %and3A_1005 : vector<16xi32>
      %bitcast3A_1007 = vector.bitcast %and3A_1006 : vector<16xi32> to vector<16xf32>
      %and3A_1008 = arith.constant -65536 : i32
      %and3A_1009 = vector.broadcast %and3A_1008 : i32 to vector<16xi32>
      %and3A_1010 = arith.andi %get3A_994, %and3A_1009 : vector<16xi32>
      %bitcast3A_1011 = vector.bitcast %and3A_1010 : vector<16xi32> to vector<16xf32>
      %add3A_1012 = arith.addf %bitcast3A_1007, %bitcast3A_1011 : vector<16xf32>
      %swap3A_1013 = arith.index_cast %scan3A_26 : i32 to index
      %swap3A_1014 = arith.constant 480 : index
      %swap3A_1015 = tpu.vector_load %arg7[%swap3A_1013, %swap3A_1014] {strides = array<i32>} : memref<32x1024xf32, #tpu.memory_space<vmem>>, vector<16xf32>,
      tpu.vector_store %arg7[%swap3A_1013, %swap3A_1014], %add3A_1003 {strides = array<i32>} : memref<32x1024xf32, #tpu.memory_space<vmem>>, vector<16xf32>,
      %swap3A_1016 = arith.index_cast %scan3A_26 : i32 to index
      %swap3A_1017 = arith.constant 992 : index
      %swap3A_1018 = tpu.vector_load %arg7[%swap3A_1016, %swap3A_1017] {strides = array<i32>} : memref<32x1024xf32, #tpu.memory_space<vmem>>, vector<16xf32>,
      tpu.vector_store %arg7[%swap3A_1016, %swap3A_1017], %add3A_1012 {strides = array<i32>} : memref<32x1024xf32, #tpu.memory_space<vmem>>, vector<16xf32>,
      %get3A_1019 = arith.index_cast %mul3A_31 : i32 to index
      %get3A_1020 = arith.constant 496 : index
      %get3A_1021 = tpu.vector_load %arg6[%get3A_1019, %get3A_1020] {strides = array<i32>} : memref<128x512xi32, #tpu.memory_space<vmem>>, vector<16xi32>,
      %add3A_1022 = arith.constant 1 : i32
      %add3A_1023 = arith.addi %mul3A_31, %add3A_1022 : i32
      %get3A_1024 = arith.index_cast %add3A_1023 : i32 to index
      %get3A_1025 = arith.constant 496 : index
      %get3A_1026 = tpu.vector_load %arg6[%get3A_1024, %get3A_1025] {strides = array<i32>} : memref<128x512xi32, #tpu.memory_space<vmem>>, vector<16xi32>,
      %shift_left3A_1027 = arith.constant 16 : i32
      %shift_left3A_1028 = vector.broadcast %shift_left3A_1027 : i32 to vector<16xi32>
      %shift_left3A_1029 = arith.shli %get3A_1021, %shift_left3A_1028 : vector<16xi32>
      %bitcast3A_1030 = vector.bitcast %shift_left3A_1029 : vector<16xi32> to vector<16xf32>
      %shift_left3A_1031 = arith.constant 16 : i32
      %shift_left3A_1032 = vector.broadcast %shift_left3A_1031 : i32 to vector<16xi32>
      %shift_left3A_1033 = arith.shli %get3A_1026, %shift_left3A_1032 : vector<16xi32>
      %bitcast3A_1034 = vector.bitcast %shift_left3A_1033 : vector<16xi32> to vector<16xf32>
      %add3A_1035 = arith.addf %bitcast3A_1030, %bitcast3A_1034 : vector<16xf32>
      %and3A_1036 = arith.constant -65536 : i32
      %and3A_1037 = vector.broadcast %and3A_1036 : i32 to vector<16xi32>
      %and3A_1038 = arith.andi %get3A_1021, %and3A_1037 : vector<16xi32>
      %bitcast3A_1039 = vector.bitcast %and3A_1038 : vector<16xi32> to vector<16xf32>
      %and3A_1040 = arith.constant -65536 : i32
      %and3A_1041 = vector.broadcast %and3A_1040 : i32 to vector<16xi32>
      %and3A_1042 = arith.andi %get3A_1026, %and3A_1041 : vector<16xi32>
      %bitcast3A_1043 = vector.bitcast %and3A_1042 : vector<16xi32> to vector<16xf32>
      %add3A_1044 = arith.addf %bitcast3A_1039, %bitcast3A_1043 : vector<16xf32>
      %swap3A_1045 = arith.index_cast %scan3A_26 : i32 to index
      %swap3A_1046 = arith.constant 496 : index
      %swap3A_1047 = tpu.vector_load %arg7[%swap3A_1045, %swap3A_1046] {strides = array<i32>} : memref<32x1024xf32, #tpu.memory_space<vmem>>, vector<16xf32>,
      tpu.vector_store %arg7[%swap3A_1045, %swap3A_1046], %add3A_1035 {strides = array<i32>} : memref<32x1024xf32, #tpu.memory_space<vmem>>, vector<16xf32>,
      %swap3A_1048 = arith.index_cast %scan3A_26 : i32 to index
      %swap3A_1049 = arith.constant 1008 : index
      %swap3A_1050 = tpu.vector_load %arg7[%swap3A_1048, %swap3A_1049] {strides = array<i32>} : memref<32x1024xf32, #tpu.memory_space<vmem>>, vector<16xf32>,
      tpu.vector_store %arg7[%swap3A_1048, %swap3A_1049], %add3A_1044 {strides = array<i32>} : memref<32x1024xf32, #tpu.memory_space<vmem>>, vector<16xf32>,
      %scan3A_1051 = arith.constant 0 : i32
      scf.yield %scan3A_1051 : i32
    }
    %scan3A_14 = arith.constant 32 : i32
    %add3A_15 = arith.constant 0 : i32
    %add3A_16 = arith.addi %mul3A_2, %add3A_15 : i32
    "tpu.region"() ({
      %run_scoped3A = tpu.sem_alloc : memref<!tpu.dma_semaphore, #tpu.memory_space<semaphore_mem>>
      %dma_start3A_26 = arith.constant 0 : i32
      %dma_start3A_27 = tpu.memref_slice %arg4[%add3A_16, %dma_start3A_26] : memref<2048x1024xf32, #tpu.memory_space<hbm>> -> memref<32x1024xf32, #tpu.memory_space<hbm>>
      %dma_start3A_28 = arith.constant 0 : i32
      %dma_start3A_29 = tpu.memref_slice %arg4[%add3A_16, %dma_start3A_28] : memref<2048x1024xf32, #tpu.memory_space<hbm>> -> memref<32x1024xf32, #tpu.memory_space<hbm>>
      tpu.enqueue_dma source(%arg7 : memref<32x1024xf32, #tpu.memory_space<vmem>>) target(%dma_start3A_29 : memref<32x1024xf32, #tpu.memory_space<hbm>>) target_semaphore(%run_scoped3A : memref<!tpu.dma_semaphore, #tpu.memory_space<semaphore_mem>>)
      %dma_wait3A_30 = arith.constant 0 : i32
      %dma_wait3A_31 = tpu.memref_slice %arg4[%add3A_16, %dma_wait3A_30] : memref<2048x1024xf32, #tpu.memory_space<hbm>> -> memref<32x1024xf32, #tpu.memory_space<hbm>>
      %dma_wait3A_32 = arith.constant 0 : i32
      %dma_wait3A_33 = tpu.memref_slice %arg4[%add3A_16, %dma_wait3A_32] : memref<2048x1024xf32, #tpu.memory_space<hbm>> -> memref<32x1024xf32, #tpu.memory_space<hbm>>
      tpu.wait_dma2 semaphore(%run_scoped3A : memref<!tpu.dma_semaphore, #tpu.memory_space<semaphore_mem>>) src(%arg7 : memref<32x1024xf32, #tpu.memory_space<vmem>>) dst(%dma_wait3A_33 : memref<32x1024xf32, #tpu.memory_space<hbm>>)
      tpu.yield
    }) : () -> ()
    %scan3A_17 = arith.constant 0 : i32
    %scan3A_18 = arith.constant 0 : i32
    %scan3A_19 = arith.constant 32 : i32
    %scan3A_20 = arith.addi %scan3A_18, %scan3A_19 : i32
    %scan3A_21 = arith.constant 1 : i32
    %scan3A_22 = scf.for %scan3A_26 = %scan3A_18 to %scan3A_20 step %scan3A_21 iter_args(%scan3A_27 = %scan3A_17) -> (i32)  : i32 {
      %add3A_28 = arith.constant 32 : i32
      %add3A_29 = arith.addi %add3A_28, %scan3A_26 : i32
      %mul3A_30 = arith.constant 2 : i32
      %mul3A_31 = arith.muli %add3A_29, %mul3A_30 : i32
      %get3A = arith.index_cast %mul3A_31 : i32 to index
      %get3A_32 = arith.constant 0 : index
      %get3A_33 = tpu.vector_load %arg6[%get3A, %get3A_32] {strides = array<i32>} : memref<128x512xi32, #tpu.memory_space<vmem>>, vector<16xi32>,
      %add3A_34 = arith.constant 1 : i32
      %add3A_35 = arith.addi %mul3A_31, %add3A_34 : i32
      %get3A_36 = arith.index_cast %add3A_35 : i32 to index
      %get3A_37 = arith.constant 0 : index
      %get3A_38 = tpu.vector_load %arg6[%get3A_36, %get3A_37] {strides = array<i32>} : memref<128x512xi32, #tpu.memory_space<vmem>>, vector<16xi32>,
      %shift_left3A = arith.constant 16 : i32
      %shift_left3A_39 = vector.broadcast %shift_left3A : i32 to vector<16xi32>
      %shift_left3A_40 = arith.shli %get3A_33, %shift_left3A_39 : vector<16xi32>
      %bitcast3A = vector.bitcast %shift_left3A_40 : vector<16xi32> to vector<16xf32>
      %shift_left3A_41 = arith.constant 16 : i32
      %shift_left3A_42 = vector.broadcast %shift_left3A_41 : i32 to vector<16xi32>
      %shift_left3A_43 = arith.shli %get3A_38, %shift_left3A_42 : vector<16xi32>
      %bitcast3A_44 = vector.bitcast %shift_left3A_43 : vector<16xi32> to vector<16xf32>
      %add3A_45 = arith.addf %bitcast3A, %bitcast3A_44 : vector<16xf32>
      %and3A = arith.constant -65536 : i32
      %and3A_46 = vector.broadcast %and3A : i32 to vector<16xi32>
      %and3A_47 = arith.andi %get3A_33, %and3A_46 : vector<16xi32>
      %bitcast3A_48 = vector.bitcast %and3A_47 : vector<16xi32> to vector<16xf32>
      %and3A_49 = arith.constant -65536 : i32
      %and3A_50 = vector.broadcast %and3A_49 : i32 to vector<16xi32>
      %and3A_51 = arith.andi %get3A_38, %and3A_50 : vector<16xi32>
      %bitcast3A_52 = vector.bitcast %and3A_51 : vector<16xi32> to vector<16xf32>
      %add3A_53 = arith.addf %bitcast3A_48, %bitcast3A_52 : vector<16xf32>
      %swap3A = arith.index_cast %scan3A_26 : i32 to index
      %swap3A_54 = arith.constant 0 : index
      %swap3A_55 = tpu.vector_load %arg7[%swap3A, %swap3A_54] {strides = array<i32>} : memref<32x1024xf32, #tpu.memory_space<vmem>>, vector<16xf32>,
      tpu.vector_store %arg7[%swap3A, %swap3A_54], %add3A_45 {strides = array<i32>} : memref<32x1024xf32, #tpu.memory_space<vmem>>, vector<16xf32>,
      %swap3A_56 = arith.index_cast %scan3A_26 : i32 to index
      %swap3A_57 = arith.constant 512 : index
      %swap3A_58 = tpu.vector_load %arg7[%swap3A_56, %swap3A_57] {strides = array<i32>} : memref<32x1024xf32, #tpu.memory_space<vmem>>, vector<16xf32>,
      tpu.vector_store %arg7[%swap3A_56, %swap3A_57], %add3A_53 {strides = array<i32>} : memref<32x1024xf32, #tpu.memory_space<vmem>>, vector<16xf32>,
      %get3A_59 = arith.index_cast %mul3A_31 : i32 to index
      %get3A_60 = arith.constant 16 : index
      %get3A_61 = tpu.vector_load %arg6[%get3A_59, %get3A_60] {strides = array<i32>} : memref<128x512xi32, #tpu.memory_space<vmem>>, vector<16xi32>,
      %add3A_62 = arith.constant 1 : i32
      %add3A_63 = arith.addi %mul3A_31, %add3A_62 : i32
      %get3A_64 = arith.index_cast %add3A_63 : i32 to index
      %get3A_65 = arith.constant 16 : index
      %get3A_66 = tpu.vector_load %arg6[%get3A_64, %get3A_65] {strides = array<i32>} : memref<128x512xi32, #tpu.memory_space<vmem>>, vector<16xi32>,
      %shift_left3A_67 = arith.constant 16 : i32
      %shift_left3A_68 = vector.broadcast %shift_left3A_67 : i32 to vector<16xi32>
      %shift_left3A_69 = arith.shli %get3A_61, %shift_left3A_68 : vector<16xi32>
      %bitcast3A_70 = vector.bitcast %shift_left3A_69 : vector<16xi32> to vector<16xf32>
      %shift_left3A_71 = arith.constant 16 : i32
      %shift_left3A_72 = vector.broadcast %shift_left3A_71 : i32 to vector<16xi32>
      %shift_left3A_73 = arith.shli %get3A_66, %shift_left3A_72 : vector<16xi32>
      %bitcast3A_74 = vector.bitcast %shift_left3A_73 : vector<16xi32> to vector<16xf32>
      %add3A_75 = arith.addf %bitcast3A_70, %bitcast3A_74 : vector<16xf32>
      %and3A_76 = arith.constant -65536 : i32
      %and3A_77 = vector.broadcast %and3A_76 : i32 to vector<16xi32>
      %and3A_78 = arith.andi %get3A_61, %and3A_77 : vector<16xi32>
      %bitcast3A_79 = vector.bitcast %and3A_78 : vector<16xi32> to vector<16xf32>
      %and3A_80 = arith.constant -65536 : i32
      %and3A_81 = vector.broadcast %and3A_80 : i32 to vector<16xi32>
      %and3A_82 = arith.andi %get3A_66, %and3A_81 : vector<16xi32>
      %bitcast3A_83 = vector.bitcast %and3A_82 : vector<16xi32> to vector<16xf32>
      %add3A_84 = arith.addf %bitcast3A_79, %bitcast3A_83 : vector<16xf32>
      %swap3A_85 = arith.index_cast %scan3A_26 : i32 to index
      %swap3A_86 = arith.constant 16 : index
      %swap3A_87 = tpu.vector_load %arg7[%swap3A_85, %swap3A_86] {strides = array<i32>} : memref<32x1024xf32, #tpu.memory_space<vmem>>, vector<16xf32>,
      tpu.vector_store %arg7[%swap3A_85, %swap3A_86], %add3A_75 {strides = array<i32>} : memref<32x1024xf32, #tpu.memory_space<vmem>>, vector<16xf32>,
      %swap3A_88 = arith.index_cast %scan3A_26 : i32 to index
      %swap3A_89 = arith.constant 528 : index
      %swap3A_90 = tpu.vector_load %arg7[%swap3A_88, %swap3A_89] {strides = array<i32>} : memref<32x1024xf32, #tpu.memory_space<vmem>>, vector<16xf32>,
      tpu.vector_store %arg7[%swap3A_88, %swap3A_89], %add3A_84 {strides = array<i32>} : memref<32x1024xf32, #tpu.memory_space<vmem>>, vector<16xf32>,
      %get3A_91 = arith.index_cast %mul3A_31 : i32 to index
      %get3A_92 = arith.constant 32 : index
      %get3A_93 = tpu.vector_load %arg6[%get3A_91, %get3A_92] {strides = array<i32>} : memref<128x512xi32, #tpu.memory_space<vmem>>, vector<16xi32>,
      %add3A_94 = arith.constant 1 : i32
      %add3A_95 = arith.addi %mul3A_31, %add3A_94 : i32
      %get3A_96 = arith.index_cast %add3A_95 : i32 to index
      %get3A_97 = arith.constant 32 : index
      %get3A_98 = tpu.vector_load %arg6[%get3A_96, %get3A_97] {strides = array<i32>} : memref<128x512xi32, #tpu.memory_space<vmem>>, vector<16xi32>,
      %shift_left3A_99 = arith.constant 16 : i32
      %shift_left3A_100 = vector.broadcast %shift_left3A_99 : i32 to vector<16xi32>
      %shift_left3A_101 = arith.shli %get3A_93, %shift_left3A_100 : vector<16xi32>
      %bitcast3A_102 = vector.bitcast %shift_left3A_101 : vector<16xi32> to vector<16xf32>
      %shift_left3A_103 = arith.constant 16 : i32
      %shift_left3A_104 = vector.broadcast %shift_left3A_103 : i32 to vector<16xi32>
      %shift_left3A_105 = arith.shli %get3A_98, %shift_left3A_104 : vector<16xi32>
      %bitcast3A_106 = vector.bitcast %shift_left3A_105 : vector<16xi32> to vector<16xf32>
      %add3A_107 = arith.addf %bitcast3A_102, %bitcast3A_106 : vector<16xf32>
      %and3A_108 = arith.constant -65536 : i32
      %and3A_109 = vector.broadcast %and3A_108 : i32 to vector<16xi32>
      %and3A_110 = arith.andi %get3A_93, %and3A_109 : vector<16xi32>
      %bitcast3A_111 = vector.bitcast %and3A_110 : vector<16xi32> to vector<16xf32>
      %and3A_112 = arith.constant -65536 : i32
      %and3A_113 = vector.broadcast %and3A_112 : i32 to vector<16xi32>
      %and3A_114 = arith.andi %get3A_98, %and3A_113 : vector<16xi32>
      %bitcast3A_115 = vector.bitcast %and3A_114 : vector<16xi32> to vector<16xf32>
      %add3A_116 = arith.addf %bitcast3A_111, %bitcast3A_115 : vector<16xf32>
      %swap3A_117 = arith.index_cast %scan3A_26 : i32 to index
      %swap3A_118 = arith.constant 32 : index
      %swap3A_119 = tpu.vector_load %arg7[%swap3A_117, %swap3A_118] {strides = array<i32>} : memref<32x1024xf32, #tpu.memory_space<vmem>>, vector<16xf32>,
      tpu.vector_store %arg7[%swap3A_117, %swap3A_118], %add3A_107 {strides = array<i32>} : memref<32x1024xf32, #tpu.memory_space<vmem>>, vector<16xf32>,
      %swap3A_120 = arith.index_cast %scan3A_26 : i32 to index
      %swap3A_121 = arith.constant 544 : index
      %swap3A_122 = tpu.vector_load %arg7[%swap3A_120, %swap3A_121] {strides = array<i32>} : memref<32x1024xf32, #tpu.memory_space<vmem>>, vector<16xf32>,
      tpu.vector_store %arg7[%swap3A_120, %swap3A_121], %add3A_116 {strides = array<i32>} : memref<32x1024xf32, #tpu.memory_space<vmem>>, vector<16xf32>,
      %get3A_123 = arith.index_cast %mul3A_31 : i32 to index
      %get3A_124 = arith.constant 48 : index
      %get3A_125 = tpu.vector_load %arg6[%get3A_123, %get3A_124] {strides = array<i32>} : memref<128x512xi32, #tpu.memory_space<vmem>>, vector<16xi32>,
      %add3A_126 = arith.constant 1 : i32
      %add3A_127 = arith.addi %mul3A_31, %add3A_126 : i32
      %get3A_128 = arith.index_cast %add3A_127 : i32 to index
      %get3A_129 = arith.constant 48 : index
      %get3A_130 = tpu.vector_load %arg6[%get3A_128, %get3A_129] {strides = array<i32>} : memref<128x512xi32, #tpu.memory_space<vmem>>, vector<16xi32>,
      %shift_left3A_131 = arith.constant 16 : i32
      %shift_left3A_132 = vector.broadcast %shift_left3A_131 : i32 to vector<16xi32>
      %shift_left3A_133 = arith.shli %get3A_125, %shift_left3A_132 : vector<16xi32>
      %bitcast3A_134 = vector.bitcast %shift_left3A_133 : vector<16xi32> to vector<16xf32>
      %shift_left3A_135 = arith.constant 16 : i32
      %shift_left3A_136 = vector.broadcast %shift_left3A_135 : i32 to vector<16xi32>
      %shift_left3A_137 = arith.shli %get3A_130, %shift_left3A_136 : vector<16xi32>
      %bitcast3A_138 = vector.bitcast %shift_left3A_137 : vector<16xi32> to vector<16xf32>
      %add3A_139 = arith.addf %bitcast3A_134, %bitcast3A_138 : vector<16xf32>
      %and3A_140 = arith.constant -65536 : i32
      %and3A_141 = vector.broadcast %and3A_140 : i32 to vector<16xi32>
      %and3A_142 = arith.andi %get3A_125, %and3A_141 : vector<16xi32>
      %bitcast3A_143 = vector.bitcast %and3A_142 : vector<16xi32> to vector<16xf32>
      %and3A_144 = arith.constant -65536 : i32
      %and3A_145 = vector.broadcast %and3A_144 : i32 to vector<16xi32>
      %and3A_146 = arith.andi %get3A_130, %and3A_145 : vector<16xi32>
      %bitcast3A_147 = vector.bitcast %and3A_146 : vector<16xi32> to vector<16xf32>
      %add3A_148 = arith.addf %bitcast3A_143, %bitcast3A_147 : vector<16xf32>
      %swap3A_149 = arith.index_cast %scan3A_26 : i32 to index
      %swap3A_150 = arith.constant 48 : index
      %swap3A_151 = tpu.vector_load %arg7[%swap3A_149, %swap3A_150] {strides = array<i32>} : memref<32x1024xf32, #tpu.memory_space<vmem>>, vector<16xf32>,
      tpu.vector_store %arg7[%swap3A_149, %swap3A_150], %add3A_139 {strides = array<i32>} : memref<32x1024xf32, #tpu.memory_space<vmem>>, vector<16xf32>,
      %swap3A_152 = arith.index_cast %scan3A_26 : i32 to index
      %swap3A_153 = arith.constant 560 : index
      %swap3A_154 = tpu.vector_load %arg7[%swap3A_152, %swap3A_153] {strides = array<i32>} : memref<32x1024xf32, #tpu.memory_space<vmem>>, vector<16xf32>,
      tpu.vector_store %arg7[%swap3A_152, %swap3A_153], %add3A_148 {strides = array<i32>} : memref<32x1024xf32, #tpu.memory_space<vmem>>, vector<16xf32>,
      %get3A_155 = arith.index_cast %mul3A_31 : i32 to index
      %get3A_156 = arith.constant 64 : index
      %get3A_157 = tpu.vector_load %arg6[%get3A_155, %get3A_156] {strides = array<i32>} : memref<128x512xi32, #tpu.memory_space<vmem>>, vector<16xi32>,
      %add3A_158 = arith.constant 1 : i32
      %add3A_159 = arith.addi %mul3A_31, %add3A_158 : i32
      %get3A_160 = arith.index_cast %add3A_159 : i32 to index
      %get3A_161 = arith.constant 64 : index
      %get3A_162 = tpu.vector_load %arg6[%get3A_160, %get3A_161] {strides = array<i32>} : memref<128x512xi32, #tpu.memory_space<vmem>>, vector<16xi32>,
      %shift_left3A_163 = arith.constant 16 : i32
      %shift_left3A_164 = vector.broadcast %shift_left3A_163 : i32 to vector<16xi32>
      %shift_left3A_165 = arith.shli %get3A_157, %shift_left3A_164 : vector<16xi32>
      %bitcast3A_166 = vector.bitcast %shift_left3A_165 : vector<16xi32> to vector<16xf32>
      %shift_left3A_167 = arith.constant 16 : i32
      %shift_left3A_168 = vector.broadcast %shift_left3A_167 : i32 to vector<16xi32>
      %shift_left3A_169 = arith.shli %get3A_162, %shift_left3A_168 : vector<16xi32>
      %bitcast3A_170 = vector.bitcast %shift_left3A_169 : vector<16xi32> to vector<16xf32>
      %add3A_171 = arith.addf %bitcast3A_166, %bitcast3A_170 : vector<16xf32>
      %and3A_172 = arith.constant -65536 : i32
      %and3A_173 = vector.broadcast %and3A_172 : i32 to vector<16xi32>
      %and3A_174 = arith.andi %get3A_157, %and3A_173 : vector<16xi32>
      %bitcast3A_175 = vector.bitcast %and3A_174 : vector<16xi32> to vector<16xf32>
      %and3A_176 = arith.constant -65536 : i32
      %and3A_177 = vector.broadcast %and3A_176 : i32 to vector<16xi32>
      %and3A_178 = arith.andi %get3A_162, %and3A_177 : vector<16xi32>
      %bitcast3A_179 = vector.bitcast %and3A_178 : vector<16xi32> to vector<16xf32>
      %add3A_180 = arith.addf %bitcast3A_175, %bitcast3A_179 : vector<16xf32>
      %swap3A_181 = arith.index_cast %scan3A_26 : i32 to index
      %swap3A_182 = arith.constant 64 : index
      %swap3A_183 = tpu.vector_load %arg7[%swap3A_181, %swap3A_182] {strides = array<i32>} : memref<32x1024xf32, #tpu.memory_space<vmem>>, vector<16xf32>,
      tpu.vector_store %arg7[%swap3A_181, %swap3A_182], %add3A_171 {strides = array<i32>} : memref<32x1024xf32, #tpu.memory_space<vmem>>, vector<16xf32>,
      %swap3A_184 = arith.index_cast %scan3A_26 : i32 to index
      %swap3A_185 = arith.constant 576 : index
      %swap3A_186 = tpu.vector_load %arg7[%swap3A_184, %swap3A_185] {strides = array<i32>} : memref<32x1024xf32, #tpu.memory_space<vmem>>, vector<16xf32>,
      tpu.vector_store %arg7[%swap3A_184, %swap3A_185], %add3A_180 {strides = array<i32>} : memref<32x1024xf32, #tpu.memory_space<vmem>>, vector<16xf32>,
      %get3A_187 = arith.index_cast %mul3A_31 : i32 to index
      %get3A_188 = arith.constant 80 : index
      %get3A_189 = tpu.vector_load %arg6[%get3A_187, %get3A_188] {strides = array<i32>} : memref<128x512xi32, #tpu.memory_space<vmem>>, vector<16xi32>,
      %add3A_190 = arith.constant 1 : i32
      %add3A_191 = arith.addi %mul3A_31, %add3A_190 : i32
      %get3A_192 = arith.index_cast %add3A_191 : i32 to index
      %get3A_193 = arith.constant 80 : index
      %get3A_194 = tpu.vector_load %arg6[%get3A_192, %get3A_193] {strides = array<i32>} : memref<128x512xi32, #tpu.memory_space<vmem>>, vector<16xi32>,
      %shift_left3A_195 = arith.constant 16 : i32
      %shift_left3A_196 = vector.broadcast %shift_left3A_195 : i32 to vector<16xi32>
      %shift_left3A_197 = arith.shli %get3A_189, %shift_left3A_196 : vector<16xi32>
      %bitcast3A_198 = vector.bitcast %shift_left3A_197 : vector<16xi32> to vector<16xf32>
      %shift_left3A_199 = arith.constant 16 : i32
      %shift_left3A_200 = vector.broadcast %shift_left3A_199 : i32 to vector<16xi32>
      %shift_left3A_201 = arith.shli %get3A_194, %shift_left3A_200 : vector<16xi32>
      %bitcast3A_202 = vector.bitcast %shift_left3A_201 : vector<16xi32> to vector<16xf32>
      %add3A_203 = arith.addf %bitcast3A_198, %bitcast3A_202 : vector<16xf32>
      %and3A_204 = arith.constant -65536 : i32
      %and3A_205 = vector.broadcast %and3A_204 : i32 to vector<16xi32>
      %and3A_206 = arith.andi %get3A_189, %and3A_205 : vector<16xi32>
      %bitcast3A_207 = vector.bitcast %and3A_206 : vector<16xi32> to vector<16xf32>
      %and3A_208 = arith.constant -65536 : i32
      %and3A_209 = vector.broadcast %and3A_208 : i32 to vector<16xi32>
      %and3A_210 = arith.andi %get3A_194, %and3A_209 : vector<16xi32>
      %bitcast3A_211 = vector.bitcast %and3A_210 : vector<16xi32> to vector<16xf32>
      %add3A_212 = arith.addf %bitcast3A_207, %bitcast3A_211 : vector<16xf32>
      %swap3A_213 = arith.index_cast %scan3A_26 : i32 to index
      %swap3A_214 = arith.constant 80 : index
      %swap3A_215 = tpu.vector_load %arg7[%swap3A_213, %swap3A_214] {strides = array<i32>} : memref<32x1024xf32, #tpu.memory_space<vmem>>, vector<16xf32>,
      tpu.vector_store %arg7[%swap3A_213, %swap3A_214], %add3A_203 {strides = array<i32>} : memref<32x1024xf32, #tpu.memory_space<vmem>>, vector<16xf32>,
      %swap3A_216 = arith.index_cast %scan3A_26 : i32 to index
      %swap3A_217 = arith.constant 592 : index
      %swap3A_218 = tpu.vector_load %arg7[%swap3A_216, %swap3A_217] {strides = array<i32>} : memref<32x1024xf32, #tpu.memory_space<vmem>>, vector<16xf32>,
      tpu.vector_store %arg7[%swap3A_216, %swap3A_217], %add3A_212 {strides = array<i32>} : memref<32x1024xf32, #tpu.memory_space<vmem>>, vector<16xf32>,
      %get3A_219 = arith.index_cast %mul3A_31 : i32 to index
      %get3A_220 = arith.constant 96 : index
      %get3A_221 = tpu.vector_load %arg6[%get3A_219, %get3A_220] {strides = array<i32>} : memref<128x512xi32, #tpu.memory_space<vmem>>, vector<16xi32>,
      %add3A_222 = arith.constant 1 : i32
      %add3A_223 = arith.addi %mul3A_31, %add3A_222 : i32
      %get3A_224 = arith.index_cast %add3A_223 : i32 to index
      %get3A_225 = arith.constant 96 : index
      %get3A_226 = tpu.vector_load %arg6[%get3A_224, %get3A_225] {strides = array<i32>} : memref<128x512xi32, #tpu.memory_space<vmem>>, vector<16xi32>,
      %shift_left3A_227 = arith.constant 16 : i32
      %shift_left3A_228 = vector.broadcast %shift_left3A_227 : i32 to vector<16xi32>
      %shift_left3A_229 = arith.shli %get3A_221, %shift_left3A_228 : vector<16xi32>
      %bitcast3A_230 = vector.bitcast %shift_left3A_229 : vector<16xi32> to vector<16xf32>
      %shift_left3A_231 = arith.constant 16 : i32
      %shift_left3A_232 = vector.broadcast %shift_left3A_231 : i32 to vector<16xi32>
      %shift_left3A_233 = arith.shli %get3A_226, %shift_left3A_232 : vector<16xi32>
      %bitcast3A_234 = vector.bitcast %shift_left3A_233 : vector<16xi32> to vector<16xf32>
      %add3A_235 = arith.addf %bitcast3A_230, %bitcast3A_234 : vector<16xf32>
      %and3A_236 = arith.constant -65536 : i32
      %and3A_237 = vector.broadcast %and3A_236 : i32 to vector<16xi32>
      %and3A_238 = arith.andi %get3A_221, %and3A_237 : vector<16xi32>
      %bitcast3A_239 = vector.bitcast %and3A_238 : vector<16xi32> to vector<16xf32>
      %and3A_240 = arith.constant -65536 : i32
      %and3A_241 = vector.broadcast %and3A_240 : i32 to vector<16xi32>
      %and3A_242 = arith.andi %get3A_226, %and3A_241 : vector<16xi32>
      %bitcast3A_243 = vector.bitcast %and3A_242 : vector<16xi32> to vector<16xf32>
      %add3A_244 = arith.addf %bitcast3A_239, %bitcast3A_243 : vector<16xf32>
      %swap3A_245 = arith.index_cast %scan3A_26 : i32 to index
      %swap3A_246 = arith.constant 96 : index
      %swap3A_247 = tpu.vector_load %arg7[%swap3A_245, %swap3A_246] {strides = array<i32>} : memref<32x1024xf32, #tpu.memory_space<vmem>>, vector<16xf32>,
      tpu.vector_store %arg7[%swap3A_245, %swap3A_246], %add3A_235 {strides = array<i32>} : memref<32x1024xf32, #tpu.memory_space<vmem>>, vector<16xf32>,
      %swap3A_248 = arith.index_cast %scan3A_26 : i32 to index
      %swap3A_249 = arith.constant 608 : index
      %swap3A_250 = tpu.vector_load %arg7[%swap3A_248, %swap3A_249] {strides = array<i32>} : memref<32x1024xf32, #tpu.memory_space<vmem>>, vector<16xf32>,
      tpu.vector_store %arg7[%swap3A_248, %swap3A_249], %add3A_244 {strides = array<i32>} : memref<32x1024xf32, #tpu.memory_space<vmem>>, vector<16xf32>,
      %get3A_251 = arith.index_cast %mul3A_31 : i32 to index
      %get3A_252 = arith.constant 112 : index
      %get3A_253 = tpu.vector_load %arg6[%get3A_251, %get3A_252] {strides = array<i32>} : memref<128x512xi32, #tpu.memory_space<vmem>>, vector<16xi32>,
      %add3A_254 = arith.constant 1 : i32
      %add3A_255 = arith.addi %mul3A_31, %add3A_254 : i32
      %get3A_256 = arith.index_cast %add3A_255 : i32 to index
      %get3A_257 = arith.constant 112 : index
      %get3A_258 = tpu.vector_load %arg6[%get3A_256, %get3A_257] {strides = array<i32>} : memref<128x512xi32, #tpu.memory_space<vmem>>, vector<16xi32>,
      %shift_left3A_259 = arith.constant 16 : i32
      %shift_left3A_260 = vector.broadcast %shift_left3A_259 : i32 to vector<16xi32>
      %shift_left3A_261 = arith.shli %get3A_253, %shift_left3A_260 : vector<16xi32>
      %bitcast3A_262 = vector.bitcast %shift_left3A_261 : vector<16xi32> to vector<16xf32>
      %shift_left3A_263 = arith.constant 16 : i32
      %shift_left3A_264 = vector.broadcast %shift_left3A_263 : i32 to vector<16xi32>
      %shift_left3A_265 = arith.shli %get3A_258, %shift_left3A_264 : vector<16xi32>
      %bitcast3A_266 = vector.bitcast %shift_left3A_265 : vector<16xi32> to vector<16xf32>
      %add3A_267 = arith.addf %bitcast3A_262, %bitcast3A_266 : vector<16xf32>
      %and3A_268 = arith.constant -65536 : i32
      %and3A_269 = vector.broadcast %and3A_268 : i32 to vector<16xi32>
      %and3A_270 = arith.andi %get3A_253, %and3A_269 : vector<16xi32>
      %bitcast3A_271 = vector.bitcast %and3A_270 : vector<16xi32> to vector<16xf32>
      %and3A_272 = arith.constant -65536 : i32
      %and3A_273 = vector.broadcast %and3A_272 : i32 to vector<16xi32>
      %and3A_274 = arith.andi %get3A_258, %and3A_273 : vector<16xi32>
      %bitcast3A_275 = vector.bitcast %and3A_274 : vector<16xi32> to vector<16xf32>
      %add3A_276 = arith.addf %bitcast3A_271, %bitcast3A_275 : vector<16xf32>
      %swap3A_277 = arith.index_cast %scan3A_26 : i32 to index
      %swap3A_278 = arith.constant 112 : index
      %swap3A_279 = tpu.vector_load %arg7[%swap3A_277, %swap3A_278] {strides = array<i32>} : memref<32x1024xf32, #tpu.memory_space<vmem>>, vector<16xf32>,
      tpu.vector_store %arg7[%swap3A_277, %swap3A_278], %add3A_267 {strides = array<i32>} : memref<32x1024xf32, #tpu.memory_space<vmem>>, vector<16xf32>,
      %swap3A_280 = arith.index_cast %scan3A_26 : i32 to index
      %swap3A_281 = arith.constant 624 : index
      %swap3A_282 = tpu.vector_load %arg7[%swap3A_280, %swap3A_281] {strides = array<i32>} : memref<32x1024xf32, #tpu.memory_space<vmem>>, vector<16xf32>,
      tpu.vector_store %arg7[%swap3A_280, %swap3A_281], %add3A_276 {strides = array<i32>} : memref<32x1024xf32, #tpu.memory_space<vmem>>, vector<16xf32>,
      %get3A_283 = arith.index_cast %mul3A_31 : i32 to index
      %get3A_284 = arith.constant 128 : index
      %get3A_285 = tpu.vector_load %arg6[%get3A_283, %get3A_284] {strides = array<i32>} : memref<128x512xi32, #tpu.memory_space<vmem>>, vector<16xi32>,
      %add3A_286 = arith.constant 1 : i32
      %add3A_287 = arith.addi %mul3A_31, %add3A_286 : i32
      %get3A_288 = arith.index_cast %add3A_287 : i32 to index
      %get3A_289 = arith.constant 128 : index
      %get3A_290 = tpu.vector_load %arg6[%get3A_288, %get3A_289] {strides = array<i32>} : memref<128x512xi32, #tpu.memory_space<vmem>>, vector<16xi32>,
      %shift_left3A_291 = arith.constant 16 : i32
      %shift_left3A_292 = vector.broadcast %shift_left3A_291 : i32 to vector<16xi32>
      %shift_left3A_293 = arith.shli %get3A_285, %shift_left3A_292 : vector<16xi32>
      %bitcast3A_294 = vector.bitcast %shift_left3A_293 : vector<16xi32> to vector<16xf32>
      %shift_left3A_295 = arith.constant 16 : i32
      %shift_left3A_296 = vector.broadcast %shift_left3A_295 : i32 to vector<16xi32>
      %shift_left3A_297 = arith.shli %get3A_290, %shift_left3A_296 : vector<16xi32>
      %bitcast3A_298 = vector.bitcast %shift_left3A_297 : vector<16xi32> to vector<16xf32>
      %add3A_299 = arith.addf %bitcast3A_294, %bitcast3A_298 : vector<16xf32>
      %and3A_300 = arith.constant -65536 : i32
      %and3A_301 = vector.broadcast %and3A_300 : i32 to vector<16xi32>
      %and3A_302 = arith.andi %get3A_285, %and3A_301 : vector<16xi32>
      %bitcast3A_303 = vector.bitcast %and3A_302 : vector<16xi32> to vector<16xf32>
      %and3A_304 = arith.constant -65536 : i32
      %and3A_305 = vector.broadcast %and3A_304 : i32 to vector<16xi32>
      %and3A_306 = arith.andi %get3A_290, %and3A_305 : vector<16xi32>
      %bitcast3A_307 = vector.bitcast %and3A_306 : vector<16xi32> to vector<16xf32>
      %add3A_308 = arith.addf %bitcast3A_303, %bitcast3A_307 : vector<16xf32>
      %swap3A_309 = arith.index_cast %scan3A_26 : i32 to index
      %swap3A_310 = arith.constant 128 : index
      %swap3A_311 = tpu.vector_load %arg7[%swap3A_309, %swap3A_310] {strides = array<i32>} : memref<32x1024xf32, #tpu.memory_space<vmem>>, vector<16xf32>,
      tpu.vector_store %arg7[%swap3A_309, %swap3A_310], %add3A_299 {strides = array<i32>} : memref<32x1024xf32, #tpu.memory_space<vmem>>, vector<16xf32>,
      %swap3A_312 = arith.index_cast %scan3A_26 : i32 to index
      %swap3A_313 = arith.constant 640 : index
      %swap3A_314 = tpu.vector_load %arg7[%swap3A_312, %swap3A_313] {strides = array<i32>} : memref<32x1024xf32, #tpu.memory_space<vmem>>, vector<16xf32>,
      tpu.vector_store %arg7[%swap3A_312, %swap3A_313], %add3A_308 {strides = array<i32>} : memref<32x1024xf32, #tpu.memory_space<vmem>>, vector<16xf32>,
      %get3A_315 = arith.index_cast %mul3A_31 : i32 to index
      %get3A_316 = arith.constant 144 : index
      %get3A_317 = tpu.vector_load %arg6[%get3A_315, %get3A_316] {strides = array<i32>} : memref<128x512xi32, #tpu.memory_space<vmem>>, vector<16xi32>,
      %add3A_318 = arith.constant 1 : i32
      %add3A_319 = arith.addi %mul3A_31, %add3A_318 : i32
      %get3A_320 = arith.index_cast %add3A_319 : i32 to index
      %get3A_321 = arith.constant 144 : index
      %get3A_322 = tpu.vector_load %arg6[%get3A_320, %get3A_321] {strides = array<i32>} : memref<128x512xi32, #tpu.memory_space<vmem>>, vector<16xi32>,
      %shift_left3A_323 = arith.constant 16 : i32
      %shift_left3A_324 = vector.broadcast %shift_left3A_323 : i32 to vector<16xi32>
      %shift_left3A_325 = arith.shli %get3A_317, %shift_left3A_324 : vector<16xi32>
      %bitcast3A_326 = vector.bitcast %shift_left3A_325 : vector<16xi32> to vector<16xf32>
      %shift_left3A_327 = arith.constant 16 : i32
      %shift_left3A_328 = vector.broadcast %shift_left3A_327 : i32 to vector<16xi32>
      %shift_left3A_329 = arith.shli %get3A_322, %shift_left3A_328 : vector<16xi32>
      %bitcast3A_330 = vector.bitcast %shift_left3A_329 : vector<16xi32> to vector<16xf32>
      %add3A_331 = arith.addf %bitcast3A_326, %bitcast3A_330 : vector<16xf32>
      %and3A_332 = arith.constant -65536 : i32
      %and3A_333 = vector.broadcast %and3A_332 : i32 to vector<16xi32>
      %and3A_334 = arith.andi %get3A_317, %and3A_333 : vector<16xi32>
      %bitcast3A_335 = vector.bitcast %and3A_334 : vector<16xi32> to vector<16xf32>
      %and3A_336 = arith.constant -65536 : i32
      %and3A_337 = vector.broadcast %and3A_336 : i32 to vector<16xi32>
      %and3A_338 = arith.andi %get3A_322, %and3A_337 : vector<16xi32>
      %bitcast3A_339 = vector.bitcast %and3A_338 : vector<16xi32> to vector<16xf32>
      %add3A_340 = arith.addf %bitcast3A_335, %bitcast3A_339 : vector<16xf32>
      %swap3A_341 = arith.index_cast %scan3A_26 : i32 to index
      %swap3A_342 = arith.constant 144 : index
      %swap3A_343 = tpu.vector_load %arg7[%swap3A_341, %swap3A_342] {strides = array<i32>} : memref<32x1024xf32, #tpu.memory_space<vmem>>, vector<16xf32>,
      tpu.vector_store %arg7[%swap3A_341, %swap3A_342], %add3A_331 {strides = array<i32>} : memref<32x1024xf32, #tpu.memory_space<vmem>>, vector<16xf32>,
      %swap3A_344 = arith.index_cast %scan3A_26 : i32 to index
      %swap3A_345 = arith.constant 656 : index
      %swap3A_346 = tpu.vector_load %arg7[%swap3A_344, %swap3A_345] {strides = array<i32>} : memref<32x1024xf32, #tpu.memory_space<vmem>>, vector<16xf32>,
      tpu.vector_store %arg7[%swap3A_344, %swap3A_345], %add3A_340 {strides = array<i32>} : memref<32x1024xf32, #tpu.memory_space<vmem>>, vector<16xf32>,
      %get3A_347 = arith.index_cast %mul3A_31 : i32 to index
      %get3A_348 = arith.constant 160 : index
      %get3A_349 = tpu.vector_load %arg6[%get3A_347, %get3A_348] {strides = array<i32>} : memref<128x512xi32, #tpu.memory_space<vmem>>, vector<16xi32>,
      %add3A_350 = arith.constant 1 : i32
      %add3A_351 = arith.addi %mul3A_31, %add3A_350 : i32
      %get3A_352 = arith.index_cast %add3A_351 : i32 to index
      %get3A_353 = arith.constant 160 : index
      %get3A_354 = tpu.vector_load %arg6[%get3A_352, %get3A_353] {strides = array<i32>} : memref<128x512xi32, #tpu.memory_space<vmem>>, vector<16xi32>,
      %shift_left3A_355 = arith.constant 16 : i32
      %shift_left3A_356 = vector.broadcast %shift_left3A_355 : i32 to vector<16xi32>
      %shift_left3A_357 = arith.shli %get3A_349, %shift_left3A_356 : vector<16xi32>
      %bitcast3A_358 = vector.bitcast %shift_left3A_357 : vector<16xi32> to vector<16xf32>
      %shift_left3A_359 = arith.constant 16 : i32
      %shift_left3A_360 = vector.broadcast %shift_left3A_359 : i32 to vector<16xi32>
      %shift_left3A_361 = arith.shli %get3A_354, %shift_left3A_360 : vector<16xi32>
      %bitcast3A_362 = vector.bitcast %shift_left3A_361 : vector<16xi32> to vector<16xf32>
      %add3A_363 = arith.addf %bitcast3A_358, %bitcast3A_362 : vector<16xf32>
      %and3A_364 = arith.constant -65536 : i32
      %and3A_365 = vector.broadcast %and3A_364 : i32 to vector<16xi32>
      %and3A_366 = arith.andi %get3A_349, %and3A_365 : vector<16xi32>
      %bitcast3A_367 = vector.bitcast %and3A_366 : vector<16xi32> to vector<16xf32>
      %and3A_368 = arith.constant -65536 : i32
      %and3A_369 = vector.broadcast %and3A_368 : i32 to vector<16xi32>
      %and3A_370 = arith.andi %get3A_354, %and3A_369 : vector<16xi32>
      %bitcast3A_371 = vector.bitcast %and3A_370 : vector<16xi32> to vector<16xf32>
      %add3A_372 = arith.addf %bitcast3A_367, %bitcast3A_371 : vector<16xf32>
      %swap3A_373 = arith.index_cast %scan3A_26 : i32 to index
      %swap3A_374 = arith.constant 160 : index
      %swap3A_375 = tpu.vector_load %arg7[%swap3A_373, %swap3A_374] {strides = array<i32>} : memref<32x1024xf32, #tpu.memory_space<vmem>>, vector<16xf32>,
      tpu.vector_store %arg7[%swap3A_373, %swap3A_374], %add3A_363 {strides = array<i32>} : memref<32x1024xf32, #tpu.memory_space<vmem>>, vector<16xf32>,
      %swap3A_376 = arith.index_cast %scan3A_26 : i32 to index
      %swap3A_377 = arith.constant 672 : index
      %swap3A_378 = tpu.vector_load %arg7[%swap3A_376, %swap3A_377] {strides = array<i32>} : memref<32x1024xf32, #tpu.memory_space<vmem>>, vector<16xf32>,
      tpu.vector_store %arg7[%swap3A_376, %swap3A_377], %add3A_372 {strides = array<i32>} : memref<32x1024xf32, #tpu.memory_space<vmem>>, vector<16xf32>,
      %get3A_379 = arith.index_cast %mul3A_31 : i32 to index
      %get3A_380 = arith.constant 176 : index
      %get3A_381 = tpu.vector_load %arg6[%get3A_379, %get3A_380] {strides = array<i32>} : memref<128x512xi32, #tpu.memory_space<vmem>>, vector<16xi32>,
      %add3A_382 = arith.constant 1 : i32
      %add3A_383 = arith.addi %mul3A_31, %add3A_382 : i32
      %get3A_384 = arith.index_cast %add3A_383 : i32 to index
      %get3A_385 = arith.constant 176 : index
      %get3A_386 = tpu.vector_load %arg6[%get3A_384, %get3A_385] {strides = array<i32>} : memref<128x512xi32, #tpu.memory_space<vmem>>, vector<16xi32>,
      %shift_left3A_387 = arith.constant 16 : i32
      %shift_left3A_388 = vector.broadcast %shift_left3A_387 : i32 to vector<16xi32>
      %shift_left3A_389 = arith.shli %get3A_381, %shift_left3A_388 : vector<16xi32>
      %bitcast3A_390 = vector.bitcast %shift_left3A_389 : vector<16xi32> to vector<16xf32>
      %shift_left3A_391 = arith.constant 16 : i32
      %shift_left3A_392 = vector.broadcast %shift_left3A_391 : i32 to vector<16xi32>
      %shift_left3A_393 = arith.shli %get3A_386, %shift_left3A_392 : vector<16xi32>
      %bitcast3A_394 = vector.bitcast %shift_left3A_393 : vector<16xi32> to vector<16xf32>
      %add3A_395 = arith.addf %bitcast3A_390, %bitcast3A_394 : vector<16xf32>
      %and3A_396 = arith.constant -65536 : i32
      %and3A_397 = vector.broadcast %and3A_396 : i32 to vector<16xi32>
      %and3A_398 = arith.andi %get3A_381, %and3A_397 : vector<16xi32>
      %bitcast3A_399 = vector.bitcast %and3A_398 : vector<16xi32> to vector<16xf32>
      %and3A_400 = arith.constant -65536 : i32
      %and3A_401 = vector.broadcast %and3A_400 : i32 to vector<16xi32>
      %and3A_402 = arith.andi %get3A_386, %and3A_401 : vector<16xi32>
      %bitcast3A_403 = vector.bitcast %and3A_402 : vector<16xi32> to vector<16xf32>
      %add3A_404 = arith.addf %bitcast3A_399, %bitcast3A_403 : vector<16xf32>
      %swap3A_405 = arith.index_cast %scan3A_26 : i32 to index
      %swap3A_406 = arith.constant 176 : index
      %swap3A_407 = tpu.vector_load %arg7[%swap3A_405, %swap3A_406] {strides = array<i32>} : memref<32x1024xf32, #tpu.memory_space<vmem>>, vector<16xf32>,
      tpu.vector_store %arg7[%swap3A_405, %swap3A_406], %add3A_395 {strides = array<i32>} : memref<32x1024xf32, #tpu.memory_space<vmem>>, vector<16xf32>,
      %swap3A_408 = arith.index_cast %scan3A_26 : i32 to index
      %swap3A_409 = arith.constant 688 : index
      %swap3A_410 = tpu.vector_load %arg7[%swap3A_408, %swap3A_409] {strides = array<i32>} : memref<32x1024xf32, #tpu.memory_space<vmem>>, vector<16xf32>,
      tpu.vector_store %arg7[%swap3A_408, %swap3A_409], %add3A_404 {strides = array<i32>} : memref<32x1024xf32, #tpu.memory_space<vmem>>, vector<16xf32>,
      %get3A_411 = arith.index_cast %mul3A_31 : i32 to index
      %get3A_412 = arith.constant 192 : index
      %get3A_413 = tpu.vector_load %arg6[%get3A_411, %get3A_412] {strides = array<i32>} : memref<128x512xi32, #tpu.memory_space<vmem>>, vector<16xi32>,
      %add3A_414 = arith.constant 1 : i32
      %add3A_415 = arith.addi %mul3A_31, %add3A_414 : i32
      %get3A_416 = arith.index_cast %add3A_415 : i32 to index
      %get3A_417 = arith.constant 192 : index
      %get3A_418 = tpu.vector_load %arg6[%get3A_416, %get3A_417] {strides = array<i32>} : memref<128x512xi32, #tpu.memory_space<vmem>>, vector<16xi32>,
      %shift_left3A_419 = arith.constant 16 : i32
      %shift_left3A_420 = vector.broadcast %shift_left3A_419 : i32 to vector<16xi32>
      %shift_left3A_421 = arith.shli %get3A_413, %shift_left3A_420 : vector<16xi32>
      %bitcast3A_422 = vector.bitcast %shift_left3A_421 : vector<16xi32> to vector<16xf32>
      %shift_left3A_423 = arith.constant 16 : i32
      %shift_left3A_424 = vector.broadcast %shift_left3A_423 : i32 to vector<16xi32>
      %shift_left3A_425 = arith.shli %get3A_418, %shift_left3A_424 : vector<16xi32>
      %bitcast3A_426 = vector.bitcast %shift_left3A_425 : vector<16xi32> to vector<16xf32>
      %add3A_427 = arith.addf %bitcast3A_422, %bitcast3A_426 : vector<16xf32>
      %and3A_428 = arith.constant -65536 : i32
      %and3A_429 = vector.broadcast %and3A_428 : i32 to vector<16xi32>
      %and3A_430 = arith.andi %get3A_413, %and3A_429 : vector<16xi32>
      %bitcast3A_431 = vector.bitcast %and3A_430 : vector<16xi32> to vector<16xf32>
      %and3A_432 = arith.constant -65536 : i32
      %and3A_433 = vector.broadcast %and3A_432 : i32 to vector<16xi32>
      %and3A_434 = arith.andi %get3A_418, %and3A_433 : vector<16xi32>
      %bitcast3A_435 = vector.bitcast %and3A_434 : vector<16xi32> to vector<16xf32>
      %add3A_436 = arith.addf %bitcast3A_431, %bitcast3A_435 : vector<16xf32>
      %swap3A_437 = arith.index_cast %scan3A_26 : i32 to index
      %swap3A_438 = arith.constant 192 : index
      %swap3A_439 = tpu.vector_load %arg7[%swap3A_437, %swap3A_438] {strides = array<i32>} : memref<32x1024xf32, #tpu.memory_space<vmem>>, vector<16xf32>,
      tpu.vector_store %arg7[%swap3A_437, %swap3A_438], %add3A_427 {strides = array<i32>} : memref<32x1024xf32, #tpu.memory_space<vmem>>, vector<16xf32>,
      %swap3A_440 = arith.index_cast %scan3A_26 : i32 to index
      %swap3A_441 = arith.constant 704 : index
      %swap3A_442 = tpu.vector_load %arg7[%swap3A_440, %swap3A_441] {strides = array<i32>} : memref<32x1024xf32, #tpu.memory_space<vmem>>, vector<16xf32>,
      tpu.vector_store %arg7[%swap3A_440, %swap3A_441], %add3A_436 {strides = array<i32>} : memref<32x1024xf32, #tpu.memory_space<vmem>>, vector<16xf32>,
      %get3A_443 = arith.index_cast %mul3A_31 : i32 to index
      %get3A_444 = arith.constant 208 : index
      %get3A_445 = tpu.vector_load %arg6[%get3A_443, %get3A_444] {strides = array<i32>} : memref<128x512xi32, #tpu.memory_space<vmem>>, vector<16xi32>,
      %add3A_446 = arith.constant 1 : i32
      %add3A_447 = arith.addi %mul3A_31, %add3A_446 : i32
      %get3A_448 = arith.index_cast %add3A_447 : i32 to index
      %get3A_449 = arith.constant 208 : index
      %get3A_450 = tpu.vector_load %arg6[%get3A_448, %get3A_449] {strides = array<i32>} : memref<128x512xi32, #tpu.memory_space<vmem>>, vector<16xi32>,
      %shift_left3A_451 = arith.constant 16 : i32
      %shift_left3A_452 = vector.broadcast %shift_left3A_451 : i32 to vector<16xi32>
      %shift_left3A_453 = arith.shli %get3A_445, %shift_left3A_452 : vector<16xi32>
      %bitcast3A_454 = vector.bitcast %shift_left3A_453 : vector<16xi32> to vector<16xf32>
      %shift_left3A_455 = arith.constant 16 : i32
      %shift_left3A_456 = vector.broadcast %shift_left3A_455 : i32 to vector<16xi32>
      %shift_left3A_457 = arith.shli %get3A_450, %shift_left3A_456 : vector<16xi32>
      %bitcast3A_458 = vector.bitcast %shift_left3A_457 : vector<16xi32> to vector<16xf32>
      %add3A_459 = arith.addf %bitcast3A_454, %bitcast3A_458 : vector<16xf32>
      %and3A_460 = arith.constant -65536 : i32
      %and3A_461 = vector.broadcast %and3A_460 : i32 to vector<16xi32>
      %and3A_462 = arith.andi %get3A_445, %and3A_461 : vector<16xi32>
      %bitcast3A_463 = vector.bitcast %and3A_462 : vector<16xi32> to vector<16xf32>
      %and3A_464 = arith.constant -65536 : i32
      %and3A_465 = vector.broadcast %and3A_464 : i32 to vector<16xi32>
      %and3A_466 = arith.andi %get3A_450, %and3A_465 : vector<16xi32>
      %bitcast3A_467 = vector.bitcast %and3A_466 : vector<16xi32> to vector<16xf32>
      %add3A_468 = arith.addf %bitcast3A_463, %bitcast3A_467 : vector<16xf32>
      %swap3A_469 = arith.index_cast %scan3A_26 : i32 to index
      %swap3A_470 = arith.constant 208 : index
      %swap3A_471 = tpu.vector_load %arg7[%swap3A_469, %swap3A_470] {strides = array<i32>} : memref<32x1024xf32, #tpu.memory_space<vmem>>, vector<16xf32>,
      tpu.vector_store %arg7[%swap3A_469, %swap3A_470], %add3A_459 {strides = array<i32>} : memref<32x1024xf32, #tpu.memory_space<vmem>>, vector<16xf32>,
      %swap3A_472 = arith.index_cast %scan3A_26 : i32 to index
      %swap3A_473 = arith.constant 720 : index
      %swap3A_474 = tpu.vector_load %arg7[%swap3A_472, %swap3A_473] {strides = array<i32>} : memref<32x1024xf32, #tpu.memory_space<vmem>>, vector<16xf32>,
      tpu.vector_store %arg7[%swap3A_472, %swap3A_473], %add3A_468 {strides = array<i32>} : memref<32x1024xf32, #tpu.memory_space<vmem>>, vector<16xf32>,
      %get3A_475 = arith.index_cast %mul3A_31 : i32 to index
      %get3A_476 = arith.constant 224 : index
      %get3A_477 = tpu.vector_load %arg6[%get3A_475, %get3A_476] {strides = array<i32>} : memref<128x512xi32, #tpu.memory_space<vmem>>, vector<16xi32>,
      %add3A_478 = arith.constant 1 : i32
      %add3A_479 = arith.addi %mul3A_31, %add3A_478 : i32
      %get3A_480 = arith.index_cast %add3A_479 : i32 to index
      %get3A_481 = arith.constant 224 : index
      %get3A_482 = tpu.vector_load %arg6[%get3A_480, %get3A_481] {strides = array<i32>} : memref<128x512xi32, #tpu.memory_space<vmem>>, vector<16xi32>,
      %shift_left3A_483 = arith.constant 16 : i32
      %shift_left3A_484 = vector.broadcast %shift_left3A_483 : i32 to vector<16xi32>
      %shift_left3A_485 = arith.shli %get3A_477, %shift_left3A_484 : vector<16xi32>
      %bitcast3A_486 = vector.bitcast %shift_left3A_485 : vector<16xi32> to vector<16xf32>
      %shift_left3A_487 = arith.constant 16 : i32
      %shift_left3A_488 = vector.broadcast %shift_left3A_487 : i32 to vector<16xi32>
      %shift_left3A_489 = arith.shli %get3A_482, %shift_left3A_488 : vector<16xi32>
      %bitcast3A_490 = vector.bitcast %shift_left3A_489 : vector<16xi32> to vector<16xf32>
      %add3A_491 = arith.addf %bitcast3A_486, %bitcast3A_490 : vector<16xf32>
      %and3A_492 = arith.constant -65536 : i32
      %and3A_493 = vector.broadcast %and3A_492 : i32 to vector<16xi32>
      %and3A_494 = arith.andi %get3A_477, %and3A_493 : vector<16xi32>
      %bitcast3A_495 = vector.bitcast %and3A_494 : vector<16xi32> to vector<16xf32>
      %and3A_496 = arith.constant -65536 : i32
      %and3A_497 = vector.broadcast %and3A_496 : i32 to vector<16xi32>
      %and3A_498 = arith.andi %get3A_482, %and3A_497 : vector<16xi32>
      %bitcast3A_499 = vector.bitcast %and3A_498 : vector<16xi32> to vector<16xf32>
      %add3A_500 = arith.addf %bitcast3A_495, %bitcast3A_499 : vector<16xf32>
      %swap3A_501 = arith.index_cast %scan3A_26 : i32 to index
      %swap3A_502 = arith.constant 224 : index
      %swap3A_503 = tpu.vector_load %arg7[%swap3A_501, %swap3A_502] {strides = array<i32>} : memref<32x1024xf32, #tpu.memory_space<vmem>>, vector<16xf32>,
      tpu.vector_store %arg7[%swap3A_501, %swap3A_502], %add3A_491 {strides = array<i32>} : memref<32x1024xf32, #tpu.memory_space<vmem>>, vector<16xf32>,
      %swap3A_504 = arith.index_cast %scan3A_26 : i32 to index
      %swap3A_505 = arith.constant 736 : index
      %swap3A_506 = tpu.vector_load %arg7[%swap3A_504, %swap3A_505] {strides = array<i32>} : memref<32x1024xf32, #tpu.memory_space<vmem>>, vector<16xf32>,
      tpu.vector_store %arg7[%swap3A_504, %swap3A_505], %add3A_500 {strides = array<i32>} : memref<32x1024xf32, #tpu.memory_space<vmem>>, vector<16xf32>,
      %get3A_507 = arith.index_cast %mul3A_31 : i32 to index
      %get3A_508 = arith.constant 240 : index
      %get3A_509 = tpu.vector_load %arg6[%get3A_507, %get3A_508] {strides = array<i32>} : memref<128x512xi32, #tpu.memory_space<vmem>>, vector<16xi32>,
      %add3A_510 = arith.constant 1 : i32
      %add3A_511 = arith.addi %mul3A_31, %add3A_510 : i32
      %get3A_512 = arith.index_cast %add3A_511 : i32 to index
      %get3A_513 = arith.constant 240 : index
      %get3A_514 = tpu.vector_load %arg6[%get3A_512, %get3A_513] {strides = array<i32>} : memref<128x512xi32, #tpu.memory_space<vmem>>, vector<16xi32>,
      %shift_left3A_515 = arith.constant 16 : i32
      %shift_left3A_516 = vector.broadcast %shift_left3A_515 : i32 to vector<16xi32>
      %shift_left3A_517 = arith.shli %get3A_509, %shift_left3A_516 : vector<16xi32>
      %bitcast3A_518 = vector.bitcast %shift_left3A_517 : vector<16xi32> to vector<16xf32>
      %shift_left3A_519 = arith.constant 16 : i32
      %shift_left3A_520 = vector.broadcast %shift_left3A_519 : i32 to vector<16xi32>
      %shift_left3A_521 = arith.shli %get3A_514, %shift_left3A_520 : vector<16xi32>
      %bitcast3A_522 = vector.bitcast %shift_left3A_521 : vector<16xi32> to vector<16xf32>
      %add3A_523 = arith.addf %bitcast3A_518, %bitcast3A_522 : vector<16xf32>
      %and3A_524 = arith.constant -65536 : i32
      %and3A_525 = vector.broadcast %and3A_524 : i32 to vector<16xi32>
      %and3A_526 = arith.andi %get3A_509, %and3A_525 : vector<16xi32>
      %bitcast3A_527 = vector.bitcast %and3A_526 : vector<16xi32> to vector<16xf32>
      %and3A_528 = arith.constant -65536 : i32
      %and3A_529 = vector.broadcast %and3A_528 : i32 to vector<16xi32>
      %and3A_530 = arith.andi %get3A_514, %and3A_529 : vector<16xi32>
      %bitcast3A_531 = vector.bitcast %and3A_530 : vector<16xi32> to vector<16xf32>
      %add3A_532 = arith.addf %bitcast3A_527, %bitcast3A_531 : vector<16xf32>
      %swap3A_533 = arith.index_cast %scan3A_26 : i32 to index
      %swap3A_534 = arith.constant 240 : index
      %swap3A_535 = tpu.vector_load %arg7[%swap3A_533, %swap3A_534] {strides = array<i32>} : memref<32x1024xf32, #tpu.memory_space<vmem>>, vector<16xf32>,
      tpu.vector_store %arg7[%swap3A_533, %swap3A_534], %add3A_523 {strides = array<i32>} : memref<32x1024xf32, #tpu.memory_space<vmem>>, vector<16xf32>,
      %swap3A_536 = arith.index_cast %scan3A_26 : i32 to index
      %swap3A_537 = arith.constant 752 : index
      %swap3A_538 = tpu.vector_load %arg7[%swap3A_536, %swap3A_537] {strides = array<i32>} : memref<32x1024xf32, #tpu.memory_space<vmem>>, vector<16xf32>,
      tpu.vector_store %arg7[%swap3A_536, %swap3A_537], %add3A_532 {strides = array<i32>} : memref<32x1024xf32, #tpu.memory_space<vmem>>, vector<16xf32>,
      %get3A_539 = arith.index_cast %mul3A_31 : i32 to index
      %get3A_540 = arith.constant 256 : index
      %get3A_541 = tpu.vector_load %arg6[%get3A_539, %get3A_540] {strides = array<i32>} : memref<128x512xi32, #tpu.memory_space<vmem>>, vector<16xi32>,
      %add3A_542 = arith.constant 1 : i32
      %add3A_543 = arith.addi %mul3A_31, %add3A_542 : i32
      %get3A_544 = arith.index_cast %add3A_543 : i32 to index
      %get3A_545 = arith.constant 256 : index
      %get3A_546 = tpu.vector_load %arg6[%get3A_544, %get3A_545] {strides = array<i32>} : memref<128x512xi32, #tpu.memory_space<vmem>>, vector<16xi32>,
      %shift_left3A_547 = arith.constant 16 : i32
      %shift_left3A_548 = vector.broadcast %shift_left3A_547 : i32 to vector<16xi32>
      %shift_left3A_549 = arith.shli %get3A_541, %shift_left3A_548 : vector<16xi32>
      %bitcast3A_550 = vector.bitcast %shift_left3A_549 : vector<16xi32> to vector<16xf32>
      %shift_left3A_551 = arith.constant 16 : i32
      %shift_left3A_552 = vector.broadcast %shift_left3A_551 : i32 to vector<16xi32>
      %shift_left3A_553 = arith.shli %get3A_546, %shift_left3A_552 : vector<16xi32>
      %bitcast3A_554 = vector.bitcast %shift_left3A_553 : vector<16xi32> to vector<16xf32>
      %add3A_555 = arith.addf %bitcast3A_550, %bitcast3A_554 : vector<16xf32>
      %and3A_556 = arith.constant -65536 : i32
      %and3A_557 = vector.broadcast %and3A_556 : i32 to vector<16xi32>
      %and3A_558 = arith.andi %get3A_541, %and3A_557 : vector<16xi32>
      %bitcast3A_559 = vector.bitcast %and3A_558 : vector<16xi32> to vector<16xf32>
      %and3A_560 = arith.constant -65536 : i32
      %and3A_561 = vector.broadcast %and3A_560 : i32 to vector<16xi32>
      %and3A_562 = arith.andi %get3A_546, %and3A_561 : vector<16xi32>
      %bitcast3A_563 = vector.bitcast %and3A_562 : vector<16xi32> to vector<16xf32>
      %add3A_564 = arith.addf %bitcast3A_559, %bitcast3A_563 : vector<16xf32>
      %swap3A_565 = arith.index_cast %scan3A_26 : i32 to index
      %swap3A_566 = arith.constant 256 : index
      %swap3A_567 = tpu.vector_load %arg7[%swap3A_565, %swap3A_566] {strides = array<i32>} : memref<32x1024xf32, #tpu.memory_space<vmem>>, vector<16xf32>,
      tpu.vector_store %arg7[%swap3A_565, %swap3A_566], %add3A_555 {strides = array<i32>} : memref<32x1024xf32, #tpu.memory_space<vmem>>, vector<16xf32>,
      %swap3A_568 = arith.index_cast %scan3A_26 : i32 to index
      %swap3A_569 = arith.constant 768 : index
      %swap3A_570 = tpu.vector_load %arg7[%swap3A_568, %swap3A_569] {strides = array<i32>} : memref<32x1024xf32, #tpu.memory_space<vmem>>, vector<16xf32>,
      tpu.vector_store %arg7[%swap3A_568, %swap3A_569], %add3A_564 {strides = array<i32>} : memref<32x1024xf32, #tpu.memory_space<vmem>>, vector<16xf32>,
      %get3A_571 = arith.index_cast %mul3A_31 : i32 to index
      %get3A_572 = arith.constant 272 : index
      %get3A_573 = tpu.vector_load %arg6[%get3A_571, %get3A_572] {strides = array<i32>} : memref<128x512xi32, #tpu.memory_space<vmem>>, vector<16xi32>,
      %add3A_574 = arith.constant 1 : i32
      %add3A_575 = arith.addi %mul3A_31, %add3A_574 : i32
      %get3A_576 = arith.index_cast %add3A_575 : i32 to index
      %get3A_577 = arith.constant 272 : index
      %get3A_578 = tpu.vector_load %arg6[%get3A_576, %get3A_577] {strides = array<i32>} : memref<128x512xi32, #tpu.memory_space<vmem>>, vector<16xi32>,
      %shift_left3A_579 = arith.constant 16 : i32
      %shift_left3A_580 = vector.broadcast %shift_left3A_579 : i32 to vector<16xi32>
      %shift_left3A_581 = arith.shli %get3A_573, %shift_left3A_580 : vector<16xi32>
      %bitcast3A_582 = vector.bitcast %shift_left3A_581 : vector<16xi32> to vector<16xf32>
      %shift_left3A_583 = arith.constant 16 : i32
      %shift_left3A_584 = vector.broadcast %shift_left3A_583 : i32 to vector<16xi32>
      %shift_left3A_585 = arith.shli %get3A_578, %shift_left3A_584 : vector<16xi32>
      %bitcast3A_586 = vector.bitcast %shift_left3A_585 : vector<16xi32> to vector<16xf32>
      %add3A_587 = arith.addf %bitcast3A_582, %bitcast3A_586 : vector<16xf32>
      %and3A_588 = arith.constant -65536 : i32
      %and3A_589 = vector.broadcast %and3A_588 : i32 to vector<16xi32>
      %and3A_590 = arith.andi %get3A_573, %and3A_589 : vector<16xi32>
      %bitcast3A_591 = vector.bitcast %and3A_590 : vector<16xi32> to vector<16xf32>
      %and3A_592 = arith.constant -65536 : i32
      %and3A_593 = vector.broadcast %and3A_592 : i32 to vector<16xi32>
      %and3A_594 = arith.andi %get3A_578, %and3A_593 : vector<16xi32>
      %bitcast3A_595 = vector.bitcast %and3A_594 : vector<16xi32> to vector<16xf32>
      %add3A_596 = arith.addf %bitcast3A_591, %bitcast3A_595 : vector<16xf32>
      %swap3A_597 = arith.index_cast %scan3A_26 : i32 to index
      %swap3A_598 = arith.constant 272 : index
      %swap3A_599 = tpu.vector_load %arg7[%swap3A_597, %swap3A_598] {strides = array<i32>} : memref<32x1024xf32, #tpu.memory_space<vmem>>, vector<16xf32>,
      tpu.vector_store %arg7[%swap3A_597, %swap3A_598], %add3A_587 {strides = array<i32>} : memref<32x1024xf32, #tpu.memory_space<vmem>>, vector<16xf32>,
      %swap3A_600 = arith.index_cast %scan3A_26 : i32 to index
      %swap3A_601 = arith.constant 784 : index
      %swap3A_602 = tpu.vector_load %arg7[%swap3A_600, %swap3A_601] {strides = array<i32>} : memref<32x1024xf32, #tpu.memory_space<vmem>>, vector<16xf32>,
      tpu.vector_store %arg7[%swap3A_600, %swap3A_601], %add3A_596 {strides = array<i32>} : memref<32x1024xf32, #tpu.memory_space<vmem>>, vector<16xf32>,
      %get3A_603 = arith.index_cast %mul3A_31 : i32 to index
      %get3A_604 = arith.constant 288 : index
      %get3A_605 = tpu.vector_load %arg6[%get3A_603, %get3A_604] {strides = array<i32>} : memref<128x512xi32, #tpu.memory_space<vmem>>, vector<16xi32>,
      %add3A_606 = arith.constant 1 : i32
      %add3A_607 = arith.addi %mul3A_31, %add3A_606 : i32
      %get3A_608 = arith.index_cast %add3A_607 : i32 to index
      %get3A_609 = arith.constant 288 : index
      %get3A_610 = tpu.vector_load %arg6[%get3A_608, %get3A_609] {strides = array<i32>} : memref<128x512xi32, #tpu.memory_space<vmem>>, vector<16xi32>,
      %shift_left3A_611 = arith.constant 16 : i32
      %shift_left3A_612 = vector.broadcast %shift_left3A_611 : i32 to vector<16xi32>
      %shift_left3A_613 = arith.shli %get3A_605, %shift_left3A_612 : vector<16xi32>
      %bitcast3A_614 = vector.bitcast %shift_left3A_613 : vector<16xi32> to vector<16xf32>
      %shift_left3A_615 = arith.constant 16 : i32
      %shift_left3A_616 = vector.broadcast %shift_left3A_615 : i32 to vector<16xi32>
      %shift_left3A_617 = arith.shli %get3A_610, %shift_left3A_616 : vector<16xi32>
      %bitcast3A_618 = vector.bitcast %shift_left3A_617 : vector<16xi32> to vector<16xf32>
      %add3A_619 = arith.addf %bitcast3A_614, %bitcast3A_618 : vector<16xf32>
      %and3A_620 = arith.constant -65536 : i32
      %and3A_621 = vector.broadcast %and3A_620 : i32 to vector<16xi32>
      %and3A_622 = arith.andi %get3A_605, %and3A_621 : vector<16xi32>
      %bitcast3A_623 = vector.bitcast %and3A_622 : vector<16xi32> to vector<16xf32>
      %and3A_624 = arith.constant -65536 : i32
      %and3A_625 = vector.broadcast %and3A_624 : i32 to vector<16xi32>
      %and3A_626 = arith.andi %get3A_610, %and3A_625 : vector<16xi32>
      %bitcast3A_627 = vector.bitcast %and3A_626 : vector<16xi32> to vector<16xf32>
      %add3A_628 = arith.addf %bitcast3A_623, %bitcast3A_627 : vector<16xf32>
      %swap3A_629 = arith.index_cast %scan3A_26 : i32 to index
      %swap3A_630 = arith.constant 288 : index
      %swap3A_631 = tpu.vector_load %arg7[%swap3A_629, %swap3A_630] {strides = array<i32>} : memref<32x1024xf32, #tpu.memory_space<vmem>>, vector<16xf32>,
      tpu.vector_store %arg7[%swap3A_629, %swap3A_630], %add3A_619 {strides = array<i32>} : memref<32x1024xf32, #tpu.memory_space<vmem>>, vector<16xf32>,
      %swap3A_632 = arith.index_cast %scan3A_26 : i32 to index
      %swap3A_633 = arith.constant 800 : index
      %swap3A_634 = tpu.vector_load %arg7[%swap3A_632, %swap3A_633] {strides = array<i32>} : memref<32x1024xf32, #tpu.memory_space<vmem>>, vector<16xf32>,
      tpu.vector_store %arg7[%swap3A_632, %swap3A_633], %add3A_628 {strides = array<i32>} : memref<32x1024xf32, #tpu.memory_space<vmem>>, vector<16xf32>,
      %get3A_635 = arith.index_cast %mul3A_31 : i32 to index
      %get3A_636 = arith.constant 304 : index
      %get3A_637 = tpu.vector_load %arg6[%get3A_635, %get3A_636] {strides = array<i32>} : memref<128x512xi32, #tpu.memory_space<vmem>>, vector<16xi32>,
      %add3A_638 = arith.constant 1 : i32
      %add3A_639 = arith.addi %mul3A_31, %add3A_638 : i32
      %get3A_640 = arith.index_cast %add3A_639 : i32 to index
      %get3A_641 = arith.constant 304 : index
      %get3A_642 = tpu.vector_load %arg6[%get3A_640, %get3A_641] {strides = array<i32>} : memref<128x512xi32, #tpu.memory_space<vmem>>, vector<16xi32>,
      %shift_left3A_643 = arith.constant 16 : i32
      %shift_left3A_644 = vector.broadcast %shift_left3A_643 : i32 to vector<16xi32>
      %shift_left3A_645 = arith.shli %get3A_637, %shift_left3A_644 : vector<16xi32>
      %bitcast3A_646 = vector.bitcast %shift_left3A_645 : vector<16xi32> to vector<16xf32>
      %shift_left3A_647 = arith.constant 16 : i32
      %shift_left3A_648 = vector.broadcast %shift_left3A_647 : i32 to vector<16xi32>
      %shift_left3A_649 = arith.shli %get3A_642, %shift_left3A_648 : vector<16xi32>
      %bitcast3A_650 = vector.bitcast %shift_left3A_649 : vector<16xi32> to vector<16xf32>
      %add3A_651 = arith.addf %bitcast3A_646, %bitcast3A_650 : vector<16xf32>
      %and3A_652 = arith.constant -65536 : i32
      %and3A_653 = vector.broadcast %and3A_652 : i32 to vector<16xi32>
      %and3A_654 = arith.andi %get3A_637, %and3A_653 : vector<16xi32>
      %bitcast3A_655 = vector.bitcast %and3A_654 : vector<16xi32> to vector<16xf32>
      %and3A_656 = arith.constant -65536 : i32
      %and3A_657 = vector.broadcast %and3A_656 : i32 to vector<16xi32>
      %and3A_658 = arith.andi %get3A_642, %and3A_657 : vector<16xi32>
      %bitcast3A_659 = vector.bitcast %and3A_658 : vector<16xi32> to vector<16xf32>
      %add3A_660 = arith.addf %bitcast3A_655, %bitcast3A_659 : vector<16xf32>
      %swap3A_661 = arith.index_cast %scan3A_26 : i32 to index
      %swap3A_662 = arith.constant 304 : index
      %swap3A_663 = tpu.vector_load %arg7[%swap3A_661, %swap3A_662] {strides = array<i32>} : memref<32x1024xf32, #tpu.memory_space<vmem>>, vector<16xf32>,
      tpu.vector_store %arg7[%swap3A_661, %swap3A_662], %add3A_651 {strides = array<i32>} : memref<32x1024xf32, #tpu.memory_space<vmem>>, vector<16xf32>,
      %swap3A_664 = arith.index_cast %scan3A_26 : i32 to index
      %swap3A_665 = arith.constant 816 : index
      %swap3A_666 = tpu.vector_load %arg7[%swap3A_664, %swap3A_665] {strides = array<i32>} : memref<32x1024xf32, #tpu.memory_space<vmem>>, vector<16xf32>,
      tpu.vector_store %arg7[%swap3A_664, %swap3A_665], %add3A_660 {strides = array<i32>} : memref<32x1024xf32, #tpu.memory_space<vmem>>, vector<16xf32>,
      %get3A_667 = arith.index_cast %mul3A_31 : i32 to index
      %get3A_668 = arith.constant 320 : index
      %get3A_669 = tpu.vector_load %arg6[%get3A_667, %get3A_668] {strides = array<i32>} : memref<128x512xi32, #tpu.memory_space<vmem>>, vector<16xi32>,
      %add3A_670 = arith.constant 1 : i32
      %add3A_671 = arith.addi %mul3A_31, %add3A_670 : i32
      %get3A_672 = arith.index_cast %add3A_671 : i32 to index
      %get3A_673 = arith.constant 320 : index
      %get3A_674 = tpu.vector_load %arg6[%get3A_672, %get3A_673] {strides = array<i32>} : memref<128x512xi32, #tpu.memory_space<vmem>>, vector<16xi32>,
      %shift_left3A_675 = arith.constant 16 : i32
      %shift_left3A_676 = vector.broadcast %shift_left3A_675 : i32 to vector<16xi32>
      %shift_left3A_677 = arith.shli %get3A_669, %shift_left3A_676 : vector<16xi32>
      %bitcast3A_678 = vector.bitcast %shift_left3A_677 : vector<16xi32> to vector<16xf32>
      %shift_left3A_679 = arith.constant 16 : i32
      %shift_left3A_680 = vector.broadcast %shift_left3A_679 : i32 to vector<16xi32>
      %shift_left3A_681 = arith.shli %get3A_674, %shift_left3A_680 : vector<16xi32>
      %bitcast3A_682 = vector.bitcast %shift_left3A_681 : vector<16xi32> to vector<16xf32>
      %add3A_683 = arith.addf %bitcast3A_678, %bitcast3A_682 : vector<16xf32>
      %and3A_684 = arith.constant -65536 : i32
      %and3A_685 = vector.broadcast %and3A_684 : i32 to vector<16xi32>
      %and3A_686 = arith.andi %get3A_669, %and3A_685 : vector<16xi32>
      %bitcast3A_687 = vector.bitcast %and3A_686 : vector<16xi32> to vector<16xf32>
      %and3A_688 = arith.constant -65536 : i32
      %and3A_689 = vector.broadcast %and3A_688 : i32 to vector<16xi32>
      %and3A_690 = arith.andi %get3A_674, %and3A_689 : vector<16xi32>
      %bitcast3A_691 = vector.bitcast %and3A_690 : vector<16xi32> to vector<16xf32>
      %add3A_692 = arith.addf %bitcast3A_687, %bitcast3A_691 : vector<16xf32>
      %swap3A_693 = arith.index_cast %scan3A_26 : i32 to index
      %swap3A_694 = arith.constant 320 : index
      %swap3A_695 = tpu.vector_load %arg7[%swap3A_693, %swap3A_694] {strides = array<i32>} : memref<32x1024xf32, #tpu.memory_space<vmem>>, vector<16xf32>,
      tpu.vector_store %arg7[%swap3A_693, %swap3A_694], %add3A_683 {strides = array<i32>} : memref<32x1024xf32, #tpu.memory_space<vmem>>, vector<16xf32>,
      %swap3A_696 = arith.index_cast %scan3A_26 : i32 to index
      %swap3A_697 = arith.constant 832 : index
      %swap3A_698 = tpu.vector_load %arg7[%swap3A_696, %swap3A_697] {strides = array<i32>} : memref<32x1024xf32, #tpu.memory_space<vmem>>, vector<16xf32>,
      tpu.vector_store %arg7[%swap3A_696, %swap3A_697], %add3A_692 {strides = array<i32>} : memref<32x1024xf32, #tpu.memory_space<vmem>>, vector<16xf32>,
      %get3A_699 = arith.index_cast %mul3A_31 : i32 to index
      %get3A_700 = arith.constant 336 : index
      %get3A_701 = tpu.vector_load %arg6[%get3A_699, %get3A_700] {strides = array<i32>} : memref<128x512xi32, #tpu.memory_space<vmem>>, vector<16xi32>,
      %add3A_702 = arith.constant 1 : i32
      %add3A_703 = arith.addi %mul3A_31, %add3A_702 : i32
      %get3A_704 = arith.index_cast %add3A_703 : i32 to index
      %get3A_705 = arith.constant 336 : index
      %get3A_706 = tpu.vector_load %arg6[%get3A_704, %get3A_705] {strides = array<i32>} : memref<128x512xi32, #tpu.memory_space<vmem>>, vector<16xi32>,
      %shift_left3A_707 = arith.constant 16 : i32
      %shift_left3A_708 = vector.broadcast %shift_left3A_707 : i32 to vector<16xi32>
      %shift_left3A_709 = arith.shli %get3A_701, %shift_left3A_708 : vector<16xi32>
      %bitcast3A_710 = vector.bitcast %shift_left3A_709 : vector<16xi32> to vector<16xf32>
      %shift_left3A_711 = arith.constant 16 : i32
      %shift_left3A_712 = vector.broadcast %shift_left3A_711 : i32 to vector<16xi32>
      %shift_left3A_713 = arith.shli %get3A_706, %shift_left3A_712 : vector<16xi32>
      %bitcast3A_714 = vector.bitcast %shift_left3A_713 : vector<16xi32> to vector<16xf32>
      %add3A_715 = arith.addf %bitcast3A_710, %bitcast3A_714 : vector<16xf32>
      %and3A_716 = arith.constant -65536 : i32
      %and3A_717 = vector.broadcast %and3A_716 : i32 to vector<16xi32>
      %and3A_718 = arith.andi %get3A_701, %and3A_717 : vector<16xi32>
      %bitcast3A_719 = vector.bitcast %and3A_718 : vector<16xi32> to vector<16xf32>
      %and3A_720 = arith.constant -65536 : i32
      %and3A_721 = vector.broadcast %and3A_720 : i32 to vector<16xi32>
      %and3A_722 = arith.andi %get3A_706, %and3A_721 : vector<16xi32>
      %bitcast3A_723 = vector.bitcast %and3A_722 : vector<16xi32> to vector<16xf32>
      %add3A_724 = arith.addf %bitcast3A_719, %bitcast3A_723 : vector<16xf32>
      %swap3A_725 = arith.index_cast %scan3A_26 : i32 to index
      %swap3A_726 = arith.constant 336 : index
      %swap3A_727 = tpu.vector_load %arg7[%swap3A_725, %swap3A_726] {strides = array<i32>} : memref<32x1024xf32, #tpu.memory_space<vmem>>, vector<16xf32>,
      tpu.vector_store %arg7[%swap3A_725, %swap3A_726], %add3A_715 {strides = array<i32>} : memref<32x1024xf32, #tpu.memory_space<vmem>>, vector<16xf32>,
      %swap3A_728 = arith.index_cast %scan3A_26 : i32 to index
      %swap3A_729 = arith.constant 848 : index
      %swap3A_730 = tpu.vector_load %arg7[%swap3A_728, %swap3A_729] {strides = array<i32>} : memref<32x1024xf32, #tpu.memory_space<vmem>>, vector<16xf32>,
      tpu.vector_store %arg7[%swap3A_728, %swap3A_729], %add3A_724 {strides = array<i32>} : memref<32x1024xf32, #tpu.memory_space<vmem>>, vector<16xf32>,
      %get3A_731 = arith.index_cast %mul3A_31 : i32 to index
      %get3A_732 = arith.constant 352 : index
      %get3A_733 = tpu.vector_load %arg6[%get3A_731, %get3A_732] {strides = array<i32>} : memref<128x512xi32, #tpu.memory_space<vmem>>, vector<16xi32>,
      %add3A_734 = arith.constant 1 : i32
      %add3A_735 = arith.addi %mul3A_31, %add3A_734 : i32
      %get3A_736 = arith.index_cast %add3A_735 : i32 to index
      %get3A_737 = arith.constant 352 : index
      %get3A_738 = tpu.vector_load %arg6[%get3A_736, %get3A_737] {strides = array<i32>} : memref<128x512xi32, #tpu.memory_space<vmem>>, vector<16xi32>,
      %shift_left3A_739 = arith.constant 16 : i32
      %shift_left3A_740 = vector.broadcast %shift_left3A_739 : i32 to vector<16xi32>
      %shift_left3A_741 = arith.shli %get3A_733, %shift_left3A_740 : vector<16xi32>
      %bitcast3A_742 = vector.bitcast %shift_left3A_741 : vector<16xi32> to vector<16xf32>
      %shift_left3A_743 = arith.constant 16 : i32
      %shift_left3A_744 = vector.broadcast %shift_left3A_743 : i32 to vector<16xi32>
      %shift_left3A_745 = arith.shli %get3A_738, %shift_left3A_744 : vector<16xi32>
      %bitcast3A_746 = vector.bitcast %shift_left3A_745 : vector<16xi32> to vector<16xf32>
      %add3A_747 = arith.addf %bitcast3A_742, %bitcast3A_746 : vector<16xf32>
      %and3A_748 = arith.constant -65536 : i32
      %and3A_749 = vector.broadcast %and3A_748 : i32 to vector<16xi32>
      %and3A_750 = arith.andi %get3A_733, %and3A_749 : vector<16xi32>
      %bitcast3A_751 = vector.bitcast %and3A_750 : vector<16xi32> to vector<16xf32>
      %and3A_752 = arith.constant -65536 : i32
      %and3A_753 = vector.broadcast %and3A_752 : i32 to vector<16xi32>
      %and3A_754 = arith.andi %get3A_738, %and3A_753 : vector<16xi32>
      %bitcast3A_755 = vector.bitcast %and3A_754 : vector<16xi32> to vector<16xf32>
      %add3A_756 = arith.addf %bitcast3A_751, %bitcast3A_755 : vector<16xf32>
      %swap3A_757 = arith.index_cast %scan3A_26 : i32 to index
      %swap3A_758 = arith.constant 352 : index
      %swap3A_759 = tpu.vector_load %arg7[%swap3A_757, %swap3A_758] {strides = array<i32>} : memref<32x1024xf32, #tpu.memory_space<vmem>>, vector<16xf32>,
      tpu.vector_store %arg7[%swap3A_757, %swap3A_758], %add3A_747 {strides = array<i32>} : memref<32x1024xf32, #tpu.memory_space<vmem>>, vector<16xf32>,
      %swap3A_760 = arith.index_cast %scan3A_26 : i32 to index
      %swap3A_761 = arith.constant 864 : index
      %swap3A_762 = tpu.vector_load %arg7[%swap3A_760, %swap3A_761] {strides = array<i32>} : memref<32x1024xf32, #tpu.memory_space<vmem>>, vector<16xf32>,
      tpu.vector_store %arg7[%swap3A_760, %swap3A_761], %add3A_756 {strides = array<i32>} : memref<32x1024xf32, #tpu.memory_space<vmem>>, vector<16xf32>,
      %get3A_763 = arith.index_cast %mul3A_31 : i32 to index
      %get3A_764 = arith.constant 368 : index
      %get3A_765 = tpu.vector_load %arg6[%get3A_763, %get3A_764] {strides = array<i32>} : memref<128x512xi32, #tpu.memory_space<vmem>>, vector<16xi32>,
      %add3A_766 = arith.constant 1 : i32
      %add3A_767 = arith.addi %mul3A_31, %add3A_766 : i32
      %get3A_768 = arith.index_cast %add3A_767 : i32 to index
      %get3A_769 = arith.constant 368 : index
      %get3A_770 = tpu.vector_load %arg6[%get3A_768, %get3A_769] {strides = array<i32>} : memref<128x512xi32, #tpu.memory_space<vmem>>, vector<16xi32>,
      %shift_left3A_771 = arith.constant 16 : i32
      %shift_left3A_772 = vector.broadcast %shift_left3A_771 : i32 to vector<16xi32>
      %shift_left3A_773 = arith.shli %get3A_765, %shift_left3A_772 : vector<16xi32>
      %bitcast3A_774 = vector.bitcast %shift_left3A_773 : vector<16xi32> to vector<16xf32>
      %shift_left3A_775 = arith.constant 16 : i32
      %shift_left3A_776 = vector.broadcast %shift_left3A_775 : i32 to vector<16xi32>
      %shift_left3A_777 = arith.shli %get3A_770, %shift_left3A_776 : vector<16xi32>
      %bitcast3A_778 = vector.bitcast %shift_left3A_777 : vector<16xi32> to vector<16xf32>
      %add3A_779 = arith.addf %bitcast3A_774, %bitcast3A_778 : vector<16xf32>
      %and3A_780 = arith.constant -65536 : i32
      %and3A_781 = vector.broadcast %and3A_780 : i32 to vector<16xi32>
      %and3A_782 = arith.andi %get3A_765, %and3A_781 : vector<16xi32>
      %bitcast3A_783 = vector.bitcast %and3A_782 : vector<16xi32> to vector<16xf32>
      %and3A_784 = arith.constant -65536 : i32
      %and3A_785 = vector.broadcast %and3A_784 : i32 to vector<16xi32>
      %and3A_786 = arith.andi %get3A_770, %and3A_785 : vector<16xi32>
      %bitcast3A_787 = vector.bitcast %and3A_786 : vector<16xi32> to vector<16xf32>
      %add3A_788 = arith.addf %bitcast3A_783, %bitcast3A_787 : vector<16xf32>
      %swap3A_789 = arith.index_cast %scan3A_26 : i32 to index
      %swap3A_790 = arith.constant 368 : index
      %swap3A_791 = tpu.vector_load %arg7[%swap3A_789, %swap3A_790] {strides = array<i32>} : memref<32x1024xf32, #tpu.memory_space<vmem>>, vector<16xf32>,
      tpu.vector_store %arg7[%swap3A_789, %swap3A_790], %add3A_779 {strides = array<i32>} : memref<32x1024xf32, #tpu.memory_space<vmem>>, vector<16xf32>,
      %swap3A_792 = arith.index_cast %scan3A_26 : i32 to index
      %swap3A_793 = arith.constant 880 : index
      %swap3A_794 = tpu.vector_load %arg7[%swap3A_792, %swap3A_793] {strides = array<i32>} : memref<32x1024xf32, #tpu.memory_space<vmem>>, vector<16xf32>,
      tpu.vector_store %arg7[%swap3A_792, %swap3A_793], %add3A_788 {strides = array<i32>} : memref<32x1024xf32, #tpu.memory_space<vmem>>, vector<16xf32>,
      %get3A_795 = arith.index_cast %mul3A_31 : i32 to index
      %get3A_796 = arith.constant 384 : index
      %get3A_797 = tpu.vector_load %arg6[%get3A_795, %get3A_796] {strides = array<i32>} : memref<128x512xi32, #tpu.memory_space<vmem>>, vector<16xi32>,
      %add3A_798 = arith.constant 1 : i32
      %add3A_799 = arith.addi %mul3A_31, %add3A_798 : i32
      %get3A_800 = arith.index_cast %add3A_799 : i32 to index
      %get3A_801 = arith.constant 384 : index
      %get3A_802 = tpu.vector_load %arg6[%get3A_800, %get3A_801] {strides = array<i32>} : memref<128x512xi32, #tpu.memory_space<vmem>>, vector<16xi32>,
      %shift_left3A_803 = arith.constant 16 : i32
      %shift_left3A_804 = vector.broadcast %shift_left3A_803 : i32 to vector<16xi32>
      %shift_left3A_805 = arith.shli %get3A_797, %shift_left3A_804 : vector<16xi32>
      %bitcast3A_806 = vector.bitcast %shift_left3A_805 : vector<16xi32> to vector<16xf32>
      %shift_left3A_807 = arith.constant 16 : i32
      %shift_left3A_808 = vector.broadcast %shift_left3A_807 : i32 to vector<16xi32>
      %shift_left3A_809 = arith.shli %get3A_802, %shift_left3A_808 : vector<16xi32>
      %bitcast3A_810 = vector.bitcast %shift_left3A_809 : vector<16xi32> to vector<16xf32>
      %add3A_811 = arith.addf %bitcast3A_806, %bitcast3A_810 : vector<16xf32>
      %and3A_812 = arith.constant -65536 : i32
      %and3A_813 = vector.broadcast %and3A_812 : i32 to vector<16xi32>
      %and3A_814 = arith.andi %get3A_797, %and3A_813 : vector<16xi32>
      %bitcast3A_815 = vector.bitcast %and3A_814 : vector<16xi32> to vector<16xf32>
      %and3A_816 = arith.constant -65536 : i32
      %and3A_817 = vector.broadcast %and3A_816 : i32 to vector<16xi32>
      %and3A_818 = arith.andi %get3A_802, %and3A_817 : vector<16xi32>
      %bitcast3A_819 = vector.bitcast %and3A_818 : vector<16xi32> to vector<16xf32>
      %add3A_820 = arith.addf %bitcast3A_815, %bitcast3A_819 : vector<16xf32>
      %swap3A_821 = arith.index_cast %scan3A_26 : i32 to index
      %swap3A_822 = arith.constant 384 : index
      %swap3A_823 = tpu.vector_load %arg7[%swap3A_821, %swap3A_822] {strides = array<i32>} : memref<32x1024xf32, #tpu.memory_space<vmem>>, vector<16xf32>,
      tpu.vector_store %arg7[%swap3A_821, %swap3A_822], %add3A_811 {strides = array<i32>} : memref<32x1024xf32, #tpu.memory_space<vmem>>, vector<16xf32>,
      %swap3A_824 = arith.index_cast %scan3A_26 : i32 to index
      %swap3A_825 = arith.constant 896 : index
      %swap3A_826 = tpu.vector_load %arg7[%swap3A_824, %swap3A_825] {strides = array<i32>} : memref<32x1024xf32, #tpu.memory_space<vmem>>, vector<16xf32>,
      tpu.vector_store %arg7[%swap3A_824, %swap3A_825], %add3A_820 {strides = array<i32>} : memref<32x1024xf32, #tpu.memory_space<vmem>>, vector<16xf32>,
      %get3A_827 = arith.index_cast %mul3A_31 : i32 to index
      %get3A_828 = arith.constant 400 : index
      %get3A_829 = tpu.vector_load %arg6[%get3A_827, %get3A_828] {strides = array<i32>} : memref<128x512xi32, #tpu.memory_space<vmem>>, vector<16xi32>,
      %add3A_830 = arith.constant 1 : i32
      %add3A_831 = arith.addi %mul3A_31, %add3A_830 : i32
      %get3A_832 = arith.index_cast %add3A_831 : i32 to index
      %get3A_833 = arith.constant 400 : index
      %get3A_834 = tpu.vector_load %arg6[%get3A_832, %get3A_833] {strides = array<i32>} : memref<128x512xi32, #tpu.memory_space<vmem>>, vector<16xi32>,
      %shift_left3A_835 = arith.constant 16 : i32
      %shift_left3A_836 = vector.broadcast %shift_left3A_835 : i32 to vector<16xi32>
      %shift_left3A_837 = arith.shli %get3A_829, %shift_left3A_836 : vector<16xi32>
      %bitcast3A_838 = vector.bitcast %shift_left3A_837 : vector<16xi32> to vector<16xf32>
      %shift_left3A_839 = arith.constant 16 : i32
      %shift_left3A_840 = vector.broadcast %shift_left3A_839 : i32 to vector<16xi32>
      %shift_left3A_841 = arith.shli %get3A_834, %shift_left3A_840 : vector<16xi32>
      %bitcast3A_842 = vector.bitcast %shift_left3A_841 : vector<16xi32> to vector<16xf32>
      %add3A_843 = arith.addf %bitcast3A_838, %bitcast3A_842 : vector<16xf32>
      %and3A_844 = arith.constant -65536 : i32
      %and3A_845 = vector.broadcast %and3A_844 : i32 to vector<16xi32>
      %and3A_846 = arith.andi %get3A_829, %and3A_845 : vector<16xi32>
      %bitcast3A_847 = vector.bitcast %and3A_846 : vector<16xi32> to vector<16xf32>
      %and3A_848 = arith.constant -65536 : i32
      %and3A_849 = vector.broadcast %and3A_848 : i32 to vector<16xi32>
      %and3A_850 = arith.andi %get3A_834, %and3A_849 : vector<16xi32>
      %bitcast3A_851 = vector.bitcast %and3A_850 : vector<16xi32> to vector<16xf32>
      %add3A_852 = arith.addf %bitcast3A_847, %bitcast3A_851 : vector<16xf32>
      %swap3A_853 = arith.index_cast %scan3A_26 : i32 to index
      %swap3A_854 = arith.constant 400 : index
      %swap3A_855 = tpu.vector_load %arg7[%swap3A_853, %swap3A_854] {strides = array<i32>} : memref<32x1024xf32, #tpu.memory_space<vmem>>, vector<16xf32>,
      tpu.vector_store %arg7[%swap3A_853, %swap3A_854], %add3A_843 {strides = array<i32>} : memref<32x1024xf32, #tpu.memory_space<vmem>>, vector<16xf32>,
      %swap3A_856 = arith.index_cast %scan3A_26 : i32 to index
      %swap3A_857 = arith.constant 912 : index
      %swap3A_858 = tpu.vector_load %arg7[%swap3A_856, %swap3A_857] {strides = array<i32>} : memref<32x1024xf32, #tpu.memory_space<vmem>>, vector<16xf32>,
      tpu.vector_store %arg7[%swap3A_856, %swap3A_857], %add3A_852 {strides = array<i32>} : memref<32x1024xf32, #tpu.memory_space<vmem>>, vector<16xf32>,
      %get3A_859 = arith.index_cast %mul3A_31 : i32 to index
      %get3A_860 = arith.constant 416 : index
      %get3A_861 = tpu.vector_load %arg6[%get3A_859, %get3A_860] {strides = array<i32>} : memref<128x512xi32, #tpu.memory_space<vmem>>, vector<16xi32>,
      %add3A_862 = arith.constant 1 : i32
      %add3A_863 = arith.addi %mul3A_31, %add3A_862 : i32
      %get3A_864 = arith.index_cast %add3A_863 : i32 to index
      %get3A_865 = arith.constant 416 : index
      %get3A_866 = tpu.vector_load %arg6[%get3A_864, %get3A_865] {strides = array<i32>} : memref<128x512xi32, #tpu.memory_space<vmem>>, vector<16xi32>,
      %shift_left3A_867 = arith.constant 16 : i32
      %shift_left3A_868 = vector.broadcast %shift_left3A_867 : i32 to vector<16xi32>
      %shift_left3A_869 = arith.shli %get3A_861, %shift_left3A_868 : vector<16xi32>
      %bitcast3A_870 = vector.bitcast %shift_left3A_869 : vector<16xi32> to vector<16xf32>
      %shift_left3A_871 = arith.constant 16 : i32
      %shift_left3A_872 = vector.broadcast %shift_left3A_871 : i32 to vector<16xi32>
      %shift_left3A_873 = arith.shli %get3A_866, %shift_left3A_872 : vector<16xi32>
      %bitcast3A_874 = vector.bitcast %shift_left3A_873 : vector<16xi32> to vector<16xf32>
      %add3A_875 = arith.addf %bitcast3A_870, %bitcast3A_874 : vector<16xf32>
      %and3A_876 = arith.constant -65536 : i32
      %and3A_877 = vector.broadcast %and3A_876 : i32 to vector<16xi32>
      %and3A_878 = arith.andi %get3A_861, %and3A_877 : vector<16xi32>
      %bitcast3A_879 = vector.bitcast %and3A_878 : vector<16xi32> to vector<16xf32>
      %and3A_880 = arith.constant -65536 : i32
      %and3A_881 = vector.broadcast %and3A_880 : i32 to vector<16xi32>
      %and3A_882 = arith.andi %get3A_866, %and3A_881 : vector<16xi32>
      %bitcast3A_883 = vector.bitcast %and3A_882 : vector<16xi32> to vector<16xf32>
      %add3A_884 = arith.addf %bitcast3A_879, %bitcast3A_883 : vector<16xf32>
      %swap3A_885 = arith.index_cast %scan3A_26 : i32 to index
      %swap3A_886 = arith.constant 416 : index
      %swap3A_887 = tpu.vector_load %arg7[%swap3A_885, %swap3A_886] {strides = array<i32>} : memref<32x1024xf32, #tpu.memory_space<vmem>>, vector<16xf32>,
      tpu.vector_store %arg7[%swap3A_885, %swap3A_886], %add3A_875 {strides = array<i32>} : memref<32x1024xf32, #tpu.memory_space<vmem>>, vector<16xf32>,
      %swap3A_888 = arith.index_cast %scan3A_26 : i32 to index
      %swap3A_889 = arith.constant 928 : index
      %swap3A_890 = tpu.vector_load %arg7[%swap3A_888, %swap3A_889] {strides = array<i32>} : memref<32x1024xf32, #tpu.memory_space<vmem>>, vector<16xf32>,
      tpu.vector_store %arg7[%swap3A_888, %swap3A_889], %add3A_884 {strides = array<i32>} : memref<32x1024xf32, #tpu.memory_space<vmem>>, vector<16xf32>,
      %get3A_891 = arith.index_cast %mul3A_31 : i32 to index
      %get3A_892 = arith.constant 432 : index
      %get3A_893 = tpu.vector_load %arg6[%get3A_891, %get3A_892] {strides = array<i32>} : memref<128x512xi32, #tpu.memory_space<vmem>>, vector<16xi32>,
      %add3A_894 = arith.constant 1 : i32
      %add3A_895 = arith.addi %mul3A_31, %add3A_894 : i32
      %get3A_896 = arith.index_cast %add3A_895 : i32 to index
      %get3A_897 = arith.constant 432 : index
      %get3A_898 = tpu.vector_load %arg6[%get3A_896, %get3A_897] {strides = array<i32>} : memref<128x512xi32, #tpu.memory_space<vmem>>, vector<16xi32>,
      %shift_left3A_899 = arith.constant 16 : i32
      %shift_left3A_900 = vector.broadcast %shift_left3A_899 : i32 to vector<16xi32>
      %shift_left3A_901 = arith.shli %get3A_893, %shift_left3A_900 : vector<16xi32>
      %bitcast3A_902 = vector.bitcast %shift_left3A_901 : vector<16xi32> to vector<16xf32>
      %shift_left3A_903 = arith.constant 16 : i32
      %shift_left3A_904 = vector.broadcast %shift_left3A_903 : i32 to vector<16xi32>
      %shift_left3A_905 = arith.shli %get3A_898, %shift_left3A_904 : vector<16xi32>
      %bitcast3A_906 = vector.bitcast %shift_left3A_905 : vector<16xi32> to vector<16xf32>
      %add3A_907 = arith.addf %bitcast3A_902, %bitcast3A_906 : vector<16xf32>
      %and3A_908 = arith.constant -65536 : i32
      %and3A_909 = vector.broadcast %and3A_908 : i32 to vector<16xi32>
      %and3A_910 = arith.andi %get3A_893, %and3A_909 : vector<16xi32>
      %bitcast3A_911 = vector.bitcast %and3A_910 : vector<16xi32> to vector<16xf32>
      %and3A_912 = arith.constant -65536 : i32
      %and3A_913 = vector.broadcast %and3A_912 : i32 to vector<16xi32>
      %and3A_914 = arith.andi %get3A_898, %and3A_913 : vector<16xi32>
      %bitcast3A_915 = vector.bitcast %and3A_914 : vector<16xi32> to vector<16xf32>
      %add3A_916 = arith.addf %bitcast3A_911, %bitcast3A_915 : vector<16xf32>
      %swap3A_917 = arith.index_cast %scan3A_26 : i32 to index
      %swap3A_918 = arith.constant 432 : index
      %swap3A_919 = tpu.vector_load %arg7[%swap3A_917, %swap3A_918] {strides = array<i32>} : memref<32x1024xf32, #tpu.memory_space<vmem>>, vector<16xf32>,
      tpu.vector_store %arg7[%swap3A_917, %swap3A_918], %add3A_907 {strides = array<i32>} : memref<32x1024xf32, #tpu.memory_space<vmem>>, vector<16xf32>,
      %swap3A_920 = arith.index_cast %scan3A_26 : i32 to index
      %swap3A_921 = arith.constant 944 : index
      %swap3A_922 = tpu.vector_load %arg7[%swap3A_920, %swap3A_921] {strides = array<i32>} : memref<32x1024xf32, #tpu.memory_space<vmem>>, vector<16xf32>,
      tpu.vector_store %arg7[%swap3A_920, %swap3A_921], %add3A_916 {strides = array<i32>} : memref<32x1024xf32, #tpu.memory_space<vmem>>, vector<16xf32>,
      %get3A_923 = arith.index_cast %mul3A_31 : i32 to index
      %get3A_924 = arith.constant 448 : index
      %get3A_925 = tpu.vector_load %arg6[%get3A_923, %get3A_924] {strides = array<i32>} : memref<128x512xi32, #tpu.memory_space<vmem>>, vector<16xi32>,
      %add3A_926 = arith.constant 1 : i32
      %add3A_927 = arith.addi %mul3A_31, %add3A_926 : i32
      %get3A_928 = arith.index_cast %add3A_927 : i32 to index
      %get3A_929 = arith.constant 448 : index
      %get3A_930 = tpu.vector_load %arg6[%get3A_928, %get3A_929] {strides = array<i32>} : memref<128x512xi32, #tpu.memory_space<vmem>>, vector<16xi32>,
      %shift_left3A_931 = arith.constant 16 : i32
      %shift_left3A_932 = vector.broadcast %shift_left3A_931 : i32 to vector<16xi32>
      %shift_left3A_933 = arith.shli %get3A_925, %shift_left3A_932 : vector<16xi32>
      %bitcast3A_934 = vector.bitcast %shift_left3A_933 : vector<16xi32> to vector<16xf32>
      %shift_left3A_935 = arith.constant 16 : i32
      %shift_left3A_936 = vector.broadcast %shift_left3A_935 : i32 to vector<16xi32>
      %shift_left3A_937 = arith.shli %get3A_930, %shift_left3A_936 : vector<16xi32>
      %bitcast3A_938 = vector.bitcast %shift_left3A_937 : vector<16xi32> to vector<16xf32>
      %add3A_939 = arith.addf %bitcast3A_934, %bitcast3A_938 : vector<16xf32>
      %and3A_940 = arith.constant -65536 : i32
      %and3A_941 = vector.broadcast %and3A_940 : i32 to vector<16xi32>
      %and3A_942 = arith.andi %get3A_925, %and3A_941 : vector<16xi32>
      %bitcast3A_943 = vector.bitcast %and3A_942 : vector<16xi32> to vector<16xf32>
      %and3A_944 = arith.constant -65536 : i32
      %and3A_945 = vector.broadcast %and3A_944 : i32 to vector<16xi32>
      %and3A_946 = arith.andi %get3A_930, %and3A_945 : vector<16xi32>
      %bitcast3A_947 = vector.bitcast %and3A_946 : vector<16xi32> to vector<16xf32>
      %add3A_948 = arith.addf %bitcast3A_943, %bitcast3A_947 : vector<16xf32>
      %swap3A_949 = arith.index_cast %scan3A_26 : i32 to index
      %swap3A_950 = arith.constant 448 : index
      %swap3A_951 = tpu.vector_load %arg7[%swap3A_949, %swap3A_950] {strides = array<i32>} : memref<32x1024xf32, #tpu.memory_space<vmem>>, vector<16xf32>,
      tpu.vector_store %arg7[%swap3A_949, %swap3A_950], %add3A_939 {strides = array<i32>} : memref<32x1024xf32, #tpu.memory_space<vmem>>, vector<16xf32>,
      %swap3A_952 = arith.index_cast %scan3A_26 : i32 to index
      %swap3A_953 = arith.constant 960 : index
      %swap3A_954 = tpu.vector_load %arg7[%swap3A_952, %swap3A_953] {strides = array<i32>} : memref<32x1024xf32, #tpu.memory_space<vmem>>, vector<16xf32>,
      tpu.vector_store %arg7[%swap3A_952, %swap3A_953], %add3A_948 {strides = array<i32>} : memref<32x1024xf32, #tpu.memory_space<vmem>>, vector<16xf32>,
      %get3A_955 = arith.index_cast %mul3A_31 : i32 to index
      %get3A_956 = arith.constant 464 : index
      %get3A_957 = tpu.vector_load %arg6[%get3A_955, %get3A_956] {strides = array<i32>} : memref<128x512xi32, #tpu.memory_space<vmem>>, vector<16xi32>,
      %add3A_958 = arith.constant 1 : i32
      %add3A_959 = arith.addi %mul3A_31, %add3A_958 : i32
      %get3A_960 = arith.index_cast %add3A_959 : i32 to index
      %get3A_961 = arith.constant 464 : index
      %get3A_962 = tpu.vector_load %arg6[%get3A_960, %get3A_961] {strides = array<i32>} : memref<128x512xi32, #tpu.memory_space<vmem>>, vector<16xi32>,
      %shift_left3A_963 = arith.constant 16 : i32
      %shift_left3A_964 = vector.broadcast %shift_left3A_963 : i32 to vector<16xi32>
      %shift_left3A_965 = arith.shli %get3A_957, %shift_left3A_964 : vector<16xi32>
      %bitcast3A_966 = vector.bitcast %shift_left3A_965 : vector<16xi32> to vector<16xf32>
      %shift_left3A_967 = arith.constant 16 : i32
      %shift_left3A_968 = vector.broadcast %shift_left3A_967 : i32 to vector<16xi32>
      %shift_left3A_969 = arith.shli %get3A_962, %shift_left3A_968 : vector<16xi32>
      %bitcast3A_970 = vector.bitcast %shift_left3A_969 : vector<16xi32> to vector<16xf32>
      %add3A_971 = arith.addf %bitcast3A_966, %bitcast3A_970 : vector<16xf32>
      %and3A_972 = arith.constant -65536 : i32
      %and3A_973 = vector.broadcast %and3A_972 : i32 to vector<16xi32>
      %and3A_974 = arith.andi %get3A_957, %and3A_973 : vector<16xi32>
      %bitcast3A_975 = vector.bitcast %and3A_974 : vector<16xi32> to vector<16xf32>
      %and3A_976 = arith.constant -65536 : i32
      %and3A_977 = vector.broadcast %and3A_976 : i32 to vector<16xi32>
      %and3A_978 = arith.andi %get3A_962, %and3A_977 : vector<16xi32>
      %bitcast3A_979 = vector.bitcast %and3A_978 : vector<16xi32> to vector<16xf32>
      %add3A_980 = arith.addf %bitcast3A_975, %bitcast3A_979 : vector<16xf32>
      %swap3A_981 = arith.index_cast %scan3A_26 : i32 to index
      %swap3A_982 = arith.constant 464 : index
      %swap3A_983 = tpu.vector_load %arg7[%swap3A_981, %swap3A_982] {strides = array<i32>} : memref<32x1024xf32, #tpu.memory_space<vmem>>, vector<16xf32>,
      tpu.vector_store %arg7[%swap3A_981, %swap3A_982], %add3A_971 {strides = array<i32>} : memref<32x1024xf32, #tpu.memory_space<vmem>>, vector<16xf32>,
      %swap3A_984 = arith.index_cast %scan3A_26 : i32 to index
      %swap3A_985 = arith.constant 976 : index
      %swap3A_986 = tpu.vector_load %arg7[%swap3A_984, %swap3A_985] {strides = array<i32>} : memref<32x1024xf32, #tpu.memory_space<vmem>>, vector<16xf32>,
      tpu.vector_store %arg7[%swap3A_984, %swap3A_985], %add3A_980 {strides = array<i32>} : memref<32x1024xf32, #tpu.memory_space<vmem>>, vector<16xf32>,
      %get3A_987 = arith.index_cast %mul3A_31 : i32 to index
      %get3A_988 = arith.constant 480 : index
      %get3A_989 = tpu.vector_load %arg6[%get3A_987, %get3A_988] {strides = array<i32>} : memref<128x512xi32, #tpu.memory_space<vmem>>, vector<16xi32>,
      %add3A_990 = arith.constant 1 : i32
      %add3A_991 = arith.addi %mul3A_31, %add3A_990 : i32
      %get3A_992 = arith.index_cast %add3A_991 : i32 to index
      %get3A_993 = arith.constant 480 : index
      %get3A_994 = tpu.vector_load %arg6[%get3A_992, %get3A_993] {strides = array<i32>} : memref<128x512xi32, #tpu.memory_space<vmem>>, vector<16xi32>,
      %shift_left3A_995 = arith.constant 16 : i32
      %shift_left3A_996 = vector.broadcast %shift_left3A_995 : i32 to vector<16xi32>
      %shift_left3A_997 = arith.shli %get3A_989, %shift_left3A_996 : vector<16xi32>
      %bitcast3A_998 = vector.bitcast %shift_left3A_997 : vector<16xi32> to vector<16xf32>
      %shift_left3A_999 = arith.constant 16 : i32
      %shift_left3A_1000 = vector.broadcast %shift_left3A_999 : i32 to vector<16xi32>
      %shift_left3A_1001 = arith.shli %get3A_994, %shift_left3A_1000 : vector<16xi32>
      %bitcast3A_1002 = vector.bitcast %shift_left3A_1001 : vector<16xi32> to vector<16xf32>
      %add3A_1003 = arith.addf %bitcast3A_998, %bitcast3A_1002 : vector<16xf32>
      %and3A_1004 = arith.constant -65536 : i32
      %and3A_1005 = vector.broadcast %and3A_1004 : i32 to vector<16xi32>
      %and3A_1006 = arith.andi %get3A_989, %and3A_1005 : vector<16xi32>
      %bitcast3A_1007 = vector.bitcast %and3A_1006 : vector<16xi32> to vector<16xf32>
      %and3A_1008 = arith.constant -65536 : i32
      %and3A_1009 = vector.broadcast %and3A_1008 : i32 to vector<16xi32>
      %and3A_1010 = arith.andi %get3A_994, %and3A_1009 : vector<16xi32>
      %bitcast3A_1011 = vector.bitcast %and3A_1010 : vector<16xi32> to vector<16xf32>
      %add3A_1012 = arith.addf %bitcast3A_1007, %bitcast3A_1011 : vector<16xf32>
      %swap3A_1013 = arith.index_cast %scan3A_26 : i32 to index
      %swap3A_1014 = arith.constant 480 : index
      %swap3A_1015 = tpu.vector_load %arg7[%swap3A_1013, %swap3A_1014] {strides = array<i32>} : memref<32x1024xf32, #tpu.memory_space<vmem>>, vector<16xf32>,
      tpu.vector_store %arg7[%swap3A_1013, %swap3A_1014], %add3A_1003 {strides = array<i32>} : memref<32x1024xf32, #tpu.memory_space<vmem>>, vector<16xf32>,
      %swap3A_1016 = arith.index_cast %scan3A_26 : i32 to index
      %swap3A_1017 = arith.constant 992 : index
      %swap3A_1018 = tpu.vector_load %arg7[%swap3A_1016, %swap3A_1017] {strides = array<i32>} : memref<32x1024xf32, #tpu.memory_space<vmem>>, vector<16xf32>,
      tpu.vector_store %arg7[%swap3A_1016, %swap3A_1017], %add3A_1012 {strides = array<i32>} : memref<32x1024xf32, #tpu.memory_space<vmem>>, vector<16xf32>,
      %get3A_1019 = arith.index_cast %mul3A_31 : i32 to index
      %get3A_1020 = arith.constant 496 : index
      %get3A_1021 = tpu.vector_load %arg6[%get3A_1019, %get3A_1020] {strides = array<i32>} : memref<128x512xi32, #tpu.memory_space<vmem>>, vector<16xi32>,
      %add3A_1022 = arith.constant 1 : i32
      %add3A_1023 = arith.addi %mul3A_31, %add3A_1022 : i32
      %get3A_1024 = arith.index_cast %add3A_1023 : i32 to index
      %get3A_1025 = arith.constant 496 : index
      %get3A_1026 = tpu.vector_load %arg6[%get3A_1024, %get3A_1025] {strides = array<i32>} : memref<128x512xi32, #tpu.memory_space<vmem>>, vector<16xi32>,
      %shift_left3A_1027 = arith.constant 16 : i32
      %shift_left3A_1028 = vector.broadcast %shift_left3A_1027 : i32 to vector<16xi32>
      %shift_left3A_1029 = arith.shli %get3A_1021, %shift_left3A_1028 : vector<16xi32>
      %bitcast3A_1030 = vector.bitcast %shift_left3A_1029 : vector<16xi32> to vector<16xf32>
      %shift_left3A_1031 = arith.constant 16 : i32
      %shift_left3A_1032 = vector.broadcast %shift_left3A_1031 : i32 to vector<16xi32>
      %shift_left3A_1033 = arith.shli %get3A_1026, %shift_left3A_1032 : vector<16xi32>
      %bitcast3A_1034 = vector.bitcast %shift_left3A_1033 : vector<16xi32> to vector<16xf32>
      %add3A_1035 = arith.addf %bitcast3A_1030, %bitcast3A_1034 : vector<16xf32>
      %and3A_1036 = arith.constant -65536 : i32
      %and3A_1037 = vector.broadcast %and3A_1036 : i32 to vector<16xi32>
      %and3A_1038 = arith.andi %get3A_1021, %and3A_1037 : vector<16xi32>
      %bitcast3A_1039 = vector.bitcast %and3A_1038 : vector<16xi32> to vector<16xf32>
      %and3A_1040 = arith.constant -65536 : i32
      %and3A_1041 = vector.broadcast %and3A_1040 : i32 to vector<16xi32>
      %and3A_1042 = arith.andi %get3A_1026, %and3A_1041 : vector<16xi32>
      %bitcast3A_1043 = vector.bitcast %and3A_1042 : vector<16xi32> to vector<16xf32>
      %add3A_1044 = arith.addf %bitcast3A_1039, %bitcast3A_1043 : vector<16xf32>
      %swap3A_1045 = arith.index_cast %scan3A_26 : i32 to index
      %swap3A_1046 = arith.constant 496 : index
      %swap3A_1047 = tpu.vector_load %arg7[%swap3A_1045, %swap3A_1046] {strides = array<i32>} : memref<32x1024xf32, #tpu.memory_space<vmem>>, vector<16xf32>,
      tpu.vector_store %arg7[%swap3A_1045, %swap3A_1046], %add3A_1035 {strides = array<i32>} : memref<32x1024xf32, #tpu.memory_space<vmem>>, vector<16xf32>,
      %swap3A_1048 = arith.index_cast %scan3A_26 : i32 to index
      %swap3A_1049 = arith.constant 1008 : index
      %swap3A_1050 = tpu.vector_load %arg7[%swap3A_1048, %swap3A_1049] {strides = array<i32>} : memref<32x1024xf32, #tpu.memory_space<vmem>>, vector<16xf32>,
      tpu.vector_store %arg7[%swap3A_1048, %swap3A_1049], %add3A_1044 {strides = array<i32>} : memref<32x1024xf32, #tpu.memory_space<vmem>>, vector<16xf32>,
      %scan3A_1051 = arith.constant 0 : i32
      scf.yield %scan3A_1051 : i32
    }
    %scan3A_23 = arith.constant 32 : i32
    %add3A_24 = arith.constant 32 : i32
    %add3A_25 = arith.addi %mul3A_2, %add3A_24 : i32
    "tpu.region"() ({
      %run_scoped3A = tpu.sem_alloc : memref<!tpu.dma_semaphore, #tpu.memory_space<semaphore_mem>>
      %dma_start3A_26 = arith.constant 0 : i32
      %dma_start3A_27 = tpu.memref_slice %arg4[%add3A_25, %dma_start3A_26] : memref<2048x1024xf32, #tpu.memory_space<hbm>> -> memref<32x1024xf32, #tpu.memory_space<hbm>>
      %dma_start3A_28 = arith.constant 0 : i32
      %dma_start3A_29 = tpu.memref_slice %arg4[%add3A_25, %dma_start3A_28] : memref<2048x1024xf32, #tpu.memory_space<hbm>> -> memref<32x1024xf32, #tpu.memory_space<hbm>>
      tpu.enqueue_dma source(%arg7 : memref<32x1024xf32, #tpu.memory_space<vmem>>) target(%dma_start3A_29 : memref<32x1024xf32, #tpu.memory_space<hbm>>) target_semaphore(%run_scoped3A : memref<!tpu.dma_semaphore, #tpu.memory_space<semaphore_mem>>)
      %dma_wait3A_30 = arith.constant 0 : i32
      %dma_wait3A_31 = tpu.memref_slice %arg4[%add3A_25, %dma_wait3A_30] : memref<2048x1024xf32, #tpu.memory_space<hbm>> -> memref<32x1024xf32, #tpu.memory_space<hbm>>
      %dma_wait3A_32 = arith.constant 0 : i32
      %dma_wait3A_33 = tpu.memref_slice %arg4[%add3A_25, %dma_wait3A_32] : memref<2048x1024xf32, #tpu.memory_space<hbm>> -> memref<32x1024xf32, #tpu.memory_space<hbm>>
      tpu.wait_dma2 semaphore(%run_scoped3A : memref<!tpu.dma_semaphore, #tpu.memory_space<semaphore_mem>>) src(%arg7 : memref<32x1024xf32, #tpu.memory_space<vmem>>) dst(%dma_wait3A_33 : memref<32x1024xf32, #tpu.memory_space<hbm>>)
      tpu.yield
    }) : () -> ()
    return
  }
}

#map = affine_map<(d0, d1) -> (0, 0)>
#map1 = affine_map<(d0, d1) -> (0)>
module attributes {stable_mosaic.version = 14 : i64} {
  func.func @_dispatch_body(%arg0: i32, %arg1: i32, %arg2: memref<2048x512xi32, #tpu.memory_space<hbm>>, %arg3: memref<4096xi32, #tpu.memory_space<hbm>>, %arg4: memref<4096xf32, #tpu.memory_space<hbm>>, %arg5: memref<6144x512xi32, #tpu.memory_space<hbm>>, %arg6: memref<6144xf32, #tpu.memory_space<hbm>>, %arg7: memref<4096xi32, #tpu.memory_space<vmem>>, %arg8: memref<4096xf32, #tpu.memory_space<vmem>>, %arg9: memref<192xi32, #tpu.memory_space<vmem>>, %arg10: memref<192xi32, #tpu.memory_space<vmem>>, %arg11: memref<192xf32, #tpu.memory_space<vmem>>, %arg12: memref<192x512xi32, #tpu.memory_space<vmem>>, %arg13: memref<!tpu.dma_semaphore, #tpu.memory_space<semaphore_mem>>) attributes {dimension_semantics = [#tpu.dimension_semantics<core_parallel>, #tpu.dimension_semantics<subcore_parallel>], iteration_bounds = array<i64: 2, 16>, scalar_prefetch = 0 : i64, scratch_operands = 7 : i64, tpu.core_type = #tpu.core_type<sc_vector_subcore>, window_params = [{transform_indices = #map}, {transform_indices = #map1}, {transform_indices = #map1}, {transform_indices = #map}, {transform_indices = #map1}]} {
    %mul3A = arith.constant 2 : i32
    %mul3A_0 = arith.muli %arg1, %mul3A : i32
    %add3A = arith.addi %mul3A_0, %arg0 : i32
    %mul3A_1 = arith.constant 192 : i32
    %mul3A_2 = arith.muli %add3A, %mul3A_1 : i32
    "tpu.region"() ({
      %run_scoped3A = tpu.sem_alloc : memref<!tpu.dma_semaphore, #tpu.memory_space<semaphore_mem>>
      tpu.enqueue_dma source(%arg3 : memref<4096xi32, #tpu.memory_space<hbm>>) target(%arg7 : memref<4096xi32, #tpu.memory_space<vmem>>) target_semaphore(%run_scoped3A : memref<!tpu.dma_semaphore, #tpu.memory_space<semaphore_mem>>)
      tpu.wait_dma2 semaphore(%run_scoped3A : memref<!tpu.dma_semaphore, #tpu.memory_space<semaphore_mem>>) src(%arg3 : memref<4096xi32, #tpu.memory_space<hbm>>) dst(%arg7 : memref<4096xi32, #tpu.memory_space<vmem>>)
      tpu.yield
    }) : () -> ()
    "tpu.region"() ({
      %run_scoped3A = tpu.sem_alloc : memref<!tpu.dma_semaphore, #tpu.memory_space<semaphore_mem>>
      tpu.enqueue_dma source(%arg4 : memref<4096xf32, #tpu.memory_space<hbm>>) target(%arg8 : memref<4096xf32, #tpu.memory_space<vmem>>) target_semaphore(%run_scoped3A : memref<!tpu.dma_semaphore, #tpu.memory_space<semaphore_mem>>)
      tpu.wait_dma2 semaphore(%run_scoped3A : memref<!tpu.dma_semaphore, #tpu.memory_space<semaphore_mem>>) src(%arg4 : memref<4096xf32, #tpu.memory_space<hbm>>) dst(%arg8 : memref<4096xf32, #tpu.memory_space<vmem>>)
      tpu.yield
    }) : () -> ()
    %add3A_3 = arith.constant 0 : i32
    %add3A_4 = arith.addi %mul3A_2, %add3A_3 : i32
    %iota3A = tpu.iota {dimensions = array<i32: 0>} : vector<16xi32>
    %add3A_5 = vector.broadcast %add3A_4 : i32 to vector<16xi32>
    %add3A_6 = arith.addi %add3A_5, %iota3A : vector<16xi32>
    %and3A = arith.constant 2047 : i32
    %and3A_7 = vector.broadcast %and3A : i32 to vector<16xi32>
    %and3A_8 = arith.andi %add3A_6, %and3A_7 : vector<16xi32>
    %swap3A = arith.constant 0 : index
    %swap3A_9 = tpu.vector_load %arg9[%swap3A] {strides = array<i32>} : memref<192xi32, #tpu.memory_space<vmem>>, vector<16xi32>,
    tpu.vector_store %arg9[%swap3A], %and3A_8 {strides = array<i32>} : memref<192xi32, #tpu.memory_space<vmem>>, vector<16xi32>,
    %broadcast_in_dim3A = arith.constant 0 : i32
    %broadcast_in_dim3A_10 = vector.broadcast %broadcast_in_dim3A : i32 to vector<16xi32>
    %swap3A_11 = arith.constant 0 : index
    %swap3A_12 = tpu.vector_load %arg10[%swap3A_11] {strides = array<i32>} : memref<192xi32, #tpu.memory_space<vmem>>, vector<16xi32>,
    tpu.vector_store %arg10[%swap3A_11], %broadcast_in_dim3A_10 {strides = array<i32>} : memref<192xi32, #tpu.memory_space<vmem>>, vector<16xi32>,
    %add3A_13 = arith.constant 16 : i32
    %add3A_14 = arith.addi %mul3A_2, %add3A_13 : i32
    %iota3A_15 = tpu.iota {dimensions = array<i32: 0>} : vector<16xi32>
    %add3A_16 = vector.broadcast %add3A_14 : i32 to vector<16xi32>
    %add3A_17 = arith.addi %add3A_16, %iota3A_15 : vector<16xi32>
    %and3A_18 = arith.constant 2047 : i32
    %and3A_19 = vector.broadcast %and3A_18 : i32 to vector<16xi32>
    %and3A_20 = arith.andi %add3A_17, %and3A_19 : vector<16xi32>
    %swap3A_21 = arith.constant 16 : index
    %swap3A_22 = tpu.vector_load %arg9[%swap3A_21] {strides = array<i32>} : memref<192xi32, #tpu.memory_space<vmem>>, vector<16xi32>,
    tpu.vector_store %arg9[%swap3A_21], %and3A_20 {strides = array<i32>} : memref<192xi32, #tpu.memory_space<vmem>>, vector<16xi32>,
    %broadcast_in_dim3A_23 = arith.constant 0 : i32
    %broadcast_in_dim3A_24 = vector.broadcast %broadcast_in_dim3A_23 : i32 to vector<16xi32>
    %swap3A_25 = arith.constant 16 : index
    %swap3A_26 = tpu.vector_load %arg10[%swap3A_25] {strides = array<i32>} : memref<192xi32, #tpu.memory_space<vmem>>, vector<16xi32>,
    tpu.vector_store %arg10[%swap3A_25], %broadcast_in_dim3A_24 {strides = array<i32>} : memref<192xi32, #tpu.memory_space<vmem>>, vector<16xi32>,
    %add3A_27 = arith.constant 32 : i32
    %add3A_28 = arith.addi %mul3A_2, %add3A_27 : i32
    %iota3A_29 = tpu.iota {dimensions = array<i32: 0>} : vector<16xi32>
    %add3A_30 = vector.broadcast %add3A_28 : i32 to vector<16xi32>
    %add3A_31 = arith.addi %add3A_30, %iota3A_29 : vector<16xi32>
    %and3A_32 = arith.constant 2047 : i32
    %and3A_33 = vector.broadcast %and3A_32 : i32 to vector<16xi32>
    %and3A_34 = arith.andi %add3A_31, %and3A_33 : vector<16xi32>
    %swap3A_35 = arith.constant 32 : index
    %swap3A_36 = tpu.vector_load %arg9[%swap3A_35] {strides = array<i32>} : memref<192xi32, #tpu.memory_space<vmem>>, vector<16xi32>,
    tpu.vector_store %arg9[%swap3A_35], %and3A_34 {strides = array<i32>} : memref<192xi32, #tpu.memory_space<vmem>>, vector<16xi32>,
    %broadcast_in_dim3A_37 = arith.constant 0 : i32
    %broadcast_in_dim3A_38 = vector.broadcast %broadcast_in_dim3A_37 : i32 to vector<16xi32>
    %swap3A_39 = arith.constant 32 : index
    %swap3A_40 = tpu.vector_load %arg10[%swap3A_39] {strides = array<i32>} : memref<192xi32, #tpu.memory_space<vmem>>, vector<16xi32>,
    tpu.vector_store %arg10[%swap3A_39], %broadcast_in_dim3A_38 {strides = array<i32>} : memref<192xi32, #tpu.memory_space<vmem>>, vector<16xi32>,
    %add3A_41 = arith.constant 48 : i32
    %add3A_42 = arith.addi %mul3A_2, %add3A_41 : i32
    %iota3A_43 = tpu.iota {dimensions = array<i32: 0>} : vector<16xi32>
    %add3A_44 = vector.broadcast %add3A_42 : i32 to vector<16xi32>
    %add3A_45 = arith.addi %add3A_44, %iota3A_43 : vector<16xi32>
    %and3A_46 = arith.constant 2047 : i32
    %and3A_47 = vector.broadcast %and3A_46 : i32 to vector<16xi32>
    %and3A_48 = arith.andi %add3A_45, %and3A_47 : vector<16xi32>
    %swap3A_49 = arith.constant 48 : index
    %swap3A_50 = tpu.vector_load %arg9[%swap3A_49] {strides = array<i32>} : memref<192xi32, #tpu.memory_space<vmem>>, vector<16xi32>,
    tpu.vector_store %arg9[%swap3A_49], %and3A_48 {strides = array<i32>} : memref<192xi32, #tpu.memory_space<vmem>>, vector<16xi32>,
    %broadcast_in_dim3A_51 = arith.constant 0 : i32
    %broadcast_in_dim3A_52 = vector.broadcast %broadcast_in_dim3A_51 : i32 to vector<16xi32>
    %swap3A_53 = arith.constant 48 : index
    %swap3A_54 = tpu.vector_load %arg10[%swap3A_53] {strides = array<i32>} : memref<192xi32, #tpu.memory_space<vmem>>, vector<16xi32>,
    tpu.vector_store %arg10[%swap3A_53], %broadcast_in_dim3A_52 {strides = array<i32>} : memref<192xi32, #tpu.memory_space<vmem>>, vector<16xi32>,
    %add3A_55 = arith.constant 64 : i32
    %add3A_56 = arith.addi %mul3A_2, %add3A_55 : i32
    %iota3A_57 = tpu.iota {dimensions = array<i32: 0>} : vector<16xi32>
    %add3A_58 = vector.broadcast %add3A_56 : i32 to vector<16xi32>
    %add3A_59 = arith.addi %add3A_58, %iota3A_57 : vector<16xi32>
    %and3A_60 = arith.constant 2047 : i32
    %and3A_61 = vector.broadcast %and3A_60 : i32 to vector<16xi32>
    %and3A_62 = arith.andi %add3A_59, %and3A_61 : vector<16xi32>
    %swap3A_63 = arith.constant 64 : index
    %swap3A_64 = tpu.vector_load %arg9[%swap3A_63] {strides = array<i32>} : memref<192xi32, #tpu.memory_space<vmem>>, vector<16xi32>,
    tpu.vector_store %arg9[%swap3A_63], %and3A_62 {strides = array<i32>} : memref<192xi32, #tpu.memory_space<vmem>>, vector<16xi32>,
    %broadcast_in_dim3A_65 = arith.constant 0 : i32
    %broadcast_in_dim3A_66 = vector.broadcast %broadcast_in_dim3A_65 : i32 to vector<16xi32>
    %swap3A_67 = arith.constant 64 : index
    %swap3A_68 = tpu.vector_load %arg10[%swap3A_67] {strides = array<i32>} : memref<192xi32, #tpu.memory_space<vmem>>, vector<16xi32>,
    tpu.vector_store %arg10[%swap3A_67], %broadcast_in_dim3A_66 {strides = array<i32>} : memref<192xi32, #tpu.memory_space<vmem>>, vector<16xi32>,
    %add3A_69 = arith.constant 80 : i32
    %add3A_70 = arith.addi %mul3A_2, %add3A_69 : i32
    %iota3A_71 = tpu.iota {dimensions = array<i32: 0>} : vector<16xi32>
    %add3A_72 = vector.broadcast %add3A_70 : i32 to vector<16xi32>
    %add3A_73 = arith.addi %add3A_72, %iota3A_71 : vector<16xi32>
    %and3A_74 = arith.constant 2047 : i32
    %and3A_75 = vector.broadcast %and3A_74 : i32 to vector<16xi32>
    %and3A_76 = arith.andi %add3A_73, %and3A_75 : vector<16xi32>
    %swap3A_77 = arith.constant 80 : index
    %swap3A_78 = tpu.vector_load %arg9[%swap3A_77] {strides = array<i32>} : memref<192xi32, #tpu.memory_space<vmem>>, vector<16xi32>,
    tpu.vector_store %arg9[%swap3A_77], %and3A_76 {strides = array<i32>} : memref<192xi32, #tpu.memory_space<vmem>>, vector<16xi32>,
    %broadcast_in_dim3A_79 = arith.constant 0 : i32
    %broadcast_in_dim3A_80 = vector.broadcast %broadcast_in_dim3A_79 : i32 to vector<16xi32>
    %swap3A_81 = arith.constant 80 : index
    %swap3A_82 = tpu.vector_load %arg10[%swap3A_81] {strides = array<i32>} : memref<192xi32, #tpu.memory_space<vmem>>, vector<16xi32>,
    tpu.vector_store %arg10[%swap3A_81], %broadcast_in_dim3A_80 {strides = array<i32>} : memref<192xi32, #tpu.memory_space<vmem>>, vector<16xi32>,
    %add3A_83 = arith.constant 96 : i32
    %add3A_84 = arith.addi %mul3A_2, %add3A_83 : i32
    %iota3A_85 = tpu.iota {dimensions = array<i32: 0>} : vector<16xi32>
    %add3A_86 = vector.broadcast %add3A_84 : i32 to vector<16xi32>
    %add3A_87 = arith.addi %add3A_86, %iota3A_85 : vector<16xi32>
    %and3A_88 = arith.constant 2047 : i32
    %and3A_89 = vector.broadcast %and3A_88 : i32 to vector<16xi32>
    %and3A_90 = arith.andi %add3A_87, %and3A_89 : vector<16xi32>
    %swap3A_91 = arith.constant 96 : index
    %swap3A_92 = tpu.vector_load %arg9[%swap3A_91] {strides = array<i32>} : memref<192xi32, #tpu.memory_space<vmem>>, vector<16xi32>,
    tpu.vector_store %arg9[%swap3A_91], %and3A_90 {strides = array<i32>} : memref<192xi32, #tpu.memory_space<vmem>>, vector<16xi32>,
    %broadcast_in_dim3A_93 = arith.constant 0 : i32
    %broadcast_in_dim3A_94 = vector.broadcast %broadcast_in_dim3A_93 : i32 to vector<16xi32>
    %swap3A_95 = arith.constant 96 : index
    %swap3A_96 = tpu.vector_load %arg10[%swap3A_95] {strides = array<i32>} : memref<192xi32, #tpu.memory_space<vmem>>, vector<16xi32>,
    tpu.vector_store %arg10[%swap3A_95], %broadcast_in_dim3A_94 {strides = array<i32>} : memref<192xi32, #tpu.memory_space<vmem>>, vector<16xi32>,
    %add3A_97 = arith.constant 112 : i32
    %add3A_98 = arith.addi %mul3A_2, %add3A_97 : i32
    %iota3A_99 = tpu.iota {dimensions = array<i32: 0>} : vector<16xi32>
    %add3A_100 = vector.broadcast %add3A_98 : i32 to vector<16xi32>
    %add3A_101 = arith.addi %add3A_100, %iota3A_99 : vector<16xi32>
    %and3A_102 = arith.constant 2047 : i32
    %and3A_103 = vector.broadcast %and3A_102 : i32 to vector<16xi32>
    %and3A_104 = arith.andi %add3A_101, %and3A_103 : vector<16xi32>
    %swap3A_105 = arith.constant 112 : index
    %swap3A_106 = tpu.vector_load %arg9[%swap3A_105] {strides = array<i32>} : memref<192xi32, #tpu.memory_space<vmem>>, vector<16xi32>,
    tpu.vector_store %arg9[%swap3A_105], %and3A_104 {strides = array<i32>} : memref<192xi32, #tpu.memory_space<vmem>>, vector<16xi32>,
    %broadcast_in_dim3A_107 = arith.constant 0 : i32
    %broadcast_in_dim3A_108 = vector.broadcast %broadcast_in_dim3A_107 : i32 to vector<16xi32>
    %swap3A_109 = arith.constant 112 : index
    %swap3A_110 = tpu.vector_load %arg10[%swap3A_109] {strides = array<i32>} : memref<192xi32, #tpu.memory_space<vmem>>, vector<16xi32>,
    tpu.vector_store %arg10[%swap3A_109], %broadcast_in_dim3A_108 {strides = array<i32>} : memref<192xi32, #tpu.memory_space<vmem>>, vector<16xi32>,
    %add3A_111 = arith.constant 128 : i32
    %add3A_112 = arith.addi %mul3A_2, %add3A_111 : i32
    %iota3A_113 = tpu.iota {dimensions = array<i32: 0>} : vector<16xi32>
    %add3A_114 = vector.broadcast %add3A_112 : i32 to vector<16xi32>
    %add3A_115 = arith.addi %add3A_114, %iota3A_113 : vector<16xi32>
    %and3A_116 = arith.constant 2047 : i32
    %and3A_117 = vector.broadcast %and3A_116 : i32 to vector<16xi32>
    %and3A_118 = arith.andi %add3A_115, %and3A_117 : vector<16xi32>
    %swap3A_119 = arith.constant 128 : index
    %swap3A_120 = tpu.vector_load %arg9[%swap3A_119] {strides = array<i32>} : memref<192xi32, #tpu.memory_space<vmem>>, vector<16xi32>,
    tpu.vector_store %arg9[%swap3A_119], %and3A_118 {strides = array<i32>} : memref<192xi32, #tpu.memory_space<vmem>>, vector<16xi32>,
    %broadcast_in_dim3A_121 = arith.constant 0 : i32
    %broadcast_in_dim3A_122 = vector.broadcast %broadcast_in_dim3A_121 : i32 to vector<16xi32>
    %swap3A_123 = arith.constant 128 : index
    %swap3A_124 = tpu.vector_load %arg10[%swap3A_123] {strides = array<i32>} : memref<192xi32, #tpu.memory_space<vmem>>, vector<16xi32>,
    tpu.vector_store %arg10[%swap3A_123], %broadcast_in_dim3A_122 {strides = array<i32>} : memref<192xi32, #tpu.memory_space<vmem>>, vector<16xi32>,
    %add3A_125 = arith.constant 144 : i32
    %add3A_126 = arith.addi %mul3A_2, %add3A_125 : i32
    %iota3A_127 = tpu.iota {dimensions = array<i32: 0>} : vector<16xi32>
    %add3A_128 = vector.broadcast %add3A_126 : i32 to vector<16xi32>
    %add3A_129 = arith.addi %add3A_128, %iota3A_127 : vector<16xi32>
    %and3A_130 = arith.constant 2047 : i32
    %and3A_131 = vector.broadcast %and3A_130 : i32 to vector<16xi32>
    %and3A_132 = arith.andi %add3A_129, %and3A_131 : vector<16xi32>
    %swap3A_133 = arith.constant 144 : index
    %swap3A_134 = tpu.vector_load %arg9[%swap3A_133] {strides = array<i32>} : memref<192xi32, #tpu.memory_space<vmem>>, vector<16xi32>,
    tpu.vector_store %arg9[%swap3A_133], %and3A_132 {strides = array<i32>} : memref<192xi32, #tpu.memory_space<vmem>>, vector<16xi32>,
    %broadcast_in_dim3A_135 = arith.constant 0 : i32
    %broadcast_in_dim3A_136 = vector.broadcast %broadcast_in_dim3A_135 : i32 to vector<16xi32>
    %swap3A_137 = arith.constant 144 : index
    %swap3A_138 = tpu.vector_load %arg10[%swap3A_137] {strides = array<i32>} : memref<192xi32, #tpu.memory_space<vmem>>, vector<16xi32>,
    tpu.vector_store %arg10[%swap3A_137], %broadcast_in_dim3A_136 {strides = array<i32>} : memref<192xi32, #tpu.memory_space<vmem>>, vector<16xi32>,
    %add3A_139 = arith.constant 160 : i32
    %add3A_140 = arith.addi %mul3A_2, %add3A_139 : i32
    %iota3A_141 = tpu.iota {dimensions = array<i32: 0>} : vector<16xi32>
    %add3A_142 = vector.broadcast %add3A_140 : i32 to vector<16xi32>
    %add3A_143 = arith.addi %add3A_142, %iota3A_141 : vector<16xi32>
    %and3A_144 = arith.constant 2047 : i32
    %and3A_145 = vector.broadcast %and3A_144 : i32 to vector<16xi32>
    %and3A_146 = arith.andi %add3A_143, %and3A_145 : vector<16xi32>
    %swap3A_147 = arith.constant 160 : index
    %swap3A_148 = tpu.vector_load %arg9[%swap3A_147] {strides = array<i32>} : memref<192xi32, #tpu.memory_space<vmem>>, vector<16xi32>,
    tpu.vector_store %arg9[%swap3A_147], %and3A_146 {strides = array<i32>} : memref<192xi32, #tpu.memory_space<vmem>>, vector<16xi32>,
    %broadcast_in_dim3A_149 = arith.constant 0 : i32
    %broadcast_in_dim3A_150 = vector.broadcast %broadcast_in_dim3A_149 : i32 to vector<16xi32>
    %swap3A_151 = arith.constant 160 : index
    %swap3A_152 = tpu.vector_load %arg10[%swap3A_151] {strides = array<i32>} : memref<192xi32, #tpu.memory_space<vmem>>, vector<16xi32>,
    tpu.vector_store %arg10[%swap3A_151], %broadcast_in_dim3A_150 {strides = array<i32>} : memref<192xi32, #tpu.memory_space<vmem>>, vector<16xi32>,
    %add3A_153 = arith.constant 176 : i32
    %add3A_154 = arith.addi %mul3A_2, %add3A_153 : i32
    %iota3A_155 = tpu.iota {dimensions = array<i32: 0>} : vector<16xi32>
    %add3A_156 = vector.broadcast %add3A_154 : i32 to vector<16xi32>
    %add3A_157 = arith.addi %add3A_156, %iota3A_155 : vector<16xi32>
    %and3A_158 = arith.constant 2047 : i32
    %and3A_159 = vector.broadcast %and3A_158 : i32 to vector<16xi32>
    %and3A_160 = arith.andi %add3A_157, %and3A_159 : vector<16xi32>
    %swap3A_161 = arith.constant 176 : index
    %swap3A_162 = tpu.vector_load %arg9[%swap3A_161] {strides = array<i32>} : memref<192xi32, #tpu.memory_space<vmem>>, vector<16xi32>,
    tpu.vector_store %arg9[%swap3A_161], %and3A_160 {strides = array<i32>} : memref<192xi32, #tpu.memory_space<vmem>>, vector<16xi32>,
    %broadcast_in_dim3A_163 = arith.constant 0 : i32
    %broadcast_in_dim3A_164 = vector.broadcast %broadcast_in_dim3A_163 : i32 to vector<16xi32>
    %swap3A_165 = arith.constant 176 : index
    %swap3A_166 = tpu.vector_load %arg10[%swap3A_165] {strides = array<i32>} : memref<192xi32, #tpu.memory_space<vmem>>, vector<16xi32>,
    tpu.vector_store %arg10[%swap3A_165], %broadcast_in_dim3A_164 {strides = array<i32>} : memref<192xi32, #tpu.memory_space<vmem>>, vector<16xi32>,
    %scan3A = arith.constant 0 : i32
    %scan3A_167 = arith.constant 0 : i32
    %scan3A_168 = arith.constant 256 : i32
    %scan3A_169 = arith.addi %scan3A_167, %scan3A_168 : i32
    %scan3A_170 = arith.constant 1 : i32
    %scan3A_171 = scf.for %scan3A_210 = %scan3A_167 to %scan3A_169 step %scan3A_170 iter_args(%scan3A_211 = %scan3A) -> (i32)  : i32 {
      %mul3A_212 = arith.constant 16 : i32
      %mul3A_213 = arith.muli %scan3A_210, %mul3A_212 : i32
      %get3A = arith.index_cast %mul3A_213 : i32 to index
      %get3A_214 = tpu.vector_load %arg7[%get3A] {strides = array<i32>} : memref<4096xi32, #tpu.memory_space<vmem>>, vector<16xi32>,
      %sub3A = vector.broadcast %mul3A_2 : i32 to vector<16xi32>
      %sub3A_215 = arith.subi %get3A_214, %sub3A : vector<16xi32>
      %ge3A = arith.constant 0 : i32
      %ge3A_216 = vector.broadcast %ge3A : i32 to vector<16xi32>
      %ge3A_217 = arith.cmpi sge, %sub3A_215, %ge3A_216 : vector<16xi32>
      %lt3A = arith.constant 192 : i32
      %lt3A_218 = vector.broadcast %lt3A : i32 to vector<16xi32>
      %lt3A_219 = arith.cmpi slt, %sub3A_215, %lt3A_218 : vector<16xi32>
      %and3A_220 = arith.andi %ge3A_217, %lt3A_219 : vector<16xi1>
      %jit3A = arith.constant 0 : i32
      %jit3A_221 = arith.constant 191 : i32
      %max3A = vector.broadcast %jit3A : i32 to vector<16xi32>
      %max3A_222 = arith.maxsi %max3A, %sub3A_215 : vector<16xi32>
      %min3A = vector.broadcast %jit3A_221 : i32 to vector<16xi32>
      %min3A_223 = arith.minsi %min3A, %max3A_222 : vector<16xi32>
      %mul3A_224 = arith.constant 16 : i32
      %mul3A_225 = arith.muli %scan3A_210, %mul3A_224 : i32
      %iota3A_226 = tpu.iota {dimensions = array<i32: 0>} : vector<16xi32>
      %add3A_227 = vector.broadcast %mul3A_225 : i32 to vector<16xi32>
      %add3A_228 = arith.addi %add3A_227, %iota3A_226 : vector<16xi32>
      tpu.vector_store_idx %arg10[%min3A_223], %add3A_228 masked %and3A_220 : memref<192xi32, #tpu.memory_space<vmem>>[vector<16xi32>], vector<16xi32>, vector<16xi1>
      %shift_right_logical3A = arith.constant 1 : i32
      %shift_right_logical3A_229 = vector.broadcast %shift_right_logical3A : i32 to vector<16xi32>
      %shift_right_logical3A_230 = arith.shrui %add3A_228, %shift_right_logical3A_229 : vector<16xi32>
      tpu.vector_store_idx %arg9[%min3A_223], %shift_right_logical3A_230 masked %and3A_220 : memref<192xi32, #tpu.memory_space<vmem>>[vector<16xi32>], vector<16xi32>, vector<16xi1>
      %scan3A_231 = arith.constant 0 : i32
      scf.yield %scan3A_231 : i32
    }
    %scan3A_172 = arith.constant 256 : i32
    %scan3A_173 = arith.constant 0 : i32
    %scan3A_174 = arith.constant 0 : i32
    %scan3A_175 = arith.constant 12 : i32
    %scan3A_176 = arith.addi %scan3A_174, %scan3A_175 : i32
    %scan3A_177 = arith.constant 1 : i32
    %scan3A_178 = scf.for %scan3A_210 = %scan3A_174 to %scan3A_176 step %scan3A_177 iter_args(%scan3A_211 = %scan3A_173) -> (i32)  : i32 {
      %mul3A_212 = arith.constant 16 : i32
      %mul3A_213 = arith.muli %scan3A_210, %mul3A_212 : i32
      %get3A = arith.index_cast %mul3A_213 : i32 to index
      %get3A_214 = tpu.vector_load %arg10[%get3A] {strides = array<i32>} : memref<192xi32, #tpu.memory_space<vmem>>, vector<16xi32>,
      %gather3A = tpu.vector_load_idx %arg8[%get3A_214] : memref<4096xf32, #tpu.memory_space<vmem>>[vector<16xi32>], vector<16xf32>,
      %mul3A_215 = arith.constant 16 : i32
      %mul3A_216 = arith.muli %scan3A_210, %mul3A_215 : i32
      %swap3A_217 = arith.index_cast %mul3A_216 : i32 to index
      %swap3A_218 = tpu.vector_load %arg11[%swap3A_217] {strides = array<i32>} : memref<192xf32, #tpu.memory_space<vmem>>, vector<16xf32>,
      tpu.vector_store %arg11[%swap3A_217], %gather3A {strides = array<i32>} : memref<192xf32, #tpu.memory_space<vmem>>, vector<16xf32>,
      %scan3A_219 = arith.constant 0 : i32
      scf.yield %scan3A_219 : i32
    }
    %scan3A_179 = arith.constant 12 : i32
    "tpu.region"() ({
      %run_scoped3A = tpu.sem_alloc : memref<!tpu.dma_semaphore, #tpu.memory_space<semaphore_mem>>
      %dma_start3A_210 = tpu.memref_slice %arg6[%mul3A_2] : memref<6144xf32, #tpu.memory_space<hbm>> -> memref<192xf32, #tpu.memory_space<hbm>>
      %dma_start3A_211 = tpu.memref_slice %arg6[%mul3A_2] : memref<6144xf32, #tpu.memory_space<hbm>> -> memref<192xf32, #tpu.memory_space<hbm>>
      tpu.enqueue_dma source(%arg11 : memref<192xf32, #tpu.memory_space<vmem>>) target(%dma_start3A_211 : memref<192xf32, #tpu.memory_space<hbm>>) target_semaphore(%run_scoped3A : memref<!tpu.dma_semaphore, #tpu.memory_space<semaphore_mem>>)
      %dma_wait3A_212 = tpu.memref_slice %arg6[%mul3A_2] : memref<6144xf32, #tpu.memory_space<hbm>> -> memref<192xf32, #tpu.memory_space<hbm>>
      %dma_wait3A_213 = tpu.memref_slice %arg6[%mul3A_2] : memref<6144xf32, #tpu.memory_space<hbm>> -> memref<192xf32, #tpu.memory_space<hbm>>
      tpu.wait_dma2 semaphore(%run_scoped3A : memref<!tpu.dma_semaphore, #tpu.memory_space<semaphore_mem>>) src(%arg11 : memref<192xf32, #tpu.memory_space<vmem>>) dst(%dma_wait3A_213 : memref<192xf32, #tpu.memory_space<hbm>>)
      tpu.yield
    }) : () -> ()
    %dma_start3A = arith.constant 0 : i32
    %dma_start3A_180 = arith.constant 0 : i32
    %dma_start3A_181 = tpu.memref_slice %arg12[%dma_start3A, %dma_start3A_180] : memref<192x512xi32, #tpu.memory_space<vmem>> -> memref<96x512xi32, #tpu.memory_space<vmem>>
    %dma_start3A_182 = arith.constant 0 : i32
    %dma_start3A_183 = tpu.memref_slice %arg9[%dma_start3A_182] : memref<192xi32, #tpu.memory_space<vmem>> -> memref<96xi32, #tpu.memory_space<vmem>>
    %dma_start3A_184 = arith.constant 0 : i32
    %dma_start3A_185 = arith.constant 0 : i32
    %dma_start3A_186 = tpu.memref_slice %arg2[%dma_start3A_184, %dma_start3A_185] : memref<2048x512xi32, #tpu.memory_space<hbm>> -> memref<2048x512xi32, #tpu.memory_space<hbm>>
    tpu.enqueue_indirect_dma source(%dma_start3A_186 : memref<2048x512xi32, #tpu.memory_space<hbm>>) target(%dma_start3A_181 : memref<96x512xi32, #tpu.memory_space<vmem>>) offsets(%dma_start3A_183 : memref<96xi32, #tpu.memory_space<vmem>>) semaphore(%arg13 : memref<!tpu.dma_semaphore, #tpu.memory_space<semaphore_mem>>)
    %dma_start3A_187 = arith.constant 96 : i32
    %dma_start3A_188 = arith.constant 0 : i32
    %dma_start3A_189 = tpu.memref_slice %arg12[%dma_start3A_187, %dma_start3A_188] : memref<192x512xi32, #tpu.memory_space<vmem>> -> memref<96x512xi32, #tpu.memory_space<vmem>>
    %dma_start3A_190 = arith.constant 96 : i32
    %dma_start3A_191 = tpu.memref_slice %arg9[%dma_start3A_190] : memref<192xi32, #tpu.memory_space<vmem>> -> memref<96xi32, #tpu.memory_space<vmem>>
    %dma_start3A_192 = arith.constant 0 : i32
    %dma_start3A_193 = arith.constant 0 : i32
    %dma_start3A_194 = tpu.memref_slice %arg2[%dma_start3A_192, %dma_start3A_193] : memref<2048x512xi32, #tpu.memory_space<hbm>> -> memref<2048x512xi32, #tpu.memory_space<hbm>>
    tpu.enqueue_indirect_dma source(%dma_start3A_194 : memref<2048x512xi32, #tpu.memory_space<hbm>>) target(%dma_start3A_189 : memref<96x512xi32, #tpu.memory_space<vmem>>) offsets(%dma_start3A_191 : memref<96xi32, #tpu.memory_space<vmem>>) semaphore(%arg13 : memref<!tpu.dma_semaphore, #tpu.memory_space<semaphore_mem>>)
    %dma_wait3A = arith.constant 0 : i32
    %dma_wait3A_195 = arith.constant 0 : i32
    %dma_wait3A_196 = tpu.memref_slice %arg12[%dma_wait3A, %dma_wait3A_195] : memref<192x512xi32, #tpu.memory_space<vmem>> -> memref<96x512xi32, #tpu.memory_space<vmem>>
    %dma_wait3A_197 = arith.constant 0 : i32
    %dma_wait3A_198 = tpu.memref_slice %arg9[%dma_wait3A_197] : memref<192xi32, #tpu.memory_space<vmem>> -> memref<96xi32, #tpu.memory_space<vmem>>
    %dma_wait3A_199 = arith.constant 0 : i32
    %dma_wait3A_200 = arith.constant 0 : i32
    %dma_wait3A_201 = tpu.memref_slice %arg2[%dma_wait3A_199, %dma_wait3A_200] : memref<2048x512xi32, #tpu.memory_space<hbm>> -> memref<2048x512xi32, #tpu.memory_space<hbm>>
    tpu.wait_indirect_dma semaphore(%arg13 : memref<!tpu.dma_semaphore, #tpu.memory_space<semaphore_mem>>) src(%dma_wait3A_201 : memref<2048x512xi32, #tpu.memory_space<hbm>>) dst(%dma_wait3A_196 : memref<96x512xi32, #tpu.memory_space<vmem>>)
    %dma_wait3A_202 = arith.constant 96 : i32
    %dma_wait3A_203 = arith.constant 0 : i32
    %dma_wait3A_204 = tpu.memref_slice %arg12[%dma_wait3A_202, %dma_wait3A_203] : memref<192x512xi32, #tpu.memory_space<vmem>> -> memref<96x512xi32, #tpu.memory_space<vmem>>
    %dma_wait3A_205 = arith.constant 96 : i32
    %dma_wait3A_206 = tpu.memref_slice %arg9[%dma_wait3A_205] : memref<192xi32, #tpu.memory_space<vmem>> -> memref<96xi32, #tpu.memory_space<vmem>>
    %dma_wait3A_207 = arith.constant 0 : i32
    %dma_wait3A_208 = arith.constant 0 : i32
    %dma_wait3A_209 = tpu.memref_slice %arg2[%dma_wait3A_207, %dma_wait3A_208] : memref<2048x512xi32, #tpu.memory_space<hbm>> -> memref<2048x512xi32, #tpu.memory_space<hbm>>
    tpu.wait_indirect_dma semaphore(%arg13 : memref<!tpu.dma_semaphore, #tpu.memory_space<semaphore_mem>>) src(%dma_wait3A_209 : memref<2048x512xi32, #tpu.memory_space<hbm>>) dst(%dma_wait3A_204 : memref<96x512xi32, #tpu.memory_space<vmem>>)
    "tpu.region"() ({
      %run_scoped3A = tpu.sem_alloc : memref<!tpu.dma_semaphore, #tpu.memory_space<semaphore_mem>>
      %dma_start3A_210 = arith.constant 0 : i32
      %dma_start3A_211 = tpu.memref_slice %arg5[%mul3A_2, %dma_start3A_210] : memref<6144x512xi32, #tpu.memory_space<hbm>> -> memref<192x512xi32, #tpu.memory_space<hbm>>
      %dma_start3A_212 = arith.constant 0 : i32
      %dma_start3A_213 = tpu.memref_slice %arg5[%mul3A_2, %dma_start3A_212] : memref<6144x512xi32, #tpu.memory_space<hbm>> -> memref<192x512xi32, #tpu.memory_space<hbm>>
      tpu.enqueue_dma source(%arg12 : memref<192x512xi32, #tpu.memory_space<vmem>>) target(%dma_start3A_213 : memref<192x512xi32, #tpu.memory_space<hbm>>) target_semaphore(%run_scoped3A : memref<!tpu.dma_semaphore, #tpu.memory_space<semaphore_mem>>)
      %dma_wait3A_214 = arith.constant 0 : i32
      %dma_wait3A_215 = tpu.memref_slice %arg5[%mul3A_2, %dma_wait3A_214] : memref<6144x512xi32, #tpu.memory_space<hbm>> -> memref<192x512xi32, #tpu.memory_space<hbm>>
      %dma_wait3A_216 = arith.constant 0 : i32
      %dma_wait3A_217 = tpu.memref_slice %arg5[%mul3A_2, %dma_wait3A_216] : memref<6144x512xi32, #tpu.memory_space<hbm>> -> memref<192x512xi32, #tpu.memory_space<hbm>>
      tpu.wait_dma2 semaphore(%run_scoped3A : memref<!tpu.dma_semaphore, #tpu.memory_space<semaphore_mem>>) src(%arg12 : memref<192x512xi32, #tpu.memory_space<vmem>>) dst(%dma_wait3A_217 : memref<192x512xi32, #tpu.memory_space<hbm>>)
      tpu.yield
    }) : () -> ()
    return
  }
}

module attributes {stable_mosaic.version = 14 : i64} {
  func.func @_router_body(%arg0: i32, %arg1: i32, %arg2: memref<1024x1024xf32, #tpu.memory_space<vmem>>, %arg3: memref<8x1024xf32, #tpu.memory_space<vmem>>, %arg4: memref<1024x2xi32, #tpu.memory_space<vmem>>, %arg5: memref<1024x2xf32, #tpu.memory_space<vmem>>, %arg6: memref<1024x512xi32, #tpu.memory_space<vmem>>, %arg7: memref<1x24xi32, #tpu.memory_space<vmem>>, %arg8: memref<1x24xi32, #tpu.memory_space<vmem>>, %arg9: memref<1x24xi32, #tpu.memory_space<vmem>>, %arg10: memref<2x8xf32, #tpu.memory_space<vmem>>) attributes {dimension_semantics = [#tpu.dimension_semantics<arbitrary>, #tpu.dimension_semantics<arbitrary>], iteration_bounds = array<i64: 2, 2>, scalar_prefetch = 0 : i64, scratch_operands = 1 : i64, tpu.core_type = #tpu.core_type<tc>, window_params = [{transform_indices = @transform_0, window_bounds = array<i64: 1024, 1024>}, {pipeline_mode = #tpu.pipeline_mode<synchronous>, transform_indices = @transform_1, window_bounds = array<i64: 8, 1024>}, {transform_indices = @transform_2, window_bounds = array<i64: 1024, 2>}, {transform_indices = @transform_3, window_bounds = array<i64: 1024, 2>}, {transform_indices = @transform_4, window_bounds = array<i64: 1024, 512>}, {pipeline_mode = #tpu.pipeline_mode<synchronous>, transform_indices = @transform_5, window_bounds = array<i64: 1, 24>}, {pipeline_mode = #tpu.pipeline_mode<synchronous>, transform_indices = @transform_6, window_bounds = array<i64: 1, 24>}, {pipeline_mode = #tpu.pipeline_mode<synchronous>, transform_indices = @transform_7, window_bounds = array<i64: 1, 24>}]} {
    %get3A = arith.constant 0 : index
    %get3A_0 = arith.constant 0 : index
    %get3A_1 = vector.load %arg2[%get3A, %get3A_0] : memref<1024x1024xf32, #tpu.memory_space<vmem>>, vector<1024x1024xf32>
    %get3A_2 = arith.constant 0 : index
    %get3A_3 = arith.constant 0 : index
    %get3A_4 = vector.load %arg3[%get3A_2, %get3A_3] : memref<8x1024xf32, #tpu.memory_space<vmem>>, vector<8x1024xf32>
    %dot_general3A = arith.constant dense<0.000000e+00> : vector<1024x8xf32>
    %dot_general3A_5 = tpu.matmul %get3A_1, %get3A_4, %dot_general3A {dimension_numbers = #tpu.dot_dimension_numbers<[1], [1], [0], [0], [0, 0, 1, 0], [], []>, transpose_lhs_hint = false} : vector<1024x1024xf32>, vector<8x1024xf32>, vector<1024x8xf32> -> vector<1024x8xf32>
    %reduce_max3A = arith.constant dense<0xFF800000> : vector<1024xf32>
    %reduce_max3A_6 = vector.multi_reduction <maximumf>, %dot_general3A_5, %reduce_max3A [1] : vector<1024x8xf32> to vector<1024xf32>
    %max3A = arith.constant 0xFF800000 : f32
    %max3A_7 = vector.broadcast %max3A : f32 to vector<1024xf32>
    %max3A_8 = arith.maximumf %max3A_7, %reduce_max3A_6 : vector<1024xf32>
    %broadcast_in_dim3A = vector.shape_cast %max3A_8 : vector<1024xf32> to vector<1024x1xf32>
    %sub3A = vector.broadcast %broadcast_in_dim3A : vector<1024x1xf32> to vector<1024x8xf32>
    %sub3A_9 = arith.subf %dot_general3A_5, %sub3A : vector<1024x8xf32>
    %exp3A = math.exp %sub3A_9 : vector<1024x8xf32>
    %reduce_sum3A = arith.constant dense<0.000000e+00> : vector<1024xf32>
    %reduce_sum3A_10 = vector.multi_reduction <add>, %exp3A, %reduce_sum3A [1] : vector<1024x8xf32> to vector<1024xf32>
    %broadcast_in_dim3A_11 = vector.shape_cast %reduce_sum3A_10 : vector<1024xf32> to vector<1024x1xf32>
    %div3A = vector.broadcast %broadcast_in_dim3A_11 : vector<1024x1xf32> to vector<1024x8xf32>
    %div3A_12 = arith.divf %exp3A, %div3A : vector<1024x8xf32>
    %iota3A = tpu.iota {dimensions = array<i32: 1>} : vector<1024x8xi32>
    %reduce_max3A_13 = arith.constant dense<0xFF800000> : vector<1024xf32>
    %reduce_max3A_14 = vector.multi_reduction <maximumf>, %div3A_12, %reduce_max3A_13 [1] : vector<1024x8xf32> to vector<1024xf32>
    %broadcast_in_dim3A_15 = vector.shape_cast %reduce_max3A_14 : vector<1024xf32> to vector<1024x1xf32>
    %argmax3A = tpu.reduce_index %div3A_12 {axis = 1 : i32, kind = #tpu.reduction_kind<arg_max>} : vector<1024x8xf32> -> vector<1024xi32>
    %broadcast_in_dim3A_16 = vector.shape_cast %argmax3A : vector<1024xi32> to vector<1024x1xi32>
    %eq3A = vector.broadcast %broadcast_in_dim3A_16 : vector<1024x1xi32> to vector<1024x8xi32>
    %eq3A_17 = arith.cmpi eq, %iota3A, %eq3A : vector<1024x8xi32>
    %jit3A = arith.constant 0xFF800000 : f32
    %broadcast_in_dim3A_18 = vector.broadcast %jit3A : f32 to vector<1024x8xf32>
    %select_n3A = arith.select %eq3A_17, %broadcast_in_dim3A_18, %div3A_12 : vector<1024x8xi1>, vector<1024x8xf32>
    %reduce_max3A_19 = arith.constant dense<0xFF800000> : vector<1024xf32>
    %reduce_max3A_20 = vector.multi_reduction <maximumf>, %select_n3A, %reduce_max3A_19 [1] : vector<1024x8xf32> to vector<1024xf32>
    %broadcast_in_dim3A_21 = vector.shape_cast %reduce_max3A_20 : vector<1024xf32> to vector<1024x1xf32>
    %argmax3A_22 = tpu.reduce_index %select_n3A {axis = 1 : i32, kind = #tpu.reduction_kind<arg_max>} : vector<1024x8xf32> -> vector<1024xi32>
    %broadcast_in_dim3A_23 = vector.shape_cast %argmax3A_22 : vector<1024xi32> to vector<1024x1xi32>
    %add3A = arith.addf %broadcast_in_dim3A_15, %broadcast_in_dim3A_21 : vector<1024x1xf32>
    %eq3A_24 = vector.broadcast %broadcast_in_dim3A_16 : vector<1024x1xi32> to vector<1024x8xi32>
    %eq3A_25 = arith.cmpi eq, %iota3A, %eq3A_24 : vector<1024x8xi32>
    %convert_element_type3A = arith.extui %eq3A_25 : vector<1024x8xi1> to vector<1024x8xi32>
    %convert_element_type3A_26 = arith.sitofp %convert_element_type3A : vector<1024x8xi32> to vector<1024x8xf32>
    %eq3A_27 = vector.broadcast %broadcast_in_dim3A_23 : vector<1024x1xi32> to vector<1024x8xi32>
    %eq3A_28 = arith.cmpi eq, %iota3A, %eq3A_27 : vector<1024x8xi32>
    %convert_element_type3A_29 = arith.extui %eq3A_28 : vector<1024x8xi1> to vector<1024x8xi32>
    %convert_element_type3A_30 = arith.sitofp %convert_element_type3A_29 : vector<1024x8xi32> to vector<1024x8xf32>
    %div3A_31 = arith.divf %broadcast_in_dim3A_15, %add3A : vector<1024x1xf32>
    %div3A_32 = arith.divf %broadcast_in_dim3A_21, %add3A : vector<1024x1xf32>
    %add3A_33 = arith.addf %convert_element_type3A_26, %convert_element_type3A_30 : vector<1024x8xf32>
    %eq3A_34 = arith.constant 0 : i32
    %eq3A_35 = arith.cmpi eq, %arg0, %eq3A_34 : i32
    %convert_element_type3A_36 = arith.extui %eq3A_35 : i1 to i32
    %cond3A = arith.constant 0 : i32
    %cond3A_37 = arith.cmpi ne, %convert_element_type3A_36, %cond3A : i32
    scf.if %cond3A_37 {
      %reduce_sum3A_43 = arith.constant dense<0.000000e+00> : vector<8xf32>
      %reduce_sum3A_44 = vector.multi_reduction <add>, %add3A_33, %reduce_sum3A_43 [0] : vector<1024x8xf32> to vector<8xf32>
      %broadcast_in_dim3A_45 = vector.shape_cast %reduce_sum3A_44 : vector<8xf32> to vector<1x8xf32>
      %iota3A_46 = tpu.iota {dimensions = array<i32: 0>} : vector<2x8xi32>
      %eq3A_47 = vector.broadcast %arg1 : i32 to vector<2x8xi32>
      %eq3A_48 = arith.cmpi eq, %iota3A_46, %eq3A_47 : vector<2x8xi32>
      %get3A_49 = arith.constant 0 : index
      %get3A_50 = arith.constant 0 : index
      %get3A_51 = vector.load %arg10[%get3A_49, %get3A_50] : memref<2x8xf32, #tpu.memory_space<vmem>>, vector<2x8xf32>
      %broadcast_in_dim3A_52 = vector.shape_cast %broadcast_in_dim3A_45 : vector<1x8xf32> to vector<1x8xf32>
      %broadcast_in_dim3A_53 = vector.broadcast %broadcast_in_dim3A_52 : vector<1x8xf32> to vector<2x8xf32>
      %select_n3A_54 = arith.select %eq3A_48, %broadcast_in_dim3A_53, %get3A_51 : vector<2x8xi1>, vector<2x8xf32>
      %swap3A = arith.constant 0 : index
      %swap3A_55 = arith.constant 0 : index
      %swap3A_56 = vector.load %arg10[%swap3A, %swap3A_55] : memref<2x8xf32, #tpu.memory_space<vmem>>, vector<2x8xf32>
      tpu.vector_store %arg10[%swap3A, %swap3A_55], %select_n3A_54 {strides = array<i32>} : memref<2x8xf32, #tpu.memory_space<vmem>>, vector<2x8xf32>,
    } else {
    }
    %eq3A_38 = arith.constant 1 : i32
    %eq3A_39 = arith.cmpi eq, %arg0, %eq3A_38 : i32
    %convert_element_type3A_40 = arith.extui %eq3A_39 : i1 to i32
    %cond3A_41 = arith.constant 0 : i32
    %cond3A_42 = arith.cmpi ne, %convert_element_type3A_40, %cond3A_41 : i32
    scf.if %cond3A_42 {
      %slice3A = vector.extract_strided_slice %get3A_1 {offsets = [0, 0], sizes = [1024, 512], strides = [1, 1]} : vector<1024x1024xf32> to vector<1024x512xf32>
      %convert_element_type3A_43 = arith.truncf %slice3A : vector<1024x512xf32> to vector<1024x512xbf16>
      %convert_element_type3A_44 = arith.extf %convert_element_type3A_43 : vector<1024x512xbf16> to vector<1024x512xf32>
      %bitcast_convert_type3A = tpu.bitcast %convert_element_type3A_44 : vector<1024x512xf32> -> vector<1024x512xi32>
      %slice3A_45 = vector.extract_strided_slice %get3A_1 {offsets = [0, 512], sizes = [1024, 512], strides = [1, 1]} : vector<1024x1024xf32> to vector<1024x512xf32>
      %convert_element_type3A_46 = arith.truncf %slice3A_45 : vector<1024x512xf32> to vector<1024x512xbf16>
      %convert_element_type3A_47 = arith.extf %convert_element_type3A_46 : vector<1024x512xbf16> to vector<1024x512xf32>
      %bitcast_convert_type3A_48 = tpu.bitcast %convert_element_type3A_47 : vector<1024x512xf32> -> vector<1024x512xi32>
      %shift_right_logical3A = arith.constant 16 : i32
      %shift_right_logical3A_49 = vector.broadcast %shift_right_logical3A : i32 to vector<1024x512xi32>
      %shift_right_logical3A_50 = arith.shrui %bitcast_convert_type3A, %shift_right_logical3A_49 : vector<1024x512xi32>
      %and3A = arith.constant -65536 : i32
      %and3A_51 = vector.broadcast %and3A : i32 to vector<1024x512xi32>
      %and3A_52 = arith.andi %bitcast_convert_type3A_48, %and3A_51 : vector<1024x512xi32>
      %or3A = arith.ori %shift_right_logical3A_50, %and3A_52 : vector<1024x512xi32>
      %swap3A = arith.constant 0 : index
      %swap3A_53 = arith.constant 0 : index
      %swap3A_54 = vector.load %arg6[%swap3A, %swap3A_53] : memref<1024x512xi32, #tpu.memory_space<vmem>>, vector<1024x512xi32>
      tpu.vector_store %arg6[%swap3A, %swap3A_53], %or3A {strides = array<i32>} : memref<1024x512xi32, #tpu.memory_space<vmem>>, vector<1024x512xi32>,
      %get3A_55 = arith.constant 0 : index
      %get3A_56 = arith.constant 0 : index
      %get3A_57 = vector.load %arg10[%get3A_55, %get3A_56] : memref<2x8xf32, #tpu.memory_space<vmem>>, vector<2x8xf32>
      %broadcast_in_dim3A_58 = arith.constant 1.000000e+00 : f32
      %broadcast_in_dim3A_59 = vector.broadcast %broadcast_in_dim3A_58 : f32 to vector<1x2xf32>
      %dot_general3A_60 = arith.constant dense<0.000000e+00> : vector<1x8xf32>
      %dot_general3A_61 = tpu.matmul %broadcast_in_dim3A_59, %get3A_57, %dot_general3A_60 {dimension_numbers = #tpu.dot_dimension_numbers<[1], [0], [0], [1], [0, 0, 1, 1], [], []>, transpose_lhs_hint = false} : vector<1x2xf32>, vector<2x8xf32>, vector<1x8xf32> -> vector<1x8xf32>
      %iota3A_62 = tpu.iota {dimensions = array<i32: 1>} : vector<1x2xi32>
      %lt3A = vector.broadcast %arg1 : i32 to vector<1x2xi32>
      %lt3A_63 = arith.cmpi slt, %iota3A_62, %lt3A : vector<1x2xi32>
      %convert_element_type3A_64 = arith.extui %lt3A_63 : vector<1x2xi1> to vector<1x2xi32>
      %convert_element_type3A_65 = arith.sitofp %convert_element_type3A_64 : vector<1x2xi32> to vector<1x2xf32>
      %dot_general3A_66 = arith.constant dense<0.000000e+00> : vector<1x8xf32>
      %dot_general3A_67 = tpu.matmul %convert_element_type3A_65, %get3A_57, %dot_general3A_66 {dimension_numbers = #tpu.dot_dimension_numbers<[1], [0], [0], [1], [0, 0, 1, 1], [], []>, transpose_lhs_hint = false} : vector<1x2xf32>, vector<2x8xf32>, vector<1x8xf32> -> vector<1x8xf32>
      %add3A_68 = arith.constant 2.550000e+02 : f32
      %add3A_69 = vector.broadcast %add3A_68 : f32 to vector<1x8xf32>
      %add3A_70 = arith.addf %dot_general3A_61, %add3A_69 : vector<1x8xf32>
      %mul3A = arith.constant 3.906250e-03 : f32
      %mul3A_71 = vector.broadcast %mul3A : f32 to vector<1x8xf32>
      %mul3A_72 = arith.mulf %add3A_70, %mul3A_71 : vector<1x8xf32>
      %floor3A = math.floor %mul3A_72 : vector<1x8xf32>
      %iota3A_73 = tpu.iota {dimensions = array<i32: 0>} : vector<8x8xi32>
      %iota3A_74 = tpu.iota {dimensions = array<i32: 1>} : vector<8x8xi32>
      %lt3A_75 = arith.cmpi slt, %iota3A_73, %iota3A_74 : vector<8x8xi32>
      %convert_element_type3A_76 = arith.extui %lt3A_75 : vector<8x8xi1> to vector<8x8xi32>
      %convert_element_type3A_77 = arith.sitofp %convert_element_type3A_76 : vector<8x8xi32> to vector<8x8xf32>
      %dot_general3A_78 = arith.constant dense<0.000000e+00> : vector<1x8xf32>
      %dot_general3A_79 = tpu.matmul %floor3A, %convert_element_type3A_77, %dot_general3A_78 {dimension_numbers = #tpu.dot_dimension_numbers<[1], [0], [0], [1], [0, 0, 1, 1], [], []>, transpose_lhs_hint = false} : vector<1x8xf32>, vector<8x8xf32>, vector<1x8xf32> -> vector<1x8xf32>
      %mul3A_80 = arith.constant 2.560000e+02 : f32
      %mul3A_81 = vector.broadcast %mul3A_80 : f32 to vector<1x8xf32>
      %mul3A_82 = arith.mulf %dot_general3A_79, %mul3A_81 : vector<1x8xf32>
      %iota3A_83 = tpu.iota {dimensions = array<i32: 1>} : vector<1024x1024xi32>
      %iota3A_84 = tpu.iota {dimensions = array<i32: 0>} : vector<1024x1024xi32>
      %lt3A_85 = arith.cmpi slt, %iota3A_83, %iota3A_84 : vector<1024x1024xi32>
      %convert_element_type3A_86 = arith.extui %lt3A_85 : vector<1024x1024xi1> to vector<1024x1024xi32>
      %convert_element_type3A_87 = arith.sitofp %convert_element_type3A_86 : vector<1024x1024xi32> to vector<1024x1024xf32>
      %dot_general3A_88 = arith.constant dense<0.000000e+00> : vector<1024x8xf32>
      %dot_general3A_89 = tpu.matmul %convert_element_type3A_87, %add3A_33, %dot_general3A_88 {dimension_numbers = #tpu.dot_dimension_numbers<[1], [0], [0], [1], [0, 0, 1, 1], [], []>, transpose_lhs_hint = false} : vector<1024x1024xf32>, vector<1024x8xf32>, vector<1024x8xf32> -> vector<1024x8xf32>
      %add3A_90 = arith.addf %mul3A_82, %dot_general3A_67 : vector<1x8xf32>
      %add3A_91 = vector.broadcast %add3A_90 : vector<1x8xf32> to vector<1024x8xf32>
      %add3A_92 = arith.addf %dot_general3A_89, %add3A_91 : vector<1024x8xf32>
      %mul3A_93 = arith.mulf %add3A_92, %convert_element_type3A_26 : vector<1024x8xf32>
      %reduce_sum3A_94 = arith.constant dense<0.000000e+00> : vector<1024xf32>
      %reduce_sum3A_95 = vector.multi_reduction <add>, %mul3A_93, %reduce_sum3A_94 [1] : vector<1024x8xf32> to vector<1024xf32>
      %broadcast_in_dim3A_96 = vector.shape_cast %reduce_sum3A_95 : vector<1024xf32> to vector<1024x1xf32>
      %add3A_97 = vector.broadcast %add3A_90 : vector<1x8xf32> to vector<1024x8xf32>
      %add3A_98 = arith.addf %dot_general3A_89, %add3A_97 : vector<1024x8xf32>
      %mul3A_99 = arith.mulf %add3A_98, %convert_element_type3A_30 : vector<1024x8xf32>
      %reduce_sum3A_100 = arith.constant dense<0.000000e+00> : vector<1024xf32>
      %reduce_sum3A_101 = vector.multi_reduction <add>, %mul3A_99, %reduce_sum3A_100 [1] : vector<1024x8xf32> to vector<1024xf32>
      %broadcast_in_dim3A_102 = vector.shape_cast %reduce_sum3A_101 : vector<1024xf32> to vector<1024x1xf32>
      %concatenate3A = tpu.concatenate %broadcast_in_dim3A_96, %broadcast_in_dim3A_102 in 1 : vector<1024x1xf32>, vector<1024x1xf32> -> vector<1024x2xf32>
      %convert_element_type3A_103 = arith.fptosi %concatenate3A : vector<1024x2xf32> to vector<1024x2xi32>
      %swap3A_104 = arith.constant 0 : index
      %swap3A_105 = arith.constant 0 : index
      %swap3A_106 = vector.load %arg4[%swap3A_104, %swap3A_105] : memref<1024x2xi32, #tpu.memory_space<vmem>>, vector<1024x2xi32>
      tpu.vector_store %arg4[%swap3A_104, %swap3A_105], %convert_element_type3A_103 {strides = array<i32>} : memref<1024x2xi32, #tpu.memory_space<vmem>>, vector<1024x2xi32>,
      %concatenate3A_107 = tpu.concatenate %div3A_31, %div3A_32 in 1 : vector<1024x1xf32>, vector<1024x1xf32> -> vector<1024x2xf32>
      %swap3A_108 = arith.constant 0 : index
      %swap3A_109 = arith.constant 0 : index
      %swap3A_110 = vector.load %arg5[%swap3A_108, %swap3A_109] : memref<1024x2xf32, #tpu.memory_space<vmem>>, vector<1024x2xf32>
      tpu.vector_store %arg5[%swap3A_108, %swap3A_109], %concatenate3A_107 {strides = array<i32>} : memref<1024x2xf32, #tpu.memory_space<vmem>>, vector<1024x2xf32>,
      %eq3A_111 = arith.constant 0 : i32
      %eq3A_112 = arith.cmpi eq, %arg1, %eq3A_111 : i32
      %convert_element_type3A_113 = arith.extui %eq3A_112 : i1 to i32
      %cond3A_114 = arith.constant 0 : i32
      %cond3A_115 = arith.cmpi ne, %convert_element_type3A_113, %cond3A_114 : i32
      scf.if %cond3A_115 {
        %slice3A_116 = vector.extract_strided_slice %dot_general3A_79 {offsets = [0, 7], sizes = [1, 1], strides = [1, 1]} : vector<1x8xf32> to vector<1x1xf32>
        %slice3A_117 = vector.extract_strided_slice %floor3A {offsets = [0, 7], sizes = [1, 1], strides = [1, 1]} : vector<1x8xf32> to vector<1x1xf32>
        %add3A_118 = arith.addf %slice3A_116, %slice3A_117 : vector<1x1xf32>
        %iota3A_119 = tpu.iota {dimensions = array<i32: 1>} : vector<1x24xi32>
        %convert_element_type3A_120 = arith.sitofp %iota3A_119 : vector<1x24xi32> to vector<1x24xf32>
        %sub3A_121 = arith.constant 1.000000e+00 : f32
        %sub3A_122 = vector.broadcast %sub3A_121 : f32 to vector<1x1xf32>
        %sub3A_123 = arith.subf %add3A_118, %sub3A_122 : vector<1x1xf32>
        %min3A = vector.broadcast %sub3A_123 : vector<1x1xf32> to vector<1x24xf32>
        %min3A_124 = arith.minimumf %convert_element_type3A_120, %min3A : vector<1x24xf32>
        %broadcast_in_dim3A_125 = arith.constant 1.000000e+00 : f32
        %broadcast_in_dim3A_126 = vector.broadcast %broadcast_in_dim3A_125 : f32 to vector<1x24xf32>
        %neg3A = arith.constant 0.000000e+00 : f32
        %neg3A_127 = vector.broadcast %neg3A : f32 to vector<1x24xf32>
        %neg3A_128 = arith.subf %neg3A_127, %broadcast_in_dim3A_126 : vector<1x24xf32>
        %broadcast_in_dim3A_129 = arith.constant 0.000000e+00 : f32
        %broadcast_in_dim3A_130 = vector.broadcast %broadcast_in_dim3A_129 : f32 to vector<1x24xf32>
        %broadcast_in_dim3A_131 = arith.constant 0.000000e+00 : f32
        %broadcast_in_dim3A_132 = vector.broadcast %broadcast_in_dim3A_131 : f32 to vector<1x24xf32>
        %slice3A_133 = vector.extract_strided_slice %dot_general3A_79 {offsets = [0, 0], sizes = [1, 1], strides = [1, 1]} : vector<1x8xf32> to vector<1x1xf32>
        %le3A = vector.broadcast %slice3A_133 : vector<1x1xf32> to vector<1x24xf32>
        %le3A_134 = arith.cmpf ole, %le3A, %min3A_124 : vector<1x24xf32>
        %convert_element_type3A_135 = arith.extui %le3A_134 : vector<1x24xi1> to vector<1x24xi32>
        %convert_element_type3A_136 = arith.sitofp %convert_element_type3A_135 : vector<1x24xi32> to vector<1x24xf32>
        %add3A_137 = arith.addf %neg3A_128, %convert_element_type3A_136 : vector<1x24xf32>
        %slice3A_138 = vector.extract_strided_slice %dot_general3A_79 {offsets = [0, 1], sizes = [1, 1], strides = [1, 1]} : vector<1x8xf32> to vector<1x1xf32>
        %le3A_139 = vector.broadcast %slice3A_138 : vector<1x1xf32> to vector<1x24xf32>
        %le3A_140 = arith.cmpf ole, %le3A_139, %min3A_124 : vector<1x24xf32>
        %convert_element_type3A_141 = arith.extui %le3A_140 : vector<1x24xi1> to vector<1x24xi32>
        %convert_element_type3A_142 = arith.sitofp %convert_element_type3A_141 : vector<1x24xi32> to vector<1x24xf32>
        %add3A_143 = arith.addf %add3A_137, %convert_element_type3A_142 : vector<1x24xf32>
        %slice3A_144 = vector.extract_strided_slice %dot_general3A_79 {offsets = [0, 2], sizes = [1, 1], strides = [1, 1]} : vector<1x8xf32> to vector<1x1xf32>
        %le3A_145 = vector.broadcast %slice3A_144 : vector<1x1xf32> to vector<1x24xf32>
        %le3A_146 = arith.cmpf ole, %le3A_145, %min3A_124 : vector<1x24xf32>
        %convert_element_type3A_147 = arith.extui %le3A_146 : vector<1x24xi1> to vector<1x24xi32>
        %convert_element_type3A_148 = arith.sitofp %convert_element_type3A_147 : vector<1x24xi32> to vector<1x24xf32>
        %add3A_149 = arith.addf %add3A_143, %convert_element_type3A_148 : vector<1x24xf32>
        %slice3A_150 = vector.extract_strided_slice %dot_general3A_79 {offsets = [0, 3], sizes = [1, 1], strides = [1, 1]} : vector<1x8xf32> to vector<1x1xf32>
        %le3A_151 = vector.broadcast %slice3A_150 : vector<1x1xf32> to vector<1x24xf32>
        %le3A_152 = arith.cmpf ole, %le3A_151, %min3A_124 : vector<1x24xf32>
        %convert_element_type3A_153 = arith.extui %le3A_152 : vector<1x24xi1> to vector<1x24xi32>
        %convert_element_type3A_154 = arith.sitofp %convert_element_type3A_153 : vector<1x24xi32> to vector<1x24xf32>
        %add3A_155 = arith.addf %add3A_149, %convert_element_type3A_154 : vector<1x24xf32>
        %slice3A_156 = vector.extract_strided_slice %dot_general3A_79 {offsets = [0, 4], sizes = [1, 1], strides = [1, 1]} : vector<1x8xf32> to vector<1x1xf32>
        %le3A_157 = vector.broadcast %slice3A_156 : vector<1x1xf32> to vector<1x24xf32>
        %le3A_158 = arith.cmpf ole, %le3A_157, %min3A_124 : vector<1x24xf32>
        %convert_element_type3A_159 = arith.extui %le3A_158 : vector<1x24xi1> to vector<1x24xi32>
        %convert_element_type3A_160 = arith.sitofp %convert_element_type3A_159 : vector<1x24xi32> to vector<1x24xf32>
        %add3A_161 = arith.addf %add3A_155, %convert_element_type3A_160 : vector<1x24xf32>
        %slice3A_162 = vector.extract_strided_slice %dot_general3A_79 {offsets = [0, 5], sizes = [1, 1], strides = [1, 1]} : vector<1x8xf32> to vector<1x1xf32>
        %le3A_163 = vector.broadcast %slice3A_162 : vector<1x1xf32> to vector<1x24xf32>
        %le3A_164 = arith.cmpf ole, %le3A_163, %min3A_124 : vector<1x24xf32>
        %convert_element_type3A_165 = arith.extui %le3A_164 : vector<1x24xi1> to vector<1x24xi32>
        %convert_element_type3A_166 = arith.sitofp %convert_element_type3A_165 : vector<1x24xi32> to vector<1x24xf32>
        %add3A_167 = arith.addf %add3A_161, %convert_element_type3A_166 : vector<1x24xf32>
        %slice3A_168 = vector.extract_strided_slice %dot_general3A_79 {offsets = [0, 6], sizes = [1, 1], strides = [1, 1]} : vector<1x8xf32> to vector<1x1xf32>
        %le3A_169 = vector.broadcast %slice3A_168 : vector<1x1xf32> to vector<1x24xf32>
        %le3A_170 = arith.cmpf ole, %le3A_169, %min3A_124 : vector<1x24xf32>
        %convert_element_type3A_171 = arith.extui %le3A_170 : vector<1x24xi1> to vector<1x24xi32>
        %convert_element_type3A_172 = arith.sitofp %convert_element_type3A_171 : vector<1x24xi32> to vector<1x24xf32>
        %add3A_173 = arith.addf %add3A_167, %convert_element_type3A_172 : vector<1x24xf32>
        %slice3A_174 = vector.extract_strided_slice %dot_general3A_79 {offsets = [0, 7], sizes = [1, 1], strides = [1, 1]} : vector<1x8xf32> to vector<1x1xf32>
        %le3A_175 = vector.broadcast %slice3A_174 : vector<1x1xf32> to vector<1x24xf32>
        %le3A_176 = arith.cmpf ole, %le3A_175, %min3A_124 : vector<1x24xf32>
        %convert_element_type3A_177 = arith.extui %le3A_176 : vector<1x24xi1> to vector<1x24xi32>
        %convert_element_type3A_178 = arith.sitofp %convert_element_type3A_177 : vector<1x24xi32> to vector<1x24xf32>
        %add3A_179 = arith.addf %add3A_173, %convert_element_type3A_178 : vector<1x24xf32>
        %eq3A_180 = arith.constant 0.000000e+00 : f32
        %eq3A_181 = vector.broadcast %eq3A_180 : f32 to vector<1x24xf32>
        %eq3A_182 = arith.cmpf oeq, %add3A_179, %eq3A_181 : vector<1x24xf32>
        %convert_element_type3A_183 = arith.extui %eq3A_182 : vector<1x24xi1> to vector<1x24xi32>
        %convert_element_type3A_184 = arith.sitofp %convert_element_type3A_183 : vector<1x24xi32> to vector<1x24xf32>
        %slice3A_185 = vector.extract_strided_slice %dot_general3A_61 {offsets = [0, 0], sizes = [1, 1], strides = [1, 1]} : vector<1x8xf32> to vector<1x1xf32>
        %mul3A_186 = vector.broadcast %slice3A_185 : vector<1x1xf32> to vector<1x24xf32>
        %mul3A_187 = arith.mulf %convert_element_type3A_184, %mul3A_186 : vector<1x24xf32>
        %add3A_188 = arith.addf %broadcast_in_dim3A_130, %mul3A_187 : vector<1x24xf32>
        %slice3A_189 = vector.extract_strided_slice %mul3A_82 {offsets = [0, 0], sizes = [1, 1], strides = [1, 1]} : vector<1x8xf32> to vector<1x1xf32>
        %mul3A_190 = vector.broadcast %slice3A_189 : vector<1x1xf32> to vector<1x24xf32>
        %mul3A_191 = arith.mulf %convert_element_type3A_184, %mul3A_190 : vector<1x24xf32>
        %add3A_192 = arith.addf %broadcast_in_dim3A_132, %mul3A_191 : vector<1x24xf32>
        %eq3A_193 = arith.constant 1.000000e+00 : f32
        %eq3A_194 = vector.broadcast %eq3A_193 : f32 to vector<1x24xf32>
        %eq3A_195 = arith.cmpf oeq, %add3A_179, %eq3A_194 : vector<1x24xf32>
        %convert_element_type3A_196 = arith.extui %eq3A_195 : vector<1x24xi1> to vector<1x24xi32>
        %convert_element_type3A_197 = arith.sitofp %convert_element_type3A_196 : vector<1x24xi32> to vector<1x24xf32>
        %slice3A_198 = vector.extract_strided_slice %dot_general3A_61 {offsets = [0, 1], sizes = [1, 1], strides = [1, 1]} : vector<1x8xf32> to vector<1x1xf32>
        %mul3A_199 = vector.broadcast %slice3A_198 : vector<1x1xf32> to vector<1x24xf32>
        %mul3A_200 = arith.mulf %convert_element_type3A_197, %mul3A_199 : vector<1x24xf32>
        %add3A_201 = arith.addf %add3A_188, %mul3A_200 : vector<1x24xf32>
        %slice3A_202 = vector.extract_strided_slice %mul3A_82 {offsets = [0, 1], sizes = [1, 1], strides = [1, 1]} : vector<1x8xf32> to vector<1x1xf32>
        %mul3A_203 = vector.broadcast %slice3A_202 : vector<1x1xf32> to vector<1x24xf32>
        %mul3A_204 = arith.mulf %convert_element_type3A_197, %mul3A_203 : vector<1x24xf32>
        %add3A_205 = arith.addf %add3A_192, %mul3A_204 : vector<1x24xf32>
        %eq3A_206 = arith.constant 2.000000e+00 : f32
        %eq3A_207 = vector.broadcast %eq3A_206 : f32 to vector<1x24xf32>
        %eq3A_208 = arith.cmpf oeq, %add3A_179, %eq3A_207 : vector<1x24xf32>
        %convert_element_type3A_209 = arith.extui %eq3A_208 : vector<1x24xi1> to vector<1x24xi32>
        %convert_element_type3A_210 = arith.sitofp %convert_element_type3A_209 : vector<1x24xi32> to vector<1x24xf32>
        %slice3A_211 = vector.extract_strided_slice %dot_general3A_61 {offsets = [0, 2], sizes = [1, 1], strides = [1, 1]} : vector<1x8xf32> to vector<1x1xf32>
        %mul3A_212 = vector.broadcast %slice3A_211 : vector<1x1xf32> to vector<1x24xf32>
        %mul3A_213 = arith.mulf %convert_element_type3A_210, %mul3A_212 : vector<1x24xf32>
        %add3A_214 = arith.addf %add3A_201, %mul3A_213 : vector<1x24xf32>
        %slice3A_215 = vector.extract_strided_slice %mul3A_82 {offsets = [0, 2], sizes = [1, 1], strides = [1, 1]} : vector<1x8xf32> to vector<1x1xf32>
        %mul3A_216 = vector.broadcast %slice3A_215 : vector<1x1xf32> to vector<1x24xf32>
        %mul3A_217 = arith.mulf %convert_element_type3A_210, %mul3A_216 : vector<1x24xf32>
        %add3A_218 = arith.addf %add3A_205, %mul3A_217 : vector<1x24xf32>
        %eq3A_219 = arith.constant 3.000000e+00 : f32
        %eq3A_220 = vector.broadcast %eq3A_219 : f32 to vector<1x24xf32>
        %eq3A_221 = arith.cmpf oeq, %add3A_179, %eq3A_220 : vector<1x24xf32>
        %convert_element_type3A_222 = arith.extui %eq3A_221 : vector<1x24xi1> to vector<1x24xi32>
        %convert_element_type3A_223 = arith.sitofp %convert_element_type3A_222 : vector<1x24xi32> to vector<1x24xf32>
        %slice3A_224 = vector.extract_strided_slice %dot_general3A_61 {offsets = [0, 3], sizes = [1, 1], strides = [1, 1]} : vector<1x8xf32> to vector<1x1xf32>
        %mul3A_225 = vector.broadcast %slice3A_224 : vector<1x1xf32> to vector<1x24xf32>
        %mul3A_226 = arith.mulf %convert_element_type3A_223, %mul3A_225 : vector<1x24xf32>
        %add3A_227 = arith.addf %add3A_214, %mul3A_226 : vector<1x24xf32>
        %slice3A_228 = vector.extract_strided_slice %mul3A_82 {offsets = [0, 3], sizes = [1, 1], strides = [1, 1]} : vector<1x8xf32> to vector<1x1xf32>
        %mul3A_229 = vector.broadcast %slice3A_228 : vector<1x1xf32> to vector<1x24xf32>
        %mul3A_230 = arith.mulf %convert_element_type3A_223, %mul3A_229 : vector<1x24xf32>
        %add3A_231 = arith.addf %add3A_218, %mul3A_230 : vector<1x24xf32>
        %eq3A_232 = arith.constant 4.000000e+00 : f32
        %eq3A_233 = vector.broadcast %eq3A_232 : f32 to vector<1x24xf32>
        %eq3A_234 = arith.cmpf oeq, %add3A_179, %eq3A_233 : vector<1x24xf32>
        %convert_element_type3A_235 = arith.extui %eq3A_234 : vector<1x24xi1> to vector<1x24xi32>
        %convert_element_type3A_236 = arith.sitofp %convert_element_type3A_235 : vector<1x24xi32> to vector<1x24xf32>
        %slice3A_237 = vector.extract_strided_slice %dot_general3A_61 {offsets = [0, 4], sizes = [1, 1], strides = [1, 1]} : vector<1x8xf32> to vector<1x1xf32>
        %mul3A_238 = vector.broadcast %slice3A_237 : vector<1x1xf32> to vector<1x24xf32>
        %mul3A_239 = arith.mulf %convert_element_type3A_236, %mul3A_238 : vector<1x24xf32>
        %add3A_240 = arith.addf %add3A_227, %mul3A_239 : vector<1x24xf32>
        %slice3A_241 = vector.extract_strided_slice %mul3A_82 {offsets = [0, 4], sizes = [1, 1], strides = [1, 1]} : vector<1x8xf32> to vector<1x1xf32>
        %mul3A_242 = vector.broadcast %slice3A_241 : vector<1x1xf32> to vector<1x24xf32>
        %mul3A_243 = arith.mulf %convert_element_type3A_236, %mul3A_242 : vector<1x24xf32>
        %add3A_244 = arith.addf %add3A_231, %mul3A_243 : vector<1x24xf32>
        %eq3A_245 = arith.constant 5.000000e+00 : f32
        %eq3A_246 = vector.broadcast %eq3A_245 : f32 to vector<1x24xf32>
        %eq3A_247 = arith.cmpf oeq, %add3A_179, %eq3A_246 : vector<1x24xf32>
        %convert_element_type3A_248 = arith.extui %eq3A_247 : vector<1x24xi1> to vector<1x24xi32>
        %convert_element_type3A_249 = arith.sitofp %convert_element_type3A_248 : vector<1x24xi32> to vector<1x24xf32>
        %slice3A_250 = vector.extract_strided_slice %dot_general3A_61 {offsets = [0, 5], sizes = [1, 1], strides = [1, 1]} : vector<1x8xf32> to vector<1x1xf32>
        %mul3A_251 = vector.broadcast %slice3A_250 : vector<1x1xf32> to vector<1x24xf32>
        %mul3A_252 = arith.mulf %convert_element_type3A_249, %mul3A_251 : vector<1x24xf32>
        %add3A_253 = arith.addf %add3A_240, %mul3A_252 : vector<1x24xf32>
        %slice3A_254 = vector.extract_strided_slice %mul3A_82 {offsets = [0, 5], sizes = [1, 1], strides = [1, 1]} : vector<1x8xf32> to vector<1x1xf32>
        %mul3A_255 = vector.broadcast %slice3A_254 : vector<1x1xf32> to vector<1x24xf32>
        %mul3A_256 = arith.mulf %convert_element_type3A_249, %mul3A_255 : vector<1x24xf32>
        %add3A_257 = arith.addf %add3A_244, %mul3A_256 : vector<1x24xf32>
        %eq3A_258 = arith.constant 6.000000e+00 : f32
        %eq3A_259 = vector.broadcast %eq3A_258 : f32 to vector<1x24xf32>
        %eq3A_260 = arith.cmpf oeq, %add3A_179, %eq3A_259 : vector<1x24xf32>
        %convert_element_type3A_261 = arith.extui %eq3A_260 : vector<1x24xi1> to vector<1x24xi32>
        %convert_element_type3A_262 = arith.sitofp %convert_element_type3A_261 : vector<1x24xi32> to vector<1x24xf32>
        %slice3A_263 = vector.extract_strided_slice %dot_general3A_61 {offsets = [0, 6], sizes = [1, 1], strides = [1, 1]} : vector<1x8xf32> to vector<1x1xf32>
        %mul3A_264 = vector.broadcast %slice3A_263 : vector<1x1xf32> to vector<1x24xf32>
        %mul3A_265 = arith.mulf %convert_element_type3A_262, %mul3A_264 : vector<1x24xf32>
        %add3A_266 = arith.addf %add3A_253, %mul3A_265 : vector<1x24xf32>
        %slice3A_267 = vector.extract_strided_slice %mul3A_82 {offsets = [0, 6], sizes = [1, 1], strides = [1, 1]} : vector<1x8xf32> to vector<1x1xf32>
        %mul3A_268 = vector.broadcast %slice3A_267 : vector<1x1xf32> to vector<1x24xf32>
        %mul3A_269 = arith.mulf %convert_element_type3A_262, %mul3A_268 : vector<1x24xf32>
        %add3A_270 = arith.addf %add3A_257, %mul3A_269 : vector<1x24xf32>
        %eq3A_271 = arith.constant 7.000000e+00 : f32
        %eq3A_272 = vector.broadcast %eq3A_271 : f32 to vector<1x24xf32>
        %eq3A_273 = arith.cmpf oeq, %add3A_179, %eq3A_272 : vector<1x24xf32>
        %convert_element_type3A_274 = arith.extui %eq3A_273 : vector<1x24xi1> to vector<1x24xi32>
        %convert_element_type3A_275 = arith.sitofp %convert_element_type3A_274 : vector<1x24xi32> to vector<1x24xf32>
        %slice3A_276 = vector.extract_strided_slice %dot_general3A_61 {offsets = [0, 7], sizes = [1, 1], strides = [1, 1]} : vector<1x8xf32> to vector<1x1xf32>
        %mul3A_277 = vector.broadcast %slice3A_276 : vector<1x1xf32> to vector<1x24xf32>
        %mul3A_278 = arith.mulf %convert_element_type3A_275, %mul3A_277 : vector<1x24xf32>
        %add3A_279 = arith.addf %add3A_266, %mul3A_278 : vector<1x24xf32>
        %slice3A_280 = vector.extract_strided_slice %mul3A_82 {offsets = [0, 7], sizes = [1, 1], strides = [1, 1]} : vector<1x8xf32> to vector<1x1xf32>
        %mul3A_281 = vector.broadcast %slice3A_280 : vector<1x1xf32> to vector<1x24xf32>
        %mul3A_282 = arith.mulf %convert_element_type3A_275, %mul3A_281 : vector<1x24xf32>
        %add3A_283 = arith.addf %add3A_270, %mul3A_282 : vector<1x24xf32>
        %mul3A_284 = arith.constant 2.560000e+02 : f32
        %mul3A_285 = vector.broadcast %mul3A_284 : f32 to vector<1x24xf32>
        %mul3A_286 = arith.mulf %min3A_124, %mul3A_285 : vector<1x24xf32>
        %sub3A_287 = arith.subf %mul3A_286, %add3A_283 : vector<1x24xf32>
        %sub3A_288 = arith.subf %add3A_279, %sub3A_287 : vector<1x24xf32>
        %jit3A_289 = arith.constant 0.000000e+00 : f32
        %jit3A_290 = arith.constant 2.560000e+02 : f32
        %max3A_291 = vector.broadcast %jit3A_289 : f32 to vector<1x24xf32>
        %max3A_292 = arith.maximumf %max3A_291, %sub3A_288 : vector<1x24xf32>
        %min3A_293 = vector.broadcast %jit3A_290 : f32 to vector<1x24xf32>
        %min3A_294 = arith.minimumf %min3A_293, %max3A_292 : vector<1x24xf32>
        %lt3A_295 = vector.broadcast %add3A_118 : vector<1x1xf32> to vector<1x24xf32>
        %lt3A_296 = arith.cmpf olt, %convert_element_type3A_120, %lt3A_295 : vector<1x24xf32>
        %jit3A_297 = arith.constant 0.000000e+00 : f32
        %broadcast_in_dim3A_298 = vector.broadcast %jit3A_297 : f32 to vector<1x24xf32>
        %select_n3A_299 = arith.select %lt3A_296, %min3A_294, %broadcast_in_dim3A_298 : vector<1x24xi1>, vector<1x24xf32>
        %convert_element_type3A_300 = arith.fptosi %add3A_179 : vector<1x24xf32> to vector<1x24xi32>
        %swap3A_301 = arith.constant 0 : index
        %swap3A_302 = arith.constant 0 : index
        %swap3A_303 = vector.load %arg7[%swap3A_301, %swap3A_302] : memref<1x24xi32, #tpu.memory_space<vmem>>, vector<1x24xi32>
        tpu.vector_store %arg7[%swap3A_301, %swap3A_302], %convert_element_type3A_300 {strides = array<i32>} : memref<1x24xi32, #tpu.memory_space<vmem>>, vector<1x24xi32>,
        %convert_element_type3A_304 = arith.fptosi %select_n3A_299 : vector<1x24xf32> to vector<1x24xi32>
        %swap3A_305 = arith.constant 0 : index
        %swap3A_306 = arith.constant 0 : index
        %swap3A_307 = vector.load %arg8[%swap3A_305, %swap3A_306] : memref<1x24xi32, #tpu.memory_space<vmem>>, vector<1x24xi32>
        tpu.vector_store %arg8[%swap3A_305, %swap3A_306], %convert_element_type3A_304 {strides = array<i32>} : memref<1x24xi32, #tpu.memory_space<vmem>>, vector<1x24xi32>,
        %convert_element_type3A_308 = arith.fptosi %min3A_124 : vector<1x24xf32> to vector<1x24xi32>
        %swap3A_309 = arith.constant 0 : index
        %swap3A_310 = arith.constant 0 : index
        %swap3A_311 = vector.load %arg9[%swap3A_309, %swap3A_310] : memref<1x24xi32, #tpu.memory_space<vmem>>, vector<1x24xi32>
        tpu.vector_store %arg9[%swap3A_309, %swap3A_310], %convert_element_type3A_308 {strides = array<i32>} : memref<1x24xi32, #tpu.memory_space<vmem>>, vector<1x24xi32>,
      } else {
      }
    } else {
    }
    return
  }
  func.func @transform_0(%arg0: i32, %arg1: i32) -> (i32, i32) {
    %c0_i32 = arith.constant 0 : i32
    %c0_i32_0 = arith.constant 0 : i32
    return %arg1, %c0_i32 : i32, i32
  }
  func.func @transform_1(%arg0: i32, %arg1: i32) -> (i32, i32) {
    %c0_i32 = arith.constant 0 : i32
    %c0_i32_0 = arith.constant 0 : i32
    %c0_i32_1 = arith.constant 0 : i32
    return %c0_i32, %c0_i32_0 : i32, i32
  }
  func.func @transform_2(%arg0: i32, %arg1: i32) -> (i32, i32) {
    %c0_i32 = arith.constant 0 : i32
    %c0_i32_0 = arith.constant 0 : i32
    return %arg1, %c0_i32 : i32, i32
  }
  func.func @transform_3(%arg0: i32, %arg1: i32) -> (i32, i32) {
    %c0_i32 = arith.constant 0 : i32
    %c0_i32_0 = arith.constant 0 : i32
    return %arg1, %c0_i32 : i32, i32
  }
  func.func @transform_4(%arg0: i32, %arg1: i32) -> (i32, i32) {
    %c0_i32 = arith.constant 0 : i32
    %c0_i32_0 = arith.constant 0 : i32
    return %arg1, %c0_i32 : i32, i32
  }
  func.func @transform_5(%arg0: i32, %arg1: i32) -> (i32, i32) {
    %c0_i32 = arith.constant 0 : i32
    %c0_i32_0 = arith.constant 0 : i32
    %c0_i32_1 = arith.constant 0 : i32
    return %c0_i32, %c0_i32_0 : i32, i32
  }
  func.func @transform_6(%arg0: i32, %arg1: i32) -> (i32, i32) {
    %c0_i32 = arith.constant 0 : i32
    %c0_i32_0 = arith.constant 0 : i32
    %c0_i32_1 = arith.constant 0 : i32
    return %c0_i32, %c0_i32_0 : i32, i32
  }
  func.func @transform_7(%arg0: i32, %arg1: i32) -> (i32, i32) {
    %c0_i32 = arith.constant 0 : i32
    %c0_i32_0 = arith.constant 0 : i32
    %c0_i32_1 = arith.constant 0 : i32
    return %c0_i32, %c0_i32_0 : i32, i32
  }
}

module attributes {stable_mosaic.version = 14 : i64} {
  func.func @_gemm_body(%arg0: i32, %arg1: memref<24xi32, #tpu.memory_space<smem>>, %arg2: memref<24xi32, #tpu.memory_space<smem>>, %arg3: memref<24xi32, #tpu.memory_space<smem>>, %arg4: memref<256x512xi32, #tpu.memory_space<vmem>>, %arg5: memref<256x1xf32, #tpu.memory_space<vmem>>, %arg6: memref<1x1024x768xf32, #tpu.memory_space<vmem>>, %arg7: memref<1x1024x768xf32, #tpu.memory_space<vmem>>, %arg8: memref<1x768x1024xf32, #tpu.memory_space<vmem>>, %arg9: memref<256x512xi32, #tpu.memory_space<vmem>>) attributes {dimension_semantics = [#tpu.dimension_semantics<arbitrary>], iteration_bounds = array<i64: 24>, scalar_prefetch = 3 : i64, scratch_operands = 0 : i64, tpu.core_type = #tpu.core_type<tc>, window_params = [{transform_indices = @transform_0, window_bounds = array<i64: 256, 512>}, {transform_indices = @transform_1, window_bounds = array<i64: 256, 1>}, {transform_indices = @transform_2, window_bounds = array<i64: 1, 1024, 768>}, {transform_indices = @transform_3, window_bounds = array<i64: 1, 1024, 768>}, {transform_indices = @transform_4, window_bounds = array<i64: 1, 768, 1024>}, {transform_indices = @transform_5, window_bounds = array<i64: 256, 512>}]} {
    %get3A = arith.index_cast %arg0 : i32 to index
    %get3A_0 = memref.load %arg2[%get3A] : memref<24xi32, #tpu.memory_space<smem>>
    %gt3A = arith.constant 0 : i32
    %gt3A_1 = arith.cmpi sgt, %get3A_0, %gt3A : i32
    %convert_element_type3A = arith.extui %gt3A_1 : i1 to i32
    %cond3A = arith.constant 0 : i32
    %cond3A_2 = arith.cmpi ne, %convert_element_type3A, %cond3A : i32
    scf.if %cond3A_2 {
      %get3A_3 = arith.constant 0 : index
      %get3A_4 = arith.constant 0 : index
      %get3A_5 = vector.load %arg4[%get3A_3, %get3A_4] : memref<256x512xi32, #tpu.memory_space<vmem>>, vector<256x512xi32>
      %shift_left3A = arith.constant 16 : i32
      %shift_left3A_6 = vector.broadcast %shift_left3A : i32 to vector<256x512xi32>
      %shift_left3A_7 = arith.shli %get3A_5, %shift_left3A_6 : vector<256x512xi32>
      %bitcast_convert_type3A = tpu.bitcast %shift_left3A_7 : vector<256x512xi32> -> vector<256x512xf32>
      %and3A = arith.constant -65536 : i32
      %and3A_8 = vector.broadcast %and3A : i32 to vector<256x512xi32>
      %and3A_9 = arith.andi %get3A_5, %and3A_8 : vector<256x512xi32>
      %bitcast_convert_type3A_10 = tpu.bitcast %and3A_9 : vector<256x512xi32> -> vector<256x512xf32>
      %concatenate3A = tpu.concatenate %bitcast_convert_type3A, %bitcast_convert_type3A_10 in 1 : vector<256x512xf32>, vector<256x512xf32> -> vector<256x1024xf32>
      %get3A_11 = arith.constant 0 : index
      %get3A_12 = arith.constant 0 : index
      %get3A_13 = arith.constant 0 : index
      %get3A_14 = vector.load %arg6[%get3A_11, %get3A_12, %get3A_13] : memref<1x1024x768xf32, #tpu.memory_space<vmem>>, vector<1x1024x768xf32>
      %get3A_15 = vector.shape_cast %get3A_14 : vector<1x1024x768xf32> to vector<1024x768xf32>
      %dot_general3A = arith.constant dense<0.000000e+00> : vector<256x768xf32>
      %dot_general3A_16 = tpu.matmul %concatenate3A, %get3A_15, %dot_general3A {dimension_numbers = #tpu.dot_dimension_numbers<[1], [0], [0], [1], [0, 0, 1, 1], [], []>, transpose_lhs_hint = false} : vector<256x1024xf32>, vector<1024x768xf32>, vector<256x768xf32> -> vector<256x768xf32>
      %get3A_17 = arith.constant 0 : index
      %get3A_18 = arith.constant 0 : index
      %get3A_19 = arith.constant 0 : index
      %get3A_20 = vector.load %arg7[%get3A_17, %get3A_18, %get3A_19] : memref<1x1024x768xf32, #tpu.memory_space<vmem>>, vector<1x1024x768xf32>
      %get3A_21 = vector.shape_cast %get3A_20 : vector<1x1024x768xf32> to vector<1024x768xf32>
      %dot_general3A_22 = arith.constant dense<0.000000e+00> : vector<256x768xf32>
      %dot_general3A_23 = tpu.matmul %concatenate3A, %get3A_21, %dot_general3A_22 {dimension_numbers = #tpu.dot_dimension_numbers<[1], [0], [0], [1], [0, 0, 1, 1], [], []>, transpose_lhs_hint = false} : vector<256x1024xf32>, vector<1024x768xf32>, vector<256x768xf32> -> vector<256x768xf32>
      %logistic3A = arith.negf %dot_general3A_16 : vector<256x768xf32>
      %logistic3A_24 = math.exp %logistic3A : vector<256x768xf32>
      %logistic3A_25 = arith.constant 1.000000e+00 : f32
      %logistic3A_26 = vector.broadcast %logistic3A_25 : f32 to vector<256x768xf32>
      %logistic3A_27 = arith.addf %logistic3A_26, %logistic3A_24 : vector<256x768xf32>
      %logistic3A_28 = arith.divf %logistic3A_26, %logistic3A_27 : vector<256x768xf32>
      %mul3A = arith.mulf %dot_general3A_16, %logistic3A_28 : vector<256x768xf32>
      %mul3A_29 = arith.mulf %mul3A, %dot_general3A_23 : vector<256x768xf32>
      %get3A_30 = arith.constant 0 : index
      %get3A_31 = arith.constant 0 : index
      %get3A_32 = arith.constant 0 : index
      %get3A_33 = vector.load %arg8[%get3A_30, %get3A_31, %get3A_32] : memref<1x768x1024xf32, #tpu.memory_space<vmem>>, vector<1x768x1024xf32>
      %get3A_34 = vector.shape_cast %get3A_33 : vector<1x768x1024xf32> to vector<768x1024xf32>
      %dot_general3A_35 = arith.constant dense<0.000000e+00> : vector<256x1024xf32>
      %dot_general3A_36 = tpu.matmul %mul3A_29, %get3A_34, %dot_general3A_35 {dimension_numbers = #tpu.dot_dimension_numbers<[1], [0], [0], [1], [0, 0, 1, 1], [], []>, transpose_lhs_hint = false} : vector<256x768xf32>, vector<768x1024xf32>, vector<256x1024xf32> -> vector<256x1024xf32>
      %get3A_37 = arith.constant 0 : index
      %get3A_38 = arith.constant 0 : index
      %get3A_39 = vector.load %arg5[%get3A_37, %get3A_38] : memref<256x1xf32, #tpu.memory_space<vmem>>, vector<256x1xf32>
      %mul3A_40 = vector.broadcast %get3A_39 : vector<256x1xf32> to vector<256x1024xf32>
      %mul3A_41 = arith.mulf %mul3A_40, %dot_general3A_36 : vector<256x1024xf32>
      %slice3A = vector.extract_strided_slice %mul3A_41 {offsets = [0, 0], sizes = [256, 512], strides = [1, 1]} : vector<256x1024xf32> to vector<256x512xf32>
      %convert_element_type3A_42 = arith.truncf %slice3A : vector<256x512xf32> to vector<256x512xbf16>
      %convert_element_type3A_43 = arith.extf %convert_element_type3A_42 : vector<256x512xbf16> to vector<256x512xf32>
      %bitcast_convert_type3A_44 = tpu.bitcast %convert_element_type3A_43 : vector<256x512xf32> -> vector<256x512xi32>
      %slice3A_45 = vector.extract_strided_slice %mul3A_41 {offsets = [0, 512], sizes = [256, 512], strides = [1, 1]} : vector<256x1024xf32> to vector<256x512xf32>
      %convert_element_type3A_46 = arith.truncf %slice3A_45 : vector<256x512xf32> to vector<256x512xbf16>
      %convert_element_type3A_47 = arith.extf %convert_element_type3A_46 : vector<256x512xbf16> to vector<256x512xf32>
      %bitcast_convert_type3A_48 = tpu.bitcast %convert_element_type3A_47 : vector<256x512xf32> -> vector<256x512xi32>
      %shift_right_logical3A = arith.constant 16 : i32
      %shift_right_logical3A_49 = vector.broadcast %shift_right_logical3A : i32 to vector<256x512xi32>
      %shift_right_logical3A_50 = arith.shrui %bitcast_convert_type3A_44, %shift_right_logical3A_49 : vector<256x512xi32>
      %and3A_51 = arith.constant -65536 : i32
      %and3A_52 = vector.broadcast %and3A_51 : i32 to vector<256x512xi32>
      %and3A_53 = arith.andi %bitcast_convert_type3A_48, %and3A_52 : vector<256x512xi32>
      %or3A = arith.ori %shift_right_logical3A_50, %and3A_53 : vector<256x512xi32>
      %swap3A = arith.constant 0 : index
      %swap3A_54 = arith.constant 0 : index
      %swap3A_55 = vector.load %arg9[%swap3A, %swap3A_54] : memref<256x512xi32, #tpu.memory_space<vmem>>, vector<256x512xi32>
      tpu.vector_store %arg9[%swap3A, %swap3A_54], %or3A {strides = array<i32>} : memref<256x512xi32, #tpu.memory_space<vmem>>, vector<256x512xi32>,
    } else {
    }
    return
  }
  func.func @transform_0(%arg0: i32, %arg1: memref<24xi32, #tpu.memory_space<smem>>, %arg2: memref<24xi32, #tpu.memory_space<smem>>, %arg3: memref<24xi32, #tpu.memory_space<smem>>) -> (i32, i32) {
    %get3A = arith.index_cast %arg0 : i32 to index
    %get3A_0 = memref.load %arg3[%get3A] : memref<24xi32, #tpu.memory_space<smem>>
    %c0_i32 = arith.constant 0 : i32
    %c0_i32_1 = arith.constant 0 : i32
    return %get3A_0, %c0_i32 : i32, i32
  }
  func.func @transform_1(%arg0: i32, %arg1: memref<24xi32, #tpu.memory_space<smem>>, %arg2: memref<24xi32, #tpu.memory_space<smem>>, %arg3: memref<24xi32, #tpu.memory_space<smem>>) -> (i32, i32) {
    %get3A = arith.index_cast %arg0 : i32 to index
    %get3A_0 = memref.load %arg3[%get3A] : memref<24xi32, #tpu.memory_space<smem>>
    %c0_i32 = arith.constant 0 : i32
    %c0_i32_1 = arith.constant 0 : i32
    return %get3A_0, %c0_i32 : i32, i32
  }
  func.func @transform_2(%arg0: i32, %arg1: memref<24xi32, #tpu.memory_space<smem>>, %arg2: memref<24xi32, #tpu.memory_space<smem>>, %arg3: memref<24xi32, #tpu.memory_space<smem>>) -> (i32, i32, i32) {
    %get3A = arith.index_cast %arg0 : i32 to index
    %get3A_0 = memref.load %arg1[%get3A] : memref<24xi32, #tpu.memory_space<smem>>
    %c0_i32 = arith.constant 0 : i32
    %c0_i32_1 = arith.constant 0 : i32
    %c0_i32_2 = arith.constant 0 : i32
    return %get3A_0, %c0_i32, %c0_i32_1 : i32, i32, i32
  }
  func.func @transform_3(%arg0: i32, %arg1: memref<24xi32, #tpu.memory_space<smem>>, %arg2: memref<24xi32, #tpu.memory_space<smem>>, %arg3: memref<24xi32, #tpu.memory_space<smem>>) -> (i32, i32, i32) {
    %get3A = arith.index_cast %arg0 : i32 to index
    %get3A_0 = memref.load %arg1[%get3A] : memref<24xi32, #tpu.memory_space<smem>>
    %c0_i32 = arith.constant 0 : i32
    %c0_i32_1 = arith.constant 0 : i32
    %c0_i32_2 = arith.constant 0 : i32
    return %get3A_0, %c0_i32, %c0_i32_1 : i32, i32, i32
  }
  func.func @transform_4(%arg0: i32, %arg1: memref<24xi32, #tpu.memory_space<smem>>, %arg2: memref<24xi32, #tpu.memory_space<smem>>, %arg3: memref<24xi32, #tpu.memory_space<smem>>) -> (i32, i32, i32) {
    %get3A = arith.index_cast %arg0 : i32 to index
    %get3A_0 = memref.load %arg1[%get3A] : memref<24xi32, #tpu.memory_space<smem>>
    %c0_i32 = arith.constant 0 : i32
    %c0_i32_1 = arith.constant 0 : i32
    %c0_i32_2 = arith.constant 0 : i32
    return %get3A_0, %c0_i32, %c0_i32_1 : i32, i32, i32
  }
  func.func @transform_5(%arg0: i32, %arg1: memref<24xi32, #tpu.memory_space<smem>>, %arg2: memref<24xi32, #tpu.memory_space<smem>>, %arg3: memref<24xi32, #tpu.memory_space<smem>>) -> (i32, i32) {
    %get3A = arith.index_cast %arg0 : i32 to index
    %get3A_0 = memref.load %arg3[%get3A] : memref<24xi32, #tpu.memory_space<smem>>
    %c0_i32 = arith.constant 0 : i32
    %c0_i32_1 = arith.constant 0 : i32
    return %get3A_0, %c0_i32 : i32, i32
  }
}

</mosaic_0001>

<sc_bundles>
// kernel: kernel.6.cloned.1.call-start
scs
__scs_entry_jumppad:
0x0: {  	(pc) =	sbr.rel $0x88, $3  }
0x1: {  	(tag) =	ssettag $0x0;
	lr =	simm.s32 $0x1  }
0x2: {  	[smem:$0x3F9C] =	sst lr;
	_ =	strace $0xD0000000  }
0x3: {  	_ = 	snop  }
0x4: {  	_ = 	snop  }
0x5: {  	_ = 	snop  }
0x6: {  	_ = 	snop  }
0x7: {  	_ = 	snop  }
__scs_overlays_trampoline_lowered:
0x8: {  	[smem:$0x3FAB] =	sst s0  }
0x9: {  	[smem:$0x3FAC] =	sst s1  }
0xa: {  	[smem:$0x3FAD] =	sst s2  }
0xb: {  	[smem:$0x3FAE] =	sst s3  }
0xc: {  	[smem:$0x3FAF] =	sst s4  }
0xd: {  	[smem:$0x3FB0] =	sst s5  }
0xe: {  	[smem:$0x3FB1] =	sst s6  }
0xf: {  	[smem:$0x3FB2] =	sst s7  }
0x10: {  	[smem:$0x3FB3] =	sst s8  }
0x11: {  	[smem:$0x3FB4] =	sst s9;
	s0 =	simm.s32 @!p0 $0x0  }
0x12: {  	s1 =	sld [smem:$0x3F9A];
	s0 =	simm.s32 @p0 $0x1  }
0x13: {  	[smem:$0x3FB5] =	sst s0;
	s0 =	simm.s32 @!p1 $0x0  }
0x14: {  	s2 =	sld [smem:$0x3F99];
	s0 =	simm.s32 @p1 $0x1  }
0x15: {  	[smem:$0x3FB6] =	sst s0;
	s0 =	simm.s32 @!p2 $0x0  }
0x16: {  	s3 =	sld [smem:$0x3FDB];
	s0 =	simm.s32 @p2 $0x1  }
0x17: {  	s4 =	simm.s32 $0x1BF5;
	[smem:$0x3FB8] =	sst s0  }
0x18: {  	s0 =	sld [smem:$0x3F9B];
	_ =	swait.ge [sflag:s4], $0x0  }
0x19: {  	s7 =	sld [smem:$0x3F9C]  }
0x1a: {  	s8 =	sadd.s32 $0xFFFFE003, lr  }
0x1b: {  	s9 =	sadd.s32 $0xFFFFFEF7, lr;
	s5 =	simm.s32 $0xFFFFFFFF;
	p2 =	slt.u32 s8, $0xFFFFF086  }
0x1c: {  	p1 =	slt.u32 s9, $0xF7A;
	s5 =	simm.s32 @!p2 $0x0  }
0x1d: {  	s5 =	simm.s32 @p1 $0x1;
	p0 =	seq.s32 s7, s2  }
0x1e: {  	s7 =	smul.u32 @!p0 $0xF7A, s2;
	p2 =	seq.s32 @!p0 s5, $0x0  }
0x1f: {  	s9 =	smul.u32 $0xF7A, s1;
	s8 =	simm.s32 @!p0 $0x1BF5;
	p2 =	por !p2, p0  }
0x20: {  	[sflag:s8] =	ssyncset.s32 @!p0 $0xFFFFF086;
	s6 =	sadd.s32 @!p0 s3, s7;
	s7 =	simm.s32 @!p0 $0x108  }
0x21: {  	s3 =	sadd.s32 s3, s9;
	s6 =	sadd.s32 @!p0 $0x88, s6;
	s7 =	simm.s32 @p2 $0x1082  }
0x22: {  	[simem:s7], [sflag:s8] =	dma.local @!p0 [hbm:s6], $0xF7A  }
0x23: {  	s9 =	sor.u32 $0xD0000000, s2;
	s6 =	simm.s32 $0x108;
	_ =	swait.ge @!p0 [sflag:s8], $0x0  }
0x24: {  	s3 =	sadd.s32 $0x88, s3;
	s6 =	simm.s32 @!p1 $0x1082;
	[sflag:s4] =	ssyncset.s32 $0xFFFFF086  }
0x25: {  	[simem:s6], [sflag:s4] =	dma.local [hbm:s3], $0xF7A  }
0x26: {  	[smem:$0x3F9C] =	sst s1;
	(tag) =	ssettag s2;
	_ =	strace s9  }
0x27: {  	s1 =	sld [smem:$0x3FAC]  }
0x28: {  	s2 =	sld [smem:$0x3FAD]  }
0x29: {  	s4 =	sld [smem:$0x3FAF]  }
0x2a: {  	p0 =	seq.s32 s5, $0x0;
	s5 =	sld [smem:$0x3FB0]  }
0x2b: {  	s6 =	sld [smem:$0x3FB1]  }
0x2c: {  	s7 =	sld [smem:$0x3FB2]  }
0x2d: {  	s3 =	simm.s32 $0x108;
	s8 =	sld [smem:$0x3FB3]  }
0x2e: {  	s3 =	simm.s32 @!p0 $0x1082;
	s9 =	sld [smem:$0x3FB4]  }
0x2f: {  	lr =	sadd.s32 s0, s3;
	s0 =	sld [smem:$0x3FAB]  }
0x30: {  	s3 =	sld [smem:$0x3FAE]  }
0x31: {  	[smem:$0x3FB7] =	sst s10  }
0x32: {  	s10 =	sld [smem:$0x3FB5];
	_ =	sdelay $0x3  }
0x33: {  	p0 =	seq.s32 s10, $0x1;
	s10 =	sld [smem:$0x3FB7];
	_ =	sdelay $0x3  }
0x34: {  	[smem:$0x3FB7] =	sst s10  }
0x35: {  	s10 =	sld [smem:$0x3FB6];
	_ =	sdelay $0x3  }
0x36: {  	p1 =	seq.s32 s10, $0x1;
	s10 =	sld [smem:$0x3FB7];
	_ =	sdelay $0x3  }
0x37: {  	[smem:$0x3FB7] =	sst s10  }
0x38: {  	s10 =	sld [smem:$0x3FB8]  }
0x39: {  	_ = 	snop;
	(pc) =	sbr.ind lr, $3  }
0x3a: {  	_ = 	snop  }
0x3b: {  	_ = 	snop  }
0x3c: {  	p2 =	seq.s32 s10, $0x1;
	s10 =	sld [smem:$0x3FB7]  }
0x3d: {  	_ =	shalt  }
0x3e: {  	_ =	shalt  }
0x3f: {  	_ =	shalt  }
0x40: {  	_ =	shalt  }
0x41: {  	_ =	shalt  }
0x42: {  	_ =	shalt  }
0x43: {  	_ =	shalt  }
0x44: {  	_ =	shalt  }
0x45: {  	_ =	shalt  }
0x46: {  	_ =	shalt  }
0x47: {  	_ =	shalt  }
0x48: {  	_ =	shalt  }
0x49: {  	_ =	shalt  }
0x4a: {  	_ =	shalt  }
0x4b: {  	_ =	shalt  }
0x4c: {  	_ =	shalt  }
0x4d: {  	_ =	shalt  }
0x4e: {  	_ =	shalt  }
0x4f: {  	_ =	shalt  }
0x50: {  	_ =	shalt  }
0x51: {  	_ =	shalt  }
0x52: {  	_ =	shalt  }
0x53: {  	_ =	shalt  }
0x54: {  	_ =	shalt  }
0x55: {  	_ =	shalt  }
0x56: {  	_ =	shalt  }
0x57: {  	_ =	shalt  }
0x58: {  	_ =	shalt  }
0x59: {  	_ =	shalt  }
0x5a: {  	_ =	shalt  }
0x5b: {  	_ =	shalt  }
0x5c: {  	_ =	shalt  }
0x5d: {  	_ =	shalt  }
0x5e: {  	_ =	shalt  }
0x5f: {  	_ =	shalt  }
0x60: {  	_ =	shalt  }
0x61: {  	_ =	shalt  }
0x62: {  	_ =	shalt  }
0x63: {  	_ =	shalt  }
0x64: {  	_ =	shalt  }
0x65: {  	_ =	shalt  }
0x66: {  	_ =	shalt  }
0x67: {  	_ =	shalt  }
0x68: {  	_ =	shalt  }
0x69: {  	_ =	shalt  }
0x6a: {  	_ =	shalt  }
0x6b: {  	_ =	shalt  }
0x6c: {  	_ =	shalt  }
0x6d: {  	_ =	shalt  }
0x6e: {  	_ =	shalt  }
0x6f: {  	_ =	shalt  }
0x70: {  	_ =	shalt  }
0x71: {  	_ =	shalt  }
0x72: {  	_ =	shalt  }
0x73: {  	_ =	shalt  }
0x74: {  	_ =	shalt  }
0x75: {  	_ =	shalt  }
0x76: {  	_ =	shalt  }
0x77: {  	_ =	shalt  }
0x78: {  	_ =	shalt  }
0x79: {  	_ =	shalt  }
0x7a: {  	_ =	shalt  }
0x7b: {  	_ =	shalt  }
0x7c: {  	_ =	shalt  }
0x7d: {  	_ =	shalt  }
0x7e: {  	_ =	shalt  }
0x7f: {  	_ =	shalt  }
0x80: {  	_ =	shalt  }
0x81: {  	_ =	shalt  }
0x82: {  	_ =	shalt  }
0x83: {  	_ =	shalt  }
0x84: {  	_ =	shalt  }
0x85: {  	_ =	shalt  }
0x86: {  	_ =	shalt  }
0x87: {  	_ =	shalt  }
.Lfunc_end0:
.L_simem_size_0:
called_computation_lowered:
.L_overlay_start_0:
0x88: {  	s2 =	sld [smem:$0x3FD9]  }
0x89: {  	s3 =	sld [smem:$0x3FFE];
	_ =	sdelay $0x1  }
0x8a: {  	s1 =	srdreg.scid  }
0x8b: {  	s0 =	sand.u32 $0x1, s1  }
0x8c: {  	s17 =	sshll.u32 s0, $0xA;
	s2 =	sadd.s32 s3, s2  }
0x8d: {  	s2 =	sadd.s32 s2, s17  }
0x8e: {  	[smem:$0x3FC3] =	sst s2  }
0x8f: {  	_ = 	snop  }
0x90: {  	s2 =	sld [smem:$0x3FD0];
	(tm) =	ssettm $0x1  }
0x91: {  	s18 =	sld [smem:$0x3FFB];
	_ =	sdelay $0x3  }
0x92: {  	_ =	strace s18  }
0x93: {  	s3 =	sld [smem:$0x3FFC];
	_ =	sdelay $0x3  }
0x94: {  	_ =	strace s3  }
0x95: {  	s3 =	sld [smem:$0x3FFD];
	_ =	sdelay $0x3  }
0x96: {  	_ =	strace s3  }
0x97: {  	_ =	strace $0x8FFFFFFF  }
0x98: {  	s19 =	sld [smem:$0x3FDB];
	_ =	sdelay $0x1  }
0x99: {  	s4 =	simm.s32 $_scs_section_size  }
0x9a: {  	s5 =	simm.s32 $_size__tile_overlayer_lowered;
	s6 =	simm.s32 $_tile_overlayer_lowered  }
0x9b: {  	s22 =	simm.s32 $0x1BFF;
	s21 =	sshll.u32 s6, $0x1;
	s3 =	sadd.s32 s4, s19  }
0x9c: {  	s7 =	simm.s32 $0x0;
	s20 =	sshll.u32 s5, $0x1;
	s5 =	sadd.s32 s21, s3  }
0x9d: {  	[timem:s7], [sflag:s22] =	dma.local [hbm:s5], s20  }
0x9e: {  	_ =	swait.ge [sflag:s22], s20  }
0x9f: {  	s4 =	ssub.s32 $0x0, s20;
	[sflag:s22] =	ssyncset.done $0x0  }
0xa0: {  	[sflag:s22] =	ssyncadd.s32 s4;
	_ =	sdelay $0x1  }
0xa1: {  	s23 =	simm.s32 $0x1B8B  }
0xa2: {  	_ =	swait.ge [sflag:s23], $0x1  }
0xa3: {  	[sflag:s23] =	ssyncset.done $0x0  }
0xa4: {  	s25 =	simm.s32 $0x1B8E;
	s24 =	sld [smem:$0x3FFE];
	[sflag:s23] =	ssyncadd.s32 $0xFFFFFFFF  }
0xa5: {  	s26 =	simm.s32 $execute0_lowered;
	[smem:$0x3FD2] =	sst s25  }
0xa6: {  	s5 =	sshll.u32 s26, $0x1;
	_ =	strace $0x80000046;
	[dreg:$0x1] =	wrdreg $0xFFFFFFFF  }
0xa7: {  	s28 =	simm.s32 $_size_execute0_lowered;
	s3 =	sadd.s32 s3, s5;
	[dreg:$0x0] =	wrdreg $0x0  }
0xa8: {  	s5 =	sshll.u32 s28, $0x1;
	[dreg:$0x2] =	wrdreg s3  }
0xa9: {  	[dreg:$0x3] =	wrdreg s5  }
0xaa: {  	[dreg:$0x4] =	wrdreg $0xC0  }
0xab: {  	_ =	task [dreg:s7], $0x5FFFF  }
0xac: {  	[dreg:$0x1] =	wrdreg $0xFFFFFFFF  }
0xad: {  	[dreg:$0x0] =	wrdreg $0x60  }
0xae: {  	[dreg:$0x2] =	wrdreg s2  }
0xaf: {  	[dreg:$0x3] =	wrdreg s24  }
0xb0: {  	[dreg:$0x4] =	wrdreg $0x9  }
0xb1: {  	_ =	task.clear_ibuf [dreg:s7], $0x5FFFF;
	_ =	strace $0x90000046  }
0xb2: {  	s29 =	simm.s32 $0x9;
	_ =	strace $0x80000048  }
0xb3: {  	_ =	swait.ge [sflag:s29], $0x1  }
0xb4: {  	[sflag:s29] =	ssyncadd.s32 $0xFFFFFFFF  }
0xb5: {  	_ =	strace $0x90000048  }
0xb6: {  	_ =	sfence  }
0xb7: {  	s30 =	sld [smem:$0x0];
	_ =	sdelay $0x2  }
0xb8: {  	s31 =	sshll.u32 s1, $0xD;
	s1 =	sshrl.u32 s1, $0x2  }
0xb9: {  	s3 =	sand.u32 $0x4000, s31;
	s1 =	sadd.s32 s1, s30  }
0xba: {  	s0 =	sor.u32 s3, s0;
	s1 =	sshll.u32 s1, $0x11  }
0xbb: {  	s0 =	sor.u32 s1, s0  }
0xbc: {  	s0 =	sadd.s32 $0x8F2B, s0  }
0xbd: {  	[sflag:s0] =	ssyncadd.remote.s32 $0x1  }
0xbe: {  	_ =	sfence.sel $0xFFFF  }
0xbf: {  	[dreg:$0x0] =	wrdreg $0xFFFFFFFF;
	(pc) =	sbr.abs _section_cstart, $3  }
0xc0: {  	[dreg:$0x1] =	wrdreg $0xFFFFFFFF  }
0xc1: {  	_ =	task.clear_ibuf [dreg:s7], $0x2FFFF;
	_ =	strace $0x9FFFFFFF  }
0xc2: {  	(tm) =	ssettm $0x7FFFFFFF  }
0xc3: {  	_ =	shalt  }
tec
execute0_lowered:
.L_overlay_start_1:
0x0: {  	(tag) =	ssettag $0x1  }
0x1: {  	s2 =	rddreg [dreg:$0x0];
	s0 =	srdreg.scid  }
0x2: {  	s3 =	stileid.u32;
	s1 =	rddreg [dreg:$0x1]  }
0x3: {  	s10 =	simm.s32 $0x2;
	s11 =	simm.s32 $0x1000;
	s12 =	simm.s32 $0x2100  }
0x4: {  	s13 =	simm.s32 $0x2000;
	s15 =	simm.s32 $0x2300;
	s28 =	simm.s32 $0x1  }
0x5: {  	s29 =	simm.s32 $0x0;
	s0 =	sand.u32 $0x1, s0;
	s4 =	sshll.u32 s3, $0x1  }
0x6: {  	s3 =	simm.s32 $0x0;
	s5 =	sadd.s32 $0x1800, s1;
	s4 =	sor.u32 s0, s4  }
0x7: {  	[smem:$0x7FF] =	sst s3;
	s0 =	ssub.s32 $0x2, s0;
	s6 =	smul.u32 $0x3000, s4  }
0x8: {  	_ =	strace $0x80000047;
	s14 =	smul.u32 $0xC0, s4;
	s7 =	sshrl.u32 s0, $0x1  }
0x9: {  	v1 =	vlaneseq.u32;
	v14 =	vimm.s32 $0x0;
	s4 =	sadd.s32 $0x1600, s1;
	s0 =	ssub.s32 s0, s7;
	s7 =	sadd.s32 $0x100, s2  }
0xa: {  	vm0 =	vmmov $0xffff;
	v16 =	vshrl.u32 v1, $0x3;
	v15 =	vand.u32 $0x7, v1;
	s8 =	sadd.s32 s6, s1;
	s31 =	sshrl.u32 s14, $0x3;
	s16 =	sor.u32 $0x10, s14  }
0xb: {  	v17 =	vor.u32 $0x8, v1;
	v16 =	vmul.u32 $0x8, v16;
	s17 =	sor.u32 $0x20, s14;
	s18 =	sor.u32 $0x30, s14;
	s19 =	sadd.s32 $0x40, s14;
	v0 =	vmov s14  }
0xc: {  	s20 =	sadd.s32 $0x50, s14;
	s21 =	sadd.s32 $0x60, s14;
	s22 =	sadd.s32 $0x70, s14;
	v2 =	vor.u32 s14, v1;
	v3 =	vor.u32 s16, v1;
	v4 =	vor.u32 s17, v1  }
0xd: {  	s23 =	sadd.s32 $0x80, s14;
	s24 =	sadd.s32 $0x90, s14;
	s25 =	sadd.s32 $0xA0, s14;
	v5 =	vor.u32 s18, v1;
	v6 =	vor.u32 s19, v1;
	v7 =	vor.u32 s20, v1  }
0xe: {  	s26 =	sadd.s32 $0xB0, s14;
	s9 =	smax.u32 s0, $0x1;
	s0 =	simm.s32 $0x13B00;
	v8 =	vor.u32 s21, v1;
	v9 =	vor.u32 s22, v1;
	v10 =	vor.u32 s23, v1  }
0xf: {  	s14 =	simm.s32 $0x14300;
	s1 =	sadd.s32 s31, s1;
	s8 =	sadd.s32 $0x1E00, s8;
	v11 =	vor.u32 s24, v1;
	v12 =	vor.u32 s25, v1;
	v13 =	vor.u32 s26, v1  }
0x10: {  	v2 =	vand.u32 $0x7CF, v2;
	s16 =	simm.s32 $0x14B00;
	s17 =	simm.s32 $0x15300;
	s18 =	simm.s32 $0x15B00;
	v3 =	vand.u32 $0x7DF, v3;
	v4 =	vand.u32 $0x7EF, v4  }
0x11: {  	s19 =	simm.s32 $0x16300;
	s20 =	simm.s32 $0x16B00;
	s21 =	simm.s32 $0x17300;
	v5 =	vand.u32 $0x7FF, v5;
	v6 =	vand.u32 $0x7CF, v6;
	v7 =	vand.u32 $0x7DF, v7  }
0x12: {  	s22 =	simm.s32 $0x17B00;
	s23 =	simm.s32 $0x18300;
	s24 =	simm.s32 $0x18B00;
	v8 =	vand.u32 $0x7EF, v8;
	v9 =	vand.u32 $0x7FF, v9;
	v10 =	vand.u32 $0x7CF, v10  }
0x13: {  	s25 =	simm.s32 $0x19300;
	s26 =	simm.s32 $0x19B00;
	s6 =	sadd.s32 $0x1A00, s1;
	v11 =	vand.u32 $0x7DF, v11;
	v12 =	vand.u32 $0x7EF, v12;
	v13 =	vand.u32 $0x7FF, v13  }
.LBB2_1:
0x14: {  	[tilespmem:s3], [sflag:$0x2] =	stream.linear.gather [hbm4b:s4+s3], $0x1000, $0x38;
	[tilespmem:$0x1A300] =	vst v63  }
0x15: {  	_ =	swait.ge [sflag:s10], $0x1000  }
0x16: {  	[sflag:s10] =	ssyncset.done $0x0  }
0x17: {  	[sflag:s10] =	ssyncadd.s32 $0xFFFFF000  }
0x18: {  	[tilespmem:s11], [sflag:$0x2] =	stream.linear.gather [hbm4b:s5+s3], $0x1000, $0x38;
	[tilespmem:$0x1A300] =	vst v63  }
0x19: {  	_ =	swait.ge [sflag:s10], $0x1000  }
0x1a: {  	[sflag:s10] =	ssyncset.done $0x0  }
0x1b: {  	[sflag:s10] =	ssyncadd.s32 $0xFFFFF000  }
0x1c: {  	[tilespmem:$0x2000] =	vst v2  }
0x1d: {  	[tilespmem:$0x2100] =	vst v14  }
0x1e: {  	[tilespmem:$0x2010] =	vst v3  }
0x1f: {  	[tilespmem:$0x2110] =	vst v14  }
0x20: {  	[tilespmem:$0x2020] =	vst v4  }
0x21: {  	[tilespmem:$0x2120] =	vst v14  }
0x22: {  	[tilespmem:$0x2030] =	vst v5  }
0x23: {  	[tilespmem:$0x2130] =	vst v14  }
0x24: {  	[tilespmem:$0x2040] =	vst v6  }
0x25: {  	[tilespmem:$0x2140] =	vst v14  }
0x26: {  	[tilespmem:$0x2050] =	vst v7  }
0x27: {  	[tilespmem:$0x2150] =	vst v14  }
0x28: {  	[tilespmem:$0x2060] =	vst v8  }
0x29: {  	[tilespmem:$0x2160] =	vst v14  }
0x2a: {  	[tilespmem:$0x2070] =	vst v9  }
0x2b: {  	[tilespmem:$0x2170] =	vst v14  }
0x2c: {  	[tilespmem:$0x2080] =	vst v10  }
0x2d: {  	[tilespmem:$0x2180] =	vst v14  }
0x2e: {  	[tilespmem:$0x2090] =	vst v11  }
0x2f: {  	[tilespmem:$0x2190] =	vst v14  }
0x30: {  	[tilespmem:$0x20A0] =	vst v12  }
0x31: {  	[tilespmem:$0x21A0] =	vst v14  }
0x32: {  	[tilespmem:$0x20B0] =	vst v13  }
0x33: {  	[tilespmem:$0x21B0] =	vst v14  }
0x34: {  	v18 =	vld [tilespmem:s3+$0x0]  }
0x35: {  	s31 =	simm.s32 $0x10;
	s30 =	simm.s32 $0x0;
	s1 =	simm.s32 $0x0  }
.LBB2_2:
0x36: {  	p0 =	sne.s32 s31, $0xFF0;
	_ =	sdelay $0x2  }
0x37: {  	v18 =	vsub.s32 v18, v0  }
0x38: {  	vm1 =	vgt.s32 v18, $0x0  }
0x39: {  	vm2 =	vlt.u32 v18, $0xC0;
	v18 =	vnsel vm1, $0x0, v18  }
0x3a: {  	v18 =	vmin.u32 v18, $0xBF;
	_ =	sdelay $0x3  }
.Ltmp0:
0x3b: {  	v19 =	vor.u32 s30, v1;
	s30 =	smov.u32 s31;
	(pc) =	sbr.rel @p0 .LBB2_2-.Ltmp0, $4  }
0x3c: {  	[tilespmem:v18+s12+$0x0] =	vst.idx.msk vm2, v19;
	v19 =	vshrl.u32 v19, $0x1  }
0x3d: {  	s1 =	sadd.s32 $0x10, s1;
	[tilespmem:v18+s13+$0x0] =	vst.idx.msk vm2, v19  }
0x3e: {  	v18 =	vld [tilespmem:s1+$0x0]  }
0x3f: {  	s31 =	sadd.s32 $0x10, s31  }
0x40: {  	_ =	sdelay $0x2  }
0x41: {  	v18 =	vsub.s32 v18, v0  }
0x42: {  	vm1 =	vgt.s32 v18, $0x0  }
0x43: {  	vm2 =	vlt.u32 v18, $0xC0;
	v18 =	vnsel vm1, $0x0, v18  }
0x44: {  	v18 =	vmin.u32 v18, $0xBF;
	_ =	sdelay $0x3  }
0x45: {  	v19 =	vor.u32 s30, v1  }
0x46: {  	[tilespmem:v18+s12+$0x0] =	vst.idx.msk vm2, v19;
	v19 =	vshrl.u32 v19, $0x1  }
0x47: {  	[tilespmem:v18+s13+$0x0] =	vst.idx.msk vm2, v19  }
0x48: {  	v18 =	vld [tilespmem:$0x2100];
	_ =	sdelay $0x5  }
0x49: {  	v19 =	vld [tilespmem:$0x2110];
	_ =	sdelay $0x1  }
0x4a: {  	v18 =	vld.idx.msk [tilespmem:v18+s11+$0x0], $0xffff;
	_ =	sdelay $0x3  }
0x4b: {  	v20 =	vld [tilespmem:$0x2120]  }
0x4c: {  	[tilespmem:$0x2200] =	vst v18  }
0x4d: {  	v18 =	vld.idx.msk [tilespmem:v19+s11+$0x0], $0xffff;
	_ =	sdelay $0x3  }
0x4e: {  	v19 =	vld [tilespmem:$0x2130]  }
0x4f: {  	[tilespmem:$0x2210] =	vst v18  }
0x50: {  	v18 =	vld.idx.msk [tilespmem:v20+s11+$0x0], $0xffff;
	_ =	sdelay $0x3  }
0x51: {  	v60 =	vld [tilespmem:$0x2140]  }
0x52: {  	[tilespmem:$0x2220] =	vst v18  }
0x53: {  	v18 =	vld.idx.msk [tilespmem:v19+s11+$0x0], $0xffff;
	_ =	sdelay $0x3  }
0x54: {  	v19 =	vld [tilespmem:$0x2150]  }
0x55: {  	[tilespmem:$0x2230] =	vst v18  }
0x56: {  	v18 =	vld.idx.msk [tilespmem:v60+s11+$0x0], $0xffff;
	_ =	sdelay $0x3  }
0x57: {  	v61 =	vld [tilespmem:$0x2160]  }
0x58: {  	[tilespmem:$0x2240] =	vst v18  }
0x59: {  	v18 =	vld.idx.msk [tilespmem:v19+s11+$0x0], $0xffff;
	_ =	sdelay $0x3  }
0x5a: {  	v19 =	vld [tilespmem:$0x2170]  }
0x5b: {  	[tilespmem:$0x2250] =	vst v18  }
0x5c: {  	v18 =	vld.idx.msk [tilespmem:v61+s11+$0x0], $0xffff;
	_ =	sdelay $0x3  }
0x5d: {  	v62 =	vld [tilespmem:$0x2180]  }
0x5e: {  	[tilespmem:$0x2260] =	vst v18  }
0x5f: {  	v18 =	vld.idx.msk [tilespmem:v19+s11+$0x0], $0xffff;
	_ =	sdelay $0x3  }
0x60: {  	v19 =	vld [tilespmem:$0x2190]  }
0x61: {  	[tilespmem:$0x2270] =	vst v18  }
0x62: {  	v18 =	vld.idx.msk [tilespmem:v62+s11+$0x0], $0xffff;
	_ =	sdelay $0x3  }
0x63: {  	v63 =	vld [tilespmem:$0x21A0]  }
0x64: {  	[tilespmem:$0x2280] =	vst v18  }
0x65: {  	v18 =	vld.idx.msk [tilespmem:v19+s11+$0x0], $0xffff;
	_ =	sdelay $0x3  }
0x66: {  	v19 =	vld [tilespmem:$0x21B0]  }
0x67: {  	[tilespmem:$0x2290] =	vst v18  }
0x68: {  	v18 =	vld.idx.msk [tilespmem:v63+s11+$0x0], $0xffff;
	_ =	sdelay $0x4  }
0x69: {  	[tilespmem:$0x22A0] =	vst v18  }
0x6a: {  	v18 =	vld.idx.msk [tilespmem:v19+s11+$0x0], $0xffff;
	_ =	sdelay $0x4  }
0x6b: {  	s1 =	simm.s32 $0x2200;
	[tilespmem:$0x22B0] =	vst v18  }
0x6c: {  	[hbm4b:s6+s3] =	stream.linear.scatter [tilespmem:s1], [sflag:$0x2], $0xC0, $0x38;
	[tilespmem:$0x1A300] =	vst v63  }
0x6d: {  	_ =	swait.ge [sflag:s10], $0xC0  }
0x6e: {  	[sflag:s10] =	ssyncset.done $0x0  }
0x6f: {  	[sflag:s10] =	ssyncadd.s32 $0xFFFFFF40  }
0x70: {  	v18 =	vld [tilespmem:$0x2000];
	_ =	sdelay $0x4  }
0x71: {  	v19 =	vshll.u32 v18, $0x2  }
0x72: {  	v18 =	vand.u32 $0x7, v18;
	v19 =	vand.u32 $0xFFFFFFE0, v19  }
0x73: {  	v18 =	vor.u32 v18, v19  }
0x74: {  	v19 =	vperm.xlane v18, v15;
	_ =	sdelay $0x1  }
0x75: {  	v19 =	vadd.s32 v16, v19;
	_ =	sdelay $0x1  }
0x76: {  	v18 =	vperm.xlane v18, v17;
	_ =	sdelay $0x1  }
0x77: {  	v18 =	vadd.s32 v16, v18  }
0x78: {  	[tilespmem:s15], [sflag:$0x1] =	stream.indirect_vreg.gather [hbm4b:s2+s3], $0x80, v19, vm0, $0xb8;
	[tilespmem:$0x1A300] =	vst v63  }
0x79: {  	s30 =	simm.s32 $0x2B00  }
0x7a: {  	[tilespmem:s30], [sflag:$0x1] =	stream.indirect_vreg.gather [hbm4b:s7+s3], $0x80, v19, vm0, $0xb8;
	[tilespmem:$0x1A300] =	vst v63  }
0x7b: {  	s31 =	simm.s32 $0x3300  }
0x7c: {  	[tilespmem:s31], [sflag:$0x1] =	stream.indirect_vreg.gather [hbm4b:s2+s3], $0x80, v18, vm0, $0xb8;
	[tilespmem:$0x1A300] =	vst v63  }
0x7d: {  	s30 =	simm.s32 $0x3B00  }
0x7e: {  	[tilespmem:s30], [sflag:$0x1] =	stream.indirect_vreg.gather [hbm4b:s7+s3], $0x80, v18, vm0, $0xb8;
	[tilespmem:$0x1A300] =	vst v63  }
0x7f: {  	v18 =	vld [tilespmem:$0x2010];
	_ =	sdelay $0x4  }
0x80: {  	v19 =	vshll.u32 v18, $0x2  }
0x81: {  	v18 =	vand.u32 $0x7, v18;
	v19 =	vand.u32 $0xFFFFFFE0, v19  }
0x82: {  	v18 =	vor.u32 v18, v19  }
0x83: {  	v19 =	vperm.xlane v18, v15;
	_ =	sdelay $0x1  }
0x84: {  	v19 =	vadd.s32 v16, v19;
	_ =	sdelay $0x1  }
0x85: {  	v18 =	vperm.xlane v18, v17;
	_ =	sdelay $0x1  }
0x86: {  	s31 =	simm.s32 $0x4300;
	v18 =	vadd.s32 v16, v18  }
0x87: {  	[tilespmem:s31], [sflag:$0x1] =	stream.indirect_vreg.gather [hbm4b:s2+s3], $0x80, v19, vm0, $0xb8;
	[tilespmem:$0x1A300] =	vst v63  }
0x88: {  	s30 =	simm.s32 $0x4B00  }
0x89: {  	[tilespmem:s30], [sflag:$0x1] =	stream.indirect_vreg.gather [hbm4b:s7+s3], $0x80, v19, vm0, $0xb8;
	[tilespmem:$0x1A300] =	vst v63  }
0x8a: {  	s31 =	simm.s32 $0x5300  }
0x8b: {  	[tilespmem:s31], [sflag:$0x1] =	stream.indirect_vreg.gather [hbm4b:s2+s3], $0x80, v18, vm0, $0xb8;
	[tilespmem:$0x1A300] =	vst v63  }
0x8c: {  	s30 =	simm.s32 $0x5B00  }
0x8d: {  	[tilespmem:s30], [sflag:$0x1] =	stream.indirect_vreg.gather [hbm4b:s7+s3], $0x80, v18, vm0, $0xb8;
	[tilespmem:$0x1A300] =	vst v63  }
0x8e: {  	v18 =	vld [tilespmem:$0x2020];
	_ =	sdelay $0x4  }
0x8f: {  	v19 =	vshll.u32 v18, $0x2  }
0x90: {  	v18 =	vand.u32 $0x7, v18;
	v19 =	vand.u32 $0xFFFFFFE0, v19  }
0x91: {  	v18 =	vor.u32 v18, v19  }
0x92: {  	v19 =	vperm.xlane v18, v15;
	_ =	sdelay $0x1  }
0x93: {  	v19 =	vadd.s32 v16, v19;
	_ =	sdelay $0x1  }
0x94: {  	v18 =	vperm.xlane v18, v17;
	_ =	sdelay $0x1  }
0x95: {  	s31 =	simm.s32 $0x6300;
	v18 =	vadd.s32 v16, v18  }
0x96: {  	[tilespmem:s31], [sflag:$0x1] =	stream.indirect_vreg.gather [hbm4b:s2+s3], $0x80, v19, vm0, $0xb8;
	[tilespmem:$0x1A300] =	vst v63  }
0x97: {  	s30 =	simm.s32 $0x6B00  }
0x98: {  	[tilespmem:s30], [sflag:$0x1] =	stream.indirect_vreg.gather [hbm4b:s7+s3], $0x80, v19, vm0, $0xb8;
	[tilespmem:$0x1A300] =	vst v63  }
0x99: {  	s31 =	simm.s32 $0x7300  }
0x9a: {  	[tilespmem:s31], [sflag:$0x1] =	stream.indirect_vreg.gather [hbm4b:s2+s3], $0x80, v18, vm0, $0xb8;
	[tilespmem:$0x1A300] =	vst v63  }
0x9b: {  	s30 =	simm.s32 $0x7B00  }
0x9c: {  	[tilespmem:s30], [sflag:$0x1] =	stream.indirect_vreg.gather [hbm4b:s7+s3], $0x80, v18, vm0, $0xb8;
	[tilespmem:$0x1A300] =	vst v63  }
0x9d: {  	v18 =	vld [tilespmem:$0x2030];
	_ =	sdelay $0x4  }
0x9e: {  	v19 =	vshll.u32 v18, $0x2  }
0x9f: {  	v18 =	vand.u32 $0x7, v18;
	v19 =	vand.u32 $0xFFFFFFE0, v19  }
0xa0: {  	v18 =	vor.u32 v18, v19  }
0xa1: {  	v19 =	vperm.xlane v18, v15;
	_ =	sdelay $0x1  }
0xa2: {  	v19 =	vadd.s32 v16, v19;
	_ =	sdelay $0x1  }
0xa3: {  	v18 =	vperm.xlane v18, v17;
	_ =	sdelay $0x1  }
0xa4: {  	s31 =	simm.s32 $0x8300;
	v18 =	vadd.s32 v16, v18  }
0xa5: {  	[tilespmem:s31], [sflag:$0x1] =	stream.indirect_vreg.gather [hbm4b:s2+s3], $0x80, v19, vm0, $0xb8;
	[tilespmem:$0x1A300] =	vst v63  }
0xa6: {  	s30 =	simm.s32 $0x8B00  }
0xa7: {  	[tilespmem:s30], [sflag:$0x1] =	stream.indirect_vreg.gather [hbm4b:s7+s3], $0x80, v19, vm0, $0xb8;
	[tilespmem:$0x1A300] =	vst v63  }
0xa8: {  	s31 =	simm.s32 $0x9300  }
0xa9: {  	[tilespmem:s31], [sflag:$0x1] =	stream.indirect_vreg.gather [hbm4b:s2+s3], $0x80, v18, vm0, $0xb8;
	[tilespmem:$0x1A300] =	vst v63  }
0xaa: {  	s30 =	simm.s32 $0x9B00  }
0xab: {  	[tilespmem:s30], [sflag:$0x1] =	stream.indirect_vreg.gather [hbm4b:s7+s3], $0x80, v18, vm0, $0xb8;
	[tilespmem:$0x1A300] =	vst v63  }
0xac: {  	v18 =	vld [tilespmem:$0x2040];
	_ =	sdelay $0x4  }
0xad: {  	v19 =	vshll.u32 v18, $0x2  }
0xae: {  	v18 =	vand.u32 $0x7, v18;
	v19 =	vand.u32 $0xFFFFFFE0, v19  }
0xaf: {  	v18 =	vor.u32 v18, v19  }
0xb0: {  	v19 =	vperm.xlane v18, v15;
	_ =	sdelay $0x1  }
0xb1: {  	v19 =	vadd.s32 v16, v19;
	_ =	sdelay $0x1  }
0xb2: {  	v18 =	vperm.xlane v18, v17;
	_ =	sdelay $0x1  }
0xb3: {  	s31 =	simm.s32 $0xA300;
	v18 =	vadd.s32 v16, v18  }
0xb4: {  	[tilespmem:s31], [sflag:$0x1] =	stream.indirect_vreg.gather [hbm4b:s2+s3], $0x80, v19, vm0, $0xb8;
	[tilespmem:$0x1A300] =	vst v63  }
0xb5: {  	s30 =	simm.s32 $0xAB00  }
0xb6: {  	[tilespmem:s30], [sflag:$0x1] =	stream.indirect_vreg.gather [hbm4b:s7+s3], $0x80, v19, vm0, $0xb8;
	[tilespmem:$0x1A300] =	vst v63  }
0xb7: {  	s31 =	simm.s32 $0xB300  }
0xb8: {  	[tilespmem:s31], [sflag:$0x1] =	stream.indirect_vreg.gather [hbm4b:s2+s3], $0x80, v18, vm0, $0xb8;
	[tilespmem:$0x1A300] =	vst v63  }
0xb9: {  	s30 =	simm.s32 $0xBB00  }
0xba: {  	[tilespmem:s30], [sflag:$0x1] =	stream.indirect_vreg.gather [hbm4b:s7+s3], $0x80, v18, vm0, $0xb8;
	[tilespmem:$0x1A300] =	vst v63  }
0xbb: {  	v18 =	vld [tilespmem:$0x2050];
	_ =	sdelay $0x4  }
0xbc: {  	v19 =	vshll.u32 v18, $0x2  }
0xbd: {  	v18 =	vand.u32 $0x7, v18;
	v19 =	vand.u32 $0xFFFFFFE0, v19  }
0xbe: {  	v18 =	vor.u32 v18, v19  }
0xbf: {  	v19 =	vperm.xlane v18, v15;
	_ =	sdelay $0x1  }
0xc0: {  	v19 =	vadd.s32 v16, v19;
	_ =	sdelay $0x1  }
0xc1: {  	v18 =	vperm.xlane v18, v17;
	_ =	sdelay $0x1  }
0xc2: {  	s31 =	simm.s32 $0xC300;
	v18 =	vadd.s32 v16, v18  }
0xc3: {  	[tilespmem:s31], [sflag:$0x1] =	stream.indirect_vreg.gather [hbm4b:s2+s3], $0x80, v19, vm0, $0xb8;
	[tilespmem:$0x1A300] =	vst v63  }
0xc4: {  	s30 =	simm.s32 $0xCB00  }
0xc5: {  	[tilespmem:s30], [sflag:$0x1] =	stream.indirect_vreg.gather [hbm4b:s7+s3], $0x80, v19, vm0, $0xb8;
	[tilespmem:$0x1A300] =	vst v63  }
0xc6: {  	s31 =	simm.s32 $0xD300  }
0xc7: {  	[tilespmem:s31], [sflag:$0x1] =	stream.indirect_vreg.gather [hbm4b:s2+s3], $0x80, v18, vm0, $0xb8;
	[tilespmem:$0x1A300] =	vst v63  }
0xc8: {  	s30 =	simm.s32 $0xDB00  }
0xc9: {  	[tilespmem:s30], [sflag:$0x1] =	stream.indirect_vreg.gather [hbm4b:s7+s3], $0x80, v18, vm0, $0xb8;
	[tilespmem:$0x1A300] =	vst v63  }
0xca: {  	v18 =	vld [tilespmem:$0x2060];
	_ =	sdelay $0x4  }
0xcb: {  	v19 =	vshll.u32 v18, $0x2  }
0xcc: {  	v18 =	vand.u32 $0x7, v18;
	v19 =	vand.u32 $0xFFFFFFE0, v19  }
0xcd: {  	v18 =	vor.u32 v18, v19  }
0xce: {  	v19 =	vperm.xlane v18, v15;
	_ =	sdelay $0x1  }
0xcf: {  	v19 =	vadd.s32 v16, v19;
	_ =	sdelay $0x1  }
0xd0: {  	v18 =	vperm.xlane v18, v17;
	_ =	sdelay $0x1  }
0xd1: {  	s31 =	simm.s32 $0xE300;
	v18 =	vadd.s32 v16, v18  }
0xd2: {  	[tilespmem:s31], [sflag:$0x1] =	stream.indirect_vreg.gather [hbm4b:s2+s3], $0x80, v19, vm0, $0xb8;
	[tilespmem:$0x1A300] =	vst v63  }
0xd3: {  	s30 =	simm.s32 $0xEB00  }
0xd4: {  	[tilespmem:s30], [sflag:$0x1] =	stream.indirect_vreg.gather [hbm4b:s7+s3], $0x80, v19, vm0, $0xb8;
	[tilespmem:$0x1A300] =	vst v63  }
0xd5: {  	s31 =	simm.s32 $0xF300  }
0xd6: {  	[tilespmem:s31], [sflag:$0x1] =	stream.indirect_vreg.gather [hbm4b:s2+s3], $0x80, v18, vm0, $0xb8;
	[tilespmem:$0x1A300] =	vst v63  }
0xd7: {  	s30 =	simm.s32 $0xFB00  }
0xd8: {  	[tilespmem:s30], [sflag:$0x1] =	stream.indirect_vreg.gather [hbm4b:s7+s3], $0x80, v18, vm0, $0xb8;
	[tilespmem:$0x1A300] =	vst v63  }
0xd9: {  	v18 =	vld [tilespmem:$0x2070];
	_ =	sdelay $0x4  }
0xda: {  	v19 =	vshll.u32 v18, $0x2  }
0xdb: {  	v18 =	vand.u32 $0x7, v18;
	v19 =	vand.u32 $0xFFFFFFE0, v19  }
0xdc: {  	v18 =	vor.u32 v18, v19  }
0xdd: {  	v19 =	vperm.xlane v18, v15;
	_ =	sdelay $0x1  }
0xde: {  	v19 =	vadd.s32 v16, v19;
	_ =	sdelay $0x1  }
0xdf: {  	v18 =	vperm.xlane v18, v17;
	_ =	sdelay $0x1  }
0xe0: {  	s31 =	simm.s32 $0x10300;
	v18 =	vadd.s32 v16, v18  }
0xe1: {  	[tilespmem:s31], [sflag:$0x1] =	stream.indirect_vreg.gather [hbm4b:s2+s3], $0x80, v19, vm0, $0xb8;
	[tilespmem:$0x1A300] =	vst v63  }
0xe2: {  	s30 =	simm.s32 $0x10B00  }
0xe3: {  	[tilespmem:s30], [sflag:$0x1] =	stream.indirect_vreg.gather [hbm4b:s7+s3], $0x80, v19, vm0, $0xb8;
	[tilespmem:$0x1A300] =	vst v63  }
0xe4: {  	s31 =	simm.s32 $0x11300  }
0xe5: {  	[tilespmem:s31], [sflag:$0x1] =	stream.indirect_vreg.gather [hbm4b:s2+s3], $0x80, v18, vm0, $0xb8;
	[tilespmem:$0x1A300] =	vst v63  }
0xe6: {  	s30 =	simm.s32 $0x11B00  }
0xe7: {  	[tilespmem:s30], [sflag:$0x1] =	stream.indirect_vreg.gather [hbm4b:s7+s3], $0x80, v18, vm0, $0xb8;
	[tilespmem:$0x1A300] =	vst v63  }
0xe8: {  	v18 =	vld [tilespmem:$0x2080];
	_ =	sdelay $0x4  }
0xe9: {  	v19 =	vshll.u32 v18, $0x2  }
0xea: {  	v18 =	vand.u32 $0x7, v18;
	v19 =	vand.u32 $0xFFFFFFE0, v19  }
0xeb: {  	v18 =	vor.u32 v18, v19  }
0xec: {  	v19 =	vperm.xlane v18, v15;
	_ =	sdelay $0x1  }
0xed: {  	v19 =	vadd.s32 v16, v19;
	_ =	sdelay $0x1  }
0xee: {  	v18 =	vperm.xlane v18, v17;
	_ =	sdelay $0x1  }
0xef: {  	s31 =	simm.s32 $0x12300;
	v18 =	vadd.s32 v16, v18  }
0xf0: {  	[tilespmem:s31], [sflag:$0x1] =	stream.indirect_vreg.gather [hbm4b:s2+s3], $0x80, v19, vm0, $0xb8;
	[tilespmem:$0x1A300] =	vst v63  }
0xf1: {  	s30 =	simm.s32 $0x12B00  }
0xf2: {  	[tilespmem:s30], [sflag:$0x1] =	stream.indirect_vreg.gather [hbm4b:s7+s3], $0x80, v19, vm0, $0xb8;
	[tilespmem:$0x1A300] =	vst v63  }
0xf3: {  	s31 =	simm.s32 $0x13300  }
0xf4: {  	[tilespmem:s31], [sflag:$0x1] =	stream.indirect_vreg.gather [hbm4b:s2+s3], $0x80, v18, vm0, $0xb8;
	[tilespmem:$0x1A300] =	vst v63  }
0xf5: {  	_ = 	snop  }
0xf6: {  	[tilespmem:s0], [sflag:$0x1] =	stream.indirect_vreg.gather [hbm4b:s7+s3], $0x80, v18, vm0, $0xb8;
	[tilespmem:$0x1A300] =	vst v63  }
0xf7: {  	v18 =	vld [tilespmem:$0x2090];
	_ =	sdelay $0x4  }
0xf8: {  	v19 =	vshll.u32 v18, $0x2  }
0xf9: {  	v18 =	vand.u32 $0x7, v18;
	v19 =	vand.u32 $0xFFFFFFE0, v19  }
0xfa: {  	v18 =	vor.u32 v18, v19  }
0xfb: {  	v19 =	vperm.xlane v18, v15;
	_ =	sdelay $0x1  }
0xfc: {  	v19 =	vadd.s32 v16, v19;
	_ =	sdelay $0x1  }
0xfd: {  	v18 =	vperm.xlane v18, v17;
	_ =	sdelay $0x1  }
0xfe: {  	v18 =	vadd.s32 v16, v18  }
0xff: {  	[tilespmem:s14], [sflag:$0x1] =	stream.indirect_vreg.gather [hbm4b:s2+s3], $0x80, v19, vm0, $0xb8;
	[tilespmem:$0x1A300] =	vst v63  }
0x100: {  	_ = 	snop  }
0x101: {  	[tilespmem:s16], [sflag:$0x1] =	stream.indirect_vreg.gather [hbm4b:s7+s3], $0x80, v19, vm0, $0xb8;
	[tilespmem:$0x1A300] =	vst v63  }
0x102: {  	_ = 	snop  }
0x103: {  	[tilespmem:s17], [sflag:$0x1] =	stream.indirect_vreg.gather [hbm4b:s2+s3], $0x80, v18, vm0, $0xb8;
	[tilespmem:$0x1A300] =	vst v63  }
0x104: {  	_ = 	snop  }
0x105: {  	[tilespmem:s18], [sflag:$0x1] =	stream.indirect_vreg.gather [hbm4b:s7+s3], $0x80, v18, vm0, $0xb8;
	[tilespmem:$0x1A300] =	vst v63  }
0x106: {  	v18 =	vld [tilespmem:$0x20A0];
	_ =	sdelay $0x4  }
0x107: {  	v19 =	vshll.u32 v18, $0x2  }
0x108: {  	v18 =	vand.u32 $0x7, v18;
	v19 =	vand.u32 $0xFFFFFFE0, v19  }
0x109: {  	v18 =	vor.u32 v18, v19  }
0x10a: {  	v19 =	vperm.xlane v18, v15;
	_ =	sdelay $0x1  }
0x10b: {  	v19 =	vadd.s32 v16, v19;
	_ =	sdelay $0x1  }
0x10c: {  	v18 =	vperm.xlane v18, v17;
	_ =	sdelay $0x1  }
0x10d: {  	v18 =	vadd.s32 v16, v18  }
0x10e: {  	[tilespmem:s19], [sflag:$0x1] =	stream.indirect_vreg.gather [hbm4b:s2+s3], $0x80, v19, vm0, $0xb8;
	[tilespmem:$0x1A300] =	vst v63  }
0x10f: {  	_ = 	snop  }
0x110: {  	[tilespmem:s20], [sflag:$0x1] =	stream.indirect_vreg.gather [hbm4b:s7+s3], $0x80, v19, vm0, $0xb8;
	[tilespmem:$0x1A300] =	vst v63  }
0x111: {  	_ = 	snop  }
0x112: {  	[tilespmem:s21], [sflag:$0x1] =	stream.indirect_vreg.gather [hbm4b:s2+s3], $0x80, v18, vm0, $0xb8;
	[tilespmem:$0x1A300] =	vst v63  }
0x113: {  	_ = 	snop  }
0x114: {  	[tilespmem:s22], [sflag:$0x1] =	stream.indirect_vreg.gather [hbm4b:s7+s3], $0x80, v18, vm0, $0xb8;
	[tilespmem:$0x1A300] =	vst v63  }
0x115: {  	v18 =	vld [tilespmem:$0x20B0];
	_ =	sdelay $0x4  }
0x116: {  	v19 =	vshll.u32 v18, $0x2  }
0x117: {  	v18 =	vand.u32 $0x7, v18;
	v19 =	vand.u32 $0xFFFFFFE0, v19  }
0x118: {  	v18 =	vor.u32 v18, v19  }
0x119: {  	v19 =	vperm.xlane v18, v15;
	_ =	sdelay $0x1  }
0x11a: {  	v19 =	vadd.s32 v16, v19;
	_ =	sdelay $0x1  }
0x11b: {  	v18 =	vperm.xlane v18, v17;
	_ =	sdelay $0x1  }
0x11c: {  	v18 =	vadd.s32 v16, v18  }
0x11d: {  	[tilespmem:s23], [sflag:$0x1] =	stream.indirect_vreg.gather [hbm4b:s2+s3], $0x80, v19, vm0, $0xb8;
	[tilespmem:$0x1A300] =	vst v63  }
0x11e: {  	_ = 	snop  }
0x11f: {  	[tilespmem:s24], [sflag:$0x1] =	stream.indirect_vreg.gather [hbm4b:s7+s3], $0x80, v19, vm0, $0xb8;
	[tilespmem:$0x1A300] =	vst v63  }
0x120: {  	_ = 	snop  }
0x121: {  	[tilespmem:s25], [sflag:$0x1] =	stream.indirect_vreg.gather [hbm4b:s2+s3], $0x80, v18, vm0, $0xb8;
	[tilespmem:$0x1A300] =	vst v63  }
0x122: {  	_ = 	snop  }
0x123: {  	[tilespmem:s26], [sflag:$0x1] =	stream.indirect_vreg.gather [hbm4b:s7+s3], $0x80, v18, vm0, $0xb8;
	[tilespmem:$0x1A300] =	vst v63  }
0x124: {  	_ =	swait.ge [sflag:s28], $0xC000  }
0x125: {  	[sflag:s28] =	ssyncset.done $0x0  }
0x126: {  	[sflag:s28] =	ssyncadd.s32 $0xFFFF4000  }
0x127: {  	s29 =	sadd.s32 $0x1, s29;
	_ =	swait.ge [sflag:s28], $0xC000  }
0x128: {  	p0 =	sne.s32 s29, s9;
	[sflag:s28] =	ssyncset.done $0x0  }
.Ltmp1:
0x129: {  	[sflag:s28] =	ssyncadd.s32 $0xFFFF4000;
	(pc) =	sbr.rel @p0 .LBB2_1-.Ltmp1, $4  }
0x12a: {  	[hbm4b:s8+s3] =	stream.linear.scatter [tilespmem:s15], [sflag:$0x2], $0x18000, $0x38;
	[tilespmem:$0x1A300] =	vst v63  }
0x12b: {  	_ =	swait.ge [sflag:s10], $0x18000  }
0x12c: {  	[sflag:s10] =	ssyncset.done $0x0  }
0x12d: {  	[sflag:s10] =	ssyncadd.s32 $0xFFFE8000  }
0x12e: {  	_ =	sfence.sel $0x180000  }
0x12f: {  	[bflag:$0x0] =	sbarrier.arrive $0xFFFF  }
0x130: {  	_ =	strace $0x90000047  }
0x131: {  	s0 =	stileid.u32;
	[bflag:$0x2] =	sbarrier.arrive $0xFFFF  }
0x132: {  	p0 =	sne.s32 s0, $0x0;
	s0 =	rddreg [dreg:$0x2]  }
0x133: {  	s0 =	sadd.s32 @!p0 $0x100000, s0  }
0x134: {  	[sflag:s0] =	ssyncadd.tile.s32 @!p0 $0x1;
	_ =	shalt  }
.Lfunc_end2:
_tile_overlayer_lowered:
.L_overlay_start_2:
0x135: {  	(tag) =	ssettag $0x2  }
0x136: {  	s0 =	rddreg [dreg:$0x0];
	s2 =	stileid.u32  }
0x137: {  	s1 =	rddreg [dreg:$0x1];
	p0 =	sne.s32 s2, $0x0  }
0x138: {  	s3 =	rddreg [dreg:$0x2];
	[bflag:$0x3] =	sbarrier.arrive $0xFFFF;
	s2 =	simm.s32 @!p0 $0x1C02  }
0x139: {  	[timem:s3], [sflag:s2] =	dma.local @!p0 [hbm:s0], s1  }
0x13a: {  	s0 =	simm.s32 @!p0 $0x2  }
0x13b: {  	_ =	swait.ge @!p0 [sflag:s0], s1  }
0x13c: {  	s1 =	ssub.s32 @!p0 $0x0, s1;
	[sflag:s0] =	ssyncset.done @!p0 $0x0  }
0x13d: {  	[sflag:s0] =	ssyncadd.s32 @!p0 s1  }
0x13e: {  	[bflag:$0x3] =	sbarrier.arrive $0xFFFF  }
0x13f: {  	_ =	shalt  }

// kernel: kernel.9.cloned.1.call-start
scs
__scs_entry_jumppad:
0x0: {  	(pc) =	sbr.rel $0x88, $3  }
0x1: {  	(tag) =	ssettag $0x0;
	lr =	simm.s32 $0x1  }
0x2: {  	[smem:$0x3F9C] =	sst lr;
	_ =	strace $0xD0000000  }
0x3: {  	_ = 	snop  }
0x4: {  	_ = 	snop  }
0x5: {  	_ = 	snop  }
0x6: {  	_ = 	snop  }
0x7: {  	_ = 	snop  }
__scs_overlays_trampoline_lowered:
0x8: {  	[smem:$0x3FAB] =	sst s0  }
0x9: {  	[smem:$0x3FAC] =	sst s1  }
0xa: {  	[smem:$0x3FAD] =	sst s2  }
0xb: {  	[smem:$0x3FAE] =	sst s3  }
0xc: {  	[smem:$0x3FAF] =	sst s4  }
0xd: {  	[smem:$0x3FB0] =	sst s5  }
0xe: {  	[smem:$0x3FB1] =	sst s6  }
0xf: {  	[smem:$0x3FB2] =	sst s7  }
0x10: {  	[smem:$0x3FB3] =	sst s8  }
0x11: {  	[smem:$0x3FB4] =	sst s9;
	s0 =	simm.s32 @!p0 $0x0  }
0x12: {  	s1 =	sld [smem:$0x3F9A];
	s0 =	simm.s32 @p0 $0x1  }
0x13: {  	[smem:$0x3FB5] =	sst s0;
	s0 =	simm.s32 @!p1 $0x0  }
0x14: {  	s2 =	sld [smem:$0x3F99];
	s0 =	simm.s32 @p1 $0x1  }
0x15: {  	[smem:$0x3FB6] =	sst s0;
	s0 =	simm.s32 @!p2 $0x0  }
0x16: {  	s3 =	sld [smem:$0x3FDB];
	s0 =	simm.s32 @p2 $0x1  }
0x17: {  	s4 =	simm.s32 $0x1BF5;
	[smem:$0x3FB8] =	sst s0  }
0x18: {  	s0 =	sld [smem:$0x3F9B];
	_ =	swait.ge [sflag:s4], $0x0  }
0x19: {  	s7 =	sld [smem:$0x3F9C]  }
0x1a: {  	s8 =	sadd.s32 $0xFFFFE003, lr  }
0x1b: {  	s9 =	sadd.s32 $0xFFFFFEF7, lr;
	s5 =	simm.s32 $0xFFFFFFFF;
	p2 =	slt.u32 s8, $0xFFFFF086  }
0x1c: {  	p1 =	slt.u32 s9, $0xF7A;
	s5 =	simm.s32 @!p2 $0x0  }
0x1d: {  	s5 =	simm.s32 @p1 $0x1;
	p0 =	seq.s32 s7, s2  }
0x1e: {  	s7 =	smul.u32 @!p0 $0xF7A, s2;
	p2 =	seq.s32 @!p0 s5, $0x0  }
0x1f: {  	s9 =	smul.u32 $0xF7A, s1;
	s8 =	simm.s32 @!p0 $0x1BF5;
	p2 =	por !p2, p0  }
0x20: {  	[sflag:s8] =	ssyncset.s32 @!p0 $0xFFFFF086;
	s6 =	sadd.s32 @!p0 s3, s7;
	s7 =	simm.s32 @!p0 $0x108  }
0x21: {  	s3 =	sadd.s32 s3, s9;
	s6 =	sadd.s32 @!p0 $0x88, s6;
	s7 =	simm.s32 @p2 $0x1082  }
0x22: {  	[simem:s7], [sflag:s8] =	dma.local @!p0 [hbm:s6], $0xF7A  }
0x23: {  	s9 =	sor.u32 $0xD0000000, s2;
	s6 =	simm.s32 $0x108;
	_ =	swait.ge @!p0 [sflag:s8], $0x0  }
0x24: {  	s3 =	sadd.s32 $0x88, s3;
	s6 =	simm.s32 @!p1 $0x1082;
	[sflag:s4] =	ssyncset.s32 $0xFFFFF086  }
0x25: {  	[simem:s6], [sflag:s4] =	dma.local [hbm:s3], $0xF7A  }
0x26: {  	[smem:$0x3F9C] =	sst s1;
	(tag) =	ssettag s2;
	_ =	strace s9  }
0x27: {  	s1 =	sld [smem:$0x3FAC]  }
0x28: {  	s2 =	sld [smem:$0x3FAD]  }
0x29: {  	s4 =	sld [smem:$0x3FAF]  }
0x2a: {  	p0 =	seq.s32 s5, $0x0;
	s5 =	sld [smem:$0x3FB0]  }
0x2b: {  	s6 =	sld [smem:$0x3FB1]  }
0x2c: {  	s7 =	sld [smem:$0x3FB2]  }
0x2d: {  	s3 =	simm.s32 $0x108;
	s8 =	sld [smem:$0x3FB3]  }
0x2e: {  	s3 =	simm.s32 @!p0 $0x1082;
	s9 =	sld [smem:$0x3FB4]  }
0x2f: {  	lr =	sadd.s32 s0, s3;
	s0 =	sld [smem:$0x3FAB]  }
0x30: {  	s3 =	sld [smem:$0x3FAE]  }
0x31: {  	[smem:$0x3FB7] =	sst s10  }
0x32: {  	s10 =	sld [smem:$0x3FB5];
	_ =	sdelay $0x3  }
0x33: {  	p0 =	seq.s32 s10, $0x1;
	s10 =	sld [smem:$0x3FB7];
	_ =	sdelay $0x3  }
0x34: {  	[smem:$0x3FB7] =	sst s10  }
0x35: {  	s10 =	sld [smem:$0x3FB6];
	_ =	sdelay $0x3  }
0x36: {  	p1 =	seq.s32 s10, $0x1;
	s10 =	sld [smem:$0x3FB7];
	_ =	sdelay $0x3  }
0x37: {  	[smem:$0x3FB7] =	sst s10  }
0x38: {  	s10 =	sld [smem:$0x3FB8]  }
0x39: {  	_ = 	snop;
	(pc) =	sbr.ind lr, $3  }
0x3a: {  	_ = 	snop  }
0x3b: {  	_ = 	snop  }
0x3c: {  	p2 =	seq.s32 s10, $0x1;
	s10 =	sld [smem:$0x3FB7]  }
0x3d: {  	_ =	shalt  }
0x3e: {  	_ =	shalt  }
0x3f: {  	_ =	shalt  }
0x40: {  	_ =	shalt  }
0x41: {  	_ =	shalt  }
0x42: {  	_ =	shalt  }
0x43: {  	_ =	shalt  }
0x44: {  	_ =	shalt  }
0x45: {  	_ =	shalt  }
0x46: {  	_ =	shalt  }
0x47: {  	_ =	shalt  }
0x48: {  	_ =	shalt  }
0x49: {  	_ =	shalt  }
0x4a: {  	_ =	shalt  }
0x4b: {  	_ =	shalt  }
0x4c: {  	_ =	shalt  }
0x4d: {  	_ =	shalt  }
0x4e: {  	_ =	shalt  }
0x4f: {  	_ =	shalt  }
0x50: {  	_ =	shalt  }
0x51: {  	_ =	shalt  }
0x52: {  	_ =	shalt  }
0x53: {  	_ =	shalt  }
0x54: {  	_ =	shalt  }
0x55: {  	_ =	shalt  }
0x56: {  	_ =	shalt  }
0x57: {  	_ =	shalt  }
0x58: {  	_ =	shalt  }
0x59: {  	_ =	shalt  }
0x5a: {  	_ =	shalt  }
0x5b: {  	_ =	shalt  }
0x5c: {  	_ =	shalt  }
0x5d: {  	_ =	shalt  }
0x5e: {  	_ =	shalt  }
0x5f: {  	_ =	shalt  }
0x60: {  	_ =	shalt  }
0x61: {  	_ =	shalt  }
0x62: {  	_ =	shalt  }
0x63: {  	_ =	shalt  }
0x64: {  	_ =	shalt  }
0x65: {  	_ =	shalt  }
0x66: {  	_ =	shalt  }
0x67: {  	_ =	shalt  }
0x68: {  	_ =	shalt  }
0x69: {  	_ =	shalt  }
0x6a: {  	_ =	shalt  }
0x6b: {  	_ =	shalt  }
0x6c: {  	_ =	shalt  }
0x6d: {  	_ =	shalt  }
0x6e: {  	_ =	shalt  }
0x6f: {  	_ =	shalt  }
0x70: {  	_ =	shalt  }
0x71: {  	_ =	shalt  }
0x72: {  	_ =	shalt  }
0x73: {  	_ =	shalt  }
0x74: {  	_ =	shalt  }
0x75: {  	_ =	shalt  }
0x76: {  	_ =	shalt  }
0x77: {  	_ =	shalt  }
0x78: {  	_ =	shalt  }
0x79: {  	_ =	shalt  }
0x7a: {  	_ =	shalt  }
0x7b: {  	_ =	shalt  }
0x7c: {  	_ =	shalt  }
0x7d: {  	_ =	shalt  }
0x7e: {  	_ =	shalt  }
0x7f: {  	_ =	shalt  }
0x80: {  	_ =	shalt  }
0x81: {  	_ =	shalt  }
0x82: {  	_ =	shalt  }
0x83: {  	_ =	shalt  }
0x84: {  	_ =	shalt  }
0x85: {  	_ =	shalt  }
0x86: {  	_ =	shalt  }
0x87: {  	_ =	shalt  }
.Lfunc_end0:
.L_simem_size_0:
called_computation.1_lowered:
.L_overlay_start_0:
0x88: {  	s2 =	sld [smem:$0x3FD9]  }
0x89: {  	s3 =	sld [smem:$0x3FFE];
	_ =	sdelay $0x1  }
0x8a: {  	s1 =	srdreg.scid  }
0x8b: {  	s0 =	sand.u32 $0x1, s1  }
0x8c: {  	s17 =	sshll.u32 s0, $0xA;
	s2 =	sadd.s32 s3, s2  }
0x8d: {  	s2 =	sadd.s32 s2, s17  }
0x8e: {  	[smem:$0x3FC3] =	sst s2  }
0x8f: {  	_ = 	snop  }
0x90: {  	s2 =	sld [smem:$0x3FD0];
	(tm) =	ssettm $0x1  }
0x91: {  	s18 =	sld [smem:$0x3FFB];
	_ =	sdelay $0x3  }
0x92: {  	_ =	strace s18  }
0x93: {  	s3 =	sld [smem:$0x3FFC];
	_ =	sdelay $0x3  }
0x94: {  	_ =	strace s3  }
0x95: {  	s3 =	sld [smem:$0x3FFD];
	_ =	sdelay $0x3  }
0x96: {  	_ =	strace s3  }
0x97: {  	_ =	strace $0x8FFFFFFF  }
0x98: {  	s19 =	sld [smem:$0x3FDB];
	_ =	sdelay $0x1  }
0x99: {  	s4 =	simm.s32 $_scs_section_size  }
0x9a: {  	s5 =	simm.s32 $_size__tile_overlayer_lowered;
	s6 =	simm.s32 $_tile_overlayer_lowered  }
0x9b: {  	s22 =	simm.s32 $0x1BFF;
	s21 =	sshll.u32 s6, $0x1;
	s3 =	sadd.s32 s4, s19  }
0x9c: {  	s7 =	simm.s32 $0x0;
	s20 =	sshll.u32 s5, $0x1;
	s5 =	sadd.s32 s21, s3  }
0x9d: {  	[timem:s7], [sflag:s22] =	dma.local [hbm:s5], s20  }
0x9e: {  	_ =	swait.ge [sflag:s22], s20  }
0x9f: {  	s4 =	ssub.s32 $0x0, s20;
	[sflag:s22] =	ssyncset.done $0x0  }
0xa0: {  	[sflag:s22] =	ssyncadd.s32 s4;
	_ =	sdelay $0x1  }
0xa1: {  	s23 =	simm.s32 $0x1B8B  }
0xa2: {  	_ =	swait.ge [sflag:s23], $0x1  }
0xa3: {  	[sflag:s23] =	ssyncset.done $0x0  }
0xa4: {  	s25 =	simm.s32 $0x1B8E;
	s24 =	sld [smem:$0x3FFE];
	[sflag:s23] =	ssyncadd.s32 $0xFFFFFFFF  }
0xa5: {  	s26 =	simm.s32 $execute0_lowered;
	[smem:$0x3FD2] =	sst s25  }
0xa6: {  	s5 =	sshll.u32 s26, $0x1;
	_ =	strace $0x80000049;
	[dreg:$0x1] =	wrdreg $0xFFFFFFFF  }
0xa7: {  	s28 =	simm.s32 $_size_execute0_lowered;
	s3 =	sadd.s32 s3, s5;
	[dreg:$0x0] =	wrdreg $0x0  }
0xa8: {  	s5 =	sshll.u32 s28, $0x1;
	[dreg:$0x2] =	wrdreg s3  }
0xa9: {  	[dreg:$0x3] =	wrdreg s5  }
0xaa: {  	[dreg:$0x4] =	wrdreg $0xC0  }
0xab: {  	_ =	task [dreg:s7], $0x5FFFF  }
0xac: {  	[dreg:$0x1] =	wrdreg $0xFFFFFFFF  }
0xad: {  	[dreg:$0x0] =	wrdreg $0x60  }
0xae: {  	[dreg:$0x2] =	wrdreg s24  }
0xaf: {  	[dreg:$0x3] =	wrdreg s2  }
0xb0: {  	[dreg:$0x4] =	wrdreg $0x9  }
0xb1: {  	_ =	task.clear_ibuf [dreg:s7], $0x5FFFF;
	_ =	strace $0x90000049  }
0xb2: {  	s29 =	simm.s32 $0x9;
	_ =	strace $0x8000004B  }
0xb3: {  	_ =	swait.ge [sflag:s29], $0x1  }
0xb4: {  	[sflag:s29] =	ssyncadd.s32 $0xFFFFFFFF  }
0xb5: {  	_ =	strace $0x9000004B  }
0xb6: {  	_ =	sfence  }
0xb7: {  	s30 =	sld [smem:$0x0];
	_ =	sdelay $0x2  }
0xb8: {  	s31 =	sshll.u32 s1, $0xD;
	s1 =	sshrl.u32 s1, $0x2  }
0xb9: {  	s3 =	sand.u32 $0x4000, s31;
	s1 =	sadd.s32 s1, s30  }
0xba: {  	s0 =	sor.u32 s3, s0;
	s1 =	sshll.u32 s1, $0x11  }
0xbb: {  	s0 =	sor.u32 s1, s0  }
0xbc: {  	s0 =	sadd.s32 $0x8F2B, s0  }
0xbd: {  	[sflag:s0] =	ssyncadd.remote.s32 $0x1  }
0xbe: {  	_ =	sfence.sel $0xFFFF  }
0xbf: {  	[dreg:$0x0] =	wrdreg $0xFFFFFFFF;
	(pc) =	sbr.abs _section_cstart, $3  }
0xc0: {  	[dreg:$0x1] =	wrdreg $0xFFFFFFFF  }
0xc1: {  	_ =	task.clear_ibuf [dreg:s7], $0x2FFFF;
	_ =	strace $0x9FFFFFFF  }
0xc2: {  	(tm) =	ssettm $0x7FFFFFFF  }
0xc3: {  	_ =	shalt  }
tec
execute0_lowered:
.L_overlay_start_1:
0x0: {  	(tag) =	ssettag $0x1  }
0x1: {  	s0 =	rddreg [dreg:$0x0]  }
0x2: {  	s1 =	rddreg [dreg:$0x1];
	s2 =	simm.s32 $0x0  }
0x3: {  	s3 =	srdreg.scid;
	s5 =	stileid.u32;
	s9 =	simm.s32 $0x2  }
0x4: {  	s10 =	simm.s32 $0xB880;
	s11 =	simm.s32 $0xC080;
	s12 =	simm.s32 $0xC880  }
0x5: {  	s13 =	simm.s32 $0xD080;
	s14 =	simm.s32 $0xD880;
	s15 =	simm.s32 $0xE080  }
0x6: {  	s16 =	simm.s32 $0xE880;
	s17 =	simm.s32 $0xF080;
	s18 =	simm.s32 $0xF880  }
0x7: {  	s19 =	simm.s32 $0x1;
	s20 =	simm.s32 $0x10080;
	s21 =	simm.s32 $0x0  }
0x8: {  	[smem:$0x7FF] =	sst s2;
	s4 =	sand.u32 $0x1, s3;
	s31 =	sshll.u32 s5, $0x1  }
0x9: {  	s3 =	sadd.s32 $0x1800, s0;
	s5 =	sor.u32 s4, s31;
	s4 =	ssub.s32 $0x2, s4  }
0xa: {  	_ =	strace $0x8000004A;
	s6 =	sshll.u32 s5, $0x4;
	s7 =	sshrl.u32 s4, $0x1  }
0xb: {  	v2 =	vlaneseq.u32;
	s5 =	sshll.u32 s5, $0xD;
	s6 =	sadd.s32 s6, s0;
	s8 =	ssub.s32 s4, s7  }
0xc: {  	vm0 =	vmmov $0xffff;
	v1 =	vshrl.u32 v2, $0x3;
	s5 =	sadd.s32 s1, s5;
	s1 =	simm.s32 $0xB080;
	s4 =	sadd.s32 $0x1600, s6  }
0xd: {  	v0 =	vand.u32 $0x7, v2;
	v2 =	vor.u32 $0x8, v2;
	v1 =	vmul.u32 $0x8, v1;
	s6 =	sadd.s32 $0x1900, s0;
	s7 =	sadd.s32 $0x1000, s5;
	s8 =	smax.u32 s8, $0x1  }
.LBB2_1:
0xe: {  	[tilespmem:s2], [sflag:$0x2] =	stream.linear.gather [hbm4b:s4+s2], $0x80, $0x38;
	[tilespmem:$0x18080] =	vst v63  }
0xf: {  	_ =	swait.ge [sflag:s9], $0x80  }
0x10: {  	[sflag:s9] =	ssyncset.done $0x0  }
0x11: {  	[sflag:s9] =	ssyncadd.s32 $0xFFFFFF80  }
0x12: {  	v3 =	vld [tilespmem:$0x0];
	_ =	sdelay $0x4  }
0x13: {  	v4 =	vshll.u32 v3, $0x2  }
0x14: {  	v3 =	vand.u32 $0x7, v3;
	v4 =	vand.u32 $0xFFFFFFE0, v4  }
0x15: {  	v3 =	vor.u32 v3, v4  }
0x16: {  	v4 =	vperm.xlane v3, v0;
	_ =	sdelay $0x1  }
0x17: {  	v4 =	vadd.s32 v1, v4;
	_ =	sdelay $0x1  }
0x18: {  	v3 =	vperm.xlane v3, v2;
	_ =	sdelay $0x1  }
0x19: {  	s0 =	simm.s32 $0x80;
	v3 =	vadd.s32 v1, v3  }
0x1a: {  	[tilespmem:s0], [sflag:$0x1] =	stream.indirect_vreg.gather [hbm4b:s3+s2], $0x80, v4, vm0, $0xb8;
	[tilespmem:$0x18080] =	vst v63  }
0x1b: {  	s29 =	simm.s32 $0x880  }
0x1c: {  	[tilespmem:s29], [sflag:$0x1] =	stream.indirect_vreg.gather [hbm4b:s6+s2], $0x80, v4, vm0, $0xb8;
	[tilespmem:$0x18080] =	vst v63  }
0x1d: {  	s30 =	simm.s32 $0x1080  }
0x1e: {  	[tilespmem:s30], [sflag:$0x1] =	stream.indirect_vreg.gather [hbm4b:s3+s2], $0x80, v3, vm0, $0xb8;
	[tilespmem:$0x18080] =	vst v63  }
0x1f: {  	s31 =	simm.s32 $0x1880  }
0x20: {  	[tilespmem:s31], [sflag:$0x1] =	stream.indirect_vreg.gather [hbm4b:s6+s2], $0x80, v3, vm0, $0xb8;
	[tilespmem:$0x18080] =	vst v63  }
0x21: {  	v3 =	vld [tilespmem:$0x10];
	_ =	sdelay $0x4  }
0x22: {  	v57 =	vshll.u32 v3, $0x2  }
0x23: {  	v3 =	vand.u32 $0x7, v3;
	v4 =	vand.u32 $0xFFFFFFE0, v57  }
0x24: {  	v3 =	vor.u32 v3, v4  }
0x25: {  	v4 =	vperm.xlane v3, v0;
	_ =	sdelay $0x1  }
0x26: {  	v4 =	vadd.s32 v1, v4;
	_ =	sdelay $0x1  }
0x27: {  	v3 =	vperm.xlane v3, v2;
	_ =	sdelay $0x1  }
0x28: {  	s22 =	simm.s32 $0x2080;
	v3 =	vadd.s32 v1, v3  }
0x29: {  	[tilespmem:s22], [sflag:$0x1] =	stream.indirect_vreg.gather [hbm4b:s3+s2], $0x80, v4, vm0, $0xb8;
	[tilespmem:$0x18080] =	vst v63  }
0x2a: {  	s23 =	simm.s32 $0x2880  }
0x2b: {  	[tilespmem:s23], [sflag:$0x1] =	stream.indirect_vreg.gather [hbm4b:s6+s2], $0x80, v4, vm0, $0xb8;
	[tilespmem:$0x18080] =	vst v63  }
0x2c: {  	s24 =	simm.s32 $0x3080  }
0x2d: {  	[tilespmem:s24], [sflag:$0x1] =	stream.indirect_vreg.gather [hbm4b:s3+s2], $0x80, v3, vm0, $0xb8;
	[tilespmem:$0x18080] =	vst v63  }
0x2e: {  	s25 =	simm.s32 $0x3880  }
0x2f: {  	[tilespmem:s25], [sflag:$0x1] =	stream.indirect_vreg.gather [hbm4b:s6+s2], $0x80, v3, vm0, $0xb8;
	[tilespmem:$0x18080] =	vst v63  }
0x30: {  	v3 =	vld [tilespmem:$0x20];
	_ =	sdelay $0x4  }
0x31: {  	v58 =	vshll.u32 v3, $0x2  }
0x32: {  	v3 =	vand.u32 $0x7, v3;
	v4 =	vand.u32 $0xFFFFFFE0, v58  }
0x33: {  	v3 =	vor.u32 v3, v4  }
0x34: {  	v4 =	vperm.xlane v3, v0;
	_ =	sdelay $0x1  }
0x35: {  	v4 =	vadd.s32 v1, v4;
	_ =	sdelay $0x1  }
0x36: {  	v3 =	vperm.xlane v3, v2;
	_ =	sdelay $0x1  }
0x37: {  	s26 =	simm.s32 $0x4080;
	v3 =	vadd.s32 v1, v3  }
0x38: {  	[tilespmem:s26], [sflag:$0x1] =	stream.indirect_vreg.gather [hbm4b:s3+s2], $0x80, v4, vm0, $0xb8;
	[tilespmem:$0x18080] =	vst v63  }
0x39: {  	s28 =	simm.s32 $0x4880  }
0x3a: {  	[tilespmem:s28], [sflag:$0x1] =	stream.indirect_vreg.gather [hbm4b:s6+s2], $0x80, v4, vm0, $0xb8;
	[tilespmem:$0x18080] =	vst v63  }
0x3b: {  	s29 =	simm.s32 $0x5080  }
0x3c: {  	[tilespmem:s29], [sflag:$0x1] =	stream.indirect_vreg.gather [hbm4b:s3+s2], $0x80, v3, vm0, $0xb8;
	[tilespmem:$0x18080] =	vst v63  }
0x3d: {  	s30 =	simm.s32 $0x5880  }
0x3e: {  	[tilespmem:s30], [sflag:$0x1] =	stream.indirect_vreg.gather [hbm4b:s6+s2], $0x80, v3, vm0, $0xb8;
	[tilespmem:$0x18080] =	vst v63  }
0x3f: {  	v3 =	vld [tilespmem:$0x30];
	_ =	sdelay $0x4  }
0x40: {  	v59 =	vshll.u32 v3, $0x2  }
0x41: {  	v3 =	vand.u32 $0x7, v3;
	v4 =	vand.u32 $0xFFFFFFE0, v59  }
0x42: {  	v3 =	vor.u32 v3, v4  }
0x43: {  	v4 =	vperm.xlane v3, v0;
	_ =	sdelay $0x1  }
0x44: {  	v4 =	vadd.s32 v1, v4;
	_ =	sdelay $0x1  }
0x45: {  	v3 =	vperm.xlane v3, v2;
	_ =	sdelay $0x1  }
0x46: {  	s31 =	simm.s32 $0x6080;
	v3 =	vadd.s32 v1, v3  }
0x47: {  	[tilespmem:s31], [sflag:$0x1] =	stream.indirect_vreg.gather [hbm4b:s3+s2], $0x80, v4, vm0, $0xb8;
	[tilespmem:$0x18080] =	vst v63  }
0x48: {  	s22 =	simm.s32 $0x6880  }
0x49: {  	[tilespmem:s22], [sflag:$0x1] =	stream.indirect_vreg.gather [hbm4b:s6+s2], $0x80, v4, vm0, $0xb8;
	[tilespmem:$0x18080] =	vst v63  }
0x4a: {  	s23 =	simm.s32 $0x7080  }
0x4b: {  	[tilespmem:s23], [sflag:$0x1] =	stream.indirect_vreg.gather [hbm4b:s3+s2], $0x80, v3, vm0, $0xb8;
	[tilespmem:$0x18080] =	vst v63  }
0x4c: {  	s24 =	simm.s32 $0x7880  }
0x4d: {  	[tilespmem:s24], [sflag:$0x1] =	stream.indirect_vreg.gather [hbm4b:s6+s2], $0x80, v3, vm0, $0xb8;
	[tilespmem:$0x18080] =	vst v63  }
0x4e: {  	v3 =	vld [tilespmem:$0x40];
	_ =	sdelay $0x4  }
0x4f: {  	v60 =	vshll.u32 v3, $0x2  }
0x50: {  	v3 =	vand.u32 $0x7, v3;
	v4 =	vand.u32 $0xFFFFFFE0, v60  }
0x51: {  	v3 =	vor.u32 v3, v4  }
0x52: {  	v4 =	vperm.xlane v3, v0;
	_ =	sdelay $0x1  }
0x53: {  	v4 =	vadd.s32 v1, v4;
	_ =	sdelay $0x1  }
0x54: {  	v3 =	vperm.xlane v3, v2;
	_ =	sdelay $0x1  }
0x55: {  	s25 =	simm.s32 $0x8080;
	v3 =	vadd.s32 v1, v3  }
0x56: {  	[tilespmem:s25], [sflag:$0x1] =	stream.indirect_vreg.gather [hbm4b:s3+s2], $0x80, v4, vm0, $0xb8;
	[tilespmem:$0x18080] =	vst v63  }
0x57: {  	s26 =	simm.s32 $0x8880  }
0x58: {  	[tilespmem:s26], [sflag:$0x1] =	stream.indirect_vreg.gather [hbm4b:s6+s2], $0x80, v4, vm0, $0xb8;
	[tilespmem:$0x18080] =	vst v63  }
0x59: {  	s28 =	simm.s32 $0x9080  }
0x5a: {  	[tilespmem:s28], [sflag:$0x1] =	stream.indirect_vreg.gather [hbm4b:s3+s2], $0x80, v3, vm0, $0xb8;
	[tilespmem:$0x18080] =	vst v63  }
0x5b: {  	s29 =	simm.s32 $0x9880  }
0x5c: {  	[tilespmem:s29], [sflag:$0x1] =	stream.indirect_vreg.gather [hbm4b:s6+s2], $0x80, v3, vm0, $0xb8;
	[tilespmem:$0x18080] =	vst v63  }
0x5d: {  	v3 =	vld [tilespmem:$0x50];
	_ =	sdelay $0x4  }
0x5e: {  	v61 =	vshll.u32 v3, $0x2  }
0x5f: {  	v3 =	vand.u32 $0x7, v3;
	v4 =	vand.u32 $0xFFFFFFE0, v61  }
0x60: {  	v3 =	vor.u32 v3, v4  }
0x61: {  	v4 =	vperm.xlane v3, v0;
	_ =	sdelay $0x1  }
0x62: {  	v4 =	vadd.s32 v1, v4;
	_ =	sdelay $0x1  }
0x63: {  	v3 =	vperm.xlane v3, v2;
	_ =	sdelay $0x1  }
0x64: {  	s30 =	simm.s32 $0xA080;
	v3 =	vadd.s32 v1, v3  }
0x65: {  	[tilespmem:s30], [sflag:$0x1] =	stream.indirect_vreg.gather [hbm4b:s3+s2], $0x80, v4, vm0, $0xb8;
	[tilespmem:$0x18080] =	vst v63  }
0x66: {  	s31 =	simm.s32 $0xA880  }
0x67: {  	[tilespmem:s31], [sflag:$0x1] =	stream.indirect_vreg.gather [hbm4b:s6+s2], $0x80, v4, vm0, $0xb8;
	[tilespmem:$0x18080] =	vst v63  }
0x68: {  	_ = 	snop  }
0x69: {  	[tilespmem:s1], [sflag:$0x1] =	stream.indirect_vreg.gather [hbm4b:s3+s2], $0x80, v3, vm0, $0xb8;
	[tilespmem:$0x18080] =	vst v63  }
0x6a: {  	_ = 	snop  }
0x6b: {  	[tilespmem:s10], [sflag:$0x1] =	stream.indirect_vreg.gather [hbm4b:s6+s2], $0x80, v3, vm0, $0xb8;
	[tilespmem:$0x18080] =	vst v63  }
0x6c: {  	v3 =	vld [tilespmem:$0x60];
	_ =	sdelay $0x4  }
0x6d: {  	v62 =	vshll.u32 v3, $0x2  }
0x6e: {  	v3 =	vand.u32 $0x7, v3;
	v4 =	vand.u32 $0xFFFFFFE0, v62  }
0x6f: {  	v3 =	vor.u32 v3, v4  }
0x70: {  	v4 =	vperm.xlane v3, v0;
	_ =	sdelay $0x1  }
0x71: {  	v4 =	vadd.s32 v1, v4;
	_ =	sdelay $0x1  }
0x72: {  	v3 =	vperm.xlane v3, v2;
	_ =	sdelay $0x1  }
0x73: {  	v3 =	vadd.s32 v1, v3  }
0x74: {  	[tilespmem:s11], [sflag:$0x1] =	stream.indirect_vreg.gather [hbm4b:s3+s2], $0x80, v4, vm0, $0xb8;
	[tilespmem:$0x18080] =	vst v63  }
0x75: {  	_ = 	snop  }
0x76: {  	[tilespmem:s12], [sflag:$0x1] =	stream.indirect_vreg.gather [hbm4b:s6+s2], $0x80, v4, vm0, $0xb8;
	[tilespmem:$0x18080] =	vst v63  }
0x77: {  	_ = 	snop  }
0x78: {  	[tilespmem:s13], [sflag:$0x1] =	stream.indirect_vreg.gather [hbm4b:s3+s2], $0x80, v3, vm0, $0xb8;
	[tilespmem:$0x18080] =	vst v63  }
0x79: {  	_ = 	snop  }
0x7a: {  	[tilespmem:s14], [sflag:$0x1] =	stream.indirect_vreg.gather [hbm4b:s6+s2], $0x80, v3, vm0, $0xb8;
	[tilespmem:$0x18080] =	vst v63  }
0x7b: {  	v3 =	vld [tilespmem:$0x70];
	_ =	sdelay $0x4  }
0x7c: {  	v63 =	vshll.u32 v3, $0x2  }
0x7d: {  	v3 =	vand.u32 $0x7, v3;
	v4 =	vand.u32 $0xFFFFFFE0, v63  }
0x7e: {  	v3 =	vor.u32 v3, v4  }
0x7f: {  	v4 =	vperm.xlane v3, v0;
	_ =	sdelay $0x1  }
0x80: {  	v4 =	vadd.s32 v1, v4;
	_ =	sdelay $0x1  }
0x81: {  	v3 =	vperm.xlane v3, v2;
	_ =	sdelay $0x1  }
0x82: {  	v3 =	vadd.s32 v1, v3  }
0x83: {  	[tilespmem:s15], [sflag:$0x1] =	stream.indirect_vreg.gather [hbm4b:s3+s2], $0x80, v4, vm0, $0xb8;
	[tilespmem:$0x18080] =	vst v63  }
0x84: {  	_ = 	snop  }
0x85: {  	[tilespmem:s16], [sflag:$0x1] =	stream.indirect_vreg.gather [hbm4b:s6+s2], $0x80, v4, vm0, $0xb8;
	[tilespmem:$0x18080] =	vst v63  }
0x86: {  	_ = 	snop  }
0x87: {  	[tilespmem:s17], [sflag:$0x1] =	stream.indirect_vreg.gather [hbm4b:s3+s2], $0x80, v3, vm0, $0xb8;
	[tilespmem:$0x18080] =	vst v63  }
0x88: {  	_ = 	snop  }
0x89: {  	[tilespmem:s18], [sflag:$0x1] =	stream.indirect_vreg.gather [hbm4b:s6+s2], $0x80, v3, vm0, $0xb8;
	[tilespmem:$0x18080] =	vst v63  }
0x8a: {  	s22 =	simm.s32 $0x0;
	_ =	swait.ge [sflag:s19], $0x10000  }
0x8b: {  	s23 =	simm.s32 $0x0;
	s24 =	simm.s32 $0x0;
	[sflag:s19] =	ssyncset.done $0x0  }
0x8c: {  	s25 =	simm.s32 $0x0;
	s26 =	simm.s32 $0x0;
	[sflag:s19] =	ssyncadd.s32 $0xFFFF0000  }
.LBB2_2:
0x8d: {  	s28 =	sand.u32 $0x7000, s24;
	s29 =	sand.u32 $0x300, s26  }
0x8e: {  	s29 =	sor.u32 s29, s28  }
0x8f: {  	v3 =	vld [tilespmem:s29+$0x80]  }
0x90: {  	v4 =	vld [tilespmem:s29+$0x100];
	_ =	sdelay $0x4  }
0x91: {  	v5 =	vshll.u32 v3, $0x10;
	v6 =	vshll.u32 v4, $0x10  }
0x92: {  	s0 =	sand.u32 $0x6000, s24;
	s30 =	sand.u32 $0x380, s25;
	v3 =	vand.u32 $0xFFFF0000, v3;
	v4 =	vand.u32 $0xFFFF0000, v4;
	v5 =	vadd.f32 v6, v5  }
0x93: {  	s30 =	sor.u32 s30, s0;
	v3 =	vadd.f32 v4, v3  }
0x94: {  	s28 =	sadd.s32 $0x10080, s30;
	[tilespmem:s30+$0x10080] =	vst v5  }
0x95: {  	[tilespmem:s28+$0x1000] =	vst v3  }
0x96: {  	v3 =	vld [tilespmem:s29+$0x90]  }
0x97: {  	v26 =	vld [tilespmem:s29+$0x110];
	_ =	sdelay $0x4  }
0x98: {  	v27 =	vshll.u32 v3, $0x10;
	v28 =	vshll.u32 v26, $0x10  }
0x99: {  	v3 =	vand.u32 $0xFFFF0000, v3;
	v4 =	vand.u32 $0xFFFF0000, v26;
	v5 =	vadd.f32 v28, v27  }
0x9a: {  	v3 =	vadd.f32 v4, v3  }
0x9b: {  	[tilespmem:s28+$0x10] =	vst v5  }
0x9c: {  	[tilespmem:s28+$0x1010] =	vst v3  }
0x9d: {  	v3 =	vld [tilespmem:s29+$0xA0]  }
0x9e: {  	v29 =	vld [tilespmem:s29+$0x120];
	_ =	sdelay $0x4  }
0x9f: {  	v30 =	vshll.u32 v3, $0x10;
	v31 =	vshll.u32 v29, $0x10  }
0xa0: {  	v3 =	vand.u32 $0xFFFF0000, v3;
	v4 =	vand.u32 $0xFFFF0000, v29;
	v5 =	vadd.f32 v31, v30  }
0xa1: {  	v3 =	vadd.f32 v4, v3  }
0xa2: {  	[tilespmem:s28+$0x20] =	vst v5  }
0xa3: {  	[tilespmem:s28+$0x1020] =	vst v3  }
0xa4: {  	v3 =	vld [tilespmem:s29+$0xB0]  }
0xa5: {  	v32 =	vld [tilespmem:s29+$0x130];
	_ =	sdelay $0x4  }
0xa6: {  	v33 =	vshll.u32 v3, $0x10;
	v34 =	vshll.u32 v32, $0x10  }
0xa7: {  	v3 =	vand.u32 $0xFFFF0000, v3;
	v4 =	vand.u32 $0xFFFF0000, v32;
	v5 =	vadd.f32 v34, v33  }
0xa8: {  	v3 =	vadd.f32 v4, v3  }
0xa9: {  	[tilespmem:s28+$0x30] =	vst v5  }
0xaa: {  	[tilespmem:s28+$0x1030] =	vst v3  }
0xab: {  	v3 =	vld [tilespmem:s29+$0xC0]  }
0xac: {  	v35 =	vld [tilespmem:s29+$0x140];
	_ =	sdelay $0x4  }
0xad: {  	v36 =	vshll.u32 v3, $0x10;
	v37 =	vshll.u32 v35, $0x10  }
0xae: {  	v3 =	vand.u32 $0xFFFF0000, v3;
	v4 =	vand.u32 $0xFFFF0000, v35;
	v5 =	vadd.f32 v37, v36  }
0xaf: {  	v3 =	vadd.f32 v4, v3  }
0xb0: {  	[tilespmem:s28+$0x40] =	vst v5  }
0xb1: {  	[tilespmem:s28+$0x1040] =	vst v3  }
0xb2: {  	v3 =	vld [tilespmem:s29+$0xD0]  }
0xb3: {  	v38 =	vld [tilespmem:s29+$0x150];
	_ =	sdelay $0x4  }
0xb4: {  	v39 =	vshll.u32 v3, $0x10;
	v40 =	vshll.u32 v38, $0x10  }
0xb5: {  	v3 =	vand.u32 $0xFFFF0000, v3;
	v4 =	vand.u32 $0xFFFF0000, v38;
	v5 =	vadd.f32 v40, v39  }
0xb6: {  	v3 =	vadd.f32 v4, v3  }
0xb7: {  	[tilespmem:s28+$0x50] =	vst v5  }
0xb8: {  	[tilespmem:s28+$0x1050] =	vst v3  }
0xb9: {  	v3 =	vld [tilespmem:s29+$0xE0]  }
0xba: {  	v41 =	vld [tilespmem:s29+$0x160];
	_ =	sdelay $0x4  }
0xbb: {  	v42 =	vshll.u32 v3, $0x10;
	v43 =	vshll.u32 v41, $0x10  }
0xbc: {  	v3 =	vand.u32 $0xFFFF0000, v3;
	v4 =	vand.u32 $0xFFFF0000, v41;
	v5 =	vadd.f32 v43, v42  }
0xbd: {  	v3 =	vadd.f32 v4, v3  }
0xbe: {  	[tilespmem:s28+$0x60] =	vst v5  }
0xbf: {  	[tilespmem:s28+$0x1060] =	vst v3  }
0xc0: {  	v3 =	vld [tilespmem:s29+$0xF0]  }
0xc1: {  	v44 =	vld [tilespmem:s29+$0x170];
	_ =	sdelay $0x4  }
0xc2: {  	v45 =	vshll.u32 v3, $0x10;
	v46 =	vshll.u32 v44, $0x10  }
0xc3: {  	v3 =	vand.u32 $0xFFFF0000, v3;
	v4 =	vand.u32 $0xFFFF0000, v44;
	v5 =	vadd.f32 v46, v45  }
0xc4: {  	v3 =	vadd.f32 v4, v3  }
0xc5: {  	[tilespmem:s28+$0x70] =	vst v5  }
0xc6: {  	[tilespmem:s28+$0x1070] =	vst v3  }
0xc7: {  	v3 =	vld [tilespmem:s29+$0x480]  }
0xc8: {  	v47 =	vld [tilespmem:s29+$0x500];
	_ =	sdelay $0x4  }
0xc9: {  	v48 =	vshll.u32 v3, $0x10;
	v49 =	vshll.u32 v47, $0x10  }
0xca: {  	v3 =	vand.u32 $0xFFFF0000, v3;
	v4 =	vand.u32 $0xFFFF0000, v47;
	v5 =	vadd.f32 v49, v48  }
0xcb: {  	v3 =	vadd.f32 v4, v3  }
0xcc: {  	[tilespmem:s28+$0x400] =	vst v5  }
0xcd: {  	[tilespmem:s28+$0x1400] =	vst v3  }
0xce: {  	v3 =	vld [tilespmem:s29+$0x490]  }
0xcf: {  	v50 =	vld [tilespmem:s29+$0x510];
	_ =	sdelay $0x4  }
0xd0: {  	v51 =	vshll.u32 v3, $0x10;
	v52 =	vshll.u32 v50, $0x10  }
0xd1: {  	v3 =	vand.u32 $0xFFFF0000, v3;
	v4 =	vand.u32 $0xFFFF0000, v50;
	v5 =	vadd.f32 v52, v51  }
0xd2: {  	v3 =	vadd.f32 v4, v3  }
0xd3: {  	[tilespmem:s28+$0x410] =	vst v5  }
0xd4: {  	[tilespmem:s28+$0x1410] =	vst v3  }
0xd5: {  	v3 =	vld [tilespmem:s29+$0x4A0]  }
0xd6: {  	v53 =	vld [tilespmem:s29+$0x520];
	_ =	sdelay $0x4  }
0xd7: {  	v54 =	vshll.u32 v3, $0x10;
	v55 =	vshll.u32 v53, $0x10  }
0xd8: {  	v3 =	vand.u32 $0xFFFF0000, v3;
	v4 =	vand.u32 $0xFFFF0000, v53;
	v5 =	vadd.f32 v55, v54  }
0xd9: {  	v3 =	vadd.f32 v4, v3  }
0xda: {  	[tilespmem:s28+$0x420] =	vst v5  }
0xdb: {  	[tilespmem:s28+$0x1420] =	vst v3  }
0xdc: {  	v3 =	vld [tilespmem:s29+$0x4B0]  }
0xdd: {  	v56 =	vld [tilespmem:s29+$0x530];
	_ =	sdelay $0x4  }
0xde: {  	v57 =	vshll.u32 v3, $0x10;
	v58 =	vshll.u32 v56, $0x10  }
0xdf: {  	v3 =	vand.u32 $0xFFFF0000, v3;
	v4 =	vand.u32 $0xFFFF0000, v56;
	v5 =	vadd.f32 v58, v57  }
0xe0: {  	v3 =	vadd.f32 v4, v3  }
0xe1: {  	[tilespmem:s28+$0x430] =	vst v5  }
0xe2: {  	[tilespmem:s28+$0x1430] =	vst v3  }
0xe3: {  	v3 =	vld [tilespmem:s29+$0x4C0]  }
0xe4: {  	v59 =	vld [tilespmem:s29+$0x540];
	_ =	sdelay $0x4  }
0xe5: {  	v60 =	vshll.u32 v3, $0x10;
	v61 =	vshll.u32 v59, $0x10  }
0xe6: {  	v3 =	vand.u32 $0xFFFF0000, v3;
	v4 =	vand.u32 $0xFFFF0000, v59;
	v5 =	vadd.f32 v61, v60  }
0xe7: {  	v3 =	vadd.f32 v4, v3  }
0xe8: {  	[tilespmem:s28+$0x440] =	vst v5  }
0xe9: {  	[tilespmem:s28+$0x1440] =	vst v3  }
0xea: {  	v3 =	vld [tilespmem:s29+$0x4D0]  }
0xeb: {  	v62 =	vld [tilespmem:s29+$0x550];
	_ =	sdelay $0x4  }
0xec: {  	v63 =	vshll.u32 v3, $0x10;
	v9 =	vshll.u32 v62, $0x10  }
0xed: {  	v3 =	vand.u32 $0xFFFF0000, v3;
	v4 =	vand.u32 $0xFFFF0000, v62;
	v5 =	vadd.f32 v9, v63  }
0xee: {  	v3 =	vadd.f32 v4, v3  }
0xef: {  	[tilespmem:s28+$0x450] =	vst v5  }
0xf0: {  	[tilespmem:s28+$0x1450] =	vst v3  }
0xf1: {  	v3 =	vld [tilespmem:s29+$0x4E0]  }
0xf2: {  	v10 =	vld [tilespmem:s29+$0x560];
	_ =	sdelay $0x4  }
0xf3: {  	v11 =	vshll.u32 v3, $0x10;
	v12 =	vshll.u32 v10, $0x10  }
0xf4: {  	v3 =	vand.u32 $0xFFFF0000, v3;
	v4 =	vand.u32 $0xFFFF0000, v10;
	v5 =	vadd.f32 v12, v11  }
0xf5: {  	v3 =	vadd.f32 v4, v3  }
0xf6: {  	[tilespmem:s28+$0x460] =	vst v5  }
0xf7: {  	[tilespmem:s28+$0x1460] =	vst v3  }
0xf8: {  	v3 =	vld [tilespmem:s29+$0x4F0]  }
0xf9: {  	v13 =	vld [tilespmem:s29+$0x570];
	_ =	sdelay $0x4  }
0xfa: {  	v14 =	vshll.u32 v3, $0x10;
	v15 =	vshll.u32 v13, $0x10  }
0xfb: {  	v3 =	vand.u32 $0xFFFF0000, v3;
	v4 =	vand.u32 $0xFFFF0000, v13;
	v5 =	vadd.f32 v15, v14  }
0xfc: {  	v3 =	vadd.f32 v4, v3  }
0xfd: {  	[tilespmem:s28+$0x470] =	vst v5  }
0xfe: {  	[tilespmem:s28+$0x1470] =	vst v3  }
0xff: {  	v3 =	vld [tilespmem:s29+$0x880]  }
0x100: {  	v16 =	vld [tilespmem:s29+$0x900];
	_ =	sdelay $0x4  }
0x101: {  	v17 =	vshll.u32 v3, $0x10;
	v18 =	vshll.u32 v16, $0x10  }
0x102: {  	v3 =	vand.u32 $0xFFFF0000, v3;
	v4 =	vand.u32 $0xFFFF0000, v16;
	v5 =	vadd.f32 v18, v17  }
0x103: {  	v3 =	vadd.f32 v4, v3  }
0x104: {  	[tilespmem:s28+$0x800] =	vst v5  }
0x105: {  	[tilespmem:s28+$0x1800] =	vst v3  }
0x106: {  	v3 =	vld [tilespmem:s29+$0x890]  }
0x107: {  	v19 =	vld [tilespmem:s29+$0x910];
	_ =	sdelay $0x4  }
0x108: {  	v20 =	vshll.u32 v3, $0x10;
	v21 =	vshll.u32 v19, $0x10  }
0x109: {  	v3 =	vand.u32 $0xFFFF0000, v3;
	v4 =	vand.u32 $0xFFFF0000, v19;
	v5 =	vadd.f32 v21, v20  }
0x10a: {  	v3 =	vadd.f32 v4, v3  }
0x10b: {  	[tilespmem:s28+$0x810] =	vst v5  }
0x10c: {  	[tilespmem:s28+$0x1810] =	vst v3  }
0x10d: {  	v3 =	vld [tilespmem:s29+$0x8A0]  }
0x10e: {  	v22 =	vld [tilespmem:s29+$0x920];
	_ =	sdelay $0x4  }
0x10f: {  	v23 =	vshll.u32 v3, $0x10;
	v24 =	vshll.u32 v22, $0x10  }
0x110: {  	v3 =	vand.u32 $0xFFFF0000, v3;
	v4 =	vand.u32 $0xFFFF0000, v22;
	v5 =	vadd.f32 v24, v23  }
0x111: {  	v3 =	vadd.f32 v4, v3  }
0x112: {  	[tilespmem:s28+$0x820] =	vst v5  }
0x113: {  	[tilespmem:s28+$0x1820] =	vst v3  }
0x114: {  	v3 =	vld [tilespmem:s29+$0x8B0]  }
0x115: {  	v25 =	vld [tilespmem:s29+$0x930];
	_ =	sdelay $0x4  }
0x116: {  	v26 =	vshll.u32 v3, $0x10;
	v27 =	vshll.u32 v25, $0x10  }
0x117: {  	v3 =	vand.u32 $0xFFFF0000, v3;
	v4 =	vand.u32 $0xFFFF0000, v25;
	v5 =	vadd.f32 v27, v26  }
0x118: {  	v3 =	vadd.f32 v4, v3  }
0x119: {  	[tilespmem:s28+$0x830] =	vst v5  }
0x11a: {  	[tilespmem:s28+$0x1830] =	vst v3  }
0x11b: {  	v3 =	vld [tilespmem:s29+$0x8C0]  }
0x11c: {  	v28 =	vld [tilespmem:s29+$0x940];
	_ =	sdelay $0x4  }
0x11d: {  	v29 =	vshll.u32 v3, $0x10;
	v30 =	vshll.u32 v28, $0x10  }
0x11e: {  	v3 =	vand.u32 $0xFFFF0000, v3;
	v4 =	vand.u32 $0xFFFF0000, v28;
	v5 =	vadd.f32 v30, v29  }
0x11f: {  	v3 =	vadd.f32 v4, v3  }
0x120: {  	[tilespmem:s28+$0x840] =	vst v5  }
0x121: {  	[tilespmem:s28+$0x1840] =	vst v3  }
0x122: {  	v3 =	vld [tilespmem:s29+$0x8D0]  }
0x123: {  	v31 =	vld [tilespmem:s29+$0x950];
	_ =	sdelay $0x4  }
0x124: {  	v32 =	vshll.u32 v3, $0x10;
	v33 =	vshll.u32 v31, $0x10  }
0x125: {  	v3 =	vand.u32 $0xFFFF0000, v3;
	v4 =	vand.u32 $0xFFFF0000, v31;
	v5 =	vadd.f32 v33, v32  }
0x126: {  	v3 =	vadd.f32 v4, v3  }
0x127: {  	[tilespmem:s28+$0x850] =	vst v5  }
0x128: {  	[tilespmem:s28+$0x1850] =	vst v3  }
0x129: {  	v3 =	vld [tilespmem:s29+$0x8E0]  }
0x12a: {  	v34 =	vld [tilespmem:s29+$0x960];
	_ =	sdelay $0x4  }
0x12b: {  	v35 =	vshll.u32 v3, $0x10;
	v36 =	vshll.u32 v34, $0x10  }
0x12c: {  	v3 =	vand.u32 $0xFFFF0000, v3;
	v4 =	vand.u32 $0xFFFF0000, v34;
	v5 =	vadd.f32 v36, v35  }
0x12d: {  	v3 =	vadd.f32 v4, v3  }
0x12e: {  	[tilespmem:s28+$0x860] =	vst v5  }
0x12f: {  	[tilespmem:s28+$0x1860] =	vst v3  }
0x130: {  	v3 =	vld [tilespmem:s29+$0x8F0]  }
0x131: {  	v37 =	vld [tilespmem:s29+$0x970];
	_ =	sdelay $0x4  }
0x132: {  	v38 =	vshll.u32 v3, $0x10;
	v39 =	vshll.u32 v37, $0x10  }
0x133: {  	s31 =	sand.u32 $0x3, s22;
	v3 =	vand.u32 $0xFFFF0000, v3;
	v4 =	vand.u32 $0xFFFF0000, v37;
	v5 =	vadd.f32 v39, v38  }
0x134: {  	s29 =	sshll.u32 s31, $0x8;
	v3 =	vadd.f32 v4, v3  }
0x135: {  	s29 =	sadd.s32 s29, s24;
	[tilespmem:s28+$0x870] =	vst v5  }
0x136: {  	s31 =	sor.u32 $0xC00, s29;
	s30 =	sadd.s32 $0x80, s29;
	[tilespmem:s28+$0x1870] =	vst v3  }
0x137: {  	s0 =	sor.u32 $0xC00, s30;
	v3 =	vld [tilespmem:s31+$0x80]  }
0x138: {  	v40 =	vld [tilespmem:s0+$0x80];
	_ =	sdelay $0x4  }
0x139: {  	s0 =	sand.u32 $0x7, s23;
	v41 =	vshll.u32 v3, $0x10;
	v42 =	vshll.u32 v40, $0x10  }
0x13a: {  	s31 =	sshll.u32 s0, $0x7;
	v3 =	vand.u32 $0xFFFF0000, v3;
	v4 =	vand.u32 $0xFFFF0000, v40;
	v5 =	vadd.f32 v42, v41  }
0x13b: {  	s31 =	sadd.s32 s31, s24;
	v3 =	vadd.f32 v4, v3  }
0x13c: {  	s0 =	sor.u32 $0x1C00, s31;
	[tilespmem:s28+$0xC00] =	vst v5  }
0x13d: {  	[tilespmem:s0+$0x10080] =	vst v3;
	s0 =	sor.u32 $0xC10, s29  }
0x13e: {  	v3 =	vld [tilespmem:s0+$0x80];
	s0 =	sor.u32 $0xC10, s30  }
0x13f: {  	v43 =	vld [tilespmem:s0+$0x80];
	_ =	sdelay $0x4  }
0x140: {  	v44 =	vshll.u32 v3, $0x10;
	v45 =	vshll.u32 v43, $0x10  }
0x141: {  	v3 =	vand.u32 $0xFFFF0000, v3;
	v4 =	vand.u32 $0xFFFF0000, v43;
	v5 =	vadd.f32 v45, v44  }
0x142: {  	v3 =	vadd.f32 v4, v3  }
0x143: {  	s0 =	sor.u32 $0x1C10, s31;
	[tilespmem:s28+$0xC10] =	vst v5  }
0x144: {  	[tilespmem:s0+$0x10080] =	vst v3;
	s0 =	sor.u32 $0xC20, s29  }
0x145: {  	v3 =	vld [tilespmem:s0+$0x80];
	s0 =	sor.u32 $0xC20, s30  }
0x146: {  	v46 =	vld [tilespmem:s0+$0x80];
	_ =	sdelay $0x4  }
0x147: {  	v47 =	vshll.u32 v3, $0x10;
	v48 =	vshll.u32 v46, $0x10  }
0x148: {  	v3 =	vand.u32 $0xFFFF0000, v3;
	v4 =	vand.u32 $0xFFFF0000, v46;
	v5 =	vadd.f32 v48, v47  }
0x149: {  	v3 =	vadd.f32 v4, v3  }
0x14a: {  	s0 =	sor.u32 $0x1C20, s31;
	[tilespmem:s28+$0xC20] =	vst v5  }
0x14b: {  	[tilespmem:s0+$0x10080] =	vst v3;
	s0 =	sor.u32 $0xC30, s29  }
0x14c: {  	v3 =	vld [tilespmem:s0+$0x80];
	s0 =	sor.u32 $0xC30, s30  }
0x14d: {  	v49 =	vld [tilespmem:s0+$0x80];
	_ =	sdelay $0x4  }
0x14e: {  	v50 =	vshll.u32 v3, $0x10;
	v51 =	vshll.u32 v49, $0x10  }
0x14f: {  	v3 =	vand.u32 $0xFFFF0000, v3;
	v4 =	vand.u32 $0xFFFF0000, v49;
	v5 =	vadd.f32 v51, v50  }
0x150: {  	v3 =	vadd.f32 v4, v3  }
0x151: {  	s0 =	sor.u32 $0x1C30, s31;
	[tilespmem:s28+$0xC30] =	vst v5  }
0x152: {  	[tilespmem:s0+$0x10080] =	vst v3;
	s0 =	sor.u32 $0xC40, s29  }
0x153: {  	v3 =	vld [tilespmem:s0+$0x80];
	s0 =	sor.u32 $0xC40, s30  }
0x154: {  	v52 =	vld [tilespmem:s0+$0x80];
	_ =	sdelay $0x4  }
0x155: {  	v53 =	vshll.u32 v3, $0x10;
	v54 =	vshll.u32 v52, $0x10  }
0x156: {  	v3 =	vand.u32 $0xFFFF0000, v3;
	v4 =	vand.u32 $0xFFFF0000, v52;
	v5 =	vadd.f32 v54, v53  }
0x157: {  	v3 =	vadd.f32 v4, v3  }
0x158: {  	s0 =	sor.u32 $0x1C40, s31;
	[tilespmem:s28+$0xC40] =	vst v5  }
0x159: {  	[tilespmem:s0+$0x10080] =	vst v3;
	s0 =	sor.u32 $0xC50, s29  }
0x15a: {  	v3 =	vld [tilespmem:s0+$0x80];
	s0 =	sor.u32 $0xC50, s30  }
0x15b: {  	v55 =	vld [tilespmem:s0+$0x80];
	_ =	sdelay $0x4  }
0x15c: {  	v56 =	vshll.u32 v3, $0x10;
	v57 =	vshll.u32 v55, $0x10  }
0x15d: {  	v3 =	vand.u32 $0xFFFF0000, v3;
	v4 =	vand.u32 $0xFFFF0000, v55;
	v5 =	vadd.f32 v57, v56  }
0x15e: {  	v3 =	vadd.f32 v4, v3  }
0x15f: {  	s0 =	sor.u32 $0x1C50, s31;
	[tilespmem:s28+$0xC50] =	vst v5  }
0x160: {  	[tilespmem:s0+$0x10080] =	vst v3;
	s0 =	sor.u32 $0xC60, s29  }
0x161: {  	v3 =	vld [tilespmem:s0+$0x80];
	s0 =	sor.u32 $0xC60, s30  }
0x162: {  	v58 =	vld [tilespmem:s0+$0x80];
	_ =	sdelay $0x4  }
0x163: {  	v59 =	vshll.u32 v3, $0x10;
	v60 =	vshll.u32 v58, $0x10  }
0x164: {  	v3 =	vand.u32 $0xFFFF0000, v3;
	v4 =	vand.u32 $0xFFFF0000, v58;
	v5 =	vadd.f32 v60, v59  }
0x165: {  	v3 =	vadd.f32 v4, v3  }
0x166: {  	s0 =	sor.u32 $0x1C60, s31;
	[tilespmem:s28+$0xC60] =	vst v5  }
0x167: {  	s29 =	sor.u32 $0xC70, s29;
	[tilespmem:s0+$0x10080] =	vst v3  }
0x168: {  	s30 =	sor.u32 $0xC70, s30;
	v3 =	vld [tilespmem:s29+$0x80]  }
0x169: {  	v61 =	vld [tilespmem:s30+$0x80];
	_ =	sdelay $0x3  }
0x16a: {  	p0 =	sne.s32 s26, $0x1F00  }
.Ltmp0:
0x16b: {  	v62 =	vshll.u32 v3, $0x10;
	v63 =	vshll.u32 v61, $0x10;
	(pc) =	sbr.rel @p0 .LBB2_2-.Ltmp0, $4  }
0x16c: {  	v3 =	vand.u32 $0xFFFF0000, v3;
	v4 =	vand.u32 $0xFFFF0000, v61;
	v5 =	vadd.f32 v63, v62  }
0x16d: {  	v3 =	vadd.f32 v4, v3  }
0x16e: {  	s25 =	sadd.s32 $0x80, s25;
	s22 =	sadd.s32 $0x1, s22;
	s31 =	sor.u32 $0x1C70, s31;
	[tilespmem:s28+$0xC70] =	vst v5  }
0x16f: {  	s26 =	sadd.s32 $0x100, s26;
	s23 =	sadd.s32 $0x1, s23;
	s24 =	sadd.s32 $0x400, s24;
	[tilespmem:s31+$0x10080] =	vst v3  }
0x170: {  	s22 =	simm.s32 $0x0  }
0x171: {  	[hbm4b:s5+s22] =	stream.linear.scatter [tilespmem:s20], [sflag:$0x2], $0x8000, $0x38;
	[tilespmem:$0x18080] =	vst v63  }
0x172: {  	_ =	swait.ge [sflag:s9], $0x8000  }
0x173: {  	s23 =	simm.s32 $0x2080;
	s24 =	simm.s32 $0x0;
	[sflag:s9] =	ssyncset.done $0x0  }
0x174: {  	s25 =	simm.s32 $0x0;
	s26 =	simm.s32 $0x0;
	[sflag:s9] =	ssyncadd.s32 $0xFFFF8000  }
.LBB2_4:
0x175: {  	s0 =	sadd.s32 $0xFFFFDF80, s23  }
0x176: {  	s28 =	sand.u32 $0x7000, s25;
	s29 =	sadd.s32 $0x8200, s25;
	s0 =	sand.u32 $0x300, s0  }
0x177: {  	s31 =	sand.u32 $0xF000, s29;
	s29 =	sand.u32 $0x380, s23;
	s30 =	sor.u32 s0, s28  }
0x178: {  	s28 =	sor.u32 s29, s31;
	v3 =	vld [tilespmem:s30+$0x8080]  }
0x179: {  	v4 =	vld [tilespmem:s28+$0x80];
	_ =	sdelay $0x4  }
0x17a: {  	v5 =	vshll.u32 v3, $0x10;
	v6 =	vshll.u32 v4, $0x10  }
0x17b: {  	s0 =	sand.u32 $0x6000, s25;
	s31 =	sand.u32 $0x380, s26;
	v3 =	vand.u32 $0xFFFF0000, v3;
	v4 =	vand.u32 $0xFFFF0000, v4;
	v5 =	vadd.f32 v6, v5  }
0x17c: {  	s0 =	sor.u32 s31, s0;
	v3 =	vadd.f32 v4, v3  }
0x17d: {  	s29 =	sadd.s32 $0x10080, s0;
	[tilespmem:s0+$0x10080] =	vst v5  }
0x17e: {  	[tilespmem:s29+$0x1000] =	vst v3  }
0x17f: {  	v3 =	vld [tilespmem:s30+$0x8090]  }
0x180: {  	v26 =	vld [tilespmem:s28+$0x90];
	_ =	sdelay $0x4  }
0x181: {  	v27 =	vshll.u32 v3, $0x10;
	v28 =	vshll.u32 v26, $0x10  }
0x182: {  	v3 =	vand.u32 $0xFFFF0000, v3;
	v4 =	vand.u32 $0xFFFF0000, v26;
	v5 =	vadd.f32 v28, v27  }
0x183: {  	v3 =	vadd.f32 v4, v3  }
0x184: {  	[tilespmem:s29+$0x10] =	vst v5  }
0x185: {  	[tilespmem:s29+$0x1010] =	vst v3  }
0x186: {  	v3 =	vld [tilespmem:s30+$0x80A0]  }
0x187: {  	v29 =	vld [tilespmem:s28+$0xA0];
	_ =	sdelay $0x4  }
0x188: {  	v30 =	vshll.u32 v3, $0x10;
	v31 =	vshll.u32 v29, $0x10  }
0x189: {  	v3 =	vand.u32 $0xFFFF0000, v3;
	v4 =	vand.u32 $0xFFFF0000, v29;
	v5 =	vadd.f32 v31, v30  }
0x18a: {  	v3 =	vadd.f32 v4, v3  }
0x18b: {  	[tilespmem:s29+$0x20] =	vst v5  }
0x18c: {  	[tilespmem:s29+$0x1020] =	vst v3  }
0x18d: {  	v3 =	vld [tilespmem:s30+$0x80B0]  }
0x18e: {  	v32 =	vld [tilespmem:s28+$0xB0];
	_ =	sdelay $0x4  }
0x18f: {  	v33 =	vshll.u32 v3, $0x10;
	v34 =	vshll.u32 v32, $0x10  }
0x190: {  	v3 =	vand.u32 $0xFFFF0000, v3;
	v4 =	vand.u32 $0xFFFF0000, v32;
	v5 =	vadd.f32 v34, v33  }
0x191: {  	v3 =	vadd.f32 v4, v3  }
0x192: {  	[tilespmem:s29+$0x30] =	vst v5  }
0x193: {  	[tilespmem:s29+$0x1030] =	vst v3  }
0x194: {  	v3 =	vld [tilespmem:s30+$0x80C0]  }
0x195: {  	v35 =	vld [tilespmem:s28+$0xC0];
	_ =	sdelay $0x4  }
0x196: {  	v36 =	vshll.u32 v3, $0x10;
	v37 =	vshll.u32 v35, $0x10  }
0x197: {  	v3 =	vand.u32 $0xFFFF0000, v3;
	v4 =	vand.u32 $0xFFFF0000, v35;
	v5 =	vadd.f32 v37, v36  }
0x198: {  	v3 =	vadd.f32 v4, v3  }
0x199: {  	[tilespmem:s29+$0x40] =	vst v5  }
0x19a: {  	[tilespmem:s29+$0x1040] =	vst v3  }
0x19b: {  	v3 =	vld [tilespmem:s30+$0x80D0]  }
0x19c: {  	v38 =	vld [tilespmem:s28+$0xD0];
	_ =	sdelay $0x4  }
0x19d: {  	v39 =	vshll.u32 v3, $0x10;
	v40 =	vshll.u32 v38, $0x10  }
0x19e: {  	v3 =	vand.u32 $0xFFFF0000, v3;
	v4 =	vand.u32 $0xFFFF0000, v38;
	v5 =	vadd.f32 v40, v39  }
0x19f: {  	v3 =	vadd.f32 v4, v3  }
0x1a0: {  	[tilespmem:s29+$0x50] =	vst v5  }
0x1a1: {  	[tilespmem:s29+$0x1050] =	vst v3  }
0x1a2: {  	v3 =	vld [tilespmem:s30+$0x80E0]  }
0x1a3: {  	v41 =	vld [tilespmem:s28+$0xE0];
	_ =	sdelay $0x4  }
0x1a4: {  	v42 =	vshll.u32 v3, $0x10;
	v43 =	vshll.u32 v41, $0x10  }
0x1a5: {  	v3 =	vand.u32 $0xFFFF0000, v3;
	v4 =	vand.u32 $0xFFFF0000, v41;
	v5 =	vadd.f32 v43, v42  }
0x1a6: {  	v3 =	vadd.f32 v4, v3  }
0x1a7: {  	[tilespmem:s29+$0x60] =	vst v5  }
0x1a8: {  	[tilespmem:s29+$0x1060] =	vst v3  }
0x1a9: {  	v3 =	vld [tilespmem:s30+$0x80F0]  }
0x1aa: {  	v44 =	vld [tilespmem:s28+$0xF0];
	_ =	sdelay $0x4  }
0x1ab: {  	v45 =	vshll.u32 v3, $0x10;
	v46 =	vshll.u32 v44, $0x10  }
0x1ac: {  	v3 =	vand.u32 $0xFFFF0000, v3;
	v4 =	vand.u32 $0xFFFF0000, v44;
	v5 =	vadd.f32 v46, v45  }
0x1ad: {  	v3 =	vadd.f32 v4, v3  }
0x1ae: {  	[tilespmem:s29+$0x70] =	vst v5  }
0x1af: {  	[tilespmem:s29+$0x1070] =	vst v3  }
0x1b0: {  	v3 =	vld [tilespmem:s30+$0x8480]  }
0x1b1: {  	v47 =	vld [tilespmem:s28+$0x480];
	_ =	sdelay $0x4  }
0x1b2: {  	v48 =	vshll.u32 v3, $0x10;
	v49 =	vshll.u32 v47, $0x10  }
0x1b3: {  	v3 =	vand.u32 $0xFFFF0000, v3;
	v4 =	vand.u32 $0xFFFF0000, v47;
	v5 =	vadd.f32 v49, v48  }
0x1b4: {  	v3 =	vadd.f32 v4, v3  }
0x1b5: {  	[tilespmem:s29+$0x400] =	vst v5  }
0x1b6: {  	[tilespmem:s29+$0x1400] =	vst v3  }
0x1b7: {  	v3 =	vld [tilespmem:s30+$0x8490]  }
0x1b8: {  	v50 =	vld [tilespmem:s28+$0x490];
	_ =	sdelay $0x4  }
0x1b9: {  	v51 =	vshll.u32 v3, $0x10;
	v52 =	vshll.u32 v50, $0x10  }
0x1ba: {  	v3 =	vand.u32 $0xFFFF0000, v3;
	v4 =	vand.u32 $0xFFFF0000, v50;
	v5 =	vadd.f32 v52, v51  }
0x1bb: {  	v3 =	vadd.f32 v4, v3  }
0x1bc: {  	[tilespmem:s29+$0x410] =	vst v5  }
0x1bd: {  	[tilespmem:s29+$0x1410] =	vst v3  }
0x1be: {  	v3 =	vld [tilespmem:s30+$0x84A0]  }
0x1bf: {  	v53 =	vld [tilespmem:s28+$0x4A0];
	_ =	sdelay $0x4  }
0x1c0: {  	v54 =	vshll.u32 v3, $0x10;
	v55 =	vshll.u32 v53, $0x10  }
0x1c1: {  	v3 =	vand.u32 $0xFFFF0000, v3;
	v4 =	vand.u32 $0xFFFF0000, v53;
	v5 =	vadd.f32 v55, v54  }
0x1c2: {  	v3 =	vadd.f32 v4, v3  }
0x1c3: {  	[tilespmem:s29+$0x420] =	vst v5  }
0x1c4: {  	[tilespmem:s29+$0x1420] =	vst v3  }
0x1c5: {  	v3 =	vld [tilespmem:s30+$0x84B0]  }
0x1c6: {  	v56 =	vld [tilespmem:s28+$0x4B0];
	_ =	sdelay $0x4  }
0x1c7: {  	v57 =	vshll.u32 v3, $0x10;
	v58 =	vshll.u32 v56, $0x10  }
0x1c8: {  	v3 =	vand.u32 $0xFFFF0000, v3;
	v4 =	vand.u32 $0xFFFF0000, v56;
	v5 =	vadd.f32 v58, v57  }
0x1c9: {  	v3 =	vadd.f32 v4, v3  }
0x1ca: {  	[tilespmem:s29+$0x430] =	vst v5  }
0x1cb: {  	[tilespmem:s29+$0x1430] =	vst v3  }
0x1cc: {  	v3 =	vld [tilespmem:s30+$0x84C0]  }
0x1cd: {  	v59 =	vld [tilespmem:s28+$0x4C0];
	_ =	sdelay $0x4  }
0x1ce: {  	v60 =	vshll.u32 v3, $0x10;
	v61 =	vshll.u32 v59, $0x10  }
0x1cf: {  	v3 =	vand.u32 $0xFFFF0000, v3;
	v4 =	vand.u32 $0xFFFF0000, v59;
	v5 =	vadd.f32 v61, v60  }
0x1d0: {  	v3 =	vadd.f32 v4, v3  }
0x1d1: {  	[tilespmem:s29+$0x440] =	vst v5  }
0x1d2: {  	[tilespmem:s29+$0x1440] =	vst v3  }
0x1d3: {  	v3 =	vld [tilespmem:s30+$0x84D0]  }
0x1d4: {  	v62 =	vld [tilespmem:s28+$0x4D0];
	_ =	sdelay $0x4  }
0x1d5: {  	v63 =	vshll.u32 v3, $0x10;
	v9 =	vshll.u32 v62, $0x10  }
0x1d6: {  	v3 =	vand.u32 $0xFFFF0000, v3;
	v4 =	vand.u32 $0xFFFF0000, v62;
	v5 =	vadd.f32 v9, v63  }
0x1d7: {  	v3 =	vadd.f32 v4, v3  }
0x1d8: {  	[tilespmem:s29+$0x450] =	vst v5  }
0x1d9: {  	[tilespmem:s29+$0x1450] =	vst v3  }
0x1da: {  	v3 =	vld [tilespmem:s30+$0x84E0]  }
0x1db: {  	v10 =	vld [tilespmem:s28+$0x4E0];
	_ =	sdelay $0x4  }
0x1dc: {  	v11 =	vshll.u32 v3, $0x10;
	v12 =	vshll.u32 v10, $0x10  }
0x1dd: {  	v3 =	vand.u32 $0xFFFF0000, v3;
	v4 =	vand.u32 $0xFFFF0000, v10;
	v5 =	vadd.f32 v12, v11  }
0x1de: {  	v3 =	vadd.f32 v4, v3  }
0x1df: {  	[tilespmem:s29+$0x460] =	vst v5  }
0x1e0: {  	[tilespmem:s29+$0x1460] =	vst v3  }
0x1e1: {  	v3 =	vld [tilespmem:s30+$0x84F0]  }
0x1e2: {  	v13 =	vld [tilespmem:s28+$0x4F0];
	_ =	sdelay $0x4  }
0x1e3: {  	v14 =	vshll.u32 v3, $0x10;
	v15 =	vshll.u32 v13, $0x10  }
0x1e4: {  	v3 =	vand.u32 $0xFFFF0000, v3;
	v4 =	vand.u32 $0xFFFF0000, v13;
	v5 =	vadd.f32 v15, v14  }
0x1e5: {  	v3 =	vadd.f32 v4, v3  }
0x1e6: {  	[tilespmem:s29+$0x470] =	vst v5  }
0x1e7: {  	[tilespmem:s29+$0x1470] =	vst v3  }
0x1e8: {  	v3 =	vld [tilespmem:s30+$0x8880]  }
0x1e9: {  	v16 =	vld [tilespmem:s28+$0x880];
	_ =	sdelay $0x4  }
0x1ea: {  	v17 =	vshll.u32 v3, $0x10;
	v18 =	vshll.u32 v16, $0x10  }
0x1eb: {  	v3 =	vand.u32 $0xFFFF0000, v3;
	v4 =	vand.u32 $0xFFFF0000, v16;
	v5 =	vadd.f32 v18, v17  }
0x1ec: {  	v3 =	vadd.f32 v4, v3  }
0x1ed: {  	[tilespmem:s29+$0x800] =	vst v5  }
0x1ee: {  	[tilespmem:s29+$0x1800] =	vst v3  }
0x1ef: {  	v3 =	vld [tilespmem:s30+$0x8890]  }
0x1f0: {  	v19 =	vld [tilespmem:s28+$0x890];
	_ =	sdelay $0x4  }
0x1f1: {  	v20 =	vshll.u32 v3, $0x10;
	v21 =	vshll.u32 v19, $0x10  }
0x1f2: {  	v3 =	vand.u32 $0xFFFF0000, v3;
	v4 =	vand.u32 $0xFFFF0000, v19;
	v5 =	vadd.f32 v21, v20  }
0x1f3: {  	v3 =	vadd.f32 v4, v3  }
0x1f4: {  	[tilespmem:s29+$0x810] =	vst v5  }
0x1f5: {  	[tilespmem:s29+$0x1810] =	vst v3  }
0x1f6: {  	v3 =	vld [tilespmem:s30+$0x88A0]  }
0x1f7: {  	v22 =	vld [tilespmem:s28+$0x8A0];
	_ =	sdelay $0x4  }
0x1f8: {  	v23 =	vshll.u32 v3, $0x10;
	v24 =	vshll.u32 v22, $0x10  }
0x1f9: {  	v3 =	vand.u32 $0xFFFF0000, v3;
	v4 =	vand.u32 $0xFFFF0000, v22;
	v5 =	vadd.f32 v24, v23  }
0x1fa: {  	v3 =	vadd.f32 v4, v3  }
0x1fb: {  	[tilespmem:s29+$0x820] =	vst v5  }
0x1fc: {  	[tilespmem:s29+$0x1820] =	vst v3  }
0x1fd: {  	v3 =	vld [tilespmem:s30+$0x88B0]  }
0x1fe: {  	v25 =	vld [tilespmem:s28+$0x8B0];
	_ =	sdelay $0x4  }
0x1ff: {  	v26 =	vshll.u32 v3, $0x10;
	v27 =	vshll.u32 v25, $0x10  }
0x200: {  	v3 =	vand.u32 $0xFFFF0000, v3;
	v4 =	vand.u32 $0xFFFF0000, v25;
	v5 =	vadd.f32 v27, v26  }
0x201: {  	v3 =	vadd.f32 v4, v3  }
0x202: {  	[tilespmem:s29+$0x830] =	vst v5  }
0x203: {  	[tilespmem:s29+$0x1830] =	vst v3  }
0x204: {  	v3 =	vld [tilespmem:s30+$0x88C0]  }
0x205: {  	v28 =	vld [tilespmem:s28+$0x8C0];
	_ =	sdelay $0x4  }
0x206: {  	v29 =	vshll.u32 v3, $0x10;
	v30 =	vshll.u32 v28, $0x10  }
0x207: {  	v3 =	vand.u32 $0xFFFF0000, v3;
	v4 =	vand.u32 $0xFFFF0000, v28;
	v5 =	vadd.f32 v30, v29  }
0x208: {  	v3 =	vadd.f32 v4, v3  }
0x209: {  	[tilespmem:s29+$0x840] =	vst v5  }
0x20a: {  	[tilespmem:s29+$0x1840] =	vst v3  }
0x20b: {  	v3 =	vld [tilespmem:s30+$0x88D0]  }
0x20c: {  	v31 =	vld [tilespmem:s28+$0x8D0];
	_ =	sdelay $0x4  }
0x20d: {  	v32 =	vshll.u32 v3, $0x10;
	v33 =	vshll.u32 v31, $0x10  }
0x20e: {  	v3 =	vand.u32 $0xFFFF0000, v3;
	v4 =	vand.u32 $0xFFFF0000, v31;
	v5 =	vadd.f32 v33, v32  }
0x20f: {  	v3 =	vadd.f32 v4, v3  }
0x210: {  	[tilespmem:s29+$0x850] =	vst v5  }
0x211: {  	[tilespmem:s29+$0x1850] =	vst v3  }
0x212: {  	v3 =	vld [tilespmem:s30+$0x88E0]  }
0x213: {  	v34 =	vld [tilespmem:s28+$0x8E0];
	_ =	sdelay $0x4  }
0x214: {  	v35 =	vshll.u32 v3, $0x10;
	v36 =	vshll.u32 v34, $0x10  }
0x215: {  	v3 =	vand.u32 $0xFFFF0000, v3;
	v4 =	vand.u32 $0xFFFF0000, v34;
	v5 =	vadd.f32 v36, v35  }
0x216: {  	v3 =	vadd.f32 v4, v3  }
0x217: {  	[tilespmem:s29+$0x860] =	vst v5  }
0x218: {  	[tilespmem:s29+$0x1860] =	vst v3  }
0x219: {  	v3 =	vld [tilespmem:s30+$0x88F0]  }
0x21a: {  	v37 =	vld [tilespmem:s28+$0x8F0];
	_ =	sdelay $0x4  }
0x21b: {  	v38 =	vshll.u32 v3, $0x10;
	v39 =	vshll.u32 v37, $0x10  }
0x21c: {  	s30 =	sand.u32 $0x3, s24;
	v3 =	vand.u32 $0xFFFF0000, v3;
	v4 =	vand.u32 $0xFFFF0000, v37;
	v5 =	vadd.f32 v39, v38  }
0x21d: {  	s0 =	sshll.u32 s30, $0x8;
	v3 =	vadd.f32 v4, v3  }
0x21e: {  	s0 =	sadd.s32 s0, s25;
	[tilespmem:s29+$0x870] =	vst v5  }
0x21f: {  	s30 =	sor.u32 $0x8C00, s0;
	[tilespmem:s29+$0x1870] =	vst v3  }
0x220: {  	v3 =	vld [tilespmem:s30+$0x80]  }
0x221: {  	v40 =	vld [tilespmem:s28+$0xC80];
	_ =	sdelay $0x4  }
0x222: {  	s31 =	sand.u32 $0x7, s22;
	v41 =	vshll.u32 v3, $0x10;
	v42 =	vshll.u32 v40, $0x10  }
0x223: {  	s0 =	sshll.u32 s31, $0x7;
	v3 =	vand.u32 $0xFFFF0000, v3;
	v4 =	vand.u32 $0xFFFF0000, v40;
	v5 =	vadd.f32 v42, v41  }
0x224: {  	s31 =	sadd.s32 s0, s25;
	v3 =	vadd.f32 v4, v3  }
0x225: {  	s0 =	sor.u32 $0x1C00, s31;
	[tilespmem:s29+$0xC00] =	vst v5  }
0x226: {  	[tilespmem:s0+$0x10080] =	vst v3  }
0x227: {  	v3 =	vld [tilespmem:s30+$0x90]  }
0x228: {  	v43 =	vld [tilespmem:s28+$0xC90];
	_ =	sdelay $0x4  }
0x229: {  	v44 =	vshll.u32 v3, $0x10;
	v45 =	vshll.u32 v43, $0x10  }
0x22a: {  	v3 =	vand.u32 $0xFFFF0000, v3;
	v4 =	vand.u32 $0xFFFF0000, v43;
	v5 =	vadd.f32 v45, v44  }
0x22b: {  	v3 =	vadd.f32 v4, v3  }
0x22c: {  	s0 =	sor.u32 $0x1C10, s31;
	[tilespmem:s29+$0xC10] =	vst v5  }
0x22d: {  	[tilespmem:s0+$0x10080] =	vst v3  }
0x22e: {  	v3 =	vld [tilespmem:s30+$0xA0]  }
0x22f: {  	v46 =	vld [tilespmem:s28+$0xCA0];
	_ =	sdelay $0x4  }
0x230: {  	v47 =	vshll.u32 v3, $0x10;
	v48 =	vshll.u32 v46, $0x10  }
0x231: {  	v3 =	vand.u32 $0xFFFF0000, v3;
	v4 =	vand.u32 $0xFFFF0000, v46;
	v5 =	vadd.f32 v48, v47  }
0x232: {  	v3 =	vadd.f32 v4, v3  }
0x233: {  	s0 =	sor.u32 $0x1C20, s31;
	[tilespmem:s29+$0xC20] =	vst v5  }
0x234: {  	[tilespmem:s0+$0x10080] =	vst v3  }
0x235: {  	v3 =	vld [tilespmem:s30+$0xB0]  }
0x236: {  	v49 =	vld [tilespmem:s28+$0xCB0];
	_ =	sdelay $0x4  }
0x237: {  	v50 =	vshll.u32 v3, $0x10;
	v51 =	vshll.u32 v49, $0x10  }
0x238: {  	v3 =	vand.u32 $0xFFFF0000, v3;
	v4 =	vand.u32 $0xFFFF0000, v49;
	v5 =	vadd.f32 v51, v50  }
0x239: {  	v3 =	vadd.f32 v4, v3  }
0x23a: {  	s0 =	sor.u32 $0x1C30, s31;
	[tilespmem:s29+$0xC30] =	vst v5  }
0x23b: {  	[tilespmem:s0+$0x10080] =	vst v3  }
0x23c: {  	v3 =	vld [tilespmem:s30+$0xC0]  }
0x23d: {  	v52 =	vld [tilespmem:s28+$0xCC0];
	_ =	sdelay $0x4  }
0x23e: {  	v53 =	vshll.u32 v3, $0x10;
	v54 =	vshll.u32 v52, $0x10  }
0x23f: {  	v3 =	vand.u32 $0xFFFF0000, v3;
	v4 =	vand.u32 $0xFFFF0000, v52;
	v5 =	vadd.f32 v54, v53  }
0x240: {  	v3 =	vadd.f32 v4, v3  }
0x241: {  	s0 =	sor.u32 $0x1C40, s31;
	[tilespmem:s29+$0xC40] =	vst v5  }
0x242: {  	[tilespmem:s0+$0x10080] =	vst v3  }
0x243: {  	v3 =	vld [tilespmem:s30+$0xD0]  }
0x244: {  	v55 =	vld [tilespmem:s28+$0xCD0];
	_ =	sdelay $0x4  }
0x245: {  	v56 =	vshll.u32 v3, $0x10;
	v57 =	vshll.u32 v55, $0x10  }
0x246: {  	v3 =	vand.u32 $0xFFFF0000, v3;
	v4 =	vand.u32 $0xFFFF0000, v55;
	v5 =	vadd.f32 v57, v56  }
0x247: {  	v3 =	vadd.f32 v4, v3  }
0x248: {  	s0 =	sor.u32 $0x1C50, s31;
	[tilespmem:s29+$0xC50] =	vst v5  }
0x249: {  	[tilespmem:s0+$0x10080] =	vst v3  }
0x24a: {  	v3 =	vld [tilespmem:s30+$0xE0]  }
0x24b: {  	v58 =	vld [tilespmem:s28+$0xCE0];
	_ =	sdelay $0x4  }
0x24c: {  	v59 =	vshll.u32 v3, $0x10;
	v60 =	vshll.u32 v58, $0x10  }
0x24d: {  	v3 =	vand.u32 $0xFFFF0000, v3;
	v4 =	vand.u32 $0xFFFF0000, v58;
	v5 =	vadd.f32 v60, v59  }
0x24e: {  	v3 =	vadd.f32 v4, v3  }
0x24f: {  	s0 =	sor.u32 $0x1C60, s31;
	[tilespmem:s29+$0xC60] =	vst v5  }
0x250: {  	[tilespmem:s0+$0x10080] =	vst v3  }
0x251: {  	v3 =	vld [tilespmem:s30+$0xF0]  }
0x252: {  	v61 =	vld [tilespmem:s28+$0xCF0];
	_ =	sdelay $0x3  }
0x253: {  	p0 =	sne.s32 s23, $0x3F80  }
.Ltmp1:
0x254: {  	v62 =	vshll.u32 v3, $0x10;
	v63 =	vshll.u32 v61, $0x10;
	(pc) =	sbr.rel @p0 .LBB2_4-.Ltmp1, $4  }
0x255: {  	v3 =	vand.u32 $0xFFFF0000, v3;
	v4 =	vand.u32 $0xFFFF0000, v61;
	v5 =	vadd.f32 v63, v62  }
0x256: {  	v3 =	vadd.f32 v4, v3  }
0x257: {  	s23 =	sadd.s32 $0x100, s23;
	s26 =	sadd.s32 $0x80, s26;
	s31 =	sor.u32 $0x1C70, s31;
	[tilespmem:s29+$0xC70] =	vst v5  }
0x258: {  	s22 =	sadd.s32 $0x1, s22;
	s24 =	sadd.s32 $0x1, s24;
	s25 =	sadd.s32 $0x400, s25;
	[tilespmem:s31+$0x10080] =	vst v3  }
0x259: {  	s21 =	sadd.s32 $0x1, s21  }
0x25a: {  	p0 =	sne.s32 s21, s8  }
.Ltmp2:
0x25b: {  	_ = 	snop;
	(pc) =	sbr.rel @p0 .LBB2_1-.Ltmp2, $4  }
0x25c: {  	[hbm4b:s7+s2] =	stream.linear.scatter [tilespmem:s20], [sflag:$0x2], $0x8000, $0x38;
	[tilespmem:$0x18080] =	vst v63  }
0x25d: {  	_ =	swait.ge [sflag:s9], $0x8000  }
0x25e: {  	[sflag:s9] =	ssyncset.done $0x0  }
0x25f: {  	[sflag:s9] =	ssyncadd.s32 $0xFFFF8000  }
0x260: {  	_ =	sfence.sel $0x180000  }
0x261: {  	[bflag:$0x0] =	sbarrier.arrive $0xFFFF  }
0x262: {  	_ =	strace $0x9000004A  }
0x263: {  	s0 =	stileid.u32;
	[bflag:$0x2] =	sbarrier.arrive $0xFFFF  }
0x264: {  	p0 =	sne.s32 s0, $0x0;
	s0 =	rddreg [dreg:$0x2]  }
0x265: {  	s0 =	sadd.s32 @!p0 $0x100000, s0  }
0x266: {  	[sflag:s0] =	ssyncadd.tile.s32 @!p0 $0x1;
	_ =	shalt  }
.Lfunc_end2:
_tile_overlayer_lowered:
.L_overlay_start_2:
0x267: {  	(tag) =	ssettag $0x2  }
0x268: {  	s0 =	rddreg [dreg:$0x0];
	s2 =	stileid.u32  }
0x269: {  	s1 =	rddreg [dreg:$0x1];
	p0 =	sne.s32 s2, $0x0  }
0x26a: {  	s3 =	rddreg [dreg:$0x2];
	[bflag:$0x3] =	sbarrier.arrive $0xFFFF;
	s2 =	simm.s32 @!p0 $0x1C02  }
0x26b: {  	[timem:s3], [sflag:s2] =	dma.local @!p0 [hbm:s0], s1  }
0x26c: {  	s0 =	simm.s32 @!p0 $0x2  }
0x26d: {  	_ =	swait.ge @!p0 [sflag:s0], s1  }
0x26e: {  	s1 =	ssub.s32 @!p0 $0x0, s1;
	[sflag:s0] =	ssyncset.done @!p0 $0x0  }
0x26f: {  	[sflag:s0] =	ssyncadd.s32 @!p0 s1  }
0x270: {  	[bflag:$0x3] =	sbarrier.arrive $0xFFFF  }
0x271: {  	_ =	shalt  }

</sc_bundles>
